<compile_context>
chip_gen: v7x
topology: tpu7x:2x2x1
jax: 0.10.2.dev20260603
libtpu: 0.0.44.dev20260713+nightly
codegen_flags: <defaults>
</compile_context>

<pallas_src>
import functools
import jax
import jax.numpy as jnp
from jax import lax
from jax.experimental import pallas as pl
from jax.experimental.pallas import tpu as pltpu
from jax.experimental.pallas import tpu_sc as plsc

N_NODES = 10000
N_EDGES = 320000
D = 128
NC, NS = 2, 16
NW = NC * NS
CH = 80
EPT = N_EDGES // NW
NCH = EPT // CH
KI = 8
NM = -(-NCH // KI)
KR = 4
NMF = NCH // KI
KTL = NCH - NMF * KI
EPTP = NM * KI * CH
NCHP = NM * KI
ACC_R = N_NODES
KBD = 10
NBD = NCH // KBD
KTD = NCH - NBD * KBD
BLK = 40
NBLK = N_NODES // BLK
BPT = -(-NBLK // NS)

_mesh = plsc.VectorSubcoreMesh(core_axis_name="c", subcore_axis_name="s")


def _zero_vmem_2d(ref, nrows, ncols):
    z16 = jnp.zeros((16,), jnp.float32)

    def row(r, carry):
        for j in range(ncols // 16):
            ref[r, pl.ds(j * 16, 16)] = z16
        return carry

    lax.fori_loop(0, nrows, row, 0)


def _blocks(s, fn):

    def body(j, carry):
        bi = s + j * NS

        @pl.when(bi < NBLK)
        def _():
            fn(pl.multiple_of(bi * BLK, 8))

        return carry

    lax.fori_loop(0, BPT, body, 0)


def _drain_spair(acc_sh, rows_v, ssem):
    for _ in range(2):
        pltpu.make_async_copy(rows_v.at[2], acc_sh.at[pl.ds(0, CH)],
                              ssem).wait()


@functools.partial(
    pl.kernel,
    out_type=jax.ShapeDtypeStruct((NC, N_NODES, D), jnp.float32),
    mesh=_mesh,
    scratch_types=[
        pltpu.VMEM((NCHP, CH), jnp.int32),
        pltpu.VMEM((CH, D), jnp.float32),
        pltpu.VMEM((BLK, D), jnp.float32),
        pltpu.VMEM_SHARED((ACC_R, D), jnp.float32),
        pltpu.SemaphoreType.DMA,
    ],
)
def _sc_degree(dst_hbm, out_hbm, idx_v, ones_v, zero_v, acc_sh, sem):
    c = lax.axis_index("c")
    s = lax.axis_index("s")
    wid = c * NS + s

    one16 = jnp.ones((16,), jnp.float32)

    def fill_ones(r, carry):
        for j in range(D // 16):
            ones_v[r, pl.ds(j * 16, 16)] = one16
        return carry

    lax.fori_loop(0, CH, fill_ones, 0)
    _zero_vmem_2d(zero_v, BLK, D)
    _blocks(s, lambda off: pltpu.sync_copy(zero_v, acc_sh.at[pl.ds(off, BLK)]))
    pltpu.sync_copy(dst_hbm.at[wid], idx_v)
    plsc.subcore_barrier()

    def batch(i, nch):
        ds = [pltpu.async_copy(ones_v, acc_sh.at[idx_v.at[i * KBD + b]],
                               sem, add=True) for b in range(nch)]
        for d in ds:
            d.wait()

    def body(i, carry):
        batch(i, KBD)
        return carry

    lax.fori_loop(0, NBD, body, 0)
    if KTD:
        batch(NBD, KTD)
    plsc.subcore_barrier()
    _blocks(s, lambda off: pltpu.sync_copy(
        acc_sh.at[pl.ds(off, BLK)], out_hbm.at[c, pl.ds(off, BLK)]))


@functools.partial(
    pl.kernel,
    out_type=jax.ShapeDtypeStruct((NC, N_NODES, D), jnp.float32),
    mesh=_mesh,
    scratch_types=[
        pltpu.VMEM((3, KI, CH), jnp.int32),
        pltpu.VMEM((3, KI, CH), jnp.int32),
        pltpu.VMEM((KR, CH, D), jnp.float32),
        pltpu.VMEM_SHARED((ACC_R, D), jnp.float32),
        pltpu.SemaphoreType.DMA,
        pltpu.SemaphoreType.DMA,
        pltpu.SemaphoreType.DMA,
    ],
)
def _sc_scatter(g_hbm, src_hbm, dst_hbm, out_hbm,
                isrc_v, idst_v, rows_v, acc_sh, gsem, ssem, isem):
    c = lax.axis_index("c")
    s = lax.axis_index("s")
    wid = c * NS + s

    pltpu.async_copy(src_hbm.at[wid, 0], isrc_v.at[0], isem)
    pltpu.async_copy(dst_hbm.at[wid, 0], idst_v.at[0], isem)
    _zero_vmem_2d(rows_v.at[0], BLK, D)
    _blocks(s, lambda off: pltpu.sync_copy(rows_v.at[0, pl.ds(0, BLK)],
                                           acc_sh.at[pl.ds(off, BLK)]))
    plsc.subcore_barrier()

    def idx_wait(p):
        pltpu.make_async_copy(src_hbm.at[0, 0], isrc_v.at[p], isem).wait()
        pltpu.make_async_copy(dst_hbm.at[0, 0], idst_v.at[p], isem).wait()

    def body(m, carry):
        p = lax.rem(m, 3)
        pn = lax.rem(m + 1, 3)
        idx_wait(p)
        pltpu.async_copy(src_hbm.at[wid, m + 1], isrc_v.at[pn], isem)
        pltpu.async_copy(dst_hbm.at[wid, m + 1], idst_v.at[pn], isem)

        def gath(ch, buf):
            return [pltpu.async_copy(g_hbm.at[isrc_v.at[p, ch + i]],
                                     rows_v.at[buf + i], gsem)
                    for i in range(2)]

        def scat(ch, buf):
            return [pltpu.async_copy(rows_v.at[buf + i],
                                     acc_sh.at[idst_v.at[p, ch + i]],
                                     ssem, add=True) for i in range(2)]

        g01 = gath(0, 0)
        for d in g01:
            d.wait()
        s01 = scat(0, 0)

        @pl.when(m > 0)
        def _():
            _drain_spair(acc_sh, rows_v, ssem)

        g23 = gath(2, 2)
        for d in g23:
            d.wait()
        s23 = scat(2, 2)
        for d in s01:
            d.wait()
        g45 = gath(4, 0)
        for d in g45:
            d.wait()
        s45 = scat(4, 0)
        for d in s23:
            d.wait()
        g67 = gath(6, 2)
        for d in g67:
            d.wait()
        scat(6, 2)
        for d in s45:
            d.wait()
        return carry

    lax.fori_loop(0, NMF, body, 0)
    _drain_spair(acc_sh, rows_v, ssem)

    tp = NMF % 3
    idx_wait(tp)

    def gath1(ch, buf):
        return [pltpu.async_copy(g_hbm.at[isrc_v.at[tp, ch + i]],
                                 rows_v.at[buf + i], gsem) for i in range(2)]

    def scat1(ch, buf):
        return [pltpu.async_copy(rows_v.at[buf + i],
                                 acc_sh.at[idst_v.at[tp, ch + i]],
                                 ssem, add=True) for i in range(2)]

    tg01 = gath1(0, 0)
    for d in tg01:
        d.wait()
    ts01 = scat1(0, 0)
    tg23 = gath1(2, 2)
    for d in tg23:
        d.wait()
    ts23 = scat1(2, 2)
    for d in ts01:
        d.wait()
    tg4 = pltpu.async_copy(g_hbm.at[isrc_v.at[tp, 4]], rows_v.at[0], gsem)
    tg4.wait()
    ts4 = pltpu.async_copy(rows_v.at[0], acc_sh.at[idst_v.at[tp, 4]],
                           ssem, add=True)
    for d in ts23:
        d.wait()
    ts4.wait()
    plsc.subcore_barrier()
    _blocks(s, lambda off: pltpu.sync_copy(
        acc_sh.at[pl.ds(off, BLK)], out_hbm.at[c, pl.ds(off, BLK)]))


_BR = 1000
_GRID = N_NODES // _BR


def _dis_of(degp):
    return lax.rsqrt(degp[0] + degp[1] + 1.0)


def _tc1_body(x_ref, w_ref, degp_ref, o_ref):
    dis = _dis_of(degp_ref[...])
    h = jnp.dot(x_ref[...], w_ref[...], preferred_element_type=jnp.float32)
    o_ref[...] = h * dis


def _tc2_body(s_ref, g_ref, degp_ref, b_ref, w_ref, o_ref):
    dis = _dis_of(degp_ref[...])
    tot = s_ref[0] + s_ref[1] + g_ref[...]
    z = jnp.maximum(tot * dis + b_ref[...], 0.0)
    h = jnp.dot(z, w_ref[...], preferred_element_type=jnp.float32)
    o_ref[...] = h * dis


def _tc3_body(s_ref, g_ref, degp_ref, b_ref, o_ref):
    dis = _dis_of(degp_ref[...])
    tot = s_ref[0] + s_ref[1] + g_ref[...]
    o_ref[...] = jnp.maximum(tot * dis + b_ref[...], 0.0)


_spec_rows = pl.BlockSpec((_BR, D), lambda i: (i, 0))
_spec_S = pl.BlockSpec((NC, _BR, D), lambda i: (0, i, 0))
_spec_degp = pl.BlockSpec((NC, _BR, D), lambda i: (0, i, 0))
_spec_w = pl.BlockSpec((D, D), lambda i: (0, 0))
_spec_b = pl.BlockSpec((1, D), lambda i: (0, 0))

_tc1 = pl.pallas_call(
    _tc1_body, grid=(_GRID,),
    in_specs=[_spec_rows, _spec_w, _spec_degp],
    out_specs=_spec_rows,
    out_shape=jax.ShapeDtypeStruct((N_NODES, D), jnp.float32),
)
_tc2 = pl.pallas_call(
    _tc2_body, grid=(_GRID,),
    in_specs=[_spec_S, _spec_rows, _spec_degp, _spec_b, _spec_w],
    out_specs=_spec_rows,
    out_shape=jax.ShapeDtypeStruct((N_NODES, D), jnp.float32),
)
_tc3 = pl.pallas_call(
    _tc3_body, grid=(_GRID,),
    in_specs=[_spec_S, _spec_rows, _spec_degp, _spec_b],
    out_specs=_spec_rows,
    out_shape=jax.ShapeDtypeStruct((N_NODES, D), jnp.float32),
)


@jax.jit
def kernel(x, edge_index, W1, b1, W2, b2):
    pad = ((0, 0), (0, EPTP - EPT))
    src_p = jnp.pad(edge_index[0].astype(jnp.int32).reshape(NW, EPT), pad)
    dst_p = jnp.pad(edge_index[1].astype(jnp.int32).reshape(NW, EPT), pad)
    src4 = src_p.reshape(NW, NM, KI, CH)
    dst4 = dst_p.reshape(NW, NM, KI, CH)
    dst3 = dst_p.reshape(NW, NCHP, CH)
    b1r = b1.reshape(1, D)
    b2r = b2.reshape(1, D)

    degp = _sc_degree(dst3)
    g1 = _tc1(x, W1, degp)
    S1 = _sc_scatter(g1, src4, dst4)
    g2 = _tc2(S1, g1, degp, b1r, W2)
    S2 = _sc_scatter(g2, src4, dst4)
    return _tc3(S2, g2, degp, b2r)

# --- scband reference (transcript-rebuilt; emitter-appended) ---
"""Pipeline reference for scband-gcn-11871289606264 (READ-ONLY COPY).

The authoritative reference and input builder live on the scoring server;
editing this copy changes nothing except your own understanding.
"""

import jax, jax.numpy as jnp
import numpy as np


def gcn_conv(x, edge_index, W, b):
    num_nodes = x.shape[0]
    src = edge_index[0]
    dst = edge_index[1]
    # add self loops (PyG GCNConv default)
    loop = jnp.arange(num_nodes, dtype=src.dtype)
    src = jnp.concatenate([src, loop])
    dst = jnp.concatenate([dst, loop])
    # symmetric normalization
    deg = jnp.zeros((num_nodes,), dtype=x.dtype).at[dst].add(1.0)
    deg_inv_sqrt = jnp.where(deg > 0, deg ** -0.5, 0.0)
    norm = deg_inv_sqrt[src] * deg_inv_sqrt[dst]
    # linear transform (no bias before aggregation)
    h = x @ W
    # gather messages, scale, scatter-add to destination nodes
    msg = h[src] * norm[:, None]
    out = jnp.zeros_like(h).at[dst].add(msg)
    return out + b


def setup_inputs(seed: int = 0) -> dict:
    key = jax.random.key(seed)
    k1, k2, k3, k4, k5, k6 = jax.random.split(key, 6)
    n_nodes, n_edges, d = 10000, 320000, 128
    x = jax.random.normal(k1, (n_nodes, d), dtype=jnp.float32)
    edge_index = jax.random.randint(k2, (2, n_edges), 0, n_nodes, dtype=jnp.int64)
    s = 1.0 / np.sqrt(d)
    W1 = jax.random.uniform(k3, (d, d), dtype=jnp.float32, minval=-s, maxval=s)
    b1 = jax.random.uniform(k4, (d,), dtype=jnp.float32, minval=-s, maxval=s)
    W2 = jax.random.uniform(k5, (d, d), dtype=jnp.float32, minval=-s, maxval=s)
    b2 = jax.random.uniform(k6, (d,), dtype=jnp.float32, minval=-s, maxval=s)
    return {"x": x, "edge_index": edge_index, "W1": W1, "b1": b1, "W2": W2, "b2": b2}


def reference(x, edge_index, W1, b1, W2, b2):
    h = gcn_conv(x, edge_index, W1, b1)
    h = jax.nn.relu(h)
    h = gcn_conv(h, edge_index, W2, b2)
    h = jax.nn.relu(h)
    return h

if __name__ == "__main__":
    import jax
    _d = setup_inputs()
    print(jax.jit(kernel)(*tuple(_d.values())))

</pallas_src>

<mosaic_0001>
#map = affine_map<(d0, d1) -> (0, 0, 0)>
module attributes {stable_mosaic.version = 14 : i64} {
  func.func @_sc_degree(%arg0: i32, %arg1: i32, %arg2: memref<32x128x80xi32, #tpu.memory_space<hbm>>, %arg3: memref<2x10000x128xf32, #tpu.memory_space<hbm>>, %arg4: memref<128x80xi32, #tpu.memory_space<vmem>>, %arg5: memref<80x128xf32, #tpu.memory_space<vmem>>, %arg6: memref<40x128xf32, #tpu.memory_space<vmem>>, %arg7: memref<10000x128xf32, #tpu.memory_space<vmem_shared>>, %arg8: memref<!tpu.dma_semaphore, #tpu.memory_space<semaphore_mem>>) attributes {dimension_semantics = [#tpu.dimension_semantics<core_parallel>, #tpu.dimension_semantics<subcore_parallel>], iteration_bounds = array<i64: 2, 16>, scalar_prefetch = 0 : i64, scratch_operands = 5 : i64, tpu.core_type = #tpu.core_type<sc_vector_subcore>, window_params = [{transform_indices = #map}, {transform_indices = #map}]} {
    %mul3A = arith.constant 16 : i32
    %mul3A_0 = arith.muli %arg0, %mul3A : i32
    %add3A = arith.addi %mul3A_0, %arg1 : i32
    %broadcast_in_dim3A = arith.constant 1.000000e+00 : f32
    %broadcast_in_dim3A_1 = vector.broadcast %broadcast_in_dim3A : f32 to vector<16xf32>
    %scan3A = arith.constant 0 : i32
    %scan3A_2 = arith.constant 0 : i32
    %scan3A_3 = arith.constant 80 : i32
    %scan3A_4 = arith.addi %scan3A_2, %scan3A_3 : i32
    %scan3A_5 = arith.constant 1 : i32
    scf.for %scan3A_102 = %scan3A_2 to %scan3A_4 step %scan3A_5  : i32 {
      %swap3A = arith.index_cast %scan3A_102 : i32 to index
      %swap3A_103 = arith.constant 0 : index
      %swap3A_104 = tpu.vector_load %arg5[%swap3A, %swap3A_103] {strides = array<i32>} : memref<80x128xf32, #tpu.memory_space<vmem>>, vector<1x16xf32>,
      %swap3A_105 = vector.shape_cast %swap3A_104 : vector<1x16xf32> to vector<16xf32>
      %swap3A_106 = vector.shape_cast %broadcast_in_dim3A_1 : vector<16xf32> to vector<1x16xf32>
      tpu.vector_store %arg5[%swap3A, %swap3A_103], %swap3A_106 {strides = array<i32>} : memref<80x128xf32, #tpu.memory_space<vmem>>, vector<1x16xf32>,
      %swap3A_107 = arith.index_cast %scan3A_102 : i32 to index
      %swap3A_108 = arith.constant 16 : index
      %swap3A_109 = tpu.vector_load %arg5[%swap3A_107, %swap3A_108] {strides = array<i32>} : memref<80x128xf32, #tpu.memory_space<vmem>>, vector<1x16xf32>,
      %swap3A_110 = vector.shape_cast %swap3A_109 : vector<1x16xf32> to vector<16xf32>
      %swap3A_111 = vector.shape_cast %broadcast_in_dim3A_1 : vector<16xf32> to vector<1x16xf32>
      tpu.vector_store %arg5[%swap3A_107, %swap3A_108], %swap3A_111 {strides = array<i32>} : memref<80x128xf32, #tpu.memory_space<vmem>>, vector<1x16xf32>,
      %swap3A_112 = arith.index_cast %scan3A_102 : i32 to index
      %swap3A_113 = arith.constant 32 : index
      %swap3A_114 = tpu.vector_load %arg5[%swap3A_112, %swap3A_113] {strides = array<i32>} : memref<80x128xf32, #tpu.memory_space<vmem>>, vector<1x16xf32>,
      %swap3A_115 = vector.shape_cast %swap3A_114 : vector<1x16xf32> to vector<16xf32>
      %swap3A_116 = vector.shape_cast %broadcast_in_dim3A_1 : vector<16xf32> to vector<1x16xf32>
      tpu.vector_store %arg5[%swap3A_112, %swap3A_113], %swap3A_116 {strides = array<i32>} : memref<80x128xf32, #tpu.memory_space<vmem>>, vector<1x16xf32>,
      %swap3A_117 = arith.index_cast %scan3A_102 : i32 to index
      %swap3A_118 = arith.constant 48 : index
      %swap3A_119 = tpu.vector_load %arg5[%swap3A_117, %swap3A_118] {strides = array<i32>} : memref<80x128xf32, #tpu.memory_space<vmem>>, vector<1x16xf32>,
      %swap3A_120 = vector.shape_cast %swap3A_119 : vector<1x16xf32> to vector<16xf32>
      %swap3A_121 = vector.shape_cast %broadcast_in_dim3A_1 : vector<16xf32> to vector<1x16xf32>
      tpu.vector_store %arg5[%swap3A_117, %swap3A_118], %swap3A_121 {strides = array<i32>} : memref<80x128xf32, #tpu.memory_space<vmem>>, vector<1x16xf32>,
      %swap3A_122 = arith.index_cast %scan3A_102 : i32 to index
      %swap3A_123 = arith.constant 64 : index
      %swap3A_124 = tpu.vector_load %arg5[%swap3A_122, %swap3A_123] {strides = array<i32>} : memref<80x128xf32, #tpu.memory_space<vmem>>, vector<1x16xf32>,
      %swap3A_125 = vector.shape_cast %swap3A_124 : vector<1x16xf32> to vector<16xf32>
      %swap3A_126 = vector.shape_cast %broadcast_in_dim3A_1 : vector<16xf32> to vector<1x16xf32>
      tpu.vector_store %arg5[%swap3A_122, %swap3A_123], %swap3A_126 {strides = array<i32>} : memref<80x128xf32, #tpu.memory_space<vmem>>, vector<1x16xf32>,
      %swap3A_127 = arith.index_cast %scan3A_102 : i32 to index
      %swap3A_128 = arith.constant 80 : index
      %swap3A_129 = tpu.vector_load %arg5[%swap3A_127, %swap3A_128] {strides = array<i32>} : memref<80x128xf32, #tpu.memory_space<vmem>>, vector<1x16xf32>,
      %swap3A_130 = vector.shape_cast %swap3A_129 : vector<1x16xf32> to vector<16xf32>
      %swap3A_131 = vector.shape_cast %broadcast_in_dim3A_1 : vector<16xf32> to vector<1x16xf32>
      tpu.vector_store %arg5[%swap3A_127, %swap3A_128], %swap3A_131 {strides = array<i32>} : memref<80x128xf32, #tpu.memory_space<vmem>>, vector<1x16xf32>,
      %swap3A_132 = arith.index_cast %scan3A_102 : i32 to index
      %swap3A_133 = arith.constant 96 : index
      %swap3A_134 = tpu.vector_load %arg5[%swap3A_132, %swap3A_133] {strides = array<i32>} : memref<80x128xf32, #tpu.memory_space<vmem>>, vector<1x16xf32>,
      %swap3A_135 = vector.shape_cast %swap3A_134 : vector<1x16xf32> to vector<16xf32>
      %swap3A_136 = vector.shape_cast %broadcast_in_dim3A_1 : vector<16xf32> to vector<1x16xf32>
      tpu.vector_store %arg5[%swap3A_132, %swap3A_133], %swap3A_136 {strides = array<i32>} : memref<80x128xf32, #tpu.memory_space<vmem>>, vector<1x16xf32>,
      %swap3A_137 = arith.index_cast %scan3A_102 : i32 to index
      %swap3A_138 = arith.constant 112 : index
      %swap3A_139 = tpu.vector_load %arg5[%swap3A_137, %swap3A_138] {strides = array<i32>} : memref<80x128xf32, #tpu.memory_space<vmem>>, vector<1x16xf32>,
      %swap3A_140 = vector.shape_cast %swap3A_139 : vector<1x16xf32> to vector<16xf32>
      %swap3A_141 = vector.shape_cast %broadcast_in_dim3A_1 : vector<16xf32> to vector<1x16xf32>
      tpu.vector_store %arg5[%swap3A_137, %swap3A_138], %swap3A_141 {strides = array<i32>} : memref<80x128xf32, #tpu.memory_space<vmem>>, vector<1x16xf32>,
    }
    %scan3A_6 = arith.constant 80 : i32
    %broadcast_in_dim3A_7 = arith.constant 0.000000e+00 : f32
    %broadcast_in_dim3A_8 = vector.broadcast %broadcast_in_dim3A_7 : f32 to vector<16xf32>
    %scan3A_9 = arith.constant 0 : i32
    %scan3A_10 = arith.constant 0 : i32
    %scan3A_11 = arith.constant 40 : i32
    %scan3A_12 = arith.addi %scan3A_10, %scan3A_11 : i32
    %scan3A_13 = arith.constant 1 : i32
    scf.for %scan3A_102 = %scan3A_10 to %scan3A_12 step %scan3A_13  : i32 {
      %swap3A = arith.index_cast %scan3A_102 : i32 to index
      %swap3A_103 = arith.constant 0 : index
      %swap3A_104 = tpu.vector_load %arg6[%swap3A, %swap3A_103] {strides = array<i32>} : memref<40x128xf32, #tpu.memory_space<vmem>>, vector<1x16xf32>,
      %swap3A_105 = vector.shape_cast %swap3A_104 : vector<1x16xf32> to vector<16xf32>
      %swap3A_106 = vector.shape_cast %broadcast_in_dim3A_8 : vector<16xf32> to vector<1x16xf32>
      tpu.vector_store %arg6[%swap3A, %swap3A_103], %swap3A_106 {strides = array<i32>} : memref<40x128xf32, #tpu.memory_space<vmem>>, vector<1x16xf32>,
      %swap3A_107 = arith.index_cast %scan3A_102 : i32 to index
      %swap3A_108 = arith.constant 16 : index
      %swap3A_109 = tpu.vector_load %arg6[%swap3A_107, %swap3A_108] {strides = array<i32>} : memref<40x128xf32, #tpu.memory_space<vmem>>, vector<1x16xf32>,
      %swap3A_110 = vector.shape_cast %swap3A_109 : vector<1x16xf32> to vector<16xf32>
      %swap3A_111 = vector.shape_cast %broadcast_in_dim3A_8 : vector<16xf32> to vector<1x16xf32>
      tpu.vector_store %arg6[%swap3A_107, %swap3A_108], %swap3A_111 {strides = array<i32>} : memref<40x128xf32, #tpu.memory_space<vmem>>, vector<1x16xf32>,
      %swap3A_112 = arith.index_cast %scan3A_102 : i32 to index
      %swap3A_113 = arith.constant 32 : index
      %swap3A_114 = tpu.vector_load %arg6[%swap3A_112, %swap3A_113] {strides = array<i32>} : memref<40x128xf32, #tpu.memory_space<vmem>>, vector<1x16xf32>,
      %swap3A_115 = vector.shape_cast %swap3A_114 : vector<1x16xf32> to vector<16xf32>
      %swap3A_116 = vector.shape_cast %broadcast_in_dim3A_8 : vector<16xf32> to vector<1x16xf32>
      tpu.vector_store %arg6[%swap3A_112, %swap3A_113], %swap3A_116 {strides = array<i32>} : memref<40x128xf32, #tpu.memory_space<vmem>>, vector<1x16xf32>,
      %swap3A_117 = arith.index_cast %scan3A_102 : i32 to index
      %swap3A_118 = arith.constant 48 : index
      %swap3A_119 = tpu.vector_load %arg6[%swap3A_117, %swap3A_118] {strides = array<i32>} : memref<40x128xf32, #tpu.memory_space<vmem>>, vector<1x16xf32>,
      %swap3A_120 = vector.shape_cast %swap3A_119 : vector<1x16xf32> to vector<16xf32>
      %swap3A_121 = vector.shape_cast %broadcast_in_dim3A_8 : vector<16xf32> to vector<1x16xf32>
      tpu.vector_store %arg6[%swap3A_117, %swap3A_118], %swap3A_121 {strides = array<i32>} : memref<40x128xf32, #tpu.memory_space<vmem>>, vector<1x16xf32>,
      %swap3A_122 = arith.index_cast %scan3A_102 : i32 to index
      %swap3A_123 = arith.constant 64 : index
      %swap3A_124 = tpu.vector_load %arg6[%swap3A_122, %swap3A_123] {strides = array<i32>} : memref<40x128xf32, #tpu.memory_space<vmem>>, vector<1x16xf32>,
      %swap3A_125 = vector.shape_cast %swap3A_124 : vector<1x16xf32> to vector<16xf32>
      %swap3A_126 = vector.shape_cast %broadcast_in_dim3A_8 : vector<16xf32> to vector<1x16xf32>
      tpu.vector_store %arg6[%swap3A_122, %swap3A_123], %swap3A_126 {strides = array<i32>} : memref<40x128xf32, #tpu.memory_space<vmem>>, vector<1x16xf32>,
      %swap3A_127 = arith.index_cast %scan3A_102 : i32 to index
      %swap3A_128 = arith.constant 80 : index
      %swap3A_129 = tpu.vector_load %arg6[%swap3A_127, %swap3A_128] {strides = array<i32>} : memref<40x128xf32, #tpu.memory_space<vmem>>, vector<1x16xf32>,
      %swap3A_130 = vector.shape_cast %swap3A_129 : vector<1x16xf32> to vector<16xf32>
      %swap3A_131 = vector.shape_cast %broadcast_in_dim3A_8 : vector<16xf32> to vector<1x16xf32>
      tpu.vector_store %arg6[%swap3A_127, %swap3A_128], %swap3A_131 {strides = array<i32>} : memref<40x128xf32, #tpu.memory_space<vmem>>, vector<1x16xf32>,
      %swap3A_132 = arith.index_cast %scan3A_102 : i32 to index
      %swap3A_133 = arith.constant 96 : index
      %swap3A_134 = tpu.vector_load %arg6[%swap3A_132, %swap3A_133] {strides = array<i32>} : memref<40x128xf32, #tpu.memory_space<vmem>>, vector<1x16xf32>,
      %swap3A_135 = vector.shape_cast %swap3A_134 : vector<1x16xf32> to vector<16xf32>
      %swap3A_136 = vector.shape_cast %broadcast_in_dim3A_8 : vector<16xf32> to vector<1x16xf32>
      tpu.vector_store %arg6[%swap3A_132, %swap3A_133], %swap3A_136 {strides = array<i32>} : memref<40x128xf32, #tpu.memory_space<vmem>>, vector<1x16xf32>,
      %swap3A_137 = arith.index_cast %scan3A_102 : i32 to index
      %swap3A_138 = arith.constant 112 : index
      %swap3A_139 = tpu.vector_load %arg6[%swap3A_137, %swap3A_138] {strides = array<i32>} : memref<40x128xf32, #tpu.memory_space<vmem>>, vector<1x16xf32>,
      %swap3A_140 = vector.shape_cast %swap3A_139 : vector<1x16xf32> to vector<16xf32>
      %swap3A_141 = vector.shape_cast %broadcast_in_dim3A_8 : vector<16xf32> to vector<1x16xf32>
      tpu.vector_store %arg6[%swap3A_137, %swap3A_138], %swap3A_141 {strides = array<i32>} : memref<40x128xf32, #tpu.memory_space<vmem>>, vector<1x16xf32>,
    }
    %scan3A_14 = arith.constant 40 : i32
    %scan3A_15 = arith.constant 0 : i32
    %scan3A_16 = arith.constant 0 : i32
    %scan3A_17 = arith.constant 16 : i32
    %scan3A_18 = arith.addi %scan3A_16, %scan3A_17 : i32
    %scan3A_19 = arith.constant 1 : i32
    scf.for %scan3A_102 = %scan3A_16 to %scan3A_18 step %scan3A_19  : i32 {
      %mul3A_103 = arith.constant 16 : i32
      %mul3A_104 = arith.muli %scan3A_102, %mul3A_103 : i32
      %add3A_105 = arith.addi %arg1, %mul3A_104 : i32
      %lt3A = arith.constant 250 : i32
      %lt3A_106 = arith.cmpi slt, %add3A_105, %lt3A : i32
      %convert_element_type3A = arith.extui %lt3A_106 : i1 to i32
      %cond3A = arith.constant 0 : i32
      %cond3A_107 = arith.cmpi ne, %convert_element_type3A, %cond3A : i32
      scf.if %cond3A_107 {
        %mul3A_108 = arith.constant 40 : i32
        %mul3A_109 = arith.muli %add3A_105, %mul3A_108 : i32
        %multiple_of3A = tpu.assume_multiple %mul3A_109, 8 : i32
        "tpu.region"() ({
          %run_scoped3A = tpu.sem_alloc : memref<!tpu.dma_semaphore, #tpu.memory_space<semaphore_mem>>
          %dma_start3A_110 = arith.constant 0 : i32
          %dma_start3A_111 = tpu.memref_slice %arg7[%multiple_of3A, %dma_start3A_110] : memref<10000x128xf32, #tpu.memory_space<vmem_shared>> -> memref<40x128xf32, #tpu.memory_space<vmem_shared>>
          %dma_start3A_112 = arith.constant 0 : i32
          %dma_start3A_113 = tpu.memref_slice %arg7[%multiple_of3A, %dma_start3A_112] : memref<10000x128xf32, #tpu.memory_space<vmem_shared>> -> memref<40x128xf32, #tpu.memory_space<vmem_shared>>
          tpu.enqueue_dma source(%arg6 : memref<40x128xf32, #tpu.memory_space<vmem>>) target(%dma_start3A_113 : memref<40x128xf32, #tpu.memory_space<vmem_shared>>) target_semaphore(%run_scoped3A : memref<!tpu.dma_semaphore, #tpu.memory_space<semaphore_mem>>)
          %dma_wait3A_114 = arith.constant 0 : i32
          %dma_wait3A_115 = tpu.memref_slice %arg7[%multiple_of3A, %dma_wait3A_114] : memref<10000x128xf32, #tpu.memory_space<vmem_shared>> -> memref<40x128xf32, #tpu.memory_space<vmem_shared>>
          %dma_wait3A_116 = arith.constant 0 : i32
          %dma_wait3A_117 = tpu.memref_slice %arg7[%multiple_of3A, %dma_wait3A_116] : memref<10000x128xf32, #tpu.memory_space<vmem_shared>> -> memref<40x128xf32, #tpu.memory_space<vmem_shared>>
          tpu.wait_dma2 semaphore(%run_scoped3A : memref<!tpu.dma_semaphore, #tpu.memory_space<semaphore_mem>>) src(%arg6 : memref<40x128xf32, #tpu.memory_space<vmem>>) dst(%dma_wait3A_117 : memref<40x128xf32, #tpu.memory_space<vmem_shared>>)
          tpu.yield
        }) : () -> ()
      } else {
      }
    }
    %scan3A_20 = arith.constant 16 : i32
    "tpu.region"() ({
      %run_scoped3A = tpu.sem_alloc : memref<!tpu.dma_semaphore, #tpu.memory_space<semaphore_mem>>
      %dma_start3A_102 = arith.constant 0 : i32
      %dma_start3A_103 = arith.constant 0 : i32
      %dma_start3A_104 = tpu.memref_slice %arg2[%add3A, %dma_start3A_102, %dma_start3A_103] : memref<32x128x80xi32, #tpu.memory_space<hbm>> -> memref<1x128x80xi32, #tpu.memory_space<hbm>>
      %dma_start3A_105 = tpu.memref_squeeze %dma_start3A_104 : memref<1x128x80xi32, #tpu.memory_space<hbm>> -> memref<128x80xi32, #tpu.memory_space<hbm>>
      %dma_start3A_106 = arith.constant 0 : i32
      %dma_start3A_107 = arith.constant 0 : i32
      %dma_start3A_108 = tpu.memref_slice %arg2[%add3A, %dma_start3A_106, %dma_start3A_107] : memref<32x128x80xi32, #tpu.memory_space<hbm>> -> memref<1x128x80xi32, #tpu.memory_space<hbm>>
      %dma_start3A_109 = tpu.memref_squeeze %dma_start3A_108 : memref<1x128x80xi32, #tpu.memory_space<hbm>> -> memref<128x80xi32, #tpu.memory_space<hbm>>
      tpu.enqueue_dma source(%dma_start3A_109 : memref<128x80xi32, #tpu.memory_space<hbm>>) target(%arg4 : memref<128x80xi32, #tpu.memory_space<vmem>>) target_semaphore(%run_scoped3A : memref<!tpu.dma_semaphore, #tpu.memory_space<semaphore_mem>>)
      %dma_wait3A_110 = arith.constant 0 : i32
      %dma_wait3A_111 = arith.constant 0 : i32
      %dma_wait3A_112 = tpu.memref_slice %arg2[%add3A, %dma_wait3A_110, %dma_wait3A_111] : memref<32x128x80xi32, #tpu.memory_space<hbm>> -> memref<1x128x80xi32, #tpu.memory_space<hbm>>
      %dma_wait3A_113 = tpu.memref_squeeze %dma_wait3A_112 : memref<1x128x80xi32, #tpu.memory_space<hbm>> -> memref<128x80xi32, #tpu.memory_space<hbm>>
      %dma_wait3A_114 = arith.constant 0 : i32
      %dma_wait3A_115 = arith.constant 0 : i32
      %dma_wait3A_116 = tpu.memref_slice %arg2[%add3A, %dma_wait3A_114, %dma_wait3A_115] : memref<32x128x80xi32, #tpu.memory_space<hbm>> -> memref<1x128x80xi32, #tpu.memory_space<hbm>>
      %dma_wait3A_117 = tpu.memref_squeeze %dma_wait3A_116 : memref<1x128x80xi32, #tpu.memory_space<hbm>> -> memref<128x80xi32, #tpu.memory_space<hbm>>
      tpu.wait_dma2 semaphore(%run_scoped3A : memref<!tpu.dma_semaphore, #tpu.memory_space<semaphore_mem>>) src(%dma_wait3A_117 : memref<128x80xi32, #tpu.memory_space<hbm>>) dst(%arg4 : memref<128x80xi32, #tpu.memory_space<vmem>>)
      tpu.yield
    }) : () -> ()
    %barrier3A = arith.constant 0 : index
    tpu.barrier barrier_id(%barrier3A)
    %scan3A_21 = arith.constant 0 : i32
    %scan3A_22 = arith.constant 0 : i32
    %scan3A_23 = arith.constant 12 : i32
    %scan3A_24 = arith.addi %scan3A_22, %scan3A_23 : i32
    %scan3A_25 = arith.constant 1 : i32
    scf.for %scan3A_102 = %scan3A_22 to %scan3A_24 step %scan3A_25  : i32 {
      %mul3A_103 = arith.constant 10 : i32
      %mul3A_104 = arith.muli %scan3A_102, %mul3A_103 : i32
      %add3A_105 = arith.constant 0 : i32
      %add3A_106 = arith.addi %mul3A_104, %add3A_105 : i32
      %dma_start3A_107 = arith.constant 0 : i32
      %dma_start3A_108 = tpu.memref_slice %arg4[%add3A_106, %dma_start3A_107] : memref<128x80xi32, #tpu.memory_space<vmem>> -> memref<1x80xi32, #tpu.memory_space<vmem>>
      %dma_start3A_109 = tpu.memref_squeeze %dma_start3A_108 : memref<1x80xi32, #tpu.memory_space<vmem>> -> memref<80xi32, #tpu.memory_space<vmem>>
      %dma_start3A_110 = arith.constant 0 : i32
      %dma_start3A_111 = arith.constant 0 : i32
      %dma_start3A_112 = tpu.memref_slice %arg7[%dma_start3A_110, %dma_start3A_111] : memref<10000x128xf32, #tpu.memory_space<vmem_shared>> -> memref<10000x128xf32, #tpu.memory_space<vmem_shared>>
      tpu.enqueue_indirect_dma source(%arg5 : memref<80x128xf32, #tpu.memory_space<vmem>>) target(%dma_start3A_112 : memref<10000x128xf32, #tpu.memory_space<vmem_shared>>) offsets(%dma_start3A_109 : memref<80xi32, #tpu.memory_space<vmem>>) semaphore(%arg8 : memref<!tpu.dma_semaphore, #tpu.memory_space<semaphore_mem>>) {add = true}
      %mul3A_113 = arith.constant 10 : i32
      %mul3A_114 = arith.muli %scan3A_102, %mul3A_113 : i32
      %add3A_115 = arith.constant 1 : i32
      %add3A_116 = arith.addi %mul3A_114, %add3A_115 : i32
      %dma_start3A_117 = arith.constant 0 : i32
      %dma_start3A_118 = tpu.memref_slice %arg4[%add3A_116, %dma_start3A_117] : memref<128x80xi32, #tpu.memory_space<vmem>> -> memref<1x80xi32, #tpu.memory_space<vmem>>
      %dma_start3A_119 = tpu.memref_squeeze %dma_start3A_118 : memref<1x80xi32, #tpu.memory_space<vmem>> -> memref<80xi32, #tpu.memory_space<vmem>>
      %dma_start3A_120 = arith.constant 0 : i32
      %dma_start3A_121 = arith.constant 0 : i32
      %dma_start3A_122 = tpu.memref_slice %arg7[%dma_start3A_120, %dma_start3A_121] : memref<10000x128xf32, #tpu.memory_space<vmem_shared>> -> memref<10000x128xf32, #tpu.memory_space<vmem_shared>>
      tpu.enqueue_indirect_dma source(%arg5 : memref<80x128xf32, #tpu.memory_space<vmem>>) target(%dma_start3A_122 : memref<10000x128xf32, #tpu.memory_space<vmem_shared>>) offsets(%dma_start3A_119 : memref<80xi32, #tpu.memory_space<vmem>>) semaphore(%arg8 : memref<!tpu.dma_semaphore, #tpu.memory_space<semaphore_mem>>) {add = true}
      %mul3A_123 = arith.constant 10 : i32
      %mul3A_124 = arith.muli %scan3A_102, %mul3A_123 : i32
      %add3A_125 = arith.constant 2 : i32
      %add3A_126 = arith.addi %mul3A_124, %add3A_125 : i32
      %dma_start3A_127 = arith.constant 0 : i32
      %dma_start3A_128 = tpu.memref_slice %arg4[%add3A_126, %dma_start3A_127] : memref<128x80xi32, #tpu.memory_space<vmem>> -> memref<1x80xi32, #tpu.memory_space<vmem>>
      %dma_start3A_129 = tpu.memref_squeeze %dma_start3A_128 : memref<1x80xi32, #tpu.memory_space<vmem>> -> memref<80xi32, #tpu.memory_space<vmem>>
      %dma_start3A_130 = arith.constant 0 : i32
      %dma_start3A_131 = arith.constant 0 : i32
      %dma_start3A_132 = tpu.memref_slice %arg7[%dma_start3A_130, %dma_start3A_131] : memref<10000x128xf32, #tpu.memory_space<vmem_shared>> -> memref<10000x128xf32, #tpu.memory_space<vmem_shared>>
      tpu.enqueue_indirect_dma source(%arg5 : memref<80x128xf32, #tpu.memory_space<vmem>>) target(%dma_start3A_132 : memref<10000x128xf32, #tpu.memory_space<vmem_shared>>) offsets(%dma_start3A_129 : memref<80xi32, #tpu.memory_space<vmem>>) semaphore(%arg8 : memref<!tpu.dma_semaphore, #tpu.memory_space<semaphore_mem>>) {add = true}
      %mul3A_133 = arith.constant 10 : i32
      %mul3A_134 = arith.muli %scan3A_102, %mul3A_133 : i32
      %add3A_135 = arith.constant 3 : i32
      %add3A_136 = arith.addi %mul3A_134, %add3A_135 : i32
      %dma_start3A_137 = arith.constant 0 : i32
      %dma_start3A_138 = tpu.memref_slice %arg4[%add3A_136, %dma_start3A_137] : memref<128x80xi32, #tpu.memory_space<vmem>> -> memref<1x80xi32, #tpu.memory_space<vmem>>
      %dma_start3A_139 = tpu.memref_squeeze %dma_start3A_138 : memref<1x80xi32, #tpu.memory_space<vmem>> -> memref<80xi32, #tpu.memory_space<vmem>>
      %dma_start3A_140 = arith.constant 0 : i32
      %dma_start3A_141 = arith.constant 0 : i32
      %dma_start3A_142 = tpu.memref_slice %arg7[%dma_start3A_140, %dma_start3A_141] : memref<10000x128xf32, #tpu.memory_space<vmem_shared>> -> memref<10000x128xf32, #tpu.memory_space<vmem_shared>>
      tpu.enqueue_indirect_dma source(%arg5 : memref<80x128xf32, #tpu.memory_space<vmem>>) target(%dma_start3A_142 : memref<10000x128xf32, #tpu.memory_space<vmem_shared>>) offsets(%dma_start3A_139 : memref<80xi32, #tpu.memory_space<vmem>>) semaphore(%arg8 : memref<!tpu.dma_semaphore, #tpu.memory_space<semaphore_mem>>) {add = true}
      %mul3A_143 = arith.constant 10 : i32
      %mul3A_144 = arith.muli %scan3A_102, %mul3A_143 : i32
      %add3A_145 = arith.constant 4 : i32
      %add3A_146 = arith.addi %mul3A_144, %add3A_145 : i32
      %dma_start3A_147 = arith.constant 0 : i32
      %dma_start3A_148 = tpu.memref_slice %arg4[%add3A_146, %dma_start3A_147] : memref<128x80xi32, #tpu.memory_space<vmem>> -> memref<1x80xi32, #tpu.memory_space<vmem>>
      %dma_start3A_149 = tpu.memref_squeeze %dma_start3A_148 : memref<1x80xi32, #tpu.memory_space<vmem>> -> memref<80xi32, #tpu.memory_space<vmem>>
      %dma_start3A_150 = arith.constant 0 : i32
      %dma_start3A_151 = arith.constant 0 : i32
      %dma_start3A_152 = tpu.memref_slice %arg7[%dma_start3A_150, %dma_start3A_151] : memref<10000x128xf32, #tpu.memory_space<vmem_shared>> -> memref<10000x128xf32, #tpu.memory_space<vmem_shared>>
      tpu.enqueue_indirect_dma source(%arg5 : memref<80x128xf32, #tpu.memory_space<vmem>>) target(%dma_start3A_152 : memref<10000x128xf32, #tpu.memory_space<vmem_shared>>) offsets(%dma_start3A_149 : memref<80xi32, #tpu.memory_space<vmem>>) semaphore(%arg8 : memref<!tpu.dma_semaphore, #tpu.memory_space<semaphore_mem>>) {add = true}
      %mul3A_153 = arith.constant 10 : i32
      %mul3A_154 = arith.muli %scan3A_102, %mul3A_153 : i32
      %add3A_155 = arith.constant 5 : i32
      %add3A_156 = arith.addi %mul3A_154, %add3A_155 : i32
      %dma_start3A_157 = arith.constant 0 : i32
      %dma_start3A_158 = tpu.memref_slice %arg4[%add3A_156, %dma_start3A_157] : memref<128x80xi32, #tpu.memory_space<vmem>> -> memref<1x80xi32, #tpu.memory_space<vmem>>
      %dma_start3A_159 = tpu.memref_squeeze %dma_start3A_158 : memref<1x80xi32, #tpu.memory_space<vmem>> -> memref<80xi32, #tpu.memory_space<vmem>>
      %dma_start3A_160 = arith.constant 0 : i32
      %dma_start3A_161 = arith.constant 0 : i32
      %dma_start3A_162 = tpu.memref_slice %arg7[%dma_start3A_160, %dma_start3A_161] : memref<10000x128xf32, #tpu.memory_space<vmem_shared>> -> memref<10000x128xf32, #tpu.memory_space<vmem_shared>>
      tpu.enqueue_indirect_dma source(%arg5 : memref<80x128xf32, #tpu.memory_space<vmem>>) target(%dma_start3A_162 : memref<10000x128xf32, #tpu.memory_space<vmem_shared>>) offsets(%dma_start3A_159 : memref<80xi32, #tpu.memory_space<vmem>>) semaphore(%arg8 : memref<!tpu.dma_semaphore, #tpu.memory_space<semaphore_mem>>) {add = true}
      %mul3A_163 = arith.constant 10 : i32
      %mul3A_164 = arith.muli %scan3A_102, %mul3A_163 : i32
      %add3A_165 = arith.constant 6 : i32
      %add3A_166 = arith.addi %mul3A_164, %add3A_165 : i32
      %dma_start3A_167 = arith.constant 0 : i32
      %dma_start3A_168 = tpu.memref_slice %arg4[%add3A_166, %dma_start3A_167] : memref<128x80xi32, #tpu.memory_space<vmem>> -> memref<1x80xi32, #tpu.memory_space<vmem>>
      %dma_start3A_169 = tpu.memref_squeeze %dma_start3A_168 : memref<1x80xi32, #tpu.memory_space<vmem>> -> memref<80xi32, #tpu.memory_space<vmem>>
      %dma_start3A_170 = arith.constant 0 : i32
      %dma_start3A_171 = arith.constant 0 : i32
      %dma_start3A_172 = tpu.memref_slice %arg7[%dma_start3A_170, %dma_start3A_171] : memref<10000x128xf32, #tpu.memory_space<vmem_shared>> -> memref<10000x128xf32, #tpu.memory_space<vmem_shared>>
      tpu.enqueue_indirect_dma source(%arg5 : memref<80x128xf32, #tpu.memory_space<vmem>>) target(%dma_start3A_172 : memref<10000x128xf32, #tpu.memory_space<vmem_shared>>) offsets(%dma_start3A_169 : memref<80xi32, #tpu.memory_space<vmem>>) semaphore(%arg8 : memref<!tpu.dma_semaphore, #tpu.memory_space<semaphore_mem>>) {add = true}
      %mul3A_173 = arith.constant 10 : i32
      %mul3A_174 = arith.muli %scan3A_102, %mul3A_173 : i32
      %add3A_175 = arith.constant 7 : i32
      %add3A_176 = arith.addi %mul3A_174, %add3A_175 : i32
      %dma_start3A_177 = arith.constant 0 : i32
      %dma_start3A_178 = tpu.memref_slice %arg4[%add3A_176, %dma_start3A_177] : memref<128x80xi32, #tpu.memory_space<vmem>> -> memref<1x80xi32, #tpu.memory_space<vmem>>
      %dma_start3A_179 = tpu.memref_squeeze %dma_start3A_178 : memref<1x80xi32, #tpu.memory_space<vmem>> -> memref<80xi32, #tpu.memory_space<vmem>>
      %dma_start3A_180 = arith.constant 0 : i32
      %dma_start3A_181 = arith.constant 0 : i32
      %dma_start3A_182 = tpu.memref_slice %arg7[%dma_start3A_180, %dma_start3A_181] : memref<10000x128xf32, #tpu.memory_space<vmem_shared>> -> memref<10000x128xf32, #tpu.memory_space<vmem_shared>>
      tpu.enqueue_indirect_dma source(%arg5 : memref<80x128xf32, #tpu.memory_space<vmem>>) target(%dma_start3A_182 : memref<10000x128xf32, #tpu.memory_space<vmem_shared>>) offsets(%dma_start3A_179 : memref<80xi32, #tpu.memory_space<vmem>>) semaphore(%arg8 : memref<!tpu.dma_semaphore, #tpu.memory_space<semaphore_mem>>) {add = true}
      %mul3A_183 = arith.constant 10 : i32
      %mul3A_184 = arith.muli %scan3A_102, %mul3A_183 : i32
      %add3A_185 = arith.constant 8 : i32
      %add3A_186 = arith.addi %mul3A_184, %add3A_185 : i32
      %dma_start3A_187 = arith.constant 0 : i32
      %dma_start3A_188 = tpu.memref_slice %arg4[%add3A_186, %dma_start3A_187] : memref<128x80xi32, #tpu.memory_space<vmem>> -> memref<1x80xi32, #tpu.memory_space<vmem>>
      %dma_start3A_189 = tpu.memref_squeeze %dma_start3A_188 : memref<1x80xi32, #tpu.memory_space<vmem>> -> memref<80xi32, #tpu.memory_space<vmem>>
      %dma_start3A_190 = arith.constant 0 : i32
      %dma_start3A_191 = arith.constant 0 : i32
      %dma_start3A_192 = tpu.memref_slice %arg7[%dma_start3A_190, %dma_start3A_191] : memref<10000x128xf32, #tpu.memory_space<vmem_shared>> -> memref<10000x128xf32, #tpu.memory_space<vmem_shared>>
      tpu.enqueue_indirect_dma source(%arg5 : memref<80x128xf32, #tpu.memory_space<vmem>>) target(%dma_start3A_192 : memref<10000x128xf32, #tpu.memory_space<vmem_shared>>) offsets(%dma_start3A_189 : memref<80xi32, #tpu.memory_space<vmem>>) semaphore(%arg8 : memref<!tpu.dma_semaphore, #tpu.memory_space<semaphore_mem>>) {add = true}
      %mul3A_193 = arith.constant 10 : i32
      %mul3A_194 = arith.muli %scan3A_102, %mul3A_193 : i32
      %add3A_195 = arith.constant 9 : i32
      %add3A_196 = arith.addi %mul3A_194, %add3A_195 : i32
      %dma_start3A_197 = arith.constant 0 : i32
      %dma_start3A_198 = tpu.memref_slice %arg4[%add3A_196, %dma_start3A_197] : memref<128x80xi32, #tpu.memory_space<vmem>> -> memref<1x80xi32, #tpu.memory_space<vmem>>
      %dma_start3A_199 = tpu.memref_squeeze %dma_start3A_198 : memref<1x80xi32, #tpu.memory_space<vmem>> -> memref<80xi32, #tpu.memory_space<vmem>>
      %dma_start3A_200 = arith.constant 0 : i32
      %dma_start3A_201 = arith.constant 0 : i32
      %dma_start3A_202 = tpu.memref_slice %arg7[%dma_start3A_200, %dma_start3A_201] : memref<10000x128xf32, #tpu.memory_space<vmem_shared>> -> memref<10000x128xf32, #tpu.memory_space<vmem_shared>>
      tpu.enqueue_indirect_dma source(%arg5 : memref<80x128xf32, #tpu.memory_space<vmem>>) target(%dma_start3A_202 : memref<10000x128xf32, #tpu.memory_space<vmem_shared>>) offsets(%dma_start3A_199 : memref<80xi32, #tpu.memory_space<vmem>>) semaphore(%arg8 : memref<!tpu.dma_semaphore, #tpu.memory_space<semaphore_mem>>) {add = true}
      %dma_wait3A_203 = arith.constant 0 : i32
      %dma_wait3A_204 = tpu.memref_slice %arg4[%add3A_106, %dma_wait3A_203] : memref<128x80xi32, #tpu.memory_space<vmem>> -> memref<1x80xi32, #tpu.memory_space<vmem>>
      %dma_wait3A_205 = tpu.memref_squeeze %dma_wait3A_204 : memref<1x80xi32, #tpu.memory_space<vmem>> -> memref<80xi32, #tpu.memory_space<vmem>>
      %dma_wait3A_206 = arith.constant 0 : i32
      %dma_wait3A_207 = arith.constant 0 : i32
      %dma_wait3A_208 = tpu.memref_slice %arg7[%dma_wait3A_206, %dma_wait3A_207] : memref<10000x128xf32, #tpu.memory_space<vmem_shared>> -> memref<10000x128xf32, #tpu.memory_space<vmem_shared>>
      tpu.wait_indirect_dma semaphore(%arg8 : memref<!tpu.dma_semaphore, #tpu.memory_space<semaphore_mem>>) src(%arg5 : memref<80x128xf32, #tpu.memory_space<vmem>>) dst(%dma_wait3A_208 : memref<10000x128xf32, #tpu.memory_space<vmem_shared>>)
      %dma_wait3A_209 = arith.constant 0 : i32
      %dma_wait3A_210 = tpu.memref_slice %arg4[%add3A_116, %dma_wait3A_209] : memref<128x80xi32, #tpu.memory_space<vmem>> -> memref<1x80xi32, #tpu.memory_space<vmem>>
      %dma_wait3A_211 = tpu.memref_squeeze %dma_wait3A_210 : memref<1x80xi32, #tpu.memory_space<vmem>> -> memref<80xi32, #tpu.memory_space<vmem>>
      %dma_wait3A_212 = arith.constant 0 : i32
      %dma_wait3A_213 = arith.constant 0 : i32
      %dma_wait3A_214 = tpu.memref_slice %arg7[%dma_wait3A_212, %dma_wait3A_213] : memref<10000x128xf32, #tpu.memory_space<vmem_shared>> -> memref<10000x128xf32, #tpu.memory_space<vmem_shared>>
      tpu.wait_indirect_dma semaphore(%arg8 : memref<!tpu.dma_semaphore, #tpu.memory_space<semaphore_mem>>) src(%arg5 : memref<80x128xf32, #tpu.memory_space<vmem>>) dst(%dma_wait3A_214 : memref<10000x128xf32, #tpu.memory_space<vmem_shared>>)
      %dma_wait3A_215 = arith.constant 0 : i32
      %dma_wait3A_216 = tpu.memref_slice %arg4[%add3A_126, %dma_wait3A_215] : memref<128x80xi32, #tpu.memory_space<vmem>> -> memref<1x80xi32, #tpu.memory_space<vmem>>
      %dma_wait3A_217 = tpu.memref_squeeze %dma_wait3A_216 : memref<1x80xi32, #tpu.memory_space<vmem>> -> memref<80xi32, #tpu.memory_space<vmem>>
      %dma_wait3A_218 = arith.constant 0 : i32
      %dma_wait3A_219 = arith.constant 0 : i32
      %dma_wait3A_220 = tpu.memref_slice %arg7[%dma_wait3A_218, %dma_wait3A_219] : memref<10000x128xf32, #tpu.memory_space<vmem_shared>> -> memref<10000x128xf32, #tpu.memory_space<vmem_shared>>
      tpu.wait_indirect_dma semaphore(%arg8 : memref<!tpu.dma_semaphore, #tpu.memory_space<semaphore_mem>>) src(%arg5 : memref<80x128xf32, #tpu.memory_space<vmem>>) dst(%dma_wait3A_220 : memref<10000x128xf32, #tpu.memory_space<vmem_shared>>)
      %dma_wait3A_221 = arith.constant 0 : i32
      %dma_wait3A_222 = tpu.memref_slice %arg4[%add3A_136, %dma_wait3A_221] : memref<128x80xi32, #tpu.memory_space<vmem>> -> memref<1x80xi32, #tpu.memory_space<vmem>>
      %dma_wait3A_223 = tpu.memref_squeeze %dma_wait3A_222 : memref<1x80xi32, #tpu.memory_space<vmem>> -> memref<80xi32, #tpu.memory_space<vmem>>
      %dma_wait3A_224 = arith.constant 0 : i32
      %dma_wait3A_225 = arith.constant 0 : i32
      %dma_wait3A_226 = tpu.memref_slice %arg7[%dma_wait3A_224, %dma_wait3A_225] : memref<10000x128xf32, #tpu.memory_space<vmem_shared>> -> memref<10000x128xf32, #tpu.memory_space<vmem_shared>>
      tpu.wait_indirect_dma semaphore(%arg8 : memref<!tpu.dma_semaphore, #tpu.memory_space<semaphore_mem>>) src(%arg5 : memref<80x128xf32, #tpu.memory_space<vmem>>) dst(%dma_wait3A_226 : memref<10000x128xf32, #tpu.memory_space<vmem_shared>>)
      %dma_wait3A_227 = arith.constant 0 : i32
      %dma_wait3A_228 = tpu.memref_slice %arg4[%add3A_146, %dma_wait3A_227] : memref<128x80xi32, #tpu.memory_space<vmem>> -> memref<1x80xi32, #tpu.memory_space<vmem>>
      %dma_wait3A_229 = tpu.memref_squeeze %dma_wait3A_228 : memref<1x80xi32, #tpu.memory_space<vmem>> -> memref<80xi32, #tpu.memory_space<vmem>>
      %dma_wait3A_230 = arith.constant 0 : i32
      %dma_wait3A_231 = arith.constant 0 : i32
      %dma_wait3A_232 = tpu.memref_slice %arg7[%dma_wait3A_230, %dma_wait3A_231] : memref<10000x128xf32, #tpu.memory_space<vmem_shared>> -> memref<10000x128xf32, #tpu.memory_space<vmem_shared>>
      tpu.wait_indirect_dma semaphore(%arg8 : memref<!tpu.dma_semaphore, #tpu.memory_space<semaphore_mem>>) src(%arg5 : memref<80x128xf32, #tpu.memory_space<vmem>>) dst(%dma_wait3A_232 : memref<10000x128xf32, #tpu.memory_space<vmem_shared>>)
      %dma_wait3A_233 = arith.constant 0 : i32
      %dma_wait3A_234 = tpu.memref_slice %arg4[%add3A_156, %dma_wait3A_233] : memref<128x80xi32, #tpu.memory_space<vmem>> -> memref<1x80xi32, #tpu.memory_space<vmem>>
      %dma_wait3A_235 = tpu.memref_squeeze %dma_wait3A_234 : memref<1x80xi32, #tpu.memory_space<vmem>> -> memref<80xi32, #tpu.memory_space<vmem>>
      %dma_wait3A_236 = arith.constant 0 : i32
      %dma_wait3A_237 = arith.constant 0 : i32
      %dma_wait3A_238 = tpu.memref_slice %arg7[%dma_wait3A_236, %dma_wait3A_237] : memref<10000x128xf32, #tpu.memory_space<vmem_shared>> -> memref<10000x128xf32, #tpu.memory_space<vmem_shared>>
      tpu.wait_indirect_dma semaphore(%arg8 : memref<!tpu.dma_semaphore, #tpu.memory_space<semaphore_mem>>) src(%arg5 : memref<80x128xf32, #tpu.memory_space<vmem>>) dst(%dma_wait3A_238 : memref<10000x128xf32, #tpu.memory_space<vmem_shared>>)
      %dma_wait3A_239 = arith.constant 0 : i32
      %dma_wait3A_240 = tpu.memref_slice %arg4[%add3A_166, %dma_wait3A_239] : memref<128x80xi32, #tpu.memory_space<vmem>> -> memref<1x80xi32, #tpu.memory_space<vmem>>
      %dma_wait3A_241 = tpu.memref_squeeze %dma_wait3A_240 : memref<1x80xi32, #tpu.memory_space<vmem>> -> memref<80xi32, #tpu.memory_space<vmem>>
      %dma_wait3A_242 = arith.constant 0 : i32
      %dma_wait3A_243 = arith.constant 0 : i32
      %dma_wait3A_244 = tpu.memref_slice %arg7[%dma_wait3A_242, %dma_wait3A_243] : memref<10000x128xf32, #tpu.memory_space<vmem_shared>> -> memref<10000x128xf32, #tpu.memory_space<vmem_shared>>
      tpu.wait_indirect_dma semaphore(%arg8 : memref<!tpu.dma_semaphore, #tpu.memory_space<semaphore_mem>>) src(%arg5 : memref<80x128xf32, #tpu.memory_space<vmem>>) dst(%dma_wait3A_244 : memref<10000x128xf32, #tpu.memory_space<vmem_shared>>)
      %dma_wait3A_245 = arith.constant 0 : i32
      %dma_wait3A_246 = tpu.memref_slice %arg4[%add3A_176, %dma_wait3A_245] : memref<128x80xi32, #tpu.memory_space<vmem>> -> memref<1x80xi32, #tpu.memory_space<vmem>>
      %dma_wait3A_247 = tpu.memref_squeeze %dma_wait3A_246 : memref<1x80xi32, #tpu.memory_space<vmem>> -> memref<80xi32, #tpu.memory_space<vmem>>
      %dma_wait3A_248 = arith.constant 0 : i32
      %dma_wait3A_249 = arith.constant 0 : i32
      %dma_wait3A_250 = tpu.memref_slice %arg7[%dma_wait3A_248, %dma_wait3A_249] : memref<10000x128xf32, #tpu.memory_space<vmem_shared>> -> memref<10000x128xf32, #tpu.memory_space<vmem_shared>>
      tpu.wait_indirect_dma semaphore(%arg8 : memref<!tpu.dma_semaphore, #tpu.memory_space<semaphore_mem>>) src(%arg5 : memref<80x128xf32, #tpu.memory_space<vmem>>) dst(%dma_wait3A_250 : memref<10000x128xf32, #tpu.memory_space<vmem_shared>>)
      %dma_wait3A_251 = arith.constant 0 : i32
      %dma_wait3A_252 = tpu.memref_slice %arg4[%add3A_186, %dma_wait3A_251] : memref<128x80xi32, #tpu.memory_space<vmem>> -> memref<1x80xi32, #tpu.memory_space<vmem>>
      %dma_wait3A_253 = tpu.memref_squeeze %dma_wait3A_252 : memref<1x80xi32, #tpu.memory_space<vmem>> -> memref<80xi32, #tpu.memory_space<vmem>>
      %dma_wait3A_254 = arith.constant 0 : i32
      %dma_wait3A_255 = arith.constant 0 : i32
      %dma_wait3A_256 = tpu.memref_slice %arg7[%dma_wait3A_254, %dma_wait3A_255] : memref<10000x128xf32, #tpu.memory_space<vmem_shared>> -> memref<10000x128xf32, #tpu.memory_space<vmem_shared>>
      tpu.wait_indirect_dma semaphore(%arg8 : memref<!tpu.dma_semaphore, #tpu.memory_space<semaphore_mem>>) src(%arg5 : memref<80x128xf32, #tpu.memory_space<vmem>>) dst(%dma_wait3A_256 : memref<10000x128xf32, #tpu.memory_space<vmem_shared>>)
      %dma_wait3A_257 = arith.constant 0 : i32
      %dma_wait3A_258 = tpu.memref_slice %arg4[%add3A_196, %dma_wait3A_257] : memref<128x80xi32, #tpu.memory_space<vmem>> -> memref<1x80xi32, #tpu.memory_space<vmem>>
      %dma_wait3A_259 = tpu.memref_squeeze %dma_wait3A_258 : memref<1x80xi32, #tpu.memory_space<vmem>> -> memref<80xi32, #tpu.memory_space<vmem>>
      %dma_wait3A_260 = arith.constant 0 : i32
      %dma_wait3A_261 = arith.constant 0 : i32
      %dma_wait3A_262 = tpu.memref_slice %arg7[%dma_wait3A_260, %dma_wait3A_261] : memref<10000x128xf32, #tpu.memory_space<vmem_shared>> -> memref<10000x128xf32, #tpu.memory_space<vmem_shared>>
      tpu.wait_indirect_dma semaphore(%arg8 : memref<!tpu.dma_semaphore, #tpu.memory_space<semaphore_mem>>) src(%arg5 : memref<80x128xf32, #tpu.memory_space<vmem>>) dst(%dma_wait3A_262 : memref<10000x128xf32, #tpu.memory_space<vmem_shared>>)
    }
    %scan3A_26 = arith.constant 12 : i32
    %dma_start3A = arith.constant 120 : i32
    %dma_start3A_27 = arith.constant 0 : i32
    %dma_start3A_28 = tpu.memref_slice %arg4[%dma_start3A, %dma_start3A_27] : memref<128x80xi32, #tpu.memory_space<vmem>> -> memref<1x80xi32, #tpu.memory_space<vmem>>
    %dma_start3A_29 = tpu.memref_squeeze %dma_start3A_28 : memref<1x80xi32, #tpu.memory_space<vmem>> -> memref<80xi32, #tpu.memory_space<vmem>>
    %dma_start3A_30 = arith.constant 0 : i32
    %dma_start3A_31 = arith.constant 0 : i32
    %dma_start3A_32 = tpu.memref_slice %arg7[%dma_start3A_30, %dma_start3A_31] : memref<10000x128xf32, #tpu.memory_space<vmem_shared>> -> memref<10000x128xf32, #tpu.memory_space<vmem_shared>>
    tpu.enqueue_indirect_dma source(%arg5 : memref<80x128xf32, #tpu.memory_space<vmem>>) target(%dma_start3A_32 : memref<10000x128xf32, #tpu.memory_space<vmem_shared>>) offsets(%dma_start3A_29 : memref<80xi32, #tpu.memory_space<vmem>>) semaphore(%arg8 : memref<!tpu.dma_semaphore, #tpu.memory_space<semaphore_mem>>) {add = true}
    %dma_start3A_33 = arith.constant 121 : i32
    %dma_start3A_34 = arith.constant 0 : i32
    %dma_start3A_35 = tpu.memref_slice %arg4[%dma_start3A_33, %dma_start3A_34] : memref<128x80xi32, #tpu.memory_space<vmem>> -> memref<1x80xi32, #tpu.memory_space<vmem>>
    %dma_start3A_36 = tpu.memref_squeeze %dma_start3A_35 : memref<1x80xi32, #tpu.memory_space<vmem>> -> memref<80xi32, #tpu.memory_space<vmem>>
    %dma_start3A_37 = arith.constant 0 : i32
    %dma_start3A_38 = arith.constant 0 : i32
    %dma_start3A_39 = tpu.memref_slice %arg7[%dma_start3A_37, %dma_start3A_38] : memref<10000x128xf32, #tpu.memory_space<vmem_shared>> -> memref<10000x128xf32, #tpu.memory_space<vmem_shared>>
    tpu.enqueue_indirect_dma source(%arg5 : memref<80x128xf32, #tpu.memory_space<vmem>>) target(%dma_start3A_39 : memref<10000x128xf32, #tpu.memory_space<vmem_shared>>) offsets(%dma_start3A_36 : memref<80xi32, #tpu.memory_space<vmem>>) semaphore(%arg8 : memref<!tpu.dma_semaphore, #tpu.memory_space<semaphore_mem>>) {add = true}
    %dma_start3A_40 = arith.constant 122 : i32
    %dma_start3A_41 = arith.constant 0 : i32
    %dma_start3A_42 = tpu.memref_slice %arg4[%dma_start3A_40, %dma_start3A_41] : memref<128x80xi32, #tpu.memory_space<vmem>> -> memref<1x80xi32, #tpu.memory_space<vmem>>
    %dma_start3A_43 = tpu.memref_squeeze %dma_start3A_42 : memref<1x80xi32, #tpu.memory_space<vmem>> -> memref<80xi32, #tpu.memory_space<vmem>>
    %dma_start3A_44 = arith.constant 0 : i32
    %dma_start3A_45 = arith.constant 0 : i32
    %dma_start3A_46 = tpu.memref_slice %arg7[%dma_start3A_44, %dma_start3A_45] : memref<10000x128xf32, #tpu.memory_space<vmem_shared>> -> memref<10000x128xf32, #tpu.memory_space<vmem_shared>>
    tpu.enqueue_indirect_dma source(%arg5 : memref<80x128xf32, #tpu.memory_space<vmem>>) target(%dma_start3A_46 : memref<10000x128xf32, #tpu.memory_space<vmem_shared>>) offsets(%dma_start3A_43 : memref<80xi32, #tpu.memory_space<vmem>>) semaphore(%arg8 : memref<!tpu.dma_semaphore, #tpu.memory_space<semaphore_mem>>) {add = true}
    %dma_start3A_47 = arith.constant 123 : i32
    %dma_start3A_48 = arith.constant 0 : i32
    %dma_start3A_49 = tpu.memref_slice %arg4[%dma_start3A_47, %dma_start3A_48] : memref<128x80xi32, #tpu.memory_space<vmem>> -> memref<1x80xi32, #tpu.memory_space<vmem>>
    %dma_start3A_50 = tpu.memref_squeeze %dma_start3A_49 : memref<1x80xi32, #tpu.memory_space<vmem>> -> memref<80xi32, #tpu.memory_space<vmem>>
    %dma_start3A_51 = arith.constant 0 : i32
    %dma_start3A_52 = arith.constant 0 : i32
    %dma_start3A_53 = tpu.memref_slice %arg7[%dma_start3A_51, %dma_start3A_52] : memref<10000x128xf32, #tpu.memory_space<vmem_shared>> -> memref<10000x128xf32, #tpu.memory_space<vmem_shared>>
    tpu.enqueue_indirect_dma source(%arg5 : memref<80x128xf32, #tpu.memory_space<vmem>>) target(%dma_start3A_53 : memref<10000x128xf32, #tpu.memory_space<vmem_shared>>) offsets(%dma_start3A_50 : memref<80xi32, #tpu.memory_space<vmem>>) semaphore(%arg8 : memref<!tpu.dma_semaphore, #tpu.memory_space<semaphore_mem>>) {add = true}
    %dma_start3A_54 = arith.constant 124 : i32
    %dma_start3A_55 = arith.constant 0 : i32
    %dma_start3A_56 = tpu.memref_slice %arg4[%dma_start3A_54, %dma_start3A_55] : memref<128x80xi32, #tpu.memory_space<vmem>> -> memref<1x80xi32, #tpu.memory_space<vmem>>
    %dma_start3A_57 = tpu.memref_squeeze %dma_start3A_56 : memref<1x80xi32, #tpu.memory_space<vmem>> -> memref<80xi32, #tpu.memory_space<vmem>>
    %dma_start3A_58 = arith.constant 0 : i32
    %dma_start3A_59 = arith.constant 0 : i32
    %dma_start3A_60 = tpu.memref_slice %arg7[%dma_start3A_58, %dma_start3A_59] : memref<10000x128xf32, #tpu.memory_space<vmem_shared>> -> memref<10000x128xf32, #tpu.memory_space<vmem_shared>>
    tpu.enqueue_indirect_dma source(%arg5 : memref<80x128xf32, #tpu.memory_space<vmem>>) target(%dma_start3A_60 : memref<10000x128xf32, #tpu.memory_space<vmem_shared>>) offsets(%dma_start3A_57 : memref<80xi32, #tpu.memory_space<vmem>>) semaphore(%arg8 : memref<!tpu.dma_semaphore, #tpu.memory_space<semaphore_mem>>) {add = true}
    %dma_wait3A = arith.constant 120 : i32
    %dma_wait3A_61 = arith.constant 0 : i32
    %dma_wait3A_62 = tpu.memref_slice %arg4[%dma_wait3A, %dma_wait3A_61] : memref<128x80xi32, #tpu.memory_space<vmem>> -> memref<1x80xi32, #tpu.memory_space<vmem>>
    %dma_wait3A_63 = tpu.memref_squeeze %dma_wait3A_62 : memref<1x80xi32, #tpu.memory_space<vmem>> -> memref<80xi32, #tpu.memory_space<vmem>>
    %dma_wait3A_64 = arith.constant 0 : i32
    %dma_wait3A_65 = arith.constant 0 : i32
    %dma_wait3A_66 = tpu.memref_slice %arg7[%dma_wait3A_64, %dma_wait3A_65] : memref<10000x128xf32, #tpu.memory_space<vmem_shared>> -> memref<10000x128xf32, #tpu.memory_space<vmem_shared>>
    tpu.wait_indirect_dma semaphore(%arg8 : memref<!tpu.dma_semaphore, #tpu.memory_space<semaphore_mem>>) src(%arg5 : memref<80x128xf32, #tpu.memory_space<vmem>>) dst(%dma_wait3A_66 : memref<10000x128xf32, #tpu.memory_space<vmem_shared>>)
    %dma_wait3A_67 = arith.constant 121 : i32
    %dma_wait3A_68 = arith.constant 0 : i32
    %dma_wait3A_69 = tpu.memref_slice %arg4[%dma_wait3A_67, %dma_wait3A_68] : memref<128x80xi32, #tpu.memory_space<vmem>> -> memref<1x80xi32, #tpu.memory_space<vmem>>
    %dma_wait3A_70 = tpu.memref_squeeze %dma_wait3A_69 : memref<1x80xi32, #tpu.memory_space<vmem>> -> memref<80xi32, #tpu.memory_space<vmem>>
    %dma_wait3A_71 = arith.constant 0 : i32
    %dma_wait3A_72 = arith.constant 0 : i32
    %dma_wait3A_73 = tpu.memref_slice %arg7[%dma_wait3A_71, %dma_wait3A_72] : memref<10000x128xf32, #tpu.memory_space<vmem_shared>> -> memref<10000x128xf32, #tpu.memory_space<vmem_shared>>
    tpu.wait_indirect_dma semaphore(%arg8 : memref<!tpu.dma_semaphore, #tpu.memory_space<semaphore_mem>>) src(%arg5 : memref<80x128xf32, #tpu.memory_space<vmem>>) dst(%dma_wait3A_73 : memref<10000x128xf32, #tpu.memory_space<vmem_shared>>)
    %dma_wait3A_74 = arith.constant 122 : i32
    %dma_wait3A_75 = arith.constant 0 : i32
    %dma_wait3A_76 = tpu.memref_slice %arg4[%dma_wait3A_74, %dma_wait3A_75] : memref<128x80xi32, #tpu.memory_space<vmem>> -> memref<1x80xi32, #tpu.memory_space<vmem>>
    %dma_wait3A_77 = tpu.memref_squeeze %dma_wait3A_76 : memref<1x80xi32, #tpu.memory_space<vmem>> -> memref<80xi32, #tpu.memory_space<vmem>>
    %dma_wait3A_78 = arith.constant 0 : i32
    %dma_wait3A_79 = arith.constant 0 : i32
    %dma_wait3A_80 = tpu.memref_slice %arg7[%dma_wait3A_78, %dma_wait3A_79] : memref<10000x128xf32, #tpu.memory_space<vmem_shared>> -> memref<10000x128xf32, #tpu.memory_space<vmem_shared>>
    tpu.wait_indirect_dma semaphore(%arg8 : memref<!tpu.dma_semaphore, #tpu.memory_space<semaphore_mem>>) src(%arg5 : memref<80x128xf32, #tpu.memory_space<vmem>>) dst(%dma_wait3A_80 : memref<10000x128xf32, #tpu.memory_space<vmem_shared>>)
    %dma_wait3A_81 = arith.constant 123 : i32
    %dma_wait3A_82 = arith.constant 0 : i32
    %dma_wait3A_83 = tpu.memref_slice %arg4[%dma_wait3A_81, %dma_wait3A_82] : memref<128x80xi32, #tpu.memory_space<vmem>> -> memref<1x80xi32, #tpu.memory_space<vmem>>
    %dma_wait3A_84 = tpu.memref_squeeze %dma_wait3A_83 : memref<1x80xi32, #tpu.memory_space<vmem>> -> memref<80xi32, #tpu.memory_space<vmem>>
    %dma_wait3A_85 = arith.constant 0 : i32
    %dma_wait3A_86 = arith.constant 0 : i32
    %dma_wait3A_87 = tpu.memref_slice %arg7[%dma_wait3A_85, %dma_wait3A_86] : memref<10000x128xf32, #tpu.memory_space<vmem_shared>> -> memref<10000x128xf32, #tpu.memory_space<vmem_shared>>
    tpu.wait_indirect_dma semaphore(%arg8 : memref<!tpu.dma_semaphore, #tpu.memory_space<semaphore_mem>>) src(%arg5 : memref<80x128xf32, #tpu.memory_space<vmem>>) dst(%dma_wait3A_87 : memref<10000x128xf32, #tpu.memory_space<vmem_shared>>)
    %dma_wait3A_88 = arith.constant 124 : i32
    %dma_wait3A_89 = arith.constant 0 : i32
    %dma_wait3A_90 = tpu.memref_slice %arg4[%dma_wait3A_88, %dma_wait3A_89] : memref<128x80xi32, #tpu.memory_space<vmem>> -> memref<1x80xi32, #tpu.memory_space<vmem>>
    %dma_wait3A_91 = tpu.memref_squeeze %dma_wait3A_90 : memref<1x80xi32, #tpu.memory_space<vmem>> -> memref<80xi32, #tpu.memory_space<vmem>>
    %dma_wait3A_92 = arith.constant 0 : i32
    %dma_wait3A_93 = arith.constant 0 : i32
    %dma_wait3A_94 = tpu.memref_slice %arg7[%dma_wait3A_92, %dma_wait3A_93] : memref<10000x128xf32, #tpu.memory_space<vmem_shared>> -> memref<10000x128xf32, #tpu.memory_space<vmem_shared>>
    tpu.wait_indirect_dma semaphore(%arg8 : memref<!tpu.dma_semaphore, #tpu.memory_space<semaphore_mem>>) src(%arg5 : memref<80x128xf32, #tpu.memory_space<vmem>>) dst(%dma_wait3A_94 : memref<10000x128xf32, #tpu.memory_space<vmem_shared>>)
    %barrier3A_95 = arith.constant 0 : index
    tpu.barrier barrier_id(%barrier3A_95)
    %scan3A_96 = arith.constant 0 : i32
    %scan3A_97 = arith.constant 0 : i32
    %scan3A_98 = arith.constant 16 : i32
    %scan3A_99 = arith.addi %scan3A_97, %scan3A_98 : i32
    %scan3A_100 = arith.constant 1 : i32
    scf.for %scan3A_102 = %scan3A_97 to %scan3A_99 step %scan3A_100  : i32 {
      %mul3A_103 = arith.constant 16 : i32
      %mul3A_104 = arith.muli %scan3A_102, %mul3A_103 : i32
      %add3A_105 = arith.addi %arg1, %mul3A_104 : i32
      %lt3A = arith.constant 250 : i32
      %lt3A_106 = arith.cmpi slt, %add3A_105, %lt3A : i32
      %convert_element_type3A = arith.extui %lt3A_106 : i1 to i32
      %cond3A = arith.constant 0 : i32
      %cond3A_107 = arith.cmpi ne, %convert_element_type3A, %cond3A : i32
      scf.if %cond3A_107 {
        %mul3A_108 = arith.constant 40 : i32
        %mul3A_109 = arith.muli %add3A_105, %mul3A_108 : i32
        %multiple_of3A = tpu.assume_multiple %mul3A_109, 8 : i32
        "tpu.region"() ({
          %run_scoped3A = tpu.sem_alloc : memref<!tpu.dma_semaphore, #tpu.memory_space<semaphore_mem>>
          %dma_start3A_110 = arith.constant 0 : i32
          %dma_start3A_111 = tpu.memref_slice %arg3[%arg0, %multiple_of3A, %dma_start3A_110] : memref<2x10000x128xf32, #tpu.memory_space<hbm>> -> memref<1x40x128xf32, #tpu.memory_space<hbm>>
          %dma_start3A_112 = tpu.memref_squeeze %dma_start3A_111 : memref<1x40x128xf32, #tpu.memory_space<hbm>> -> memref<40x128xf32, #tpu.memory_space<hbm>>
          %dma_start3A_113 = arith.constant 0 : i32
          %dma_start3A_114 = tpu.memref_slice %arg7[%multiple_of3A, %dma_start3A_113] : memref<10000x128xf32, #tpu.memory_space<vmem_shared>> -> memref<40x128xf32, #tpu.memory_space<vmem_shared>>
          tpu.enqueue_dma source(%dma_start3A_114 : memref<40x128xf32, #tpu.memory_space<vmem_shared>>) target(%dma_start3A_112 : memref<40x128xf32, #tpu.memory_space<hbm>>) target_semaphore(%run_scoped3A : memref<!tpu.dma_semaphore, #tpu.memory_space<semaphore_mem>>)
          %dma_wait3A_115 = arith.constant 0 : i32
          %dma_wait3A_116 = tpu.memref_slice %arg3[%arg0, %multiple_of3A, %dma_wait3A_115] : memref<2x10000x128xf32, #tpu.memory_space<hbm>> -> memref<1x40x128xf32, #tpu.memory_space<hbm>>
          %dma_wait3A_117 = tpu.memref_squeeze %dma_wait3A_116 : memref<1x40x128xf32, #tpu.memory_space<hbm>> -> memref<40x128xf32, #tpu.memory_space<hbm>>
          %dma_wait3A_118 = arith.constant 0 : i32
          %dma_wait3A_119 = tpu.memref_slice %arg7[%multiple_of3A, %dma_wait3A_118] : memref<10000x128xf32, #tpu.memory_space<vmem_shared>> -> memref<40x128xf32, #tpu.memory_space<vmem_shared>>
          tpu.wait_dma2 semaphore(%run_scoped3A : memref<!tpu.dma_semaphore, #tpu.memory_space<semaphore_mem>>) src(%dma_wait3A_119 : memref<40x128xf32, #tpu.memory_space<vmem_shared>>) dst(%dma_wait3A_117 : memref<40x128xf32, #tpu.memory_space<hbm>>)
          tpu.yield
        }) : () -> ()
      } else {
      }
    }
    %scan3A_101 = arith.constant 16 : i32
    return
  }
}

#map = affine_map<(d0, d1) -> (0, 0)>
#map1 = affine_map<(d0, d1) -> (0, 0, 0, 0)>
#map2 = affine_map<(d0, d1) -> (0, 0, 0)>
module attributes {stable_mosaic.version = 14 : i64} {
  func.func @_sc_scatter(%arg0: i32, %arg1: i32, %arg2: memref<10000x128xf32, #tpu.memory_space<hbm>>, %arg3: memref<32x16x8x80xi32, #tpu.memory_space<hbm>>, %arg4: memref<32x16x8x80xi32, #tpu.memory_space<hbm>>, %arg5: memref<2x10000x128xf32, #tpu.memory_space<hbm>>, %arg6: memref<3x8x80xi32, #tpu.memory_space<vmem>>, %arg7: memref<3x8x80xi32, #tpu.memory_space<vmem>>, %arg8: memref<4x80x128xf32, #tpu.memory_space<vmem>>, %arg9: memref<10000x128xf32, #tpu.memory_space<vmem_shared>>, %arg10: memref<!tpu.dma_semaphore, #tpu.memory_space<semaphore_mem>>, %arg11: memref<!tpu.dma_semaphore, #tpu.memory_space<semaphore_mem>>, %arg12: memref<!tpu.dma_semaphore, #tpu.memory_space<semaphore_mem>>) attributes {dimension_semantics = [#tpu.dimension_semantics<core_parallel>, #tpu.dimension_semantics<subcore_parallel>], iteration_bounds = array<i64: 2, 16>, scalar_prefetch = 0 : i64, scratch_operands = 7 : i64, tpu.core_type = #tpu.core_type<sc_vector_subcore>, window_params = [{transform_indices = #map}, {transform_indices = #map1}, {transform_indices = #map1}, {transform_indices = #map2}]} {
    %mul3A = arith.constant 16 : i32
    %mul3A_0 = arith.muli %arg0, %mul3A : i32
    %add3A = arith.addi %mul3A_0, %arg1 : i32
    %dma_start3A = arith.constant 0 : i32
    %dma_start3A_1 = arith.constant 0 : i32
    %dma_start3A_2 = arith.constant 0 : i32
    %dma_start3A_3 = arith.constant 0 : i32
    %dma_start3A_4 = tpu.memref_slice %arg6[%dma_start3A_1, %dma_start3A_2, %dma_start3A_3] : memref<3x8x80xi32, #tpu.memory_space<vmem>> -> memref<1x8x80xi32, #tpu.memory_space<vmem>>
    %dma_start3A_5 = tpu.memref_squeeze %dma_start3A_4 : memref<1x8x80xi32, #tpu.memory_space<vmem>> -> memref<8x80xi32, #tpu.memory_space<vmem>>
    %dma_start3A_6 = arith.constant 0 : i32
    %dma_start3A_7 = arith.constant 0 : i32
    %dma_start3A_8 = tpu.memref_slice %arg3[%add3A, %dma_start3A, %dma_start3A_6, %dma_start3A_7] : memref<32x16x8x80xi32, #tpu.memory_space<hbm>> -> memref<1x1x8x80xi32, #tpu.memory_space<hbm>>
    %dma_start3A_9 = tpu.memref_squeeze %dma_start3A_8 : memref<1x1x8x80xi32, #tpu.memory_space<hbm>> -> memref<8x80xi32, #tpu.memory_space<hbm>>
    %dma_start3A_10 = arith.constant 0 : i32
    %dma_start3A_11 = arith.constant 0 : i32
    %dma_start3A_12 = tpu.memref_slice %arg6[%dma_start3A_1, %dma_start3A_10, %dma_start3A_11] : memref<3x8x80xi32, #tpu.memory_space<vmem>> -> memref<1x8x80xi32, #tpu.memory_space<vmem>>
    %dma_start3A_13 = tpu.memref_squeeze %dma_start3A_12 : memref<1x8x80xi32, #tpu.memory_space<vmem>> -> memref<8x80xi32, #tpu.memory_space<vmem>>
    %dma_start3A_14 = arith.constant 0 : i32
    %dma_start3A_15 = arith.constant 0 : i32
    %dma_start3A_16 = tpu.memref_slice %arg3[%add3A, %dma_start3A, %dma_start3A_14, %dma_start3A_15] : memref<32x16x8x80xi32, #tpu.memory_space<hbm>> -> memref<1x1x8x80xi32, #tpu.memory_space<hbm>>
    %dma_start3A_17 = tpu.memref_squeeze %dma_start3A_16 : memref<1x1x8x80xi32, #tpu.memory_space<hbm>> -> memref<8x80xi32, #tpu.memory_space<hbm>>
    tpu.enqueue_dma source(%dma_start3A_17 : memref<8x80xi32, #tpu.memory_space<hbm>>) target(%dma_start3A_13 : memref<8x80xi32, #tpu.memory_space<vmem>>) target_semaphore(%arg12 : memref<!tpu.dma_semaphore, #tpu.memory_space<semaphore_mem>>)
    %dma_start3A_18 = arith.constant 0 : i32
    %dma_start3A_19 = arith.constant 0 : i32
    %dma_start3A_20 = arith.constant 0 : i32
    %dma_start3A_21 = arith.constant 0 : i32
    %dma_start3A_22 = tpu.memref_slice %arg7[%dma_start3A_19, %dma_start3A_20, %dma_start3A_21] : memref<3x8x80xi32, #tpu.memory_space<vmem>> -> memref<1x8x80xi32, #tpu.memory_space<vmem>>
    %dma_start3A_23 = tpu.memref_squeeze %dma_start3A_22 : memref<1x8x80xi32, #tpu.memory_space<vmem>> -> memref<8x80xi32, #tpu.memory_space<vmem>>
    %dma_start3A_24 = arith.constant 0 : i32
    %dma_start3A_25 = arith.constant 0 : i32
    %dma_start3A_26 = tpu.memref_slice %arg4[%add3A, %dma_start3A_18, %dma_start3A_24, %dma_start3A_25] : memref<32x16x8x80xi32, #tpu.memory_space<hbm>> -> memref<1x1x8x80xi32, #tpu.memory_space<hbm>>
    %dma_start3A_27 = tpu.memref_squeeze %dma_start3A_26 : memref<1x1x8x80xi32, #tpu.memory_space<hbm>> -> memref<8x80xi32, #tpu.memory_space<hbm>>
    %dma_start3A_28 = arith.constant 0 : i32
    %dma_start3A_29 = arith.constant 0 : i32
    %dma_start3A_30 = tpu.memref_slice %arg7[%dma_start3A_19, %dma_start3A_28, %dma_start3A_29] : memref<3x8x80xi32, #tpu.memory_space<vmem>> -> memref<1x8x80xi32, #tpu.memory_space<vmem>>
    %dma_start3A_31 = tpu.memref_squeeze %dma_start3A_30 : memref<1x8x80xi32, #tpu.memory_space<vmem>> -> memref<8x80xi32, #tpu.memory_space<vmem>>
    %dma_start3A_32 = arith.constant 0 : i32
    %dma_start3A_33 = arith.constant 0 : i32
    %dma_start3A_34 = tpu.memref_slice %arg4[%add3A, %dma_start3A_18, %dma_start3A_32, %dma_start3A_33] : memref<32x16x8x80xi32, #tpu.memory_space<hbm>> -> memref<1x1x8x80xi32, #tpu.memory_space<hbm>>
    %dma_start3A_35 = tpu.memref_squeeze %dma_start3A_34 : memref<1x1x8x80xi32, #tpu.memory_space<hbm>> -> memref<8x80xi32, #tpu.memory_space<hbm>>
    tpu.enqueue_dma source(%dma_start3A_35 : memref<8x80xi32, #tpu.memory_space<hbm>>) target(%dma_start3A_31 : memref<8x80xi32, #tpu.memory_space<vmem>>) target_semaphore(%arg12 : memref<!tpu.dma_semaphore, #tpu.memory_space<semaphore_mem>>)
    %broadcast_in_dim3A = arith.constant 0.000000e+00 : f32
    %broadcast_in_dim3A_36 = vector.broadcast %broadcast_in_dim3A : f32 to vector<16xf32>
    %scan3A = arith.constant 0 : i32
    %scan3A_37 = arith.constant 0 : i32
    %scan3A_38 = arith.constant 0 : i32
    %scan3A_39 = arith.constant 40 : i32
    %scan3A_40 = arith.addi %scan3A_38, %scan3A_39 : i32
    %scan3A_41 = arith.constant 1 : i32
    scf.for %scan3A_389 = %scan3A_38 to %scan3A_40 step %scan3A_41  : i32 {
      %swap3A = arith.constant 0 : i32
      %swap3A_390 = arith.constant 0 : i32
      %swap3A_391 = tpu.memref_slice %arg8[%scan3A_37, %swap3A, %swap3A_390] : memref<4x80x128xf32, #tpu.memory_space<vmem>> -> memref<1x80x128xf32, #tpu.memory_space<vmem>>
      %swap3A_392 = tpu.memref_squeeze %swap3A_391 : memref<1x80x128xf32, #tpu.memory_space<vmem>> -> memref<80x128xf32, #tpu.memory_space<vmem>>
      %swap3A_393 = arith.index_cast %scan3A_389 : i32 to index
      %swap3A_394 = arith.constant 0 : index
      %swap3A_395 = tpu.vector_load %swap3A_392[%swap3A_393, %swap3A_394] {strides = array<i32>} : memref<80x128xf32, #tpu.memory_space<vmem>>, vector<1x16xf32>,
      %swap3A_396 = vector.shape_cast %swap3A_395 : vector<1x16xf32> to vector<16xf32>
      %swap3A_397 = vector.shape_cast %broadcast_in_dim3A_36 : vector<16xf32> to vector<1x16xf32>
      tpu.vector_store %swap3A_392[%swap3A_393, %swap3A_394], %swap3A_397 {strides = array<i32>} : memref<80x128xf32, #tpu.memory_space<vmem>>, vector<1x16xf32>,
      %swap3A_398 = arith.constant 0 : i32
      %swap3A_399 = arith.constant 0 : i32
      %swap3A_400 = tpu.memref_slice %arg8[%scan3A_37, %swap3A_398, %swap3A_399] : memref<4x80x128xf32, #tpu.memory_space<vmem>> -> memref<1x80x128xf32, #tpu.memory_space<vmem>>
      %swap3A_401 = tpu.memref_squeeze %swap3A_400 : memref<1x80x128xf32, #tpu.memory_space<vmem>> -> memref<80x128xf32, #tpu.memory_space<vmem>>
      %swap3A_402 = arith.index_cast %scan3A_389 : i32 to index
      %swap3A_403 = arith.constant 16 : index
      %swap3A_404 = tpu.vector_load %swap3A_401[%swap3A_402, %swap3A_403] {strides = array<i32>} : memref<80x128xf32, #tpu.memory_space<vmem>>, vector<1x16xf32>,
      %swap3A_405 = vector.shape_cast %swap3A_404 : vector<1x16xf32> to vector<16xf32>
      %swap3A_406 = vector.shape_cast %broadcast_in_dim3A_36 : vector<16xf32> to vector<1x16xf32>
      tpu.vector_store %swap3A_401[%swap3A_402, %swap3A_403], %swap3A_406 {strides = array<i32>} : memref<80x128xf32, #tpu.memory_space<vmem>>, vector<1x16xf32>,
      %swap3A_407 = arith.constant 0 : i32
      %swap3A_408 = arith.constant 0 : i32
      %swap3A_409 = tpu.memref_slice %arg8[%scan3A_37, %swap3A_407, %swap3A_408] : memref<4x80x128xf32, #tpu.memory_space<vmem>> -> memref<1x80x128xf32, #tpu.memory_space<vmem>>
      %swap3A_410 = tpu.memref_squeeze %swap3A_409 : memref<1x80x128xf32, #tpu.memory_space<vmem>> -> memref<80x128xf32, #tpu.memory_space<vmem>>
      %swap3A_411 = arith.index_cast %scan3A_389 : i32 to index
      %swap3A_412 = arith.constant 32 : index
      %swap3A_413 = tpu.vector_load %swap3A_410[%swap3A_411, %swap3A_412] {strides = array<i32>} : memref<80x128xf32, #tpu.memory_space<vmem>>, vector<1x16xf32>,
      %swap3A_414 = vector.shape_cast %swap3A_413 : vector<1x16xf32> to vector<16xf32>
      %swap3A_415 = vector.shape_cast %broadcast_in_dim3A_36 : vector<16xf32> to vector<1x16xf32>
      tpu.vector_store %swap3A_410[%swap3A_411, %swap3A_412], %swap3A_415 {strides = array<i32>} : memref<80x128xf32, #tpu.memory_space<vmem>>, vector<1x16xf32>,
      %swap3A_416 = arith.constant 0 : i32
      %swap3A_417 = arith.constant 0 : i32
      %swap3A_418 = tpu.memref_slice %arg8[%scan3A_37, %swap3A_416, %swap3A_417] : memref<4x80x128xf32, #tpu.memory_space<vmem>> -> memref<1x80x128xf32, #tpu.memory_space<vmem>>
      %swap3A_419 = tpu.memref_squeeze %swap3A_418 : memref<1x80x128xf32, #tpu.memory_space<vmem>> -> memref<80x128xf32, #tpu.memory_space<vmem>>
      %swap3A_420 = arith.index_cast %scan3A_389 : i32 to index
      %swap3A_421 = arith.constant 48 : index
      %swap3A_422 = tpu.vector_load %swap3A_419[%swap3A_420, %swap3A_421] {strides = array<i32>} : memref<80x128xf32, #tpu.memory_space<vmem>>, vector<1x16xf32>,
      %swap3A_423 = vector.shape_cast %swap3A_422 : vector<1x16xf32> to vector<16xf32>
      %swap3A_424 = vector.shape_cast %broadcast_in_dim3A_36 : vector<16xf32> to vector<1x16xf32>
      tpu.vector_store %swap3A_419[%swap3A_420, %swap3A_421], %swap3A_424 {strides = array<i32>} : memref<80x128xf32, #tpu.memory_space<vmem>>, vector<1x16xf32>,
      %swap3A_425 = arith.constant 0 : i32
      %swap3A_426 = arith.constant 0 : i32
      %swap3A_427 = tpu.memref_slice %arg8[%scan3A_37, %swap3A_425, %swap3A_426] : memref<4x80x128xf32, #tpu.memory_space<vmem>> -> memref<1x80x128xf32, #tpu.memory_space<vmem>>
      %swap3A_428 = tpu.memref_squeeze %swap3A_427 : memref<1x80x128xf32, #tpu.memory_space<vmem>> -> memref<80x128xf32, #tpu.memory_space<vmem>>
      %swap3A_429 = arith.index_cast %scan3A_389 : i32 to index
      %swap3A_430 = arith.constant 64 : index
      %swap3A_431 = tpu.vector_load %swap3A_428[%swap3A_429, %swap3A_430] {strides = array<i32>} : memref<80x128xf32, #tpu.memory_space<vmem>>, vector<1x16xf32>,
      %swap3A_432 = vector.shape_cast %swap3A_431 : vector<1x16xf32> to vector<16xf32>
      %swap3A_433 = vector.shape_cast %broadcast_in_dim3A_36 : vector<16xf32> to vector<1x16xf32>
      tpu.vector_store %swap3A_428[%swap3A_429, %swap3A_430], %swap3A_433 {strides = array<i32>} : memref<80x128xf32, #tpu.memory_space<vmem>>, vector<1x16xf32>,
      %swap3A_434 = arith.constant 0 : i32
      %swap3A_435 = arith.constant 0 : i32
      %swap3A_436 = tpu.memref_slice %arg8[%scan3A_37, %swap3A_434, %swap3A_435] : memref<4x80x128xf32, #tpu.memory_space<vmem>> -> memref<1x80x128xf32, #tpu.memory_space<vmem>>
      %swap3A_437 = tpu.memref_squeeze %swap3A_436 : memref<1x80x128xf32, #tpu.memory_space<vmem>> -> memref<80x128xf32, #tpu.memory_space<vmem>>
      %swap3A_438 = arith.index_cast %scan3A_389 : i32 to index
      %swap3A_439 = arith.constant 80 : index
      %swap3A_440 = tpu.vector_load %swap3A_437[%swap3A_438, %swap3A_439] {strides = array<i32>} : memref<80x128xf32, #tpu.memory_space<vmem>>, vector<1x16xf32>,
      %swap3A_441 = vector.shape_cast %swap3A_440 : vector<1x16xf32> to vector<16xf32>
      %swap3A_442 = vector.shape_cast %broadcast_in_dim3A_36 : vector<16xf32> to vector<1x16xf32>
      tpu.vector_store %swap3A_437[%swap3A_438, %swap3A_439], %swap3A_442 {strides = array<i32>} : memref<80x128xf32, #tpu.memory_space<vmem>>, vector<1x16xf32>,
      %swap3A_443 = arith.constant 0 : i32
      %swap3A_444 = arith.constant 0 : i32
      %swap3A_445 = tpu.memref_slice %arg8[%scan3A_37, %swap3A_443, %swap3A_444] : memref<4x80x128xf32, #tpu.memory_space<vmem>> -> memref<1x80x128xf32, #tpu.memory_space<vmem>>
      %swap3A_446 = tpu.memref_squeeze %swap3A_445 : memref<1x80x128xf32, #tpu.memory_space<vmem>> -> memref<80x128xf32, #tpu.memory_space<vmem>>
      %swap3A_447 = arith.index_cast %scan3A_389 : i32 to index
      %swap3A_448 = arith.constant 96 : index
      %swap3A_449 = tpu.vector_load %swap3A_446[%swap3A_447, %swap3A_448] {strides = array<i32>} : memref<80x128xf32, #tpu.memory_space<vmem>>, vector<1x16xf32>,
      %swap3A_450 = vector.shape_cast %swap3A_449 : vector<1x16xf32> to vector<16xf32>
      %swap3A_451 = vector.shape_cast %broadcast_in_dim3A_36 : vector<16xf32> to vector<1x16xf32>
      tpu.vector_store %swap3A_446[%swap3A_447, %swap3A_448], %swap3A_451 {strides = array<i32>} : memref<80x128xf32, #tpu.memory_space<vmem>>, vector<1x16xf32>,
      %swap3A_452 = arith.constant 0 : i32
      %swap3A_453 = arith.constant 0 : i32
      %swap3A_454 = tpu.memref_slice %arg8[%scan3A_37, %swap3A_452, %swap3A_453] : memref<4x80x128xf32, #tpu.memory_space<vmem>> -> memref<1x80x128xf32, #tpu.memory_space<vmem>>
      %swap3A_455 = tpu.memref_squeeze %swap3A_454 : memref<1x80x128xf32, #tpu.memory_space<vmem>> -> memref<80x128xf32, #tpu.memory_space<vmem>>
      %swap3A_456 = arith.index_cast %scan3A_389 : i32 to index
      %swap3A_457 = arith.constant 112 : index
      %swap3A_458 = tpu.vector_load %swap3A_455[%swap3A_456, %swap3A_457] {strides = array<i32>} : memref<80x128xf32, #tpu.memory_space<vmem>>, vector<1x16xf32>,
      %swap3A_459 = vector.shape_cast %swap3A_458 : vector<1x16xf32> to vector<16xf32>
      %swap3A_460 = vector.shape_cast %broadcast_in_dim3A_36 : vector<16xf32> to vector<1x16xf32>
      tpu.vector_store %swap3A_455[%swap3A_456, %swap3A_457], %swap3A_460 {strides = array<i32>} : memref<80x128xf32, #tpu.memory_space<vmem>>, vector<1x16xf32>,
    }
    %scan3A_42 = arith.constant 40 : i32
    %scan3A_43 = arith.constant 0 : i32
    %scan3A_44 = arith.constant 0 : i32
    %scan3A_45 = arith.constant 16 : i32
    %scan3A_46 = arith.addi %scan3A_44, %scan3A_45 : i32
    %scan3A_47 = arith.constant 1 : i32
    scf.for %scan3A_389 = %scan3A_44 to %scan3A_46 step %scan3A_47  : i32 {
      %mul3A_390 = arith.constant 16 : i32
      %mul3A_391 = arith.muli %scan3A_389, %mul3A_390 : i32
      %add3A_392 = arith.addi %arg1, %mul3A_391 : i32
      %lt3A = arith.constant 250 : i32
      %lt3A_393 = arith.cmpi slt, %add3A_392, %lt3A : i32
      %convert_element_type3A = arith.extui %lt3A_393 : i1 to i32
      %cond3A = arith.constant 0 : i32
      %cond3A_394 = arith.cmpi ne, %convert_element_type3A, %cond3A : i32
      scf.if %cond3A_394 {
        %mul3A_395 = arith.constant 40 : i32
        %mul3A_396 = arith.muli %add3A_392, %mul3A_395 : i32
        %multiple_of3A = tpu.assume_multiple %mul3A_396, 8 : i32
        %run_scoped3A = arith.constant 0 : i32
        "tpu.region"() ({
          %run_scoped3A_397 = tpu.sem_alloc : memref<!tpu.dma_semaphore, #tpu.memory_space<semaphore_mem>>
          %dma_start3A_398 = arith.constant 0 : i32
          %dma_start3A_399 = arith.constant 0 : i32
          %dma_start3A_400 = tpu.memref_slice %arg8[%run_scoped3A, %dma_start3A_398, %dma_start3A_399] : memref<4x80x128xf32, #tpu.memory_space<vmem>> -> memref<1x40x128xf32, #tpu.memory_space<vmem>>
          %dma_start3A_401 = tpu.memref_squeeze %dma_start3A_400 : memref<1x40x128xf32, #tpu.memory_space<vmem>> -> memref<40x128xf32, #tpu.memory_space<vmem>>
          %dma_start3A_402 = arith.constant 0 : i32
          %dma_start3A_403 = tpu.memref_slice %arg9[%multiple_of3A, %dma_start3A_402] : memref<10000x128xf32, #tpu.memory_space<vmem_shared>> -> memref<40x128xf32, #tpu.memory_space<vmem_shared>>
          %dma_start3A_404 = arith.constant 0 : i32
          %dma_start3A_405 = tpu.memref_slice %arg9[%multiple_of3A, %dma_start3A_404] : memref<10000x128xf32, #tpu.memory_space<vmem_shared>> -> memref<40x128xf32, #tpu.memory_space<vmem_shared>>
          %dma_start3A_406 = arith.constant 0 : i32
          %dma_start3A_407 = arith.constant 0 : i32
          %dma_start3A_408 = tpu.memref_slice %arg8[%run_scoped3A, %dma_start3A_406, %dma_start3A_407] : memref<4x80x128xf32, #tpu.memory_space<vmem>> -> memref<1x40x128xf32, #tpu.memory_space<vmem>>
          %dma_start3A_409 = tpu.memref_squeeze %dma_start3A_408 : memref<1x40x128xf32, #tpu.memory_space<vmem>> -> memref<40x128xf32, #tpu.memory_space<vmem>>
          tpu.enqueue_dma source(%dma_start3A_409 : memref<40x128xf32, #tpu.memory_space<vmem>>) target(%dma_start3A_405 : memref<40x128xf32, #tpu.memory_space<vmem_shared>>) target_semaphore(%run_scoped3A_397 : memref<!tpu.dma_semaphore, #tpu.memory_space<semaphore_mem>>)
          %dma_wait3A_410 = arith.constant 0 : i32
          %dma_wait3A_411 = arith.constant 0 : i32
          %dma_wait3A_412 = tpu.memref_slice %arg8[%run_scoped3A, %dma_wait3A_410, %dma_wait3A_411] : memref<4x80x128xf32, #tpu.memory_space<vmem>> -> memref<1x40x128xf32, #tpu.memory_space<vmem>>
          %dma_wait3A_413 = tpu.memref_squeeze %dma_wait3A_412 : memref<1x40x128xf32, #tpu.memory_space<vmem>> -> memref<40x128xf32, #tpu.memory_space<vmem>>
          %dma_wait3A_414 = arith.constant 0 : i32
          %dma_wait3A_415 = tpu.memref_slice %arg9[%multiple_of3A, %dma_wait3A_414] : memref<10000x128xf32, #tpu.memory_space<vmem_shared>> -> memref<40x128xf32, #tpu.memory_space<vmem_shared>>
          %dma_wait3A_416 = arith.constant 0 : i32
          %dma_wait3A_417 = tpu.memref_slice %arg9[%multiple_of3A, %dma_wait3A_416] : memref<10000x128xf32, #tpu.memory_space<vmem_shared>> -> memref<40x128xf32, #tpu.memory_space<vmem_shared>>
          %dma_wait3A_418 = arith.constant 0 : i32
          %dma_wait3A_419 = arith.constant 0 : i32
          %dma_wait3A_420 = tpu.memref_slice %arg8[%run_scoped3A, %dma_wait3A_418, %dma_wait3A_419] : memref<4x80x128xf32, #tpu.memory_space<vmem>> -> memref<1x40x128xf32, #tpu.memory_space<vmem>>
          %dma_wait3A_421 = tpu.memref_squeeze %dma_wait3A_420 : memref<1x40x128xf32, #tpu.memory_space<vmem>> -> memref<40x128xf32, #tpu.memory_space<vmem>>
          tpu.wait_dma2 semaphore(%run_scoped3A_397 : memref<!tpu.dma_semaphore, #tpu.memory_space<semaphore_mem>>) src(%dma_wait3A_421 : memref<40x128xf32, #tpu.memory_space<vmem>>) dst(%dma_wait3A_417 : memref<40x128xf32, #tpu.memory_space<vmem_shared>>)
          tpu.yield
        }) : () -> ()
      } else {
      }
    }
    %scan3A_48 = arith.constant 16 : i32
    %barrier3A = arith.constant 0 : index
    tpu.barrier barrier_id(%barrier3A)
    %scan3A_49 = arith.constant 0 : i32
    %scan3A_50 = arith.constant 0 : i32
    %scan3A_51 = arith.constant 15 : i32
    %scan3A_52 = arith.addi %scan3A_50, %scan3A_51 : i32
    %scan3A_53 = arith.constant 1 : i32
    scf.for %scan3A_389 = %scan3A_50 to %scan3A_52 step %scan3A_53  : i32 {
      %rem3A = arith.constant 3 : i32
      %rem3A_390 = arith.remsi %scan3A_389, %rem3A : i32
      %add3A_391 = arith.constant 1 : i32
      %add3A_392 = arith.addi %scan3A_389, %add3A_391 : i32
      %rem3A_393 = arith.constant 3 : i32
      %rem3A_394 = arith.remsi %add3A_392, %rem3A_393 : i32
      %dma_wait3A_395 = arith.constant 0 : i32
      %dma_wait3A_396 = arith.constant 0 : i32
      %dma_wait3A_397 = arith.constant 0 : i32
      %dma_wait3A_398 = arith.constant 0 : i32
      %dma_wait3A_399 = tpu.memref_slice %arg6[%rem3A_390, %dma_wait3A_397, %dma_wait3A_398] : memref<3x8x80xi32, #tpu.memory_space<vmem>> -> memref<1x8x80xi32, #tpu.memory_space<vmem>>
      %dma_wait3A_400 = tpu.memref_squeeze %dma_wait3A_399 : memref<1x8x80xi32, #tpu.memory_space<vmem>> -> memref<8x80xi32, #tpu.memory_space<vmem>>
      %dma_wait3A_401 = arith.constant 0 : i32
      %dma_wait3A_402 = arith.constant 0 : i32
      %dma_wait3A_403 = tpu.memref_slice %arg3[%dma_wait3A_395, %dma_wait3A_396, %dma_wait3A_401, %dma_wait3A_402] : memref<32x16x8x80xi32, #tpu.memory_space<hbm>> -> memref<1x1x8x80xi32, #tpu.memory_space<hbm>>
      %dma_wait3A_404 = tpu.memref_squeeze %dma_wait3A_403 : memref<1x1x8x80xi32, #tpu.memory_space<hbm>> -> memref<8x80xi32, #tpu.memory_space<hbm>>
      %dma_wait3A_405 = arith.constant 0 : i32
      %dma_wait3A_406 = arith.constant 0 : i32
      %dma_wait3A_407 = tpu.memref_slice %arg6[%rem3A_390, %dma_wait3A_405, %dma_wait3A_406] : memref<3x8x80xi32, #tpu.memory_space<vmem>> -> memref<1x8x80xi32, #tpu.memory_space<vmem>>
      %dma_wait3A_408 = tpu.memref_squeeze %dma_wait3A_407 : memref<1x8x80xi32, #tpu.memory_space<vmem>> -> memref<8x80xi32, #tpu.memory_space<vmem>>
      %dma_wait3A_409 = arith.constant 0 : i32
      %dma_wait3A_410 = arith.constant 0 : i32
      %dma_wait3A_411 = tpu.memref_slice %arg3[%dma_wait3A_395, %dma_wait3A_396, %dma_wait3A_409, %dma_wait3A_410] : memref<32x16x8x80xi32, #tpu.memory_space<hbm>> -> memref<1x1x8x80xi32, #tpu.memory_space<hbm>>
      %dma_wait3A_412 = tpu.memref_squeeze %dma_wait3A_411 : memref<1x1x8x80xi32, #tpu.memory_space<hbm>> -> memref<8x80xi32, #tpu.memory_space<hbm>>
      tpu.wait_dma2 semaphore(%arg12 : memref<!tpu.dma_semaphore, #tpu.memory_space<semaphore_mem>>) src(%dma_wait3A_412 : memref<8x80xi32, #tpu.memory_space<hbm>>) dst(%dma_wait3A_408 : memref<8x80xi32, #tpu.memory_space<vmem>>)
      %dma_wait3A_413 = arith.constant 0 : i32
      %dma_wait3A_414 = arith.constant 0 : i32
      %dma_wait3A_415 = arith.constant 0 : i32
      %dma_wait3A_416 = arith.constant 0 : i32
      %dma_wait3A_417 = tpu.memref_slice %arg7[%rem3A_390, %dma_wait3A_415, %dma_wait3A_416] : memref<3x8x80xi32, #tpu.memory_space<vmem>> -> memref<1x8x80xi32, #tpu.memory_space<vmem>>
      %dma_wait3A_418 = tpu.memref_squeeze %dma_wait3A_417 : memref<1x8x80xi32, #tpu.memory_space<vmem>> -> memref<8x80xi32, #tpu.memory_space<vmem>>
      %dma_wait3A_419 = arith.constant 0 : i32
      %dma_wait3A_420 = arith.constant 0 : i32
      %dma_wait3A_421 = tpu.memref_slice %arg4[%dma_wait3A_413, %dma_wait3A_414, %dma_wait3A_419, %dma_wait3A_420] : memref<32x16x8x80xi32, #tpu.memory_space<hbm>> -> memref<1x1x8x80xi32, #tpu.memory_space<hbm>>
      %dma_wait3A_422 = tpu.memref_squeeze %dma_wait3A_421 : memref<1x1x8x80xi32, #tpu.memory_space<hbm>> -> memref<8x80xi32, #tpu.memory_space<hbm>>
      %dma_wait3A_423 = arith.constant 0 : i32
      %dma_wait3A_424 = arith.constant 0 : i32
      %dma_wait3A_425 = tpu.memref_slice %arg7[%rem3A_390, %dma_wait3A_423, %dma_wait3A_424] : memref<3x8x80xi32, #tpu.memory_space<vmem>> -> memref<1x8x80xi32, #tpu.memory_space<vmem>>
      %dma_wait3A_426 = tpu.memref_squeeze %dma_wait3A_425 : memref<1x8x80xi32, #tpu.memory_space<vmem>> -> memref<8x80xi32, #tpu.memory_space<vmem>>
      %dma_wait3A_427 = arith.constant 0 : i32
      %dma_wait3A_428 = arith.constant 0 : i32
      %dma_wait3A_429 = tpu.memref_slice %arg4[%dma_wait3A_413, %dma_wait3A_414, %dma_wait3A_427, %dma_wait3A_428] : memref<32x16x8x80xi32, #tpu.memory_space<hbm>> -> memref<1x1x8x80xi32, #tpu.memory_space<hbm>>
      %dma_wait3A_430 = tpu.memref_squeeze %dma_wait3A_429 : memref<1x1x8x80xi32, #tpu.memory_space<hbm>> -> memref<8x80xi32, #tpu.memory_space<hbm>>
      tpu.wait_dma2 semaphore(%arg12 : memref<!tpu.dma_semaphore, #tpu.memory_space<semaphore_mem>>) src(%dma_wait3A_430 : memref<8x80xi32, #tpu.memory_space<hbm>>) dst(%dma_wait3A_426 : memref<8x80xi32, #tpu.memory_space<vmem>>)
      %add3A_431 = arith.constant 1 : i32
      %add3A_432 = arith.addi %scan3A_389, %add3A_431 : i32
      %dma_start3A_433 = arith.constant 0 : i32
      %dma_start3A_434 = arith.constant 0 : i32
      %dma_start3A_435 = tpu.memref_slice %arg6[%rem3A_394, %dma_start3A_433, %dma_start3A_434] : memref<3x8x80xi32, #tpu.memory_space<vmem>> -> memref<1x8x80xi32, #tpu.memory_space<vmem>>
      %dma_start3A_436 = tpu.memref_squeeze %dma_start3A_435 : memref<1x8x80xi32, #tpu.memory_space<vmem>> -> memref<8x80xi32, #tpu.memory_space<vmem>>
      %dma_start3A_437 = arith.constant 0 : i32
      %dma_start3A_438 = arith.constant 0 : i32
      %dma_start3A_439 = tpu.memref_slice %arg3[%add3A, %add3A_432, %dma_start3A_437, %dma_start3A_438] : memref<32x16x8x80xi32, #tpu.memory_space<hbm>> -> memref<1x1x8x80xi32, #tpu.memory_space<hbm>>
      %dma_start3A_440 = tpu.memref_squeeze %dma_start3A_439 : memref<1x1x8x80xi32, #tpu.memory_space<hbm>> -> memref<8x80xi32, #tpu.memory_space<hbm>>
      %dma_start3A_441 = arith.constant 0 : i32
      %dma_start3A_442 = arith.constant 0 : i32
      %dma_start3A_443 = tpu.memref_slice %arg6[%rem3A_394, %dma_start3A_441, %dma_start3A_442] : memref<3x8x80xi32, #tpu.memory_space<vmem>> -> memref<1x8x80xi32, #tpu.memory_space<vmem>>
      %dma_start3A_444 = tpu.memref_squeeze %dma_start3A_443 : memref<1x8x80xi32, #tpu.memory_space<vmem>> -> memref<8x80xi32, #tpu.memory_space<vmem>>
      %dma_start3A_445 = arith.constant 0 : i32
      %dma_start3A_446 = arith.constant 0 : i32
      %dma_start3A_447 = tpu.memref_slice %arg3[%add3A, %add3A_432, %dma_start3A_445, %dma_start3A_446] : memref<32x16x8x80xi32, #tpu.memory_space<hbm>> -> memref<1x1x8x80xi32, #tpu.memory_space<hbm>>
      %dma_start3A_448 = tpu.memref_squeeze %dma_start3A_447 : memref<1x1x8x80xi32, #tpu.memory_space<hbm>> -> memref<8x80xi32, #tpu.memory_space<hbm>>
      tpu.enqueue_dma source(%dma_start3A_448 : memref<8x80xi32, #tpu.memory_space<hbm>>) target(%dma_start3A_444 : memref<8x80xi32, #tpu.memory_space<vmem>>) target_semaphore(%arg12 : memref<!tpu.dma_semaphore, #tpu.memory_space<semaphore_mem>>)
      %add3A_449 = arith.constant 1 : i32
      %add3A_450 = arith.addi %scan3A_389, %add3A_449 : i32
      %dma_start3A_451 = arith.constant 0 : i32
      %dma_start3A_452 = arith.constant 0 : i32
      %dma_start3A_453 = tpu.memref_slice %arg7[%rem3A_394, %dma_start3A_451, %dma_start3A_452] : memref<3x8x80xi32, #tpu.memory_space<vmem>> -> memref<1x8x80xi32, #tpu.memory_space<vmem>>
      %dma_start3A_454 = tpu.memref_squeeze %dma_start3A_453 : memref<1x8x80xi32, #tpu.memory_space<vmem>> -> memref<8x80xi32, #tpu.memory_space<vmem>>
      %dma_start3A_455 = arith.constant 0 : i32
      %dma_start3A_456 = arith.constant 0 : i32
      %dma_start3A_457 = tpu.memref_slice %arg4[%add3A, %add3A_450, %dma_start3A_455, %dma_start3A_456] : memref<32x16x8x80xi32, #tpu.memory_space<hbm>> -> memref<1x1x8x80xi32, #tpu.memory_space<hbm>>
      %dma_start3A_458 = tpu.memref_squeeze %dma_start3A_457 : memref<1x1x8x80xi32, #tpu.memory_space<hbm>> -> memref<8x80xi32, #tpu.memory_space<hbm>>
      %dma_start3A_459 = arith.constant 0 : i32
      %dma_start3A_460 = arith.constant 0 : i32
      %dma_start3A_461 = tpu.memref_slice %arg7[%rem3A_394, %dma_start3A_459, %dma_start3A_460] : memref<3x8x80xi32, #tpu.memory_space<vmem>> -> memref<1x8x80xi32, #tpu.memory_space<vmem>>
      %dma_start3A_462 = tpu.memref_squeeze %dma_start3A_461 : memref<1x8x80xi32, #tpu.memory_space<vmem>> -> memref<8x80xi32, #tpu.memory_space<vmem>>
      %dma_start3A_463 = arith.constant 0 : i32
      %dma_start3A_464 = arith.constant 0 : i32
      %dma_start3A_465 = tpu.memref_slice %arg4[%add3A, %add3A_450, %dma_start3A_463, %dma_start3A_464] : memref<32x16x8x80xi32, #tpu.memory_space<hbm>> -> memref<1x1x8x80xi32, #tpu.memory_space<hbm>>
      %dma_start3A_466 = tpu.memref_squeeze %dma_start3A_465 : memref<1x1x8x80xi32, #tpu.memory_space<hbm>> -> memref<8x80xi32, #tpu.memory_space<hbm>>
      tpu.enqueue_dma source(%dma_start3A_466 : memref<8x80xi32, #tpu.memory_space<hbm>>) target(%dma_start3A_462 : memref<8x80xi32, #tpu.memory_space<vmem>>) target_semaphore(%arg12 : memref<!tpu.dma_semaphore, #tpu.memory_space<semaphore_mem>>)
      %dma_start3A_467 = arith.constant 0 : i32
      %dma_start3A_468 = arith.constant 0 : i32
      %dma_start3A_469 = arith.constant 0 : i32
      %dma_start3A_470 = arith.constant 0 : i32
      %dma_start3A_471 = tpu.memref_slice %arg8[%dma_start3A_468, %dma_start3A_469, %dma_start3A_470] : memref<4x80x128xf32, #tpu.memory_space<vmem>> -> memref<1x80x128xf32, #tpu.memory_space<vmem>>
      %dma_start3A_472 = tpu.memref_squeeze %dma_start3A_471 : memref<1x80x128xf32, #tpu.memory_space<vmem>> -> memref<80x128xf32, #tpu.memory_space<vmem>>
      %dma_start3A_473 = arith.constant 0 : i32
      %dma_start3A_474 = tpu.memref_slice %arg6[%rem3A_390, %dma_start3A_467, %dma_start3A_473] : memref<3x8x80xi32, #tpu.memory_space<vmem>> -> memref<1x1x80xi32, #tpu.memory_space<vmem>>
      %dma_start3A_475 = tpu.memref_squeeze %dma_start3A_474 : memref<1x1x80xi32, #tpu.memory_space<vmem>> -> memref<80xi32, #tpu.memory_space<vmem>>
      %dma_start3A_476 = arith.constant 0 : i32
      %dma_start3A_477 = arith.constant 0 : i32
      %dma_start3A_478 = tpu.memref_slice %arg2[%dma_start3A_476, %dma_start3A_477] : memref<10000x128xf32, #tpu.memory_space<hbm>> -> memref<10000x128xf32, #tpu.memory_space<hbm>>
      tpu.enqueue_indirect_dma source(%dma_start3A_478 : memref<10000x128xf32, #tpu.memory_space<hbm>>) target(%dma_start3A_472 : memref<80x128xf32, #tpu.memory_space<vmem>>) offsets(%dma_start3A_475 : memref<80xi32, #tpu.memory_space<vmem>>) semaphore(%arg10 : memref<!tpu.dma_semaphore, #tpu.memory_space<semaphore_mem>>)
      %dma_start3A_479 = arith.constant 1 : i32
      %dma_start3A_480 = arith.constant 1 : i32
      %dma_start3A_481 = arith.constant 0 : i32
      %dma_start3A_482 = arith.constant 0 : i32
      %dma_start3A_483 = tpu.memref_slice %arg8[%dma_start3A_480, %dma_start3A_481, %dma_start3A_482] : memref<4x80x128xf32, #tpu.memory_space<vmem>> -> memref<1x80x128xf32, #tpu.memory_space<vmem>>
      %dma_start3A_484 = tpu.memref_squeeze %dma_start3A_483 : memref<1x80x128xf32, #tpu.memory_space<vmem>> -> memref<80x128xf32, #tpu.memory_space<vmem>>
      %dma_start3A_485 = arith.constant 0 : i32
      %dma_start3A_486 = tpu.memref_slice %arg6[%rem3A_390, %dma_start3A_479, %dma_start3A_485] : memref<3x8x80xi32, #tpu.memory_space<vmem>> -> memref<1x1x80xi32, #tpu.memory_space<vmem>>
      %dma_start3A_487 = tpu.memref_squeeze %dma_start3A_486 : memref<1x1x80xi32, #tpu.memory_space<vmem>> -> memref<80xi32, #tpu.memory_space<vmem>>
      %dma_start3A_488 = arith.constant 0 : i32
      %dma_start3A_489 = arith.constant 0 : i32
      %dma_start3A_490 = tpu.memref_slice %arg2[%dma_start3A_488, %dma_start3A_489] : memref<10000x128xf32, #tpu.memory_space<hbm>> -> memref<10000x128xf32, #tpu.memory_space<hbm>>
      tpu.enqueue_indirect_dma source(%dma_start3A_490 : memref<10000x128xf32, #tpu.memory_space<hbm>>) target(%dma_start3A_484 : memref<80x128xf32, #tpu.memory_space<vmem>>) offsets(%dma_start3A_487 : memref<80xi32, #tpu.memory_space<vmem>>) semaphore(%arg10 : memref<!tpu.dma_semaphore, #tpu.memory_space<semaphore_mem>>)
      %dma_wait3A_491 = arith.constant 0 : i32
      %dma_wait3A_492 = arith.constant 0 : i32
      %dma_wait3A_493 = arith.constant 0 : i32
      %dma_wait3A_494 = arith.constant 0 : i32
      %dma_wait3A_495 = tpu.memref_slice %arg8[%dma_wait3A_492, %dma_wait3A_493, %dma_wait3A_494] : memref<4x80x128xf32, #tpu.memory_space<vmem>> -> memref<1x80x128xf32, #tpu.memory_space<vmem>>
      %dma_wait3A_496 = tpu.memref_squeeze %dma_wait3A_495 : memref<1x80x128xf32, #tpu.memory_space<vmem>> -> memref<80x128xf32, #tpu.memory_space<vmem>>
      %dma_wait3A_497 = arith.constant 0 : i32
      %dma_wait3A_498 = tpu.memref_slice %arg6[%rem3A_390, %dma_wait3A_491, %dma_wait3A_497] : memref<3x8x80xi32, #tpu.memory_space<vmem>> -> memref<1x1x80xi32, #tpu.memory_space<vmem>>
      %dma_wait3A_499 = tpu.memref_squeeze %dma_wait3A_498 : memref<1x1x80xi32, #tpu.memory_space<vmem>> -> memref<80xi32, #tpu.memory_space<vmem>>
      %dma_wait3A_500 = arith.constant 0 : i32
      %dma_wait3A_501 = arith.constant 0 : i32
      %dma_wait3A_502 = tpu.memref_slice %arg2[%dma_wait3A_500, %dma_wait3A_501] : memref<10000x128xf32, #tpu.memory_space<hbm>> -> memref<10000x128xf32, #tpu.memory_space<hbm>>
      tpu.wait_indirect_dma semaphore(%arg10 : memref<!tpu.dma_semaphore, #tpu.memory_space<semaphore_mem>>) src(%dma_wait3A_502 : memref<10000x128xf32, #tpu.memory_space<hbm>>) dst(%dma_wait3A_496 : memref<80x128xf32, #tpu.memory_space<vmem>>)
      %dma_wait3A_503 = arith.constant 1 : i32
      %dma_wait3A_504 = arith.constant 1 : i32
      %dma_wait3A_505 = arith.constant 0 : i32
      %dma_wait3A_506 = arith.constant 0 : i32
      %dma_wait3A_507 = tpu.memref_slice %arg8[%dma_wait3A_504, %dma_wait3A_505, %dma_wait3A_506] : memref<4x80x128xf32, #tpu.memory_space<vmem>> -> memref<1x80x128xf32, #tpu.memory_space<vmem>>
      %dma_wait3A_508 = tpu.memref_squeeze %dma_wait3A_507 : memref<1x80x128xf32, #tpu.memory_space<vmem>> -> memref<80x128xf32, #tpu.memory_space<vmem>>
      %dma_wait3A_509 = arith.constant 0 : i32
      %dma_wait3A_510 = tpu.memref_slice %arg6[%rem3A_390, %dma_wait3A_503, %dma_wait3A_509] : memref<3x8x80xi32, #tpu.memory_space<vmem>> -> memref<1x1x80xi32, #tpu.memory_space<vmem>>
      %dma_wait3A_511 = tpu.memref_squeeze %dma_wait3A_510 : memref<1x1x80xi32, #tpu.memory_space<vmem>> -> memref<80xi32, #tpu.memory_space<vmem>>
      %dma_wait3A_512 = arith.constant 0 : i32
      %dma_wait3A_513 = arith.constant 0 : i32
      %dma_wait3A_514 = tpu.memref_slice %arg2[%dma_wait3A_512, %dma_wait3A_513] : memref<10000x128xf32, #tpu.memory_space<hbm>> -> memref<10000x128xf32, #tpu.memory_space<hbm>>
      tpu.wait_indirect_dma semaphore(%arg10 : memref<!tpu.dma_semaphore, #tpu.memory_space<semaphore_mem>>) src(%dma_wait3A_514 : memref<10000x128xf32, #tpu.memory_space<hbm>>) dst(%dma_wait3A_508 : memref<80x128xf32, #tpu.memory_space<vmem>>)
      %dma_start3A_515 = arith.constant 0 : i32
      %dma_start3A_516 = arith.constant 0 : i32
      %dma_start3A_517 = arith.constant 0 : i32
      %dma_start3A_518 = arith.constant 0 : i32
      %dma_start3A_519 = tpu.memref_slice %arg8[%dma_start3A_515, %dma_start3A_517, %dma_start3A_518] : memref<4x80x128xf32, #tpu.memory_space<vmem>> -> memref<1x80x128xf32, #tpu.memory_space<vmem>>
      %dma_start3A_520 = tpu.memref_squeeze %dma_start3A_519 : memref<1x80x128xf32, #tpu.memory_space<vmem>> -> memref<80x128xf32, #tpu.memory_space<vmem>>
      %dma_start3A_521 = arith.constant 0 : i32
      %dma_start3A_522 = tpu.memref_slice %arg7[%rem3A_390, %dma_start3A_516, %dma_start3A_521] : memref<3x8x80xi32, #tpu.memory_space<vmem>> -> memref<1x1x80xi32, #tpu.memory_space<vmem>>
      %dma_start3A_523 = tpu.memref_squeeze %dma_start3A_522 : memref<1x1x80xi32, #tpu.memory_space<vmem>> -> memref<80xi32, #tpu.memory_space<vmem>>
      %dma_start3A_524 = arith.constant 0 : i32
      %dma_start3A_525 = arith.constant 0 : i32
      %dma_start3A_526 = tpu.memref_slice %arg9[%dma_start3A_524, %dma_start3A_525] : memref<10000x128xf32, #tpu.memory_space<vmem_shared>> -> memref<10000x128xf32, #tpu.memory_space<vmem_shared>>
      tpu.enqueue_indirect_dma source(%dma_start3A_520 : memref<80x128xf32, #tpu.memory_space<vmem>>) target(%dma_start3A_526 : memref<10000x128xf32, #tpu.memory_space<vmem_shared>>) offsets(%dma_start3A_523 : memref<80xi32, #tpu.memory_space<vmem>>) semaphore(%arg11 : memref<!tpu.dma_semaphore, #tpu.memory_space<semaphore_mem>>) {add = true}
      %dma_start3A_527 = arith.constant 1 : i32
      %dma_start3A_528 = arith.constant 1 : i32
      %dma_start3A_529 = arith.constant 0 : i32
      %dma_start3A_530 = arith.constant 0 : i32
      %dma_start3A_531 = tpu.memref_slice %arg8[%dma_start3A_527, %dma_start3A_529, %dma_start3A_530] : memref<4x80x128xf32, #tpu.memory_space<vmem>> -> memref<1x80x128xf32, #tpu.memory_space<vmem>>
      %dma_start3A_532 = tpu.memref_squeeze %dma_start3A_531 : memref<1x80x128xf32, #tpu.memory_space<vmem>> -> memref<80x128xf32, #tpu.memory_space<vmem>>
      %dma_start3A_533 = arith.constant 0 : i32
      %dma_start3A_534 = tpu.memref_slice %arg7[%rem3A_390, %dma_start3A_528, %dma_start3A_533] : memref<3x8x80xi32, #tpu.memory_space<vmem>> -> memref<1x1x80xi32, #tpu.memory_space<vmem>>
      %dma_start3A_535 = tpu.memref_squeeze %dma_start3A_534 : memref<1x1x80xi32, #tpu.memory_space<vmem>> -> memref<80xi32, #tpu.memory_space<vmem>>
      %dma_start3A_536 = arith.constant 0 : i32
      %dma_start3A_537 = arith.constant 0 : i32
      %dma_start3A_538 = tpu.memref_slice %arg9[%dma_start3A_536, %dma_start3A_537] : memref<10000x128xf32, #tpu.memory_space<vmem_shared>> -> memref<10000x128xf32, #tpu.memory_space<vmem_shared>>
      tpu.enqueue_indirect_dma source(%dma_start3A_532 : memref<80x128xf32, #tpu.memory_space<vmem>>) target(%dma_start3A_538 : memref<10000x128xf32, #tpu.memory_space<vmem_shared>>) offsets(%dma_start3A_535 : memref<80xi32, #tpu.memory_space<vmem>>) semaphore(%arg11 : memref<!tpu.dma_semaphore, #tpu.memory_space<semaphore_mem>>) {add = true}
      %gt3A = arith.constant 0 : i32
      %gt3A_539 = arith.cmpi sgt, %scan3A_389, %gt3A : i32
      %convert_element_type3A = arith.extui %gt3A_539 : i1 to i32
      %cond3A = arith.constant 0 : i32
      %cond3A_540 = arith.cmpi ne, %convert_element_type3A, %cond3A : i32
      scf.if %cond3A_540 {
        %dma_wait3A_829 = arith.constant 2 : i32
        %dma_wait3A_830 = arith.constant 0 : i32
        %dma_wait3A_831 = arith.constant 0 : i32
        %dma_wait3A_832 = tpu.memref_slice %arg8[%dma_wait3A_829, %dma_wait3A_830, %dma_wait3A_831] : memref<4x80x128xf32, #tpu.memory_space<vmem>> -> memref<1x80x128xf32, #tpu.memory_space<vmem>>
        %dma_wait3A_833 = tpu.memref_squeeze %dma_wait3A_832 : memref<1x80x128xf32, #tpu.memory_space<vmem>> -> memref<80x128xf32, #tpu.memory_space<vmem>>
        %dma_wait3A_834 = arith.constant 0 : i32
        %dma_wait3A_835 = arith.constant 0 : i32
        %dma_wait3A_836 = tpu.memref_slice %arg9[%dma_wait3A_834, %dma_wait3A_835] : memref<10000x128xf32, #tpu.memory_space<vmem_shared>> -> memref<80x128xf32, #tpu.memory_space<vmem_shared>>
        %dma_wait3A_837 = arith.constant 0 : i32
        %dma_wait3A_838 = arith.constant 0 : i32
        %dma_wait3A_839 = tpu.memref_slice %arg9[%dma_wait3A_837, %dma_wait3A_838] : memref<10000x128xf32, #tpu.memory_space<vmem_shared>> -> memref<80x128xf32, #tpu.memory_space<vmem_shared>>
        %dma_wait3A_840 = arith.constant 0 : i32
        %dma_wait3A_841 = arith.constant 0 : i32
        %dma_wait3A_842 = tpu.memref_slice %arg8[%dma_wait3A_829, %dma_wait3A_840, %dma_wait3A_841] : memref<4x80x128xf32, #tpu.memory_space<vmem>> -> memref<1x80x128xf32, #tpu.memory_space<vmem>>
        %dma_wait3A_843 = tpu.memref_squeeze %dma_wait3A_842 : memref<1x80x128xf32, #tpu.memory_space<vmem>> -> memref<80x128xf32, #tpu.memory_space<vmem>>
        tpu.wait_dma2 semaphore(%arg11 : memref<!tpu.dma_semaphore, #tpu.memory_space<semaphore_mem>>) src(%dma_wait3A_843 : memref<80x128xf32, #tpu.memory_space<vmem>>) dst(%dma_wait3A_839 : memref<80x128xf32, #tpu.memory_space<vmem_shared>>)
        %dma_wait3A_844 = arith.constant 2 : i32
        %dma_wait3A_845 = arith.constant 0 : i32
        %dma_wait3A_846 = arith.constant 0 : i32
        %dma_wait3A_847 = tpu.memref_slice %arg8[%dma_wait3A_844, %dma_wait3A_845, %dma_wait3A_846] : memref<4x80x128xf32, #tpu.memory_space<vmem>> -> memref<1x80x128xf32, #tpu.memory_space<vmem>>
        %dma_wait3A_848 = tpu.memref_squeeze %dma_wait3A_847 : memref<1x80x128xf32, #tpu.memory_space<vmem>> -> memref<80x128xf32, #tpu.memory_space<vmem>>
        %dma_wait3A_849 = arith.constant 0 : i32
        %dma_wait3A_850 = arith.constant 0 : i32
        %dma_wait3A_851 = tpu.memref_slice %arg9[%dma_wait3A_849, %dma_wait3A_850] : memref<10000x128xf32, #tpu.memory_space<vmem_shared>> -> memref<80x128xf32, #tpu.memory_space<vmem_shared>>
        %dma_wait3A_852 = arith.constant 0 : i32
        %dma_wait3A_853 = arith.constant 0 : i32
        %dma_wait3A_854 = tpu.memref_slice %arg9[%dma_wait3A_852, %dma_wait3A_853] : memref<10000x128xf32, #tpu.memory_space<vmem_shared>> -> memref<80x128xf32, #tpu.memory_space<vmem_shared>>
        %dma_wait3A_855 = arith.constant 0 : i32
        %dma_wait3A_856 = arith.constant 0 : i32
        %dma_wait3A_857 = tpu.memref_slice %arg8[%dma_wait3A_844, %dma_wait3A_855, %dma_wait3A_856] : memref<4x80x128xf32, #tpu.memory_space<vmem>> -> memref<1x80x128xf32, #tpu.memory_space<vmem>>
        %dma_wait3A_858 = tpu.memref_squeeze %dma_wait3A_857 : memref<1x80x128xf32, #tpu.memory_space<vmem>> -> memref<80x128xf32, #tpu.memory_space<vmem>>
        tpu.wait_dma2 semaphore(%arg11 : memref<!tpu.dma_semaphore, #tpu.memory_space<semaphore_mem>>) src(%dma_wait3A_858 : memref<80x128xf32, #tpu.memory_space<vmem>>) dst(%dma_wait3A_854 : memref<80x128xf32, #tpu.memory_space<vmem_shared>>)
      } else {
      }
      %dma_start3A_541 = arith.constant 2 : i32
      %dma_start3A_542 = arith.constant 2 : i32
      %dma_start3A_543 = arith.constant 0 : i32
      %dma_start3A_544 = arith.constant 0 : i32
      %dma_start3A_545 = tpu.memref_slice %arg8[%dma_start3A_542, %dma_start3A_543, %dma_start3A_544] : memref<4x80x128xf32, #tpu.memory_space<vmem>> -> memref<1x80x128xf32, #tpu.memory_space<vmem>>
      %dma_start3A_546 = tpu.memref_squeeze %dma_start3A_545 : memref<1x80x128xf32, #tpu.memory_space<vmem>> -> memref<80x128xf32, #tpu.memory_space<vmem>>
      %dma_start3A_547 = arith.constant 0 : i32
      %dma_start3A_548 = tpu.memref_slice %arg6[%rem3A_390, %dma_start3A_541, %dma_start3A_547] : memref<3x8x80xi32, #tpu.memory_space<vmem>> -> memref<1x1x80xi32, #tpu.memory_space<vmem>>
      %dma_start3A_549 = tpu.memref_squeeze %dma_start3A_548 : memref<1x1x80xi32, #tpu.memory_space<vmem>> -> memref<80xi32, #tpu.memory_space<vmem>>
      %dma_start3A_550 = arith.constant 0 : i32
      %dma_start3A_551 = arith.constant 0 : i32
      %dma_start3A_552 = tpu.memref_slice %arg2[%dma_start3A_550, %dma_start3A_551] : memref<10000x128xf32, #tpu.memory_space<hbm>> -> memref<10000x128xf32, #tpu.memory_space<hbm>>
      tpu.enqueue_indirect_dma source(%dma_start3A_552 : memref<10000x128xf32, #tpu.memory_space<hbm>>) target(%dma_start3A_546 : memref<80x128xf32, #tpu.memory_space<vmem>>) offsets(%dma_start3A_549 : memref<80xi32, #tpu.memory_space<vmem>>) semaphore(%arg10 : memref<!tpu.dma_semaphore, #tpu.memory_space<semaphore_mem>>)
      %dma_start3A_553 = arith.constant 3 : i32
      %dma_start3A_554 = arith.constant 3 : i32
      %dma_start3A_555 = arith.constant 0 : i32
      %dma_start3A_556 = arith.constant 0 : i32
      %dma_start3A_557 = tpu.memref_slice %arg8[%dma_start3A_554, %dma_start3A_555, %dma_start3A_556] : memref<4x80x128xf32, #tpu.memory_space<vmem>> -> memref<1x80x128xf32, #tpu.memory_space<vmem>>
      %dma_start3A_558 = tpu.memref_squeeze %dma_start3A_557 : memref<1x80x128xf32, #tpu.memory_space<vmem>> -> memref<80x128xf32, #tpu.memory_space<vmem>>
      %dma_start3A_559 = arith.constant 0 : i32
      %dma_start3A_560 = tpu.memref_slice %arg6[%rem3A_390, %dma_start3A_553, %dma_start3A_559] : memref<3x8x80xi32, #tpu.memory_space<vmem>> -> memref<1x1x80xi32, #tpu.memory_space<vmem>>
      %dma_start3A_561 = tpu.memref_squeeze %dma_start3A_560 : memref<1x1x80xi32, #tpu.memory_space<vmem>> -> memref<80xi32, #tpu.memory_space<vmem>>
      %dma_start3A_562 = arith.constant 0 : i32
      %dma_start3A_563 = arith.constant 0 : i32
      %dma_start3A_564 = tpu.memref_slice %arg2[%dma_start3A_562, %dma_start3A_563] : memref<10000x128xf32, #tpu.memory_space<hbm>> -> memref<10000x128xf32, #tpu.memory_space<hbm>>
      tpu.enqueue_indirect_dma source(%dma_start3A_564 : memref<10000x128xf32, #tpu.memory_space<hbm>>) target(%dma_start3A_558 : memref<80x128xf32, #tpu.memory_space<vmem>>) offsets(%dma_start3A_561 : memref<80xi32, #tpu.memory_space<vmem>>) semaphore(%arg10 : memref<!tpu.dma_semaphore, #tpu.memory_space<semaphore_mem>>)
      %dma_wait3A_565 = arith.constant 2 : i32
      %dma_wait3A_566 = arith.constant 2 : i32
      %dma_wait3A_567 = arith.constant 0 : i32
      %dma_wait3A_568 = arith.constant 0 : i32
      %dma_wait3A_569 = tpu.memref_slice %arg8[%dma_wait3A_566, %dma_wait3A_567, %dma_wait3A_568] : memref<4x80x128xf32, #tpu.memory_space<vmem>> -> memref<1x80x128xf32, #tpu.memory_space<vmem>>
      %dma_wait3A_570 = tpu.memref_squeeze %dma_wait3A_569 : memref<1x80x128xf32, #tpu.memory_space<vmem>> -> memref<80x128xf32, #tpu.memory_space<vmem>>
      %dma_wait3A_571 = arith.constant 0 : i32
      %dma_wait3A_572 = tpu.memref_slice %arg6[%rem3A_390, %dma_wait3A_565, %dma_wait3A_571] : memref<3x8x80xi32, #tpu.memory_space<vmem>> -> memref<1x1x80xi32, #tpu.memory_space<vmem>>
      %dma_wait3A_573 = tpu.memref_squeeze %dma_wait3A_572 : memref<1x1x80xi32, #tpu.memory_space<vmem>> -> memref<80xi32, #tpu.memory_space<vmem>>
      %dma_wait3A_574 = arith.constant 0 : i32
      %dma_wait3A_575 = arith.constant 0 : i32
      %dma_wait3A_576 = tpu.memref_slice %arg2[%dma_wait3A_574, %dma_wait3A_575] : memref<10000x128xf32, #tpu.memory_space<hbm>> -> memref<10000x128xf32, #tpu.memory_space<hbm>>
      tpu.wait_indirect_dma semaphore(%arg10 : memref<!tpu.dma_semaphore, #tpu.memory_space<semaphore_mem>>) src(%dma_wait3A_576 : memref<10000x128xf32, #tpu.memory_space<hbm>>) dst(%dma_wait3A_570 : memref<80x128xf32, #tpu.memory_space<vmem>>)
      %dma_wait3A_577 = arith.constant 3 : i32
      %dma_wait3A_578 = arith.constant 3 : i32
      %dma_wait3A_579 = arith.constant 0 : i32
      %dma_wait3A_580 = arith.constant 0 : i32
      %dma_wait3A_581 = tpu.memref_slice %arg8[%dma_wait3A_578, %dma_wait3A_579, %dma_wait3A_580] : memref<4x80x128xf32, #tpu.memory_space<vmem>> -> memref<1x80x128xf32, #tpu.memory_space<vmem>>
      %dma_wait3A_582 = tpu.memref_squeeze %dma_wait3A_581 : memref<1x80x128xf32, #tpu.memory_space<vmem>> -> memref<80x128xf32, #tpu.memory_space<vmem>>
      %dma_wait3A_583 = arith.constant 0 : i32
      %dma_wait3A_584 = tpu.memref_slice %arg6[%rem3A_390, %dma_wait3A_577, %dma_wait3A_583] : memref<3x8x80xi32, #tpu.memory_space<vmem>> -> memref<1x1x80xi32, #tpu.memory_space<vmem>>
      %dma_wait3A_585 = tpu.memref_squeeze %dma_wait3A_584 : memref<1x1x80xi32, #tpu.memory_space<vmem>> -> memref<80xi32, #tpu.memory_space<vmem>>
      %dma_wait3A_586 = arith.constant 0 : i32
      %dma_wait3A_587 = arith.constant 0 : i32
      %dma_wait3A_588 = tpu.memref_slice %arg2[%dma_wait3A_586, %dma_wait3A_587] : memref<10000x128xf32, #tpu.memory_space<hbm>> -> memref<10000x128xf32, #tpu.memory_space<hbm>>
      tpu.wait_indirect_dma semaphore(%arg10 : memref<!tpu.dma_semaphore, #tpu.memory_space<semaphore_mem>>) src(%dma_wait3A_588 : memref<10000x128xf32, #tpu.memory_space<hbm>>) dst(%dma_wait3A_582 : memref<80x128xf32, #tpu.memory_space<vmem>>)
      %dma_start3A_589 = arith.constant 2 : i32
      %dma_start3A_590 = arith.constant 2 : i32
      %dma_start3A_591 = arith.constant 0 : i32
      %dma_start3A_592 = arith.constant 0 : i32
      %dma_start3A_593 = tpu.memref_slice %arg8[%dma_start3A_589, %dma_start3A_591, %dma_start3A_592] : memref<4x80x128xf32, #tpu.memory_space<vmem>> -> memref<1x80x128xf32, #tpu.memory_space<vmem>>
      %dma_start3A_594 = tpu.memref_squeeze %dma_start3A_593 : memref<1x80x128xf32, #tpu.memory_space<vmem>> -> memref<80x128xf32, #tpu.memory_space<vmem>>
      %dma_start3A_595 = arith.constant 0 : i32
      %dma_start3A_596 = tpu.memref_slice %arg7[%rem3A_390, %dma_start3A_590, %dma_start3A_595] : memref<3x8x80xi32, #tpu.memory_space<vmem>> -> memref<1x1x80xi32, #tpu.memory_space<vmem>>
      %dma_start3A_597 = tpu.memref_squeeze %dma_start3A_596 : memref<1x1x80xi32, #tpu.memory_space<vmem>> -> memref<80xi32, #tpu.memory_space<vmem>>
      %dma_start3A_598 = arith.constant 0 : i32
      %dma_start3A_599 = arith.constant 0 : i32
      %dma_start3A_600 = tpu.memref_slice %arg9[%dma_start3A_598, %dma_start3A_599] : memref<10000x128xf32, #tpu.memory_space<vmem_shared>> -> memref<10000x128xf32, #tpu.memory_space<vmem_shared>>
      tpu.enqueue_indirect_dma source(%dma_start3A_594 : memref<80x128xf32, #tpu.memory_space<vmem>>) target(%dma_start3A_600 : memref<10000x128xf32, #tpu.memory_space<vmem_shared>>) offsets(%dma_start3A_597 : memref<80xi32, #tpu.memory_space<vmem>>) semaphore(%arg11 : memref<!tpu.dma_semaphore, #tpu.memory_space<semaphore_mem>>) {add = true}
      %dma_start3A_601 = arith.constant 3 : i32
      %dma_start3A_602 = arith.constant 3 : i32
      %dma_start3A_603 = arith.constant 0 : i32
      %dma_start3A_604 = arith.constant 0 : i32
      %dma_start3A_605 = tpu.memref_slice %arg8[%dma_start3A_601, %dma_start3A_603, %dma_start3A_604] : memref<4x80x128xf32, #tpu.memory_space<vmem>> -> memref<1x80x128xf32, #tpu.memory_space<vmem>>
      %dma_start3A_606 = tpu.memref_squeeze %dma_start3A_605 : memref<1x80x128xf32, #tpu.memory_space<vmem>> -> memref<80x128xf32, #tpu.memory_space<vmem>>
      %dma_start3A_607 = arith.constant 0 : i32
      %dma_start3A_608 = tpu.memref_slice %arg7[%rem3A_390, %dma_start3A_602, %dma_start3A_607] : memref<3x8x80xi32, #tpu.memory_space<vmem>> -> memref<1x1x80xi32, #tpu.memory_space<vmem>>
      %dma_start3A_609 = tpu.memref_squeeze %dma_start3A_608 : memref<1x1x80xi32, #tpu.memory_space<vmem>> -> memref<80xi32, #tpu.memory_space<vmem>>
      %dma_start3A_610 = arith.constant 0 : i32
      %dma_start3A_611 = arith.constant 0 : i32
      %dma_start3A_612 = tpu.memref_slice %arg9[%dma_start3A_610, %dma_start3A_611] : memref<10000x128xf32, #tpu.memory_space<vmem_shared>> -> memref<10000x128xf32, #tpu.memory_space<vmem_shared>>
      tpu.enqueue_indirect_dma source(%dma_start3A_606 : memref<80x128xf32, #tpu.memory_space<vmem>>) target(%dma_start3A_612 : memref<10000x128xf32, #tpu.memory_space<vmem_shared>>) offsets(%dma_start3A_609 : memref<80xi32, #tpu.memory_space<vmem>>) semaphore(%arg11 : memref<!tpu.dma_semaphore, #tpu.memory_space<semaphore_mem>>) {add = true}
      %dma_wait3A_613 = arith.constant 0 : i32
      %dma_wait3A_614 = arith.constant 0 : i32
      %dma_wait3A_615 = arith.constant 0 : i32
      %dma_wait3A_616 = arith.constant 0 : i32
      %dma_wait3A_617 = tpu.memref_slice %arg8[%dma_wait3A_613, %dma_wait3A_615, %dma_wait3A_616] : memref<4x80x128xf32, #tpu.memory_space<vmem>> -> memref<1x80x128xf32, #tpu.memory_space<vmem>>
      %dma_wait3A_618 = tpu.memref_squeeze %dma_wait3A_617 : memref<1x80x128xf32, #tpu.memory_space<vmem>> -> memref<80x128xf32, #tpu.memory_space<vmem>>
      %dma_wait3A_619 = arith.constant 0 : i32
      %dma_wait3A_620 = tpu.memref_slice %arg7[%rem3A_390, %dma_wait3A_614, %dma_wait3A_619] : memref<3x8x80xi32, #tpu.memory_space<vmem>> -> memref<1x1x80xi32, #tpu.memory_space<vmem>>
      %dma_wait3A_621 = tpu.memref_squeeze %dma_wait3A_620 : memref<1x1x80xi32, #tpu.memory_space<vmem>> -> memref<80xi32, #tpu.memory_space<vmem>>
      %dma_wait3A_622 = arith.constant 0 : i32
      %dma_wait3A_623 = arith.constant 0 : i32
      %dma_wait3A_624 = tpu.memref_slice %arg9[%dma_wait3A_622, %dma_wait3A_623] : memref<10000x128xf32, #tpu.memory_space<vmem_shared>> -> memref<10000x128xf32, #tpu.memory_space<vmem_shared>>
      tpu.wait_indirect_dma semaphore(%arg11 : memref<!tpu.dma_semaphore, #tpu.memory_space<semaphore_mem>>) src(%dma_wait3A_618 : memref<80x128xf32, #tpu.memory_space<vmem>>) dst(%dma_wait3A_624 : memref<10000x128xf32, #tpu.memory_space<vmem_shared>>)
      %dma_wait3A_625 = arith.constant 1 : i32
      %dma_wait3A_626 = arith.constant 1 : i32
      %dma_wait3A_627 = arith.constant 0 : i32
      %dma_wait3A_628 = arith.constant 0 : i32
      %dma_wait3A_629 = tpu.memref_slice %arg8[%dma_wait3A_625, %dma_wait3A_627, %dma_wait3A_628] : memref<4x80x128xf32, #tpu.memory_space<vmem>> -> memref<1x80x128xf32, #tpu.memory_space<vmem>>
      %dma_wait3A_630 = tpu.memref_squeeze %dma_wait3A_629 : memref<1x80x128xf32, #tpu.memory_space<vmem>> -> memref<80x128xf32, #tpu.memory_space<vmem>>
      %dma_wait3A_631 = arith.constant 0 : i32
      %dma_wait3A_632 = tpu.memref_slice %arg7[%rem3A_390, %dma_wait3A_626, %dma_wait3A_631] : memref<3x8x80xi32, #tpu.memory_space<vmem>> -> memref<1x1x80xi32, #tpu.memory_space<vmem>>
      %dma_wait3A_633 = tpu.memref_squeeze %dma_wait3A_632 : memref<1x1x80xi32, #tpu.memory_space<vmem>> -> memref<80xi32, #tpu.memory_space<vmem>>
      %dma_wait3A_634 = arith.constant 0 : i32
      %dma_wait3A_635 = arith.constant 0 : i32
      %dma_wait3A_636 = tpu.memref_slice %arg9[%dma_wait3A_634, %dma_wait3A_635] : memref<10000x128xf32, #tpu.memory_space<vmem_shared>> -> memref<10000x128xf32, #tpu.memory_space<vmem_shared>>
      tpu.wait_indirect_dma semaphore(%arg11 : memref<!tpu.dma_semaphore, #tpu.memory_space<semaphore_mem>>) src(%dma_wait3A_630 : memref<80x128xf32, #tpu.memory_space<vmem>>) dst(%dma_wait3A_636 : memref<10000x128xf32, #tpu.memory_space<vmem_shared>>)
      %dma_start3A_637 = arith.constant 4 : i32
      %dma_start3A_638 = arith.constant 0 : i32
      %dma_start3A_639 = arith.constant 0 : i32
      %dma_start3A_640 = arith.constant 0 : i32
      %dma_start3A_641 = tpu.memref_slice %arg8[%dma_start3A_638, %dma_start3A_639, %dma_start3A_640] : memref<4x80x128xf32, #tpu.memory_space<vmem>> -> memref<1x80x128xf32, #tpu.memory_space<vmem>>
      %dma_start3A_642 = tpu.memref_squeeze %dma_start3A_641 : memref<1x80x128xf32, #tpu.memory_space<vmem>> -> memref<80x128xf32, #tpu.memory_space<vmem>>
      %dma_start3A_643 = arith.constant 0 : i32
      %dma_start3A_644 = tpu.memref_slice %arg6[%rem3A_390, %dma_start3A_637, %dma_start3A_643] : memref<3x8x80xi32, #tpu.memory_space<vmem>> -> memref<1x1x80xi32, #tpu.memory_space<vmem>>
      %dma_start3A_645 = tpu.memref_squeeze %dma_start3A_644 : memref<1x1x80xi32, #tpu.memory_space<vmem>> -> memref<80xi32, #tpu.memory_space<vmem>>
      %dma_start3A_646 = arith.constant 0 : i32
      %dma_start3A_647 = arith.constant 0 : i32
      %dma_start3A_648 = tpu.memref_slice %arg2[%dma_start3A_646, %dma_start3A_647] : memref<10000x128xf32, #tpu.memory_space<hbm>> -> memref<10000x128xf32, #tpu.memory_space<hbm>>
      tpu.enqueue_indirect_dma source(%dma_start3A_648 : memref<10000x128xf32, #tpu.memory_space<hbm>>) target(%dma_start3A_642 : memref<80x128xf32, #tpu.memory_space<vmem>>) offsets(%dma_start3A_645 : memref<80xi32, #tpu.memory_space<vmem>>) semaphore(%arg10 : memref<!tpu.dma_semaphore, #tpu.memory_space<semaphore_mem>>)
      %dma_start3A_649 = arith.constant 5 : i32
      %dma_start3A_650 = arith.constant 1 : i32
      %dma_start3A_651 = arith.constant 0 : i32
      %dma_start3A_652 = arith.constant 0 : i32
      %dma_start3A_653 = tpu.memref_slice %arg8[%dma_start3A_650, %dma_start3A_651, %dma_start3A_652] : memref<4x80x128xf32, #tpu.memory_space<vmem>> -> memref<1x80x128xf32, #tpu.memory_space<vmem>>
      %dma_start3A_654 = tpu.memref_squeeze %dma_start3A_653 : memref<1x80x128xf32, #tpu.memory_space<vmem>> -> memref<80x128xf32, #tpu.memory_space<vmem>>
      %dma_start3A_655 = arith.constant 0 : i32
      %dma_start3A_656 = tpu.memref_slice %arg6[%rem3A_390, %dma_start3A_649, %dma_start3A_655] : memref<3x8x80xi32, #tpu.memory_space<vmem>> -> memref<1x1x80xi32, #tpu.memory_space<vmem>>
      %dma_start3A_657 = tpu.memref_squeeze %dma_start3A_656 : memref<1x1x80xi32, #tpu.memory_space<vmem>> -> memref<80xi32, #tpu.memory_space<vmem>>
      %dma_start3A_658 = arith.constant 0 : i32
      %dma_start3A_659 = arith.constant 0 : i32
      %dma_start3A_660 = tpu.memref_slice %arg2[%dma_start3A_658, %dma_start3A_659] : memref<10000x128xf32, #tpu.memory_space<hbm>> -> memref<10000x128xf32, #tpu.memory_space<hbm>>
      tpu.enqueue_indirect_dma source(%dma_start3A_660 : memref<10000x128xf32, #tpu.memory_space<hbm>>) target(%dma_start3A_654 : memref<80x128xf32, #tpu.memory_space<vmem>>) offsets(%dma_start3A_657 : memref<80xi32, #tpu.memory_space<vmem>>) semaphore(%arg10 : memref<!tpu.dma_semaphore, #tpu.memory_space<semaphore_mem>>)
      %dma_wait3A_661 = arith.constant 4 : i32
      %dma_wait3A_662 = arith.constant 0 : i32
      %dma_wait3A_663 = arith.constant 0 : i32
      %dma_wait3A_664 = arith.constant 0 : i32
      %dma_wait3A_665 = tpu.memref_slice %arg8[%dma_wait3A_662, %dma_wait3A_663, %dma_wait3A_664] : memref<4x80x128xf32, #tpu.memory_space<vmem>> -> memref<1x80x128xf32, #tpu.memory_space<vmem>>
      %dma_wait3A_666 = tpu.memref_squeeze %dma_wait3A_665 : memref<1x80x128xf32, #tpu.memory_space<vmem>> -> memref<80x128xf32, #tpu.memory_space<vmem>>
      %dma_wait3A_667 = arith.constant 0 : i32
      %dma_wait3A_668 = tpu.memref_slice %arg6[%rem3A_390, %dma_wait3A_661, %dma_wait3A_667] : memref<3x8x80xi32, #tpu.memory_space<vmem>> -> memref<1x1x80xi32, #tpu.memory_space<vmem>>
      %dma_wait3A_669 = tpu.memref_squeeze %dma_wait3A_668 : memref<1x1x80xi32, #tpu.memory_space<vmem>> -> memref<80xi32, #tpu.memory_space<vmem>>
      %dma_wait3A_670 = arith.constant 0 : i32
      %dma_wait3A_671 = arith.constant 0 : i32
      %dma_wait3A_672 = tpu.memref_slice %arg2[%dma_wait3A_670, %dma_wait3A_671] : memref<10000x128xf32, #tpu.memory_space<hbm>> -> memref<10000x128xf32, #tpu.memory_space<hbm>>
      tpu.wait_indirect_dma semaphore(%arg10 : memref<!tpu.dma_semaphore, #tpu.memory_space<semaphore_mem>>) src(%dma_wait3A_672 : memref<10000x128xf32, #tpu.memory_space<hbm>>) dst(%dma_wait3A_666 : memref<80x128xf32, #tpu.memory_space<vmem>>)
      %dma_wait3A_673 = arith.constant 5 : i32
      %dma_wait3A_674 = arith.constant 1 : i32
      %dma_wait3A_675 = arith.constant 0 : i32
      %dma_wait3A_676 = arith.constant 0 : i32
      %dma_wait3A_677 = tpu.memref_slice %arg8[%dma_wait3A_674, %dma_wait3A_675, %dma_wait3A_676] : memref<4x80x128xf32, #tpu.memory_space<vmem>> -> memref<1x80x128xf32, #tpu.memory_space<vmem>>
      %dma_wait3A_678 = tpu.memref_squeeze %dma_wait3A_677 : memref<1x80x128xf32, #tpu.memory_space<vmem>> -> memref<80x128xf32, #tpu.memory_space<vmem>>
      %dma_wait3A_679 = arith.constant 0 : i32
      %dma_wait3A_680 = tpu.memref_slice %arg6[%rem3A_390, %dma_wait3A_673, %dma_wait3A_679] : memref<3x8x80xi32, #tpu.memory_space<vmem>> -> memref<1x1x80xi32, #tpu.memory_space<vmem>>
      %dma_wait3A_681 = tpu.memref_squeeze %dma_wait3A_680 : memref<1x1x80xi32, #tpu.memory_space<vmem>> -> memref<80xi32, #tpu.memory_space<vmem>>
      %dma_wait3A_682 = arith.constant 0 : i32
      %dma_wait3A_683 = arith.constant 0 : i32
      %dma_wait3A_684 = tpu.memref_slice %arg2[%dma_wait3A_682, %dma_wait3A_683] : memref<10000x128xf32, #tpu.memory_space<hbm>> -> memref<10000x128xf32, #tpu.memory_space<hbm>>
      tpu.wait_indirect_dma semaphore(%arg10 : memref<!tpu.dma_semaphore, #tpu.memory_space<semaphore_mem>>) src(%dma_wait3A_684 : memref<10000x128xf32, #tpu.memory_space<hbm>>) dst(%dma_wait3A_678 : memref<80x128xf32, #tpu.memory_space<vmem>>)
      %dma_start3A_685 = arith.constant 0 : i32
      %dma_start3A_686 = arith.constant 4 : i32
      %dma_start3A_687 = arith.constant 0 : i32
      %dma_start3A_688 = arith.constant 0 : i32
      %dma_start3A_689 = tpu.memref_slice %arg8[%dma_start3A_685, %dma_start3A_687, %dma_start3A_688] : memref<4x80x128xf32, #tpu.memory_space<vmem>> -> memref<1x80x128xf32, #tpu.memory_space<vmem>>
      %dma_start3A_690 = tpu.memref_squeeze %dma_start3A_689 : memref<1x80x128xf32, #tpu.memory_space<vmem>> -> memref<80x128xf32, #tpu.memory_space<vmem>>
      %dma_start3A_691 = arith.constant 0 : i32
      %dma_start3A_692 = tpu.memref_slice %arg7[%rem3A_390, %dma_start3A_686, %dma_start3A_691] : memref<3x8x80xi32, #tpu.memory_space<vmem>> -> memref<1x1x80xi32, #tpu.memory_space<vmem>>
      %dma_start3A_693 = tpu.memref_squeeze %dma_start3A_692 : memref<1x1x80xi32, #tpu.memory_space<vmem>> -> memref<80xi32, #tpu.memory_space<vmem>>
      %dma_start3A_694 = arith.constant 0 : i32
      %dma_start3A_695 = arith.constant 0 : i32
      %dma_start3A_696 = tpu.memref_slice %arg9[%dma_start3A_694, %dma_start3A_695] : memref<10000x128xf32, #tpu.memory_space<vmem_shared>> -> memref<10000x128xf32, #tpu.memory_space<vmem_shared>>
      tpu.enqueue_indirect_dma source(%dma_start3A_690 : memref<80x128xf32, #tpu.memory_space<vmem>>) target(%dma_start3A_696 : memref<10000x128xf32, #tpu.memory_space<vmem_shared>>) offsets(%dma_start3A_693 : memref<80xi32, #tpu.memory_space<vmem>>) semaphore(%arg11 : memref<!tpu.dma_semaphore, #tpu.memory_space<semaphore_mem>>) {add = true}
      %dma_start3A_697 = arith.constant 1 : i32
      %dma_start3A_698 = arith.constant 5 : i32
      %dma_start3A_699 = arith.constant 0 : i32
      %dma_start3A_700 = arith.constant 0 : i32
      %dma_start3A_701 = tpu.memref_slice %arg8[%dma_start3A_697, %dma_start3A_699, %dma_start3A_700] : memref<4x80x128xf32, #tpu.memory_space<vmem>> -> memref<1x80x128xf32, #tpu.memory_space<vmem>>
      %dma_start3A_702 = tpu.memref_squeeze %dma_start3A_701 : memref<1x80x128xf32, #tpu.memory_space<vmem>> -> memref<80x128xf32, #tpu.memory_space<vmem>>
      %dma_start3A_703 = arith.constant 0 : i32
      %dma_start3A_704 = tpu.memref_slice %arg7[%rem3A_390, %dma_start3A_698, %dma_start3A_703] : memref<3x8x80xi32, #tpu.memory_space<vmem>> -> memref<1x1x80xi32, #tpu.memory_space<vmem>>
      %dma_start3A_705 = tpu.memref_squeeze %dma_start3A_704 : memref<1x1x80xi32, #tpu.memory_space<vmem>> -> memref<80xi32, #tpu.memory_space<vmem>>
      %dma_start3A_706 = arith.constant 0 : i32
      %dma_start3A_707 = arith.constant 0 : i32
      %dma_start3A_708 = tpu.memref_slice %arg9[%dma_start3A_706, %dma_start3A_707] : memref<10000x128xf32, #tpu.memory_space<vmem_shared>> -> memref<10000x128xf32, #tpu.memory_space<vmem_shared>>
      tpu.enqueue_indirect_dma source(%dma_start3A_702 : memref<80x128xf32, #tpu.memory_space<vmem>>) target(%dma_start3A_708 : memref<10000x128xf32, #tpu.memory_space<vmem_shared>>) offsets(%dma_start3A_705 : memref<80xi32, #tpu.memory_space<vmem>>) semaphore(%arg11 : memref<!tpu.dma_semaphore, #tpu.memory_space<semaphore_mem>>) {add = true}
      %dma_wait3A_709 = arith.constant 2 : i32
      %dma_wait3A_710 = arith.constant 2 : i32
      %dma_wait3A_711 = arith.constant 0 : i32
      %dma_wait3A_712 = arith.constant 0 : i32
      %dma_wait3A_713 = tpu.memref_slice %arg8[%dma_wait3A_709, %dma_wait3A_711, %dma_wait3A_712] : memref<4x80x128xf32, #tpu.memory_space<vmem>> -> memref<1x80x128xf32, #tpu.memory_space<vmem>>
      %dma_wait3A_714 = tpu.memref_squeeze %dma_wait3A_713 : memref<1x80x128xf32, #tpu.memory_space<vmem>> -> memref<80x128xf32, #tpu.memory_space<vmem>>
      %dma_wait3A_715 = arith.constant 0 : i32
      %dma_wait3A_716 = tpu.memref_slice %arg7[%rem3A_390, %dma_wait3A_710, %dma_wait3A_715] : memref<3x8x80xi32, #tpu.memory_space<vmem>> -> memref<1x1x80xi32, #tpu.memory_space<vmem>>
      %dma_wait3A_717 = tpu.memref_squeeze %dma_wait3A_716 : memref<1x1x80xi32, #tpu.memory_space<vmem>> -> memref<80xi32, #tpu.memory_space<vmem>>
      %dma_wait3A_718 = arith.constant 0 : i32
      %dma_wait3A_719 = arith.constant 0 : i32
      %dma_wait3A_720 = tpu.memref_slice %arg9[%dma_wait3A_718, %dma_wait3A_719] : memref<10000x128xf32, #tpu.memory_space<vmem_shared>> -> memref<10000x128xf32, #tpu.memory_space<vmem_shared>>
      tpu.wait_indirect_dma semaphore(%arg11 : memref<!tpu.dma_semaphore, #tpu.memory_space<semaphore_mem>>) src(%dma_wait3A_714 : memref<80x128xf32, #tpu.memory_space<vmem>>) dst(%dma_wait3A_720 : memref<10000x128xf32, #tpu.memory_space<vmem_shared>>)
      %dma_wait3A_721 = arith.constant 3 : i32
      %dma_wait3A_722 = arith.constant 3 : i32
      %dma_wait3A_723 = arith.constant 0 : i32
      %dma_wait3A_724 = arith.constant 0 : i32
      %dma_wait3A_725 = tpu.memref_slice %arg8[%dma_wait3A_721, %dma_wait3A_723, %dma_wait3A_724] : memref<4x80x128xf32, #tpu.memory_space<vmem>> -> memref<1x80x128xf32, #tpu.memory_space<vmem>>
      %dma_wait3A_726 = tpu.memref_squeeze %dma_wait3A_725 : memref<1x80x128xf32, #tpu.memory_space<vmem>> -> memref<80x128xf32, #tpu.memory_space<vmem>>
      %dma_wait3A_727 = arith.constant 0 : i32
      %dma_wait3A_728 = tpu.memref_slice %arg7[%rem3A_390, %dma_wait3A_722, %dma_wait3A_727] : memref<3x8x80xi32, #tpu.memory_space<vmem>> -> memref<1x1x80xi32, #tpu.memory_space<vmem>>
      %dma_wait3A_729 = tpu.memref_squeeze %dma_wait3A_728 : memref<1x1x80xi32, #tpu.memory_space<vmem>> -> memref<80xi32, #tpu.memory_space<vmem>>
      %dma_wait3A_730 = arith.constant 0 : i32
      %dma_wait3A_731 = arith.constant 0 : i32
      %dma_wait3A_732 = tpu.memref_slice %arg9[%dma_wait3A_730, %dma_wait3A_731] : memref<10000x128xf32, #tpu.memory_space<vmem_shared>> -> memref<10000x128xf32, #tpu.memory_space<vmem_shared>>
      tpu.wait_indirect_dma semaphore(%arg11 : memref<!tpu.dma_semaphore, #tpu.memory_space<semaphore_mem>>) src(%dma_wait3A_726 : memref<80x128xf32, #tpu.memory_space<vmem>>) dst(%dma_wait3A_732 : memref<10000x128xf32, #tpu.memory_space<vmem_shared>>)
      %dma_start3A_733 = arith.constant 6 : i32
      %dma_start3A_734 = arith.constant 2 : i32
      %dma_start3A_735 = arith.constant 0 : i32
      %dma_start3A_736 = arith.constant 0 : i32
      %dma_start3A_737 = tpu.memref_slice %arg8[%dma_start3A_734, %dma_start3A_735, %dma_start3A_736] : memref<4x80x128xf32, #tpu.memory_space<vmem>> -> memref<1x80x128xf32, #tpu.memory_space<vmem>>
      %dma_start3A_738 = tpu.memref_squeeze %dma_start3A_737 : memref<1x80x128xf32, #tpu.memory_space<vmem>> -> memref<80x128xf32, #tpu.memory_space<vmem>>
      %dma_start3A_739 = arith.constant 0 : i32
      %dma_start3A_740 = tpu.memref_slice %arg6[%rem3A_390, %dma_start3A_733, %dma_start3A_739] : memref<3x8x80xi32, #tpu.memory_space<vmem>> -> memref<1x1x80xi32, #tpu.memory_space<vmem>>
      %dma_start3A_741 = tpu.memref_squeeze %dma_start3A_740 : memref<1x1x80xi32, #tpu.memory_space<vmem>> -> memref<80xi32, #tpu.memory_space<vmem>>
      %dma_start3A_742 = arith.constant 0 : i32
      %dma_start3A_743 = arith.constant 0 : i32
      %dma_start3A_744 = tpu.memref_slice %arg2[%dma_start3A_742, %dma_start3A_743] : memref<10000x128xf32, #tpu.memory_space<hbm>> -> memref<10000x128xf32, #tpu.memory_space<hbm>>
      tpu.enqueue_indirect_dma source(%dma_start3A_744 : memref<10000x128xf32, #tpu.memory_space<hbm>>) target(%dma_start3A_738 : memref<80x128xf32, #tpu.memory_space<vmem>>) offsets(%dma_start3A_741 : memref<80xi32, #tpu.memory_space<vmem>>) semaphore(%arg10 : memref<!tpu.dma_semaphore, #tpu.memory_space<semaphore_mem>>)
      %dma_start3A_745 = arith.constant 7 : i32
      %dma_start3A_746 = arith.constant 3 : i32
      %dma_start3A_747 = arith.constant 0 : i32
      %dma_start3A_748 = arith.constant 0 : i32
      %dma_start3A_749 = tpu.memref_slice %arg8[%dma_start3A_746, %dma_start3A_747, %dma_start3A_748] : memref<4x80x128xf32, #tpu.memory_space<vmem>> -> memref<1x80x128xf32, #tpu.memory_space<vmem>>
      %dma_start3A_750 = tpu.memref_squeeze %dma_start3A_749 : memref<1x80x128xf32, #tpu.memory_space<vmem>> -> memref<80x128xf32, #tpu.memory_space<vmem>>
      %dma_start3A_751 = arith.constant 0 : i32
      %dma_start3A_752 = tpu.memref_slice %arg6[%rem3A_390, %dma_start3A_745, %dma_start3A_751] : memref<3x8x80xi32, #tpu.memory_space<vmem>> -> memref<1x1x80xi32, #tpu.memory_space<vmem>>
      %dma_start3A_753 = tpu.memref_squeeze %dma_start3A_752 : memref<1x1x80xi32, #tpu.memory_space<vmem>> -> memref<80xi32, #tpu.memory_space<vmem>>
      %dma_start3A_754 = arith.constant 0 : i32
      %dma_start3A_755 = arith.constant 0 : i32
      %dma_start3A_756 = tpu.memref_slice %arg2[%dma_start3A_754, %dma_start3A_755] : memref<10000x128xf32, #tpu.memory_space<hbm>> -> memref<10000x128xf32, #tpu.memory_space<hbm>>
      tpu.enqueue_indirect_dma source(%dma_start3A_756 : memref<10000x128xf32, #tpu.memory_space<hbm>>) target(%dma_start3A_750 : memref<80x128xf32, #tpu.memory_space<vmem>>) offsets(%dma_start3A_753 : memref<80xi32, #tpu.memory_space<vmem>>) semaphore(%arg10 : memref<!tpu.dma_semaphore, #tpu.memory_space<semaphore_mem>>)
      %dma_wait3A_757 = arith.constant 6 : i32
      %dma_wait3A_758 = arith.constant 2 : i32
      %dma_wait3A_759 = arith.constant 0 : i32
      %dma_wait3A_760 = arith.constant 0 : i32
      %dma_wait3A_761 = tpu.memref_slice %arg8[%dma_wait3A_758, %dma_wait3A_759, %dma_wait3A_760] : memref<4x80x128xf32, #tpu.memory_space<vmem>> -> memref<1x80x128xf32, #tpu.memory_space<vmem>>
      %dma_wait3A_762 = tpu.memref_squeeze %dma_wait3A_761 : memref<1x80x128xf32, #tpu.memory_space<vmem>> -> memref<80x128xf32, #tpu.memory_space<vmem>>
      %dma_wait3A_763 = arith.constant 0 : i32
      %dma_wait3A_764 = tpu.memref_slice %arg6[%rem3A_390, %dma_wait3A_757, %dma_wait3A_763] : memref<3x8x80xi32, #tpu.memory_space<vmem>> -> memref<1x1x80xi32, #tpu.memory_space<vmem>>
      %dma_wait3A_765 = tpu.memref_squeeze %dma_wait3A_764 : memref<1x1x80xi32, #tpu.memory_space<vmem>> -> memref<80xi32, #tpu.memory_space<vmem>>
      %dma_wait3A_766 = arith.constant 0 : i32
      %dma_wait3A_767 = arith.constant 0 : i32
      %dma_wait3A_768 = tpu.memref_slice %arg2[%dma_wait3A_766, %dma_wait3A_767] : memref<10000x128xf32, #tpu.memory_space<hbm>> -> memref<10000x128xf32, #tpu.memory_space<hbm>>
      tpu.wait_indirect_dma semaphore(%arg10 : memref<!tpu.dma_semaphore, #tpu.memory_space<semaphore_mem>>) src(%dma_wait3A_768 : memref<10000x128xf32, #tpu.memory_space<hbm>>) dst(%dma_wait3A_762 : memref<80x128xf32, #tpu.memory_space<vmem>>)
      %dma_wait3A_769 = arith.constant 7 : i32
      %dma_wait3A_770 = arith.constant 3 : i32
      %dma_wait3A_771 = arith.constant 0 : i32
      %dma_wait3A_772 = arith.constant 0 : i32
      %dma_wait3A_773 = tpu.memref_slice %arg8[%dma_wait3A_770, %dma_wait3A_771, %dma_wait3A_772] : memref<4x80x128xf32, #tpu.memory_space<vmem>> -> memref<1x80x128xf32, #tpu.memory_space<vmem>>
      %dma_wait3A_774 = tpu.memref_squeeze %dma_wait3A_773 : memref<1x80x128xf32, #tpu.memory_space<vmem>> -> memref<80x128xf32, #tpu.memory_space<vmem>>
      %dma_wait3A_775 = arith.constant 0 : i32
      %dma_wait3A_776 = tpu.memref_slice %arg6[%rem3A_390, %dma_wait3A_769, %dma_wait3A_775] : memref<3x8x80xi32, #tpu.memory_space<vmem>> -> memref<1x1x80xi32, #tpu.memory_space<vmem>>
      %dma_wait3A_777 = tpu.memref_squeeze %dma_wait3A_776 : memref<1x1x80xi32, #tpu.memory_space<vmem>> -> memref<80xi32, #tpu.memory_space<vmem>>
      %dma_wait3A_778 = arith.constant 0 : i32
      %dma_wait3A_779 = arith.constant 0 : i32
      %dma_wait3A_780 = tpu.memref_slice %arg2[%dma_wait3A_778, %dma_wait3A_779] : memref<10000x128xf32, #tpu.memory_space<hbm>> -> memref<10000x128xf32, #tpu.memory_space<hbm>>
      tpu.wait_indirect_dma semaphore(%arg10 : memref<!tpu.dma_semaphore, #tpu.memory_space<semaphore_mem>>) src(%dma_wait3A_780 : memref<10000x128xf32, #tpu.memory_space<hbm>>) dst(%dma_wait3A_774 : memref<80x128xf32, #tpu.memory_space<vmem>>)
      %dma_start3A_781 = arith.constant 2 : i32
      %dma_start3A_782 = arith.constant 6 : i32
      %dma_start3A_783 = arith.constant 0 : i32
      %dma_start3A_784 = arith.constant 0 : i32
      %dma_start3A_785 = tpu.memref_slice %arg8[%dma_start3A_781, %dma_start3A_783, %dma_start3A_784] : memref<4x80x128xf32, #tpu.memory_space<vmem>> -> memref<1x80x128xf32, #tpu.memory_space<vmem>>
      %dma_start3A_786 = tpu.memref_squeeze %dma_start3A_785 : memref<1x80x128xf32, #tpu.memory_space<vmem>> -> memref<80x128xf32, #tpu.memory_space<vmem>>
      %dma_start3A_787 = arith.constant 0 : i32
      %dma_start3A_788 = tpu.memref_slice %arg7[%rem3A_390, %dma_start3A_782, %dma_start3A_787] : memref<3x8x80xi32, #tpu.memory_space<vmem>> -> memref<1x1x80xi32, #tpu.memory_space<vmem>>
      %dma_start3A_789 = tpu.memref_squeeze %dma_start3A_788 : memref<1x1x80xi32, #tpu.memory_space<vmem>> -> memref<80xi32, #tpu.memory_space<vmem>>
      %dma_start3A_790 = arith.constant 0 : i32
      %dma_start3A_791 = arith.constant 0 : i32
      %dma_start3A_792 = tpu.memref_slice %arg9[%dma_start3A_790, %dma_start3A_791] : memref<10000x128xf32, #tpu.memory_space<vmem_shared>> -> memref<10000x128xf32, #tpu.memory_space<vmem_shared>>
      tpu.enqueue_indirect_dma source(%dma_start3A_786 : memref<80x128xf32, #tpu.memory_space<vmem>>) target(%dma_start3A_792 : memref<10000x128xf32, #tpu.memory_space<vmem_shared>>) offsets(%dma_start3A_789 : memref<80xi32, #tpu.memory_space<vmem>>) semaphore(%arg11 : memref<!tpu.dma_semaphore, #tpu.memory_space<semaphore_mem>>) {add = true}
      %dma_start3A_793 = arith.constant 3 : i32
      %dma_start3A_794 = arith.constant 7 : i32
      %dma_start3A_795 = arith.constant 0 : i32
      %dma_start3A_796 = arith.constant 0 : i32
      %dma_start3A_797 = tpu.memref_slice %arg8[%dma_start3A_793, %dma_start3A_795, %dma_start3A_796] : memref<4x80x128xf32, #tpu.memory_space<vmem>> -> memref<1x80x128xf32, #tpu.memory_space<vmem>>
      %dma_start3A_798 = tpu.memref_squeeze %dma_start3A_797 : memref<1x80x128xf32, #tpu.memory_space<vmem>> -> memref<80x128xf32, #tpu.memory_space<vmem>>
      %dma_start3A_799 = arith.constant 0 : i32
      %dma_start3A_800 = tpu.memref_slice %arg7[%rem3A_390, %dma_start3A_794, %dma_start3A_799] : memref<3x8x80xi32, #tpu.memory_space<vmem>> -> memref<1x1x80xi32, #tpu.memory_space<vmem>>
      %dma_start3A_801 = tpu.memref_squeeze %dma_start3A_800 : memref<1x1x80xi32, #tpu.memory_space<vmem>> -> memref<80xi32, #tpu.memory_space<vmem>>
      %dma_start3A_802 = arith.constant 0 : i32
      %dma_start3A_803 = arith.constant 0 : i32
      %dma_start3A_804 = tpu.memref_slice %arg9[%dma_start3A_802, %dma_start3A_803] : memref<10000x128xf32, #tpu.memory_space<vmem_shared>> -> memref<10000x128xf32, #tpu.memory_space<vmem_shared>>
      tpu.enqueue_indirect_dma source(%dma_start3A_798 : memref<80x128xf32, #tpu.memory_space<vmem>>) target(%dma_start3A_804 : memref<10000x128xf32, #tpu.memory_space<vmem_shared>>) offsets(%dma_start3A_801 : memref<80xi32, #tpu.memory_space<vmem>>) semaphore(%arg11 : memref<!tpu.dma_semaphore, #tpu.memory_space<semaphore_mem>>) {add = true}
      %dma_wait3A_805 = arith.constant 0 : i32
      %dma_wait3A_806 = arith.constant 4 : i32
      %dma_wait3A_807 = arith.constant 0 : i32
      %dma_wait3A_808 = arith.constant 0 : i32
      %dma_wait3A_809 = tpu.memref_slice %arg8[%dma_wait3A_805, %dma_wait3A_807, %dma_wait3A_808] : memref<4x80x128xf32, #tpu.memory_space<vmem>> -> memref<1x80x128xf32, #tpu.memory_space<vmem>>
      %dma_wait3A_810 = tpu.memref_squeeze %dma_wait3A_809 : memref<1x80x128xf32, #tpu.memory_space<vmem>> -> memref<80x128xf32, #tpu.memory_space<vmem>>
      %dma_wait3A_811 = arith.constant 0 : i32
      %dma_wait3A_812 = tpu.memref_slice %arg7[%rem3A_390, %dma_wait3A_806, %dma_wait3A_811] : memref<3x8x80xi32, #tpu.memory_space<vmem>> -> memref<1x1x80xi32, #tpu.memory_space<vmem>>
      %dma_wait3A_813 = tpu.memref_squeeze %dma_wait3A_812 : memref<1x1x80xi32, #tpu.memory_space<vmem>> -> memref<80xi32, #tpu.memory_space<vmem>>
      %dma_wait3A_814 = arith.constant 0 : i32
      %dma_wait3A_815 = arith.constant 0 : i32
      %dma_wait3A_816 = tpu.memref_slice %arg9[%dma_wait3A_814, %dma_wait3A_815] : memref<10000x128xf32, #tpu.memory_space<vmem_shared>> -> memref<10000x128xf32, #tpu.memory_space<vmem_shared>>
      tpu.wait_indirect_dma semaphore(%arg11 : memref<!tpu.dma_semaphore, #tpu.memory_space<semaphore_mem>>) src(%dma_wait3A_810 : memref<80x128xf32, #tpu.memory_space<vmem>>) dst(%dma_wait3A_816 : memref<10000x128xf32, #tpu.memory_space<vmem_shared>>)
      %dma_wait3A_817 = arith.constant 1 : i32
      %dma_wait3A_818 = arith.constant 5 : i32
      %dma_wait3A_819 = arith.constant 0 : i32
      %dma_wait3A_820 = arith.constant 0 : i32
      %dma_wait3A_821 = tpu.memref_slice %arg8[%dma_wait3A_817, %dma_wait3A_819, %dma_wait3A_820] : memref<4x80x128xf32, #tpu.memory_space<vmem>> -> memref<1x80x128xf32, #tpu.memory_space<vmem>>
      %dma_wait3A_822 = tpu.memref_squeeze %dma_wait3A_821 : memref<1x80x128xf32, #tpu.memory_space<vmem>> -> memref<80x128xf32, #tpu.memory_space<vmem>>
      %dma_wait3A_823 = arith.constant 0 : i32
      %dma_wait3A_824 = tpu.memref_slice %arg7[%rem3A_390, %dma_wait3A_818, %dma_wait3A_823] : memref<3x8x80xi32, #tpu.memory_space<vmem>> -> memref<1x1x80xi32, #tpu.memory_space<vmem>>
      %dma_wait3A_825 = tpu.memref_squeeze %dma_wait3A_824 : memref<1x1x80xi32, #tpu.memory_space<vmem>> -> memref<80xi32, #tpu.memory_space<vmem>>
      %dma_wait3A_826 = arith.constant 0 : i32
      %dma_wait3A_827 = arith.constant 0 : i32
      %dma_wait3A_828 = tpu.memref_slice %arg9[%dma_wait3A_826, %dma_wait3A_827] : memref<10000x128xf32, #tpu.memory_space<vmem_shared>> -> memref<10000x128xf32, #tpu.memory_space<vmem_shared>>
      tpu.wait_indirect_dma semaphore(%arg11 : memref<!tpu.dma_semaphore, #tpu.memory_space<semaphore_mem>>) src(%dma_wait3A_822 : memref<80x128xf32, #tpu.memory_space<vmem>>) dst(%dma_wait3A_828 : memref<10000x128xf32, #tpu.memory_space<vmem_shared>>)
    }
    %scan3A_54 = arith.constant 15 : i32
    %dma_wait3A = arith.constant 2 : i32
    %dma_wait3A_55 = arith.constant 0 : i32
    %dma_wait3A_56 = arith.constant 0 : i32
    %dma_wait3A_57 = tpu.memref_slice %arg8[%dma_wait3A, %dma_wait3A_55, %dma_wait3A_56] : memref<4x80x128xf32, #tpu.memory_space<vmem>> -> memref<1x80x128xf32, #tpu.memory_space<vmem>>
    %dma_wait3A_58 = tpu.memref_squeeze %dma_wait3A_57 : memref<1x80x128xf32, #tpu.memory_space<vmem>> -> memref<80x128xf32, #tpu.memory_space<vmem>>
    %dma_wait3A_59 = arith.constant 0 : i32
    %dma_wait3A_60 = arith.constant 0 : i32
    %dma_wait3A_61 = tpu.memref_slice %arg9[%dma_wait3A_59, %dma_wait3A_60] : memref<10000x128xf32, #tpu.memory_space<vmem_shared>> -> memref<80x128xf32, #tpu.memory_space<vmem_shared>>
    %dma_wait3A_62 = arith.constant 0 : i32
    %dma_wait3A_63 = arith.constant 0 : i32
    %dma_wait3A_64 = tpu.memref_slice %arg9[%dma_wait3A_62, %dma_wait3A_63] : memref<10000x128xf32, #tpu.memory_space<vmem_shared>> -> memref<80x128xf32, #tpu.memory_space<vmem_shared>>
    %dma_wait3A_65 = arith.constant 0 : i32
    %dma_wait3A_66 = arith.constant 0 : i32
    %dma_wait3A_67 = tpu.memref_slice %arg8[%dma_wait3A, %dma_wait3A_65, %dma_wait3A_66] : memref<4x80x128xf32, #tpu.memory_space<vmem>> -> memref<1x80x128xf32, #tpu.memory_space<vmem>>
    %dma_wait3A_68 = tpu.memref_squeeze %dma_wait3A_67 : memref<1x80x128xf32, #tpu.memory_space<vmem>> -> memref<80x128xf32, #tpu.memory_space<vmem>>
    tpu.wait_dma2 semaphore(%arg11 : memref<!tpu.dma_semaphore, #tpu.memory_space<semaphore_mem>>) src(%dma_wait3A_68 : memref<80x128xf32, #tpu.memory_space<vmem>>) dst(%dma_wait3A_64 : memref<80x128xf32, #tpu.memory_space<vmem_shared>>)
    %dma_wait3A_69 = arith.constant 2 : i32
    %dma_wait3A_70 = arith.constant 0 : i32
    %dma_wait3A_71 = arith.constant 0 : i32
    %dma_wait3A_72 = tpu.memref_slice %arg8[%dma_wait3A_69, %dma_wait3A_70, %dma_wait3A_71] : memref<4x80x128xf32, #tpu.memory_space<vmem>> -> memref<1x80x128xf32, #tpu.memory_space<vmem>>
    %dma_wait3A_73 = tpu.memref_squeeze %dma_wait3A_72 : memref<1x80x128xf32, #tpu.memory_space<vmem>> -> memref<80x128xf32, #tpu.memory_space<vmem>>
    %dma_wait3A_74 = arith.constant 0 : i32
    %dma_wait3A_75 = arith.constant 0 : i32
    %dma_wait3A_76 = tpu.memref_slice %arg9[%dma_wait3A_74, %dma_wait3A_75] : memref<10000x128xf32, #tpu.memory_space<vmem_shared>> -> memref<80x128xf32, #tpu.memory_space<vmem_shared>>
    %dma_wait3A_77 = arith.constant 0 : i32
    %dma_wait3A_78 = arith.constant 0 : i32
    %dma_wait3A_79 = tpu.memref_slice %arg9[%dma_wait3A_77, %dma_wait3A_78] : memref<10000x128xf32, #tpu.memory_space<vmem_shared>> -> memref<80x128xf32, #tpu.memory_space<vmem_shared>>
    %dma_wait3A_80 = arith.constant 0 : i32
    %dma_wait3A_81 = arith.constant 0 : i32
    %dma_wait3A_82 = tpu.memref_slice %arg8[%dma_wait3A_69, %dma_wait3A_80, %dma_wait3A_81] : memref<4x80x128xf32, #tpu.memory_space<vmem>> -> memref<1x80x128xf32, #tpu.memory_space<vmem>>
    %dma_wait3A_83 = tpu.memref_squeeze %dma_wait3A_82 : memref<1x80x128xf32, #tpu.memory_space<vmem>> -> memref<80x128xf32, #tpu.memory_space<vmem>>
    tpu.wait_dma2 semaphore(%arg11 : memref<!tpu.dma_semaphore, #tpu.memory_space<semaphore_mem>>) src(%dma_wait3A_83 : memref<80x128xf32, #tpu.memory_space<vmem>>) dst(%dma_wait3A_79 : memref<80x128xf32, #tpu.memory_space<vmem_shared>>)
    %dma_wait3A_84 = arith.constant 0 : i32
    %dma_wait3A_85 = arith.constant 0 : i32
    %dma_wait3A_86 = arith.constant 0 : i32
    %dma_wait3A_87 = arith.constant 0 : i32
    %dma_wait3A_88 = arith.constant 0 : i32
    %dma_wait3A_89 = tpu.memref_slice %arg6[%dma_wait3A_86, %dma_wait3A_87, %dma_wait3A_88] : memref<3x8x80xi32, #tpu.memory_space<vmem>> -> memref<1x8x80xi32, #tpu.memory_space<vmem>>
    %dma_wait3A_90 = tpu.memref_squeeze %dma_wait3A_89 : memref<1x8x80xi32, #tpu.memory_space<vmem>> -> memref<8x80xi32, #tpu.memory_space<vmem>>
    %dma_wait3A_91 = arith.constant 0 : i32
    %dma_wait3A_92 = arith.constant 0 : i32
    %dma_wait3A_93 = tpu.memref_slice %arg3[%dma_wait3A_84, %dma_wait3A_85, %dma_wait3A_91, %dma_wait3A_92] : memref<32x16x8x80xi32, #tpu.memory_space<hbm>> -> memref<1x1x8x80xi32, #tpu.memory_space<hbm>>
    %dma_wait3A_94 = tpu.memref_squeeze %dma_wait3A_93 : memref<1x1x8x80xi32, #tpu.memory_space<hbm>> -> memref<8x80xi32, #tpu.memory_space<hbm>>
    %dma_wait3A_95 = arith.constant 0 : i32
    %dma_wait3A_96 = arith.constant 0 : i32
    %dma_wait3A_97 = tpu.memref_slice %arg6[%dma_wait3A_86, %dma_wait3A_95, %dma_wait3A_96] : memref<3x8x80xi32, #tpu.memory_space<vmem>> -> memref<1x8x80xi32, #tpu.memory_space<vmem>>
    %dma_wait3A_98 = tpu.memref_squeeze %dma_wait3A_97 : memref<1x8x80xi32, #tpu.memory_space<vmem>> -> memref<8x80xi32, #tpu.memory_space<vmem>>
    %dma_wait3A_99 = arith.constant 0 : i32
    %dma_wait3A_100 = arith.constant 0 : i32
    %dma_wait3A_101 = tpu.memref_slice %arg3[%dma_wait3A_84, %dma_wait3A_85, %dma_wait3A_99, %dma_wait3A_100] : memref<32x16x8x80xi32, #tpu.memory_space<hbm>> -> memref<1x1x8x80xi32, #tpu.memory_space<hbm>>
    %dma_wait3A_102 = tpu.memref_squeeze %dma_wait3A_101 : memref<1x1x8x80xi32, #tpu.memory_space<hbm>> -> memref<8x80xi32, #tpu.memory_space<hbm>>
    tpu.wait_dma2 semaphore(%arg12 : memref<!tpu.dma_semaphore, #tpu.memory_space<semaphore_mem>>) src(%dma_wait3A_102 : memref<8x80xi32, #tpu.memory_space<hbm>>) dst(%dma_wait3A_98 : memref<8x80xi32, #tpu.memory_space<vmem>>)
    %dma_wait3A_103 = arith.constant 0 : i32
    %dma_wait3A_104 = arith.constant 0 : i32
    %dma_wait3A_105 = arith.constant 0 : i32
    %dma_wait3A_106 = arith.constant 0 : i32
    %dma_wait3A_107 = arith.constant 0 : i32
    %dma_wait3A_108 = tpu.memref_slice %arg7[%dma_wait3A_105, %dma_wait3A_106, %dma_wait3A_107] : memref<3x8x80xi32, #tpu.memory_space<vmem>> -> memref<1x8x80xi32, #tpu.memory_space<vmem>>
    %dma_wait3A_109 = tpu.memref_squeeze %dma_wait3A_108 : memref<1x8x80xi32, #tpu.memory_space<vmem>> -> memref<8x80xi32, #tpu.memory_space<vmem>>
    %dma_wait3A_110 = arith.constant 0 : i32
    %dma_wait3A_111 = arith.constant 0 : i32
    %dma_wait3A_112 = tpu.memref_slice %arg4[%dma_wait3A_103, %dma_wait3A_104, %dma_wait3A_110, %dma_wait3A_111] : memref<32x16x8x80xi32, #tpu.memory_space<hbm>> -> memref<1x1x8x80xi32, #tpu.memory_space<hbm>>
    %dma_wait3A_113 = tpu.memref_squeeze %dma_wait3A_112 : memref<1x1x8x80xi32, #tpu.memory_space<hbm>> -> memref<8x80xi32, #tpu.memory_space<hbm>>
    %dma_wait3A_114 = arith.constant 0 : i32
    %dma_wait3A_115 = arith.constant 0 : i32
    %dma_wait3A_116 = tpu.memref_slice %arg7[%dma_wait3A_105, %dma_wait3A_114, %dma_wait3A_115] : memref<3x8x80xi32, #tpu.memory_space<vmem>> -> memref<1x8x80xi32, #tpu.memory_space<vmem>>
    %dma_wait3A_117 = tpu.memref_squeeze %dma_wait3A_116 : memref<1x8x80xi32, #tpu.memory_space<vmem>> -> memref<8x80xi32, #tpu.memory_space<vmem>>
    %dma_wait3A_118 = arith.constant 0 : i32
    %dma_wait3A_119 = arith.constant 0 : i32
    %dma_wait3A_120 = tpu.memref_slice %arg4[%dma_wait3A_103, %dma_wait3A_104, %dma_wait3A_118, %dma_wait3A_119] : memref<32x16x8x80xi32, #tpu.memory_space<hbm>> -> memref<1x1x8x80xi32, #tpu.memory_space<hbm>>
    %dma_wait3A_121 = tpu.memref_squeeze %dma_wait3A_120 : memref<1x1x8x80xi32, #tpu.memory_space<hbm>> -> memref<8x80xi32, #tpu.memory_space<hbm>>
    tpu.wait_dma2 semaphore(%arg12 : memref<!tpu.dma_semaphore, #tpu.memory_space<semaphore_mem>>) src(%dma_wait3A_121 : memref<8x80xi32, #tpu.memory_space<hbm>>) dst(%dma_wait3A_117 : memref<8x80xi32, #tpu.memory_space<vmem>>)
    %dma_start3A_122 = arith.constant 0 : i32
    %dma_start3A_123 = arith.constant 0 : i32
    %dma_start3A_124 = arith.constant 0 : i32
    %dma_start3A_125 = arith.constant 0 : i32
    %dma_start3A_126 = arith.constant 0 : i32
    %dma_start3A_127 = tpu.memref_slice %arg8[%dma_start3A_124, %dma_start3A_125, %dma_start3A_126] : memref<4x80x128xf32, #tpu.memory_space<vmem>> -> memref<1x80x128xf32, #tpu.memory_space<vmem>>
    %dma_start3A_128 = tpu.memref_squeeze %dma_start3A_127 : memref<1x80x128xf32, #tpu.memory_space<vmem>> -> memref<80x128xf32, #tpu.memory_space<vmem>>
    %dma_start3A_129 = arith.constant 0 : i32
    %dma_start3A_130 = tpu.memref_slice %arg6[%dma_start3A_122, %dma_start3A_123, %dma_start3A_129] : memref<3x8x80xi32, #tpu.memory_space<vmem>> -> memref<1x1x80xi32, #tpu.memory_space<vmem>>
    %dma_start3A_131 = tpu.memref_squeeze %dma_start3A_130 : memref<1x1x80xi32, #tpu.memory_space<vmem>> -> memref<80xi32, #tpu.memory_space<vmem>>
    %dma_start3A_132 = arith.constant 0 : i32
    %dma_start3A_133 = arith.constant 0 : i32
    %dma_start3A_134 = tpu.memref_slice %arg2[%dma_start3A_132, %dma_start3A_133] : memref<10000x128xf32, #tpu.memory_space<hbm>> -> memref<10000x128xf32, #tpu.memory_space<hbm>>
    tpu.enqueue_indirect_dma source(%dma_start3A_134 : memref<10000x128xf32, #tpu.memory_space<hbm>>) target(%dma_start3A_128 : memref<80x128xf32, #tpu.memory_space<vmem>>) offsets(%dma_start3A_131 : memref<80xi32, #tpu.memory_space<vmem>>) semaphore(%arg10 : memref<!tpu.dma_semaphore, #tpu.memory_space<semaphore_mem>>)
    %dma_start3A_135 = arith.constant 0 : i32
    %dma_start3A_136 = arith.constant 1 : i32
    %dma_start3A_137 = arith.constant 1 : i32
    %dma_start3A_138 = arith.constant 0 : i32
    %dma_start3A_139 = arith.constant 0 : i32
    %dma_start3A_140 = tpu.memref_slice %arg8[%dma_start3A_137, %dma_start3A_138, %dma_start3A_139] : memref<4x80x128xf32, #tpu.memory_space<vmem>> -> memref<1x80x128xf32, #tpu.memory_space<vmem>>
    %dma_start3A_141 = tpu.memref_squeeze %dma_start3A_140 : memref<1x80x128xf32, #tpu.memory_space<vmem>> -> memref<80x128xf32, #tpu.memory_space<vmem>>
    %dma_start3A_142 = arith.constant 0 : i32
    %dma_start3A_143 = tpu.memref_slice %arg6[%dma_start3A_135, %dma_start3A_136, %dma_start3A_142] : memref<3x8x80xi32, #tpu.memory_space<vmem>> -> memref<1x1x80xi32, #tpu.memory_space<vmem>>
    %dma_start3A_144 = tpu.memref_squeeze %dma_start3A_143 : memref<1x1x80xi32, #tpu.memory_space<vmem>> -> memref<80xi32, #tpu.memory_space<vmem>>
    %dma_start3A_145 = arith.constant 0 : i32
    %dma_start3A_146 = arith.constant 0 : i32
    %dma_start3A_147 = tpu.memref_slice %arg2[%dma_start3A_145, %dma_start3A_146] : memref<10000x128xf32, #tpu.memory_space<hbm>> -> memref<10000x128xf32, #tpu.memory_space<hbm>>
    tpu.enqueue_indirect_dma source(%dma_start3A_147 : memref<10000x128xf32, #tpu.memory_space<hbm>>) target(%dma_start3A_141 : memref<80x128xf32, #tpu.memory_space<vmem>>) offsets(%dma_start3A_144 : memref<80xi32, #tpu.memory_space<vmem>>) semaphore(%arg10 : memref<!tpu.dma_semaphore, #tpu.memory_space<semaphore_mem>>)
    %dma_wait3A_148 = arith.constant 0 : i32
    %dma_wait3A_149 = arith.constant 0 : i32
    %dma_wait3A_150 = arith.constant 0 : i32
    %dma_wait3A_151 = arith.constant 0 : i32
    %dma_wait3A_152 = arith.constant 0 : i32
    %dma_wait3A_153 = tpu.memref_slice %arg8[%dma_wait3A_150, %dma_wait3A_151, %dma_wait3A_152] : memref<4x80x128xf32, #tpu.memory_space<vmem>> -> memref<1x80x128xf32, #tpu.memory_space<vmem>>
    %dma_wait3A_154 = tpu.memref_squeeze %dma_wait3A_153 : memref<1x80x128xf32, #tpu.memory_space<vmem>> -> memref<80x128xf32, #tpu.memory_space<vmem>>
    %dma_wait3A_155 = arith.constant 0 : i32
    %dma_wait3A_156 = tpu.memref_slice %arg6[%dma_wait3A_148, %dma_wait3A_149, %dma_wait3A_155] : memref<3x8x80xi32, #tpu.memory_space<vmem>> -> memref<1x1x80xi32, #tpu.memory_space<vmem>>
    %dma_wait3A_157 = tpu.memref_squeeze %dma_wait3A_156 : memref<1x1x80xi32, #tpu.memory_space<vmem>> -> memref<80xi32, #tpu.memory_space<vmem>>
    %dma_wait3A_158 = arith.constant 0 : i32
    %dma_wait3A_159 = arith.constant 0 : i32
    %dma_wait3A_160 = tpu.memref_slice %arg2[%dma_wait3A_158, %dma_wait3A_159] : memref<10000x128xf32, #tpu.memory_space<hbm>> -> memref<10000x128xf32, #tpu.memory_space<hbm>>
    tpu.wait_indirect_dma semaphore(%arg10 : memref<!tpu.dma_semaphore, #tpu.memory_space<semaphore_mem>>) src(%dma_wait3A_160 : memref<10000x128xf32, #tpu.memory_space<hbm>>) dst(%dma_wait3A_154 : memref<80x128xf32, #tpu.memory_space<vmem>>)
    %dma_wait3A_161 = arith.constant 0 : i32
    %dma_wait3A_162 = arith.constant 1 : i32
    %dma_wait3A_163 = arith.constant 1 : i32
    %dma_wait3A_164 = arith.constant 0 : i32
    %dma_wait3A_165 = arith.constant 0 : i32
    %dma_wait3A_166 = tpu.memref_slice %arg8[%dma_wait3A_163, %dma_wait3A_164, %dma_wait3A_165] : memref<4x80x128xf32, #tpu.memory_space<vmem>> -> memref<1x80x128xf32, #tpu.memory_space<vmem>>
    %dma_wait3A_167 = tpu.memref_squeeze %dma_wait3A_166 : memref<1x80x128xf32, #tpu.memory_space<vmem>> -> memref<80x128xf32, #tpu.memory_space<vmem>>
    %dma_wait3A_168 = arith.constant 0 : i32
    %dma_wait3A_169 = tpu.memref_slice %arg6[%dma_wait3A_161, %dma_wait3A_162, %dma_wait3A_168] : memref<3x8x80xi32, #tpu.memory_space<vmem>> -> memref<1x1x80xi32, #tpu.memory_space<vmem>>
    %dma_wait3A_170 = tpu.memref_squeeze %dma_wait3A_169 : memref<1x1x80xi32, #tpu.memory_space<vmem>> -> memref<80xi32, #tpu.memory_space<vmem>>
    %dma_wait3A_171 = arith.constant 0 : i32
    %dma_wait3A_172 = arith.constant 0 : i32
    %dma_wait3A_173 = tpu.memref_slice %arg2[%dma_wait3A_171, %dma_wait3A_172] : memref<10000x128xf32, #tpu.memory_space<hbm>> -> memref<10000x128xf32, #tpu.memory_space<hbm>>
    tpu.wait_indirect_dma semaphore(%arg10 : memref<!tpu.dma_semaphore, #tpu.memory_space<semaphore_mem>>) src(%dma_wait3A_173 : memref<10000x128xf32, #tpu.memory_space<hbm>>) dst(%dma_wait3A_167 : memref<80x128xf32, #tpu.memory_space<vmem>>)
    %dma_start3A_174 = arith.constant 0 : i32
    %dma_start3A_175 = arith.constant 0 : i32
    %dma_start3A_176 = arith.constant 0 : i32
    %dma_start3A_177 = arith.constant 0 : i32
    %dma_start3A_178 = arith.constant 0 : i32
    %dma_start3A_179 = tpu.memref_slice %arg8[%dma_start3A_174, %dma_start3A_177, %dma_start3A_178] : memref<4x80x128xf32, #tpu.memory_space<vmem>> -> memref<1x80x128xf32, #tpu.memory_space<vmem>>
    %dma_start3A_180 = tpu.memref_squeeze %dma_start3A_179 : memref<1x80x128xf32, #tpu.memory_space<vmem>> -> memref<80x128xf32, #tpu.memory_space<vmem>>
    %dma_start3A_181 = arith.constant 0 : i32
    %dma_start3A_182 = tpu.memref_slice %arg7[%dma_start3A_175, %dma_start3A_176, %dma_start3A_181] : memref<3x8x80xi32, #tpu.memory_space<vmem>> -> memref<1x1x80xi32, #tpu.memory_space<vmem>>
    %dma_start3A_183 = tpu.memref_squeeze %dma_start3A_182 : memref<1x1x80xi32, #tpu.memory_space<vmem>> -> memref<80xi32, #tpu.memory_space<vmem>>
    %dma_start3A_184 = arith.constant 0 : i32
    %dma_start3A_185 = arith.constant 0 : i32
    %dma_start3A_186 = tpu.memref_slice %arg9[%dma_start3A_184, %dma_start3A_185] : memref<10000x128xf32, #tpu.memory_space<vmem_shared>> -> memref<10000x128xf32, #tpu.memory_space<vmem_shared>>
    tpu.enqueue_indirect_dma source(%dma_start3A_180 : memref<80x128xf32, #tpu.memory_space<vmem>>) target(%dma_start3A_186 : memref<10000x128xf32, #tpu.memory_space<vmem_shared>>) offsets(%dma_start3A_183 : memref<80xi32, #tpu.memory_space<vmem>>) semaphore(%arg11 : memref<!tpu.dma_semaphore, #tpu.memory_space<semaphore_mem>>) {add = true}
    %dma_start3A_187 = arith.constant 1 : i32
    %dma_start3A_188 = arith.constant 0 : i32
    %dma_start3A_189 = arith.constant 1 : i32
    %dma_start3A_190 = arith.constant 0 : i32
    %dma_start3A_191 = arith.constant 0 : i32
    %dma_start3A_192 = tpu.memref_slice %arg8[%dma_start3A_187, %dma_start3A_190, %dma_start3A_191] : memref<4x80x128xf32, #tpu.memory_space<vmem>> -> memref<1x80x128xf32, #tpu.memory_space<vmem>>
    %dma_start3A_193 = tpu.memref_squeeze %dma_start3A_192 : memref<1x80x128xf32, #tpu.memory_space<vmem>> -> memref<80x128xf32, #tpu.memory_space<vmem>>
    %dma_start3A_194 = arith.constant 0 : i32
    %dma_start3A_195 = tpu.memref_slice %arg7[%dma_start3A_188, %dma_start3A_189, %dma_start3A_194] : memref<3x8x80xi32, #tpu.memory_space<vmem>> -> memref<1x1x80xi32, #tpu.memory_space<vmem>>
    %dma_start3A_196 = tpu.memref_squeeze %dma_start3A_195 : memref<1x1x80xi32, #tpu.memory_space<vmem>> -> memref<80xi32, #tpu.memory_space<vmem>>
    %dma_start3A_197 = arith.constant 0 : i32
    %dma_start3A_198 = arith.constant 0 : i32
    %dma_start3A_199 = tpu.memref_slice %arg9[%dma_start3A_197, %dma_start3A_198] : memref<10000x128xf32, #tpu.memory_space<vmem_shared>> -> memref<10000x128xf32, #tpu.memory_space<vmem_shared>>
    tpu.enqueue_indirect_dma source(%dma_start3A_193 : memref<80x128xf32, #tpu.memory_space<vmem>>) target(%dma_start3A_199 : memref<10000x128xf32, #tpu.memory_space<vmem_shared>>) offsets(%dma_start3A_196 : memref<80xi32, #tpu.memory_space<vmem>>) semaphore(%arg11 : memref<!tpu.dma_semaphore, #tpu.memory_space<semaphore_mem>>) {add = true}
    %dma_start3A_200 = arith.constant 0 : i32
    %dma_start3A_201 = arith.constant 2 : i32
    %dma_start3A_202 = arith.constant 2 : i32
    %dma_start3A_203 = arith.constant 0 : i32
    %dma_start3A_204 = arith.constant 0 : i32
    %dma_start3A_205 = tpu.memref_slice %arg8[%dma_start3A_202, %dma_start3A_203, %dma_start3A_204] : memref<4x80x128xf32, #tpu.memory_space<vmem>> -> memref<1x80x128xf32, #tpu.memory_space<vmem>>
    %dma_start3A_206 = tpu.memref_squeeze %dma_start3A_205 : memref<1x80x128xf32, #tpu.memory_space<vmem>> -> memref<80x128xf32, #tpu.memory_space<vmem>>
    %dma_start3A_207 = arith.constant 0 : i32
    %dma_start3A_208 = tpu.memref_slice %arg6[%dma_start3A_200, %dma_start3A_201, %dma_start3A_207] : memref<3x8x80xi32, #tpu.memory_space<vmem>> -> memref<1x1x80xi32, #tpu.memory_space<vmem>>
    %dma_start3A_209 = tpu.memref_squeeze %dma_start3A_208 : memref<1x1x80xi32, #tpu.memory_space<vmem>> -> memref<80xi32, #tpu.memory_space<vmem>>
    %dma_start3A_210 = arith.constant 0 : i32
    %dma_start3A_211 = arith.constant 0 : i32
    %dma_start3A_212 = tpu.memref_slice %arg2[%dma_start3A_210, %dma_start3A_211] : memref<10000x128xf32, #tpu.memory_space<hbm>> -> memref<10000x128xf32, #tpu.memory_space<hbm>>
    tpu.enqueue_indirect_dma source(%dma_start3A_212 : memref<10000x128xf32, #tpu.memory_space<hbm>>) target(%dma_start3A_206 : memref<80x128xf32, #tpu.memory_space<vmem>>) offsets(%dma_start3A_209 : memref<80xi32, #tpu.memory_space<vmem>>) semaphore(%arg10 : memref<!tpu.dma_semaphore, #tpu.memory_space<semaphore_mem>>)
    %dma_start3A_213 = arith.constant 0 : i32
    %dma_start3A_214 = arith.constant 3 : i32
    %dma_start3A_215 = arith.constant 3 : i32
    %dma_start3A_216 = arith.constant 0 : i32
    %dma_start3A_217 = arith.constant 0 : i32
    %dma_start3A_218 = tpu.memref_slice %arg8[%dma_start3A_215, %dma_start3A_216, %dma_start3A_217] : memref<4x80x128xf32, #tpu.memory_space<vmem>> -> memref<1x80x128xf32, #tpu.memory_space<vmem>>
    %dma_start3A_219 = tpu.memref_squeeze %dma_start3A_218 : memref<1x80x128xf32, #tpu.memory_space<vmem>> -> memref<80x128xf32, #tpu.memory_space<vmem>>
    %dma_start3A_220 = arith.constant 0 : i32
    %dma_start3A_221 = tpu.memref_slice %arg6[%dma_start3A_213, %dma_start3A_214, %dma_start3A_220] : memref<3x8x80xi32, #tpu.memory_space<vmem>> -> memref<1x1x80xi32, #tpu.memory_space<vmem>>
    %dma_start3A_222 = tpu.memref_squeeze %dma_start3A_221 : memref<1x1x80xi32, #tpu.memory_space<vmem>> -> memref<80xi32, #tpu.memory_space<vmem>>
    %dma_start3A_223 = arith.constant 0 : i32
    %dma_start3A_224 = arith.constant 0 : i32
    %dma_start3A_225 = tpu.memref_slice %arg2[%dma_start3A_223, %dma_start3A_224] : memref<10000x128xf32, #tpu.memory_space<hbm>> -> memref<10000x128xf32, #tpu.memory_space<hbm>>
    tpu.enqueue_indirect_dma source(%dma_start3A_225 : memref<10000x128xf32, #tpu.memory_space<hbm>>) target(%dma_start3A_219 : memref<80x128xf32, #tpu.memory_space<vmem>>) offsets(%dma_start3A_222 : memref<80xi32, #tpu.memory_space<vmem>>) semaphore(%arg10 : memref<!tpu.dma_semaphore, #tpu.memory_space<semaphore_mem>>)
    %dma_wait3A_226 = arith.constant 0 : i32
    %dma_wait3A_227 = arith.constant 2 : i32
    %dma_wait3A_228 = arith.constant 2 : i32
    %dma_wait3A_229 = arith.constant 0 : i32
    %dma_wait3A_230 = arith.constant 0 : i32
    %dma_wait3A_231 = tpu.memref_slice %arg8[%dma_wait3A_228, %dma_wait3A_229, %dma_wait3A_230] : memref<4x80x128xf32, #tpu.memory_space<vmem>> -> memref<1x80x128xf32, #tpu.memory_space<vmem>>
    %dma_wait3A_232 = tpu.memref_squeeze %dma_wait3A_231 : memref<1x80x128xf32, #tpu.memory_space<vmem>> -> memref<80x128xf32, #tpu.memory_space<vmem>>
    %dma_wait3A_233 = arith.constant 0 : i32
    %dma_wait3A_234 = tpu.memref_slice %arg6[%dma_wait3A_226, %dma_wait3A_227, %dma_wait3A_233] : memref<3x8x80xi32, #tpu.memory_space<vmem>> -> memref<1x1x80xi32, #tpu.memory_space<vmem>>
    %dma_wait3A_235 = tpu.memref_squeeze %dma_wait3A_234 : memref<1x1x80xi32, #tpu.memory_space<vmem>> -> memref<80xi32, #tpu.memory_space<vmem>>
    %dma_wait3A_236 = arith.constant 0 : i32
    %dma_wait3A_237 = arith.constant 0 : i32
    %dma_wait3A_238 = tpu.memref_slice %arg2[%dma_wait3A_236, %dma_wait3A_237] : memref<10000x128xf32, #tpu.memory_space<hbm>> -> memref<10000x128xf32, #tpu.memory_space<hbm>>
    tpu.wait_indirect_dma semaphore(%arg10 : memref<!tpu.dma_semaphore, #tpu.memory_space<semaphore_mem>>) src(%dma_wait3A_238 : memref<10000x128xf32, #tpu.memory_space<hbm>>) dst(%dma_wait3A_232 : memref<80x128xf32, #tpu.memory_space<vmem>>)
    %dma_wait3A_239 = arith.constant 0 : i32
    %dma_wait3A_240 = arith.constant 3 : i32
    %dma_wait3A_241 = arith.constant 3 : i32
    %dma_wait3A_242 = arith.constant 0 : i32
    %dma_wait3A_243 = arith.constant 0 : i32
    %dma_wait3A_244 = tpu.memref_slice %arg8[%dma_wait3A_241, %dma_wait3A_242, %dma_wait3A_243] : memref<4x80x128xf32, #tpu.memory_space<vmem>> -> memref<1x80x128xf32, #tpu.memory_space<vmem>>
    %dma_wait3A_245 = tpu.memref_squeeze %dma_wait3A_244 : memref<1x80x128xf32, #tpu.memory_space<vmem>> -> memref<80x128xf32, #tpu.memory_space<vmem>>
    %dma_wait3A_246 = arith.constant 0 : i32
    %dma_wait3A_247 = tpu.memref_slice %arg6[%dma_wait3A_239, %dma_wait3A_240, %dma_wait3A_246] : memref<3x8x80xi32, #tpu.memory_space<vmem>> -> memref<1x1x80xi32, #tpu.memory_space<vmem>>
    %dma_wait3A_248 = tpu.memref_squeeze %dma_wait3A_247 : memref<1x1x80xi32, #tpu.memory_space<vmem>> -> memref<80xi32, #tpu.memory_space<vmem>>
    %dma_wait3A_249 = arith.constant 0 : i32
    %dma_wait3A_250 = arith.constant 0 : i32
    %dma_wait3A_251 = tpu.memref_slice %arg2[%dma_wait3A_249, %dma_wait3A_250] : memref<10000x128xf32, #tpu.memory_space<hbm>> -> memref<10000x128xf32, #tpu.memory_space<hbm>>
    tpu.wait_indirect_dma semaphore(%arg10 : memref<!tpu.dma_semaphore, #tpu.memory_space<semaphore_mem>>) src(%dma_wait3A_251 : memref<10000x128xf32, #tpu.memory_space<hbm>>) dst(%dma_wait3A_245 : memref<80x128xf32, #tpu.memory_space<vmem>>)
    %dma_start3A_252 = arith.constant 2 : i32
    %dma_start3A_253 = arith.constant 0 : i32
    %dma_start3A_254 = arith.constant 2 : i32
    %dma_start3A_255 = arith.constant 0 : i32
    %dma_start3A_256 = arith.constant 0 : i32
    %dma_start3A_257 = tpu.memref_slice %arg8[%dma_start3A_252, %dma_start3A_255, %dma_start3A_256] : memref<4x80x128xf32, #tpu.memory_space<vmem>> -> memref<1x80x128xf32, #tpu.memory_space<vmem>>
    %dma_start3A_258 = tpu.memref_squeeze %dma_start3A_257 : memref<1x80x128xf32, #tpu.memory_space<vmem>> -> memref<80x128xf32, #tpu.memory_space<vmem>>
    %dma_start3A_259 = arith.constant 0 : i32
    %dma_start3A_260 = tpu.memref_slice %arg7[%dma_start3A_253, %dma_start3A_254, %dma_start3A_259] : memref<3x8x80xi32, #tpu.memory_space<vmem>> -> memref<1x1x80xi32, #tpu.memory_space<vmem>>
    %dma_start3A_261 = tpu.memref_squeeze %dma_start3A_260 : memref<1x1x80xi32, #tpu.memory_space<vmem>> -> memref<80xi32, #tpu.memory_space<vmem>>
    %dma_start3A_262 = arith.constant 0 : i32
    %dma_start3A_263 = arith.constant 0 : i32
    %dma_start3A_264 = tpu.memref_slice %arg9[%dma_start3A_262, %dma_start3A_263] : memref<10000x128xf32, #tpu.memory_space<vmem_shared>> -> memref<10000x128xf32, #tpu.memory_space<vmem_shared>>
    tpu.enqueue_indirect_dma source(%dma_start3A_258 : memref<80x128xf32, #tpu.memory_space<vmem>>) target(%dma_start3A_264 : memref<10000x128xf32, #tpu.memory_space<vmem_shared>>) offsets(%dma_start3A_261 : memref<80xi32, #tpu.memory_space<vmem>>) semaphore(%arg11 : memref<!tpu.dma_semaphore, #tpu.memory_space<semaphore_mem>>) {add = true}
    %dma_start3A_265 = arith.constant 3 : i32
    %dma_start3A_266 = arith.constant 0 : i32
    %dma_start3A_267 = arith.constant 3 : i32
    %dma_start3A_268 = arith.constant 0 : i32
    %dma_start3A_269 = arith.constant 0 : i32
    %dma_start3A_270 = tpu.memref_slice %arg8[%dma_start3A_265, %dma_start3A_268, %dma_start3A_269] : memref<4x80x128xf32, #tpu.memory_space<vmem>> -> memref<1x80x128xf32, #tpu.memory_space<vmem>>
    %dma_start3A_271 = tpu.memref_squeeze %dma_start3A_270 : memref<1x80x128xf32, #tpu.memory_space<vmem>> -> memref<80x128xf32, #tpu.memory_space<vmem>>
    %dma_start3A_272 = arith.constant 0 : i32
    %dma_start3A_273 = tpu.memref_slice %arg7[%dma_start3A_266, %dma_start3A_267, %dma_start3A_272] : memref<3x8x80xi32, #tpu.memory_space<vmem>> -> memref<1x1x80xi32, #tpu.memory_space<vmem>>
    %dma_start3A_274 = tpu.memref_squeeze %dma_start3A_273 : memref<1x1x80xi32, #tpu.memory_space<vmem>> -> memref<80xi32, #tpu.memory_space<vmem>>
    %dma_start3A_275 = arith.constant 0 : i32
    %dma_start3A_276 = arith.constant 0 : i32
    %dma_start3A_277 = tpu.memref_slice %arg9[%dma_start3A_275, %dma_start3A_276] : memref<10000x128xf32, #tpu.memory_space<vmem_shared>> -> memref<10000x128xf32, #tpu.memory_space<vmem_shared>>
    tpu.enqueue_indirect_dma source(%dma_start3A_271 : memref<80x128xf32, #tpu.memory_space<vmem>>) target(%dma_start3A_277 : memref<10000x128xf32, #tpu.memory_space<vmem_shared>>) offsets(%dma_start3A_274 : memref<80xi32, #tpu.memory_space<vmem>>) semaphore(%arg11 : memref<!tpu.dma_semaphore, #tpu.memory_space<semaphore_mem>>) {add = true}
    %dma_wait3A_278 = arith.constant 0 : i32
    %dma_wait3A_279 = arith.constant 0 : i32
    %dma_wait3A_280 = arith.constant 0 : i32
    %dma_wait3A_281 = arith.constant 0 : i32
    %dma_wait3A_282 = arith.constant 0 : i32
    %dma_wait3A_283 = tpu.memref_slice %arg8[%dma_wait3A_278, %dma_wait3A_281, %dma_wait3A_282] : memref<4x80x128xf32, #tpu.memory_space<vmem>> -> memref<1x80x128xf32, #tpu.memory_space<vmem>>
    %dma_wait3A_284 = tpu.memref_squeeze %dma_wait3A_283 : memref<1x80x128xf32, #tpu.memory_space<vmem>> -> memref<80x128xf32, #tpu.memory_space<vmem>>
    %dma_wait3A_285 = arith.constant 0 : i32
    %dma_wait3A_286 = tpu.memref_slice %arg7[%dma_wait3A_279, %dma_wait3A_280, %dma_wait3A_285] : memref<3x8x80xi32, #tpu.memory_space<vmem>> -> memref<1x1x80xi32, #tpu.memory_space<vmem>>
    %dma_wait3A_287 = tpu.memref_squeeze %dma_wait3A_286 : memref<1x1x80xi32, #tpu.memory_space<vmem>> -> memref<80xi32, #tpu.memory_space<vmem>>
    %dma_wait3A_288 = arith.constant 0 : i32
    %dma_wait3A_289 = arith.constant 0 : i32
    %dma_wait3A_290 = tpu.memref_slice %arg9[%dma_wait3A_288, %dma_wait3A_289] : memref<10000x128xf32, #tpu.memory_space<vmem_shared>> -> memref<10000x128xf32, #tpu.memory_space<vmem_shared>>
    tpu.wait_indirect_dma semaphore(%arg11 : memref<!tpu.dma_semaphore, #tpu.memory_space<semaphore_mem>>) src(%dma_wait3A_284 : memref<80x128xf32, #tpu.memory_space<vmem>>) dst(%dma_wait3A_290 : memref<10000x128xf32, #tpu.memory_space<vmem_shared>>)
    %dma_wait3A_291 = arith.constant 1 : i32
    %dma_wait3A_292 = arith.constant 0 : i32
    %dma_wait3A_293 = arith.constant 1 : i32
    %dma_wait3A_294 = arith.constant 0 : i32
    %dma_wait3A_295 = arith.constant 0 : i32
    %dma_wait3A_296 = tpu.memref_slice %arg8[%dma_wait3A_291, %dma_wait3A_294, %dma_wait3A_295] : memref<4x80x128xf32, #tpu.memory_space<vmem>> -> memref<1x80x128xf32, #tpu.memory_space<vmem>>
    %dma_wait3A_297 = tpu.memref_squeeze %dma_wait3A_296 : memref<1x80x128xf32, #tpu.memory_space<vmem>> -> memref<80x128xf32, #tpu.memory_space<vmem>>
    %dma_wait3A_298 = arith.constant 0 : i32
    %dma_wait3A_299 = tpu.memref_slice %arg7[%dma_wait3A_292, %dma_wait3A_293, %dma_wait3A_298] : memref<3x8x80xi32, #tpu.memory_space<vmem>> -> memref<1x1x80xi32, #tpu.memory_space<vmem>>
    %dma_wait3A_300 = tpu.memref_squeeze %dma_wait3A_299 : memref<1x1x80xi32, #tpu.memory_space<vmem>> -> memref<80xi32, #tpu.memory_space<vmem>>
    %dma_wait3A_301 = arith.constant 0 : i32
    %dma_wait3A_302 = arith.constant 0 : i32
    %dma_wait3A_303 = tpu.memref_slice %arg9[%dma_wait3A_301, %dma_wait3A_302] : memref<10000x128xf32, #tpu.memory_space<vmem_shared>> -> memref<10000x128xf32, #tpu.memory_space<vmem_shared>>
    tpu.wait_indirect_dma semaphore(%arg11 : memref<!tpu.dma_semaphore, #tpu.memory_space<semaphore_mem>>) src(%dma_wait3A_297 : memref<80x128xf32, #tpu.memory_space<vmem>>) dst(%dma_wait3A_303 : memref<10000x128xf32, #tpu.memory_space<vmem_shared>>)
    %dma_start3A_304 = arith.constant 0 : i32
    %dma_start3A_305 = arith.constant 4 : i32
    %dma_start3A_306 = arith.constant 0 : i32
    %dma_start3A_307 = arith.constant 0 : i32
    %dma_start3A_308 = arith.constant 0 : i32
    %dma_start3A_309 = tpu.memref_slice %arg8[%dma_start3A_306, %dma_start3A_307, %dma_start3A_308] : memref<4x80x128xf32, #tpu.memory_space<vmem>> -> memref<1x80x128xf32, #tpu.memory_space<vmem>>
    %dma_start3A_310 = tpu.memref_squeeze %dma_start3A_309 : memref<1x80x128xf32, #tpu.memory_space<vmem>> -> memref<80x128xf32, #tpu.memory_space<vmem>>
    %dma_start3A_311 = arith.constant 0 : i32
    %dma_start3A_312 = tpu.memref_slice %arg6[%dma_start3A_304, %dma_start3A_305, %dma_start3A_311] : memref<3x8x80xi32, #tpu.memory_space<vmem>> -> memref<1x1x80xi32, #tpu.memory_space<vmem>>
    %dma_start3A_313 = tpu.memref_squeeze %dma_start3A_312 : memref<1x1x80xi32, #tpu.memory_space<vmem>> -> memref<80xi32, #tpu.memory_space<vmem>>
    %dma_start3A_314 = arith.constant 0 : i32
    %dma_start3A_315 = arith.constant 0 : i32
    %dma_start3A_316 = tpu.memref_slice %arg2[%dma_start3A_314, %dma_start3A_315] : memref<10000x128xf32, #tpu.memory_space<hbm>> -> memref<10000x128xf32, #tpu.memory_space<hbm>>
    tpu.enqueue_indirect_dma source(%dma_start3A_316 : memref<10000x128xf32, #tpu.memory_space<hbm>>) target(%dma_start3A_310 : memref<80x128xf32, #tpu.memory_space<vmem>>) offsets(%dma_start3A_313 : memref<80xi32, #tpu.memory_space<vmem>>) semaphore(%arg10 : memref<!tpu.dma_semaphore, #tpu.memory_space<semaphore_mem>>)
    %dma_wait3A_317 = arith.constant 0 : i32
    %dma_wait3A_318 = arith.constant 4 : i32
    %dma_wait3A_319 = arith.constant 0 : i32
    %dma_wait3A_320 = arith.constant 0 : i32
    %dma_wait3A_321 = arith.constant 0 : i32
    %dma_wait3A_322 = tpu.memref_slice %arg8[%dma_wait3A_319, %dma_wait3A_320, %dma_wait3A_321] : memref<4x80x128xf32, #tpu.memory_space<vmem>> -> memref<1x80x128xf32, #tpu.memory_space<vmem>>
    %dma_wait3A_323 = tpu.memref_squeeze %dma_wait3A_322 : memref<1x80x128xf32, #tpu.memory_space<vmem>> -> memref<80x128xf32, #tpu.memory_space<vmem>>
    %dma_wait3A_324 = arith.constant 0 : i32
    %dma_wait3A_325 = tpu.memref_slice %arg6[%dma_wait3A_317, %dma_wait3A_318, %dma_wait3A_324] : memref<3x8x80xi32, #tpu.memory_space<vmem>> -> memref<1x1x80xi32, #tpu.memory_space<vmem>>
    %dma_wait3A_326 = tpu.memref_squeeze %dma_wait3A_325 : memref<1x1x80xi32, #tpu.memory_space<vmem>> -> memref<80xi32, #tpu.memory_space<vmem>>
    %dma_wait3A_327 = arith.constant 0 : i32
    %dma_wait3A_328 = arith.constant 0 : i32
    %dma_wait3A_329 = tpu.memref_slice %arg2[%dma_wait3A_327, %dma_wait3A_328] : memref<10000x128xf32, #tpu.memory_space<hbm>> -> memref<10000x128xf32, #tpu.memory_space<hbm>>
    tpu.wait_indirect_dma semaphore(%arg10 : memref<!tpu.dma_semaphore, #tpu.memory_space<semaphore_mem>>) src(%dma_wait3A_329 : memref<10000x128xf32, #tpu.memory_space<hbm>>) dst(%dma_wait3A_323 : memref<80x128xf32, #tpu.memory_space<vmem>>)
    %dma_start3A_330 = arith.constant 0 : i32
    %dma_start3A_331 = arith.constant 0 : i32
    %dma_start3A_332 = arith.constant 4 : i32
    %dma_start3A_333 = arith.constant 0 : i32
    %dma_start3A_334 = arith.constant 0 : i32
    %dma_start3A_335 = tpu.memref_slice %arg8[%dma_start3A_330, %dma_start3A_333, %dma_start3A_334] : memref<4x80x128xf32, #tpu.memory_space<vmem>> -> memref<1x80x128xf32, #tpu.memory_space<vmem>>
    %dma_start3A_336 = tpu.memref_squeeze %dma_start3A_335 : memref<1x80x128xf32, #tpu.memory_space<vmem>> -> memref<80x128xf32, #tpu.memory_space<vmem>>
    %dma_start3A_337 = arith.constant 0 : i32
    %dma_start3A_338 = tpu.memref_slice %arg7[%dma_start3A_331, %dma_start3A_332, %dma_start3A_337] : memref<3x8x80xi32, #tpu.memory_space<vmem>> -> memref<1x1x80xi32, #tpu.memory_space<vmem>>
    %dma_start3A_339 = tpu.memref_squeeze %dma_start3A_338 : memref<1x1x80xi32, #tpu.memory_space<vmem>> -> memref<80xi32, #tpu.memory_space<vmem>>
    %dma_start3A_340 = arith.constant 0 : i32
    %dma_start3A_341 = arith.constant 0 : i32
    %dma_start3A_342 = tpu.memref_slice %arg9[%dma_start3A_340, %dma_start3A_341] : memref<10000x128xf32, #tpu.memory_space<vmem_shared>> -> memref<10000x128xf32, #tpu.memory_space<vmem_shared>>
    tpu.enqueue_indirect_dma source(%dma_start3A_336 : memref<80x128xf32, #tpu.memory_space<vmem>>) target(%dma_start3A_342 : memref<10000x128xf32, #tpu.memory_space<vmem_shared>>) offsets(%dma_start3A_339 : memref<80xi32, #tpu.memory_space<vmem>>) semaphore(%arg11 : memref<!tpu.dma_semaphore, #tpu.memory_space<semaphore_mem>>) {add = true}
    %dma_wait3A_343 = arith.constant 2 : i32
    %dma_wait3A_344 = arith.constant 0 : i32
    %dma_wait3A_345 = arith.constant 2 : i32
    %dma_wait3A_346 = arith.constant 0 : i32
    %dma_wait3A_347 = arith.constant 0 : i32
    %dma_wait3A_348 = tpu.memref_slice %arg8[%dma_wait3A_343, %dma_wait3A_346, %dma_wait3A_347] : memref<4x80x128xf32, #tpu.memory_space<vmem>> -> memref<1x80x128xf32, #tpu.memory_space<vmem>>
    %dma_wait3A_349 = tpu.memref_squeeze %dma_wait3A_348 : memref<1x80x128xf32, #tpu.memory_space<vmem>> -> memref<80x128xf32, #tpu.memory_space<vmem>>
    %dma_wait3A_350 = arith.constant 0 : i32
    %dma_wait3A_351 = tpu.memref_slice %arg7[%dma_wait3A_344, %dma_wait3A_345, %dma_wait3A_350] : memref<3x8x80xi32, #tpu.memory_space<vmem>> -> memref<1x1x80xi32, #tpu.memory_space<vmem>>
    %dma_wait3A_352 = tpu.memref_squeeze %dma_wait3A_351 : memref<1x1x80xi32, #tpu.memory_space<vmem>> -> memref<80xi32, #tpu.memory_space<vmem>>
    %dma_wait3A_353 = arith.constant 0 : i32
    %dma_wait3A_354 = arith.constant 0 : i32
    %dma_wait3A_355 = tpu.memref_slice %arg9[%dma_wait3A_353, %dma_wait3A_354] : memref<10000x128xf32, #tpu.memory_space<vmem_shared>> -> memref<10000x128xf32, #tpu.memory_space<vmem_shared>>
    tpu.wait_indirect_dma semaphore(%arg11 : memref<!tpu.dma_semaphore, #tpu.memory_space<semaphore_mem>>) src(%dma_wait3A_349 : memref<80x128xf32, #tpu.memory_space<vmem>>) dst(%dma_wait3A_355 : memref<10000x128xf32, #tpu.memory_space<vmem_shared>>)
    %dma_wait3A_356 = arith.constant 3 : i32
    %dma_wait3A_357 = arith.constant 0 : i32
    %dma_wait3A_358 = arith.constant 3 : i32
    %dma_wait3A_359 = arith.constant 0 : i32
    %dma_wait3A_360 = arith.constant 0 : i32
    %dma_wait3A_361 = tpu.memref_slice %arg8[%dma_wait3A_356, %dma_wait3A_359, %dma_wait3A_360] : memref<4x80x128xf32, #tpu.memory_space<vmem>> -> memref<1x80x128xf32, #tpu.memory_space<vmem>>
    %dma_wait3A_362 = tpu.memref_squeeze %dma_wait3A_361 : memref<1x80x128xf32, #tpu.memory_space<vmem>> -> memref<80x128xf32, #tpu.memory_space<vmem>>
    %dma_wait3A_363 = arith.constant 0 : i32
    %dma_wait3A_364 = tpu.memref_slice %arg7[%dma_wait3A_357, %dma_wait3A_358, %dma_wait3A_363] : memref<3x8x80xi32, #tpu.memory_space<vmem>> -> memref<1x1x80xi32, #tpu.memory_space<vmem>>
    %dma_wait3A_365 = tpu.memref_squeeze %dma_wait3A_364 : memref<1x1x80xi32, #tpu.memory_space<vmem>> -> memref<80xi32, #tpu.memory_space<vmem>>
    %dma_wait3A_366 = arith.constant 0 : i32
    %dma_wait3A_367 = arith.constant 0 : i32
    %dma_wait3A_368 = tpu.memref_slice %arg9[%dma_wait3A_366, %dma_wait3A_367] : memref<10000x128xf32, #tpu.memory_space<vmem_shared>> -> memref<10000x128xf32, #tpu.memory_space<vmem_shared>>
    tpu.wait_indirect_dma semaphore(%arg11 : memref<!tpu.dma_semaphore, #tpu.memory_space<semaphore_mem>>) src(%dma_wait3A_362 : memref<80x128xf32, #tpu.memory_space<vmem>>) dst(%dma_wait3A_368 : memref<10000x128xf32, #tpu.memory_space<vmem_shared>>)
    %dma_wait3A_369 = arith.constant 0 : i32
    %dma_wait3A_370 = arith.constant 0 : i32
    %dma_wait3A_371 = arith.constant 4 : i32
    %dma_wait3A_372 = arith.constant 0 : i32
    %dma_wait3A_373 = arith.constant 0 : i32
    %dma_wait3A_374 = tpu.memref_slice %arg8[%dma_wait3A_369, %dma_wait3A_372, %dma_wait3A_373] : memref<4x80x128xf32, #tpu.memory_space<vmem>> -> memref<1x80x128xf32, #tpu.memory_space<vmem>>
    %dma_wait3A_375 = tpu.memref_squeeze %dma_wait3A_374 : memref<1x80x128xf32, #tpu.memory_space<vmem>> -> memref<80x128xf32, #tpu.memory_space<vmem>>
    %dma_wait3A_376 = arith.constant 0 : i32
    %dma_wait3A_377 = tpu.memref_slice %arg7[%dma_wait3A_370, %dma_wait3A_371, %dma_wait3A_376] : memref<3x8x80xi32, #tpu.memory_space<vmem>> -> memref<1x1x80xi32, #tpu.memory_space<vmem>>
    %dma_wait3A_378 = tpu.memref_squeeze %dma_wait3A_377 : memref<1x1x80xi32, #tpu.memory_space<vmem>> -> memref<80xi32, #tpu.memory_space<vmem>>
    %dma_wait3A_379 = arith.constant 0 : i32
    %dma_wait3A_380 = arith.constant 0 : i32
    %dma_wait3A_381 = tpu.memref_slice %arg9[%dma_wait3A_379, %dma_wait3A_380] : memref<10000x128xf32, #tpu.memory_space<vmem_shared>> -> memref<10000x128xf32, #tpu.memory_space<vmem_shared>>
    tpu.wait_indirect_dma semaphore(%arg11 : memref<!tpu.dma_semaphore, #tpu.memory_space<semaphore_mem>>) src(%dma_wait3A_375 : memref<80x128xf32, #tpu.memory_space<vmem>>) dst(%dma_wait3A_381 : memref<10000x128xf32, #tpu.memory_space<vmem_shared>>)
    %barrier3A_382 = arith.constant 0 : index
    tpu.barrier barrier_id(%barrier3A_382)
    %scan3A_383 = arith.constant 0 : i32
    %scan3A_384 = arith.constant 0 : i32
    %scan3A_385 = arith.constant 16 : i32
    %scan3A_386 = arith.addi %scan3A_384, %scan3A_385 : i32
    %scan3A_387 = arith.constant 1 : i32
    scf.for %scan3A_389 = %scan3A_384 to %scan3A_386 step %scan3A_387  : i32 {
      %mul3A_390 = arith.constant 16 : i32
      %mul3A_391 = arith.muli %scan3A_389, %mul3A_390 : i32
      %add3A_392 = arith.addi %arg1, %mul3A_391 : i32
      %lt3A = arith.constant 250 : i32
      %lt3A_393 = arith.cmpi slt, %add3A_392, %lt3A : i32
      %convert_element_type3A = arith.extui %lt3A_393 : i1 to i32
      %cond3A = arith.constant 0 : i32
      %cond3A_394 = arith.cmpi ne, %convert_element_type3A, %cond3A : i32
      scf.if %cond3A_394 {
        %mul3A_395 = arith.constant 40 : i32
        %mul3A_396 = arith.muli %add3A_392, %mul3A_395 : i32
        %multiple_of3A = tpu.assume_multiple %mul3A_396, 8 : i32
        "tpu.region"() ({
          %run_scoped3A = tpu.sem_alloc : memref<!tpu.dma_semaphore, #tpu.memory_space<semaphore_mem>>
          %dma_start3A_397 = arith.constant 0 : i32
          %dma_start3A_398 = tpu.memref_slice %arg5[%arg0, %multiple_of3A, %dma_start3A_397] : memref<2x10000x128xf32, #tpu.memory_space<hbm>> -> memref<1x40x128xf32, #tpu.memory_space<hbm>>
          %dma_start3A_399 = tpu.memref_squeeze %dma_start3A_398 : memref<1x40x128xf32, #tpu.memory_space<hbm>> -> memref<40x128xf32, #tpu.memory_space<hbm>>
          %dma_start3A_400 = arith.constant 0 : i32
          %dma_start3A_401 = tpu.memref_slice %arg9[%multiple_of3A, %dma_start3A_400] : memref<10000x128xf32, #tpu.memory_space<vmem_shared>> -> memref<40x128xf32, #tpu.memory_space<vmem_shared>>
          tpu.enqueue_dma source(%dma_start3A_401 : memref<40x128xf32, #tpu.memory_space<vmem_shared>>) target(%dma_start3A_399 : memref<40x128xf32, #tpu.memory_space<hbm>>) target_semaphore(%run_scoped3A : memref<!tpu.dma_semaphore, #tpu.memory_space<semaphore_mem>>)
          %dma_wait3A_402 = arith.constant 0 : i32
          %dma_wait3A_403 = tpu.memref_slice %arg5[%arg0, %multiple_of3A, %dma_wait3A_402] : memref<2x10000x128xf32, #tpu.memory_space<hbm>> -> memref<1x40x128xf32, #tpu.memory_space<hbm>>
          %dma_wait3A_404 = tpu.memref_squeeze %dma_wait3A_403 : memref<1x40x128xf32, #tpu.memory_space<hbm>> -> memref<40x128xf32, #tpu.memory_space<hbm>>
          %dma_wait3A_405 = arith.constant 0 : i32
          %dma_wait3A_406 = tpu.memref_slice %arg9[%multiple_of3A, %dma_wait3A_405] : memref<10000x128xf32, #tpu.memory_space<vmem_shared>> -> memref<40x128xf32, #tpu.memory_space<vmem_shared>>
          tpu.wait_dma2 semaphore(%run_scoped3A : memref<!tpu.dma_semaphore, #tpu.memory_space<semaphore_mem>>) src(%dma_wait3A_406 : memref<40x128xf32, #tpu.memory_space<vmem_shared>>) dst(%dma_wait3A_404 : memref<40x128xf32, #tpu.memory_space<hbm>>)
          tpu.yield
        }) : () -> ()
      } else {
      }
    }
    %scan3A_388 = arith.constant 16 : i32
    return
  }
}

#map = affine_map<(d0, d1) -> (0, 0)>
#map1 = affine_map<(d0, d1) -> (0, 0, 0, 0)>
#map2 = affine_map<(d0, d1) -> (0, 0, 0)>
module attributes {stable_mosaic.version = 14 : i64} {
  func.func @_sc_scatter(%arg0: i32, %arg1: i32, %arg2: memref<10000x128xf32, #tpu.memory_space<hbm>>, %arg3: memref<32x16x8x80xi32, #tpu.memory_space<hbm>>, %arg4: memref<32x16x8x80xi32, #tpu.memory_space<hbm>>, %arg5: memref<2x10000x128xf32, #tpu.memory_space<hbm>>, %arg6: memref<3x8x80xi32, #tpu.memory_space<vmem>>, %arg7: memref<3x8x80xi32, #tpu.memory_space<vmem>>, %arg8: memref<4x80x128xf32, #tpu.memory_space<vmem>>, %arg9: memref<10000x128xf32, #tpu.memory_space<vmem_shared>>, %arg10: memref<!tpu.dma_semaphore, #tpu.memory_space<semaphore_mem>>, %arg11: memref<!tpu.dma_semaphore, #tpu.memory_space<semaphore_mem>>, %arg12: memref<!tpu.dma_semaphore, #tpu.memory_space<semaphore_mem>>) attributes {dimension_semantics = [#tpu.dimension_semantics<core_parallel>, #tpu.dimension_semantics<subcore_parallel>], iteration_bounds = array<i64: 2, 16>, scalar_prefetch = 0 : i64, scratch_operands = 7 : i64, tpu.core_type = #tpu.core_type<sc_vector_subcore>, window_params = [{transform_indices = #map}, {transform_indices = #map1}, {transform_indices = #map1}, {transform_indices = #map2}]} {
    %mul3A = arith.constant 16 : i32
    %mul3A_0 = arith.muli %arg0, %mul3A : i32
    %add3A = arith.addi %mul3A_0, %arg1 : i32
    %dma_start3A = arith.constant 0 : i32
    %dma_start3A_1 = arith.constant 0 : i32
    %dma_start3A_2 = arith.constant 0 : i32
    %dma_start3A_3 = arith.constant 0 : i32
    %dma_start3A_4 = tpu.memref_slice %arg6[%dma_start3A_1, %dma_start3A_2, %dma_start3A_3] : memref<3x8x80xi32, #tpu.memory_space<vmem>> -> memref<1x8x80xi32, #tpu.memory_space<vmem>>
    %dma_start3A_5 = tpu.memref_squeeze %dma_start3A_4 : memref<1x8x80xi32, #tpu.memory_space<vmem>> -> memref<8x80xi32, #tpu.memory_space<vmem>>
    %dma_start3A_6 = arith.constant 0 : i32
    %dma_start3A_7 = arith.constant 0 : i32
    %dma_start3A_8 = tpu.memref_slice %arg3[%add3A, %dma_start3A, %dma_start3A_6, %dma_start3A_7] : memref<32x16x8x80xi32, #tpu.memory_space<hbm>> -> memref<1x1x8x80xi32, #tpu.memory_space<hbm>>
    %dma_start3A_9 = tpu.memref_squeeze %dma_start3A_8 : memref<1x1x8x80xi32, #tpu.memory_space<hbm>> -> memref<8x80xi32, #tpu.memory_space<hbm>>
    %dma_start3A_10 = arith.constant 0 : i32
    %dma_start3A_11 = arith.constant 0 : i32
    %dma_start3A_12 = tpu.memref_slice %arg6[%dma_start3A_1, %dma_start3A_10, %dma_start3A_11] : memref<3x8x80xi32, #tpu.memory_space<vmem>> -> memref<1x8x80xi32, #tpu.memory_space<vmem>>
    %dma_start3A_13 = tpu.memref_squeeze %dma_start3A_12 : memref<1x8x80xi32, #tpu.memory_space<vmem>> -> memref<8x80xi32, #tpu.memory_space<vmem>>
    %dma_start3A_14 = arith.constant 0 : i32
    %dma_start3A_15 = arith.constant 0 : i32
    %dma_start3A_16 = tpu.memref_slice %arg3[%add3A, %dma_start3A, %dma_start3A_14, %dma_start3A_15] : memref<32x16x8x80xi32, #tpu.memory_space<hbm>> -> memref<1x1x8x80xi32, #tpu.memory_space<hbm>>
    %dma_start3A_17 = tpu.memref_squeeze %dma_start3A_16 : memref<1x1x8x80xi32, #tpu.memory_space<hbm>> -> memref<8x80xi32, #tpu.memory_space<hbm>>
    tpu.enqueue_dma source(%dma_start3A_17 : memref<8x80xi32, #tpu.memory_space<hbm>>) target(%dma_start3A_13 : memref<8x80xi32, #tpu.memory_space<vmem>>) target_semaphore(%arg12 : memref<!tpu.dma_semaphore, #tpu.memory_space<semaphore_mem>>)
    %dma_start3A_18 = arith.constant 0 : i32
    %dma_start3A_19 = arith.constant 0 : i32
    %dma_start3A_20 = arith.constant 0 : i32
    %dma_start3A_21 = arith.constant 0 : i32
    %dma_start3A_22 = tpu.memref_slice %arg7[%dma_start3A_19, %dma_start3A_20, %dma_start3A_21] : memref<3x8x80xi32, #tpu.memory_space<vmem>> -> memref<1x8x80xi32, #tpu.memory_space<vmem>>
    %dma_start3A_23 = tpu.memref_squeeze %dma_start3A_22 : memref<1x8x80xi32, #tpu.memory_space<vmem>> -> memref<8x80xi32, #tpu.memory_space<vmem>>
    %dma_start3A_24 = arith.constant 0 : i32
    %dma_start3A_25 = arith.constant 0 : i32
    %dma_start3A_26 = tpu.memref_slice %arg4[%add3A, %dma_start3A_18, %dma_start3A_24, %dma_start3A_25] : memref<32x16x8x80xi32, #tpu.memory_space<hbm>> -> memref<1x1x8x80xi32, #tpu.memory_space<hbm>>
    %dma_start3A_27 = tpu.memref_squeeze %dma_start3A_26 : memref<1x1x8x80xi32, #tpu.memory_space<hbm>> -> memref<8x80xi32, #tpu.memory_space<hbm>>
    %dma_start3A_28 = arith.constant 0 : i32
    %dma_start3A_29 = arith.constant 0 : i32
    %dma_start3A_30 = tpu.memref_slice %arg7[%dma_start3A_19, %dma_start3A_28, %dma_start3A_29] : memref<3x8x80xi32, #tpu.memory_space<vmem>> -> memref<1x8x80xi32, #tpu.memory_space<vmem>>
    %dma_start3A_31 = tpu.memref_squeeze %dma_start3A_30 : memref<1x8x80xi32, #tpu.memory_space<vmem>> -> memref<8x80xi32, #tpu.memory_space<vmem>>
    %dma_start3A_32 = arith.constant 0 : i32
    %dma_start3A_33 = arith.constant 0 : i32
    %dma_start3A_34 = tpu.memref_slice %arg4[%add3A, %dma_start3A_18, %dma_start3A_32, %dma_start3A_33] : memref<32x16x8x80xi32, #tpu.memory_space<hbm>> -> memref<1x1x8x80xi32, #tpu.memory_space<hbm>>
    %dma_start3A_35 = tpu.memref_squeeze %dma_start3A_34 : memref<1x1x8x80xi32, #tpu.memory_space<hbm>> -> memref<8x80xi32, #tpu.memory_space<hbm>>
    tpu.enqueue_dma source(%dma_start3A_35 : memref<8x80xi32, #tpu.memory_space<hbm>>) target(%dma_start3A_31 : memref<8x80xi32, #tpu.memory_space<vmem>>) target_semaphore(%arg12 : memref<!tpu.dma_semaphore, #tpu.memory_space<semaphore_mem>>)
    %broadcast_in_dim3A = arith.constant 0.000000e+00 : f32
    %broadcast_in_dim3A_36 = vector.broadcast %broadcast_in_dim3A : f32 to vector<16xf32>
    %scan3A = arith.constant 0 : i32
    %scan3A_37 = arith.constant 0 : i32
    %scan3A_38 = arith.constant 0 : i32
    %scan3A_39 = arith.constant 40 : i32
    %scan3A_40 = arith.addi %scan3A_38, %scan3A_39 : i32
    %scan3A_41 = arith.constant 1 : i32
    scf.for %scan3A_389 = %scan3A_38 to %scan3A_40 step %scan3A_41  : i32 {
      %swap3A = arith.constant 0 : i32
      %swap3A_390 = arith.constant 0 : i32
      %swap3A_391 = tpu.memref_slice %arg8[%scan3A_37, %swap3A, %swap3A_390] : memref<4x80x128xf32, #tpu.memory_space<vmem>> -> memref<1x80x128xf32, #tpu.memory_space<vmem>>
      %swap3A_392 = tpu.memref_squeeze %swap3A_391 : memref<1x80x128xf32, #tpu.memory_space<vmem>> -> memref<80x128xf32, #tpu.memory_space<vmem>>
      %swap3A_393 = arith.index_cast %scan3A_389 : i32 to index
      %swap3A_394 = arith.constant 0 : index
      %swap3A_395 = tpu.vector_load %swap3A_392[%swap3A_393, %swap3A_394] {strides = array<i32>} : memref<80x128xf32, #tpu.memory_space<vmem>>, vector<1x16xf32>,
      %swap3A_396 = vector.shape_cast %swap3A_395 : vector<1x16xf32> to vector<16xf32>
      %swap3A_397 = vector.shape_cast %broadcast_in_dim3A_36 : vector<16xf32> to vector<1x16xf32>
      tpu.vector_store %swap3A_392[%swap3A_393, %swap3A_394], %swap3A_397 {strides = array<i32>} : memref<80x128xf32, #tpu.memory_space<vmem>>, vector<1x16xf32>,
      %swap3A_398 = arith.constant 0 : i32
      %swap3A_399 = arith.constant 0 : i32
      %swap3A_400 = tpu.memref_slice %arg8[%scan3A_37, %swap3A_398, %swap3A_399] : memref<4x80x128xf32, #tpu.memory_space<vmem>> -> memref<1x80x128xf32, #tpu.memory_space<vmem>>
      %swap3A_401 = tpu.memref_squeeze %swap3A_400 : memref<1x80x128xf32, #tpu.memory_space<vmem>> -> memref<80x128xf32, #tpu.memory_space<vmem>>
      %swap3A_402 = arith.index_cast %scan3A_389 : i32 to index
      %swap3A_403 = arith.constant 16 : index
      %swap3A_404 = tpu.vector_load %swap3A_401[%swap3A_402, %swap3A_403] {strides = array<i32>} : memref<80x128xf32, #tpu.memory_space<vmem>>, vector<1x16xf32>,
      %swap3A_405 = vector.shape_cast %swap3A_404 : vector<1x16xf32> to vector<16xf32>
      %swap3A_406 = vector.shape_cast %broadcast_in_dim3A_36 : vector<16xf32> to vector<1x16xf32>
      tpu.vector_store %swap3A_401[%swap3A_402, %swap3A_403], %swap3A_406 {strides = array<i32>} : memref<80x128xf32, #tpu.memory_space<vmem>>, vector<1x16xf32>,
      %swap3A_407 = arith.constant 0 : i32
      %swap3A_408 = arith.constant 0 : i32
      %swap3A_409 = tpu.memref_slice %arg8[%scan3A_37, %swap3A_407, %swap3A_408] : memref<4x80x128xf32, #tpu.memory_space<vmem>> -> memref<1x80x128xf32, #tpu.memory_space<vmem>>
      %swap3A_410 = tpu.memref_squeeze %swap3A_409 : memref<1x80x128xf32, #tpu.memory_space<vmem>> -> memref<80x128xf32, #tpu.memory_space<vmem>>
      %swap3A_411 = arith.index_cast %scan3A_389 : i32 to index
      %swap3A_412 = arith.constant 32 : index
      %swap3A_413 = tpu.vector_load %swap3A_410[%swap3A_411, %swap3A_412] {strides = array<i32>} : memref<80x128xf32, #tpu.memory_space<vmem>>, vector<1x16xf32>,
      %swap3A_414 = vector.shape_cast %swap3A_413 : vector<1x16xf32> to vector<16xf32>
      %swap3A_415 = vector.shape_cast %broadcast_in_dim3A_36 : vector<16xf32> to vector<1x16xf32>
      tpu.vector_store %swap3A_410[%swap3A_411, %swap3A_412], %swap3A_415 {strides = array<i32>} : memref<80x128xf32, #tpu.memory_space<vmem>>, vector<1x16xf32>,
      %swap3A_416 = arith.constant 0 : i32
      %swap3A_417 = arith.constant 0 : i32
      %swap3A_418 = tpu.memref_slice %arg8[%scan3A_37, %swap3A_416, %swap3A_417] : memref<4x80x128xf32, #tpu.memory_space<vmem>> -> memref<1x80x128xf32, #tpu.memory_space<vmem>>
      %swap3A_419 = tpu.memref_squeeze %swap3A_418 : memref<1x80x128xf32, #tpu.memory_space<vmem>> -> memref<80x128xf32, #tpu.memory_space<vmem>>
      %swap3A_420 = arith.index_cast %scan3A_389 : i32 to index
      %swap3A_421 = arith.constant 48 : index
      %swap3A_422 = tpu.vector_load %swap3A_419[%swap3A_420, %swap3A_421] {strides = array<i32>} : memref<80x128xf32, #tpu.memory_space<vmem>>, vector<1x16xf32>,
      %swap3A_423 = vector.shape_cast %swap3A_422 : vector<1x16xf32> to vector<16xf32>
      %swap3A_424 = vector.shape_cast %broadcast_in_dim3A_36 : vector<16xf32> to vector<1x16xf32>
      tpu.vector_store %swap3A_419[%swap3A_420, %swap3A_421], %swap3A_424 {strides = array<i32>} : memref<80x128xf32, #tpu.memory_space<vmem>>, vector<1x16xf32>,
      %swap3A_425 = arith.constant 0 : i32
      %swap3A_426 = arith.constant 0 : i32
      %swap3A_427 = tpu.memref_slice %arg8[%scan3A_37, %swap3A_425, %swap3A_426] : memref<4x80x128xf32, #tpu.memory_space<vmem>> -> memref<1x80x128xf32, #tpu.memory_space<vmem>>
      %swap3A_428 = tpu.memref_squeeze %swap3A_427 : memref<1x80x128xf32, #tpu.memory_space<vmem>> -> memref<80x128xf32, #tpu.memory_space<vmem>>
      %swap3A_429 = arith.index_cast %scan3A_389 : i32 to index
      %swap3A_430 = arith.constant 64 : index
      %swap3A_431 = tpu.vector_load %swap3A_428[%swap3A_429, %swap3A_430] {strides = array<i32>} : memref<80x128xf32, #tpu.memory_space<vmem>>, vector<1x16xf32>,
      %swap3A_432 = vector.shape_cast %swap3A_431 : vector<1x16xf32> to vector<16xf32>
      %swap3A_433 = vector.shape_cast %broadcast_in_dim3A_36 : vector<16xf32> to vector<1x16xf32>
      tpu.vector_store %swap3A_428[%swap3A_429, %swap3A_430], %swap3A_433 {strides = array<i32>} : memref<80x128xf32, #tpu.memory_space<vmem>>, vector<1x16xf32>,
      %swap3A_434 = arith.constant 0 : i32
      %swap3A_435 = arith.constant 0 : i32
      %swap3A_436 = tpu.memref_slice %arg8[%scan3A_37, %swap3A_434, %swap3A_435] : memref<4x80x128xf32, #tpu.memory_space<vmem>> -> memref<1x80x128xf32, #tpu.memory_space<vmem>>
      %swap3A_437 = tpu.memref_squeeze %swap3A_436 : memref<1x80x128xf32, #tpu.memory_space<vmem>> -> memref<80x128xf32, #tpu.memory_space<vmem>>
      %swap3A_438 = arith.index_cast %scan3A_389 : i32 to index
      %swap3A_439 = arith.constant 80 : index
      %swap3A_440 = tpu.vector_load %swap3A_437[%swap3A_438, %swap3A_439] {strides = array<i32>} : memref<80x128xf32, #tpu.memory_space<vmem>>, vector<1x16xf32>,
      %swap3A_441 = vector.shape_cast %swap3A_440 : vector<1x16xf32> to vector<16xf32>
      %swap3A_442 = vector.shape_cast %broadcast_in_dim3A_36 : vector<16xf32> to vector<1x16xf32>
      tpu.vector_store %swap3A_437[%swap3A_438, %swap3A_439], %swap3A_442 {strides = array<i32>} : memref<80x128xf32, #tpu.memory_space<vmem>>, vector<1x16xf32>,
      %swap3A_443 = arith.constant 0 : i32
      %swap3A_444 = arith.constant 0 : i32
      %swap3A_445 = tpu.memref_slice %arg8[%scan3A_37, %swap3A_443, %swap3A_444] : memref<4x80x128xf32, #tpu.memory_space<vmem>> -> memref<1x80x128xf32, #tpu.memory_space<vmem>>
      %swap3A_446 = tpu.memref_squeeze %swap3A_445 : memref<1x80x128xf32, #tpu.memory_space<vmem>> -> memref<80x128xf32, #tpu.memory_space<vmem>>
      %swap3A_447 = arith.index_cast %scan3A_389 : i32 to index
      %swap3A_448 = arith.constant 96 : index
      %swap3A_449 = tpu.vector_load %swap3A_446[%swap3A_447, %swap3A_448] {strides = array<i32>} : memref<80x128xf32, #tpu.memory_space<vmem>>, vector<1x16xf32>,
      %swap3A_450 = vector.shape_cast %swap3A_449 : vector<1x16xf32> to vector<16xf32>
      %swap3A_451 = vector.shape_cast %broadcast_in_dim3A_36 : vector<16xf32> to vector<1x16xf32>
      tpu.vector_store %swap3A_446[%swap3A_447, %swap3A_448], %swap3A_451 {strides = array<i32>} : memref<80x128xf32, #tpu.memory_space<vmem>>, vector<1x16xf32>,
      %swap3A_452 = arith.constant 0 : i32
      %swap3A_453 = arith.constant 0 : i32
      %swap3A_454 = tpu.memref_slice %arg8[%scan3A_37, %swap3A_452, %swap3A_453] : memref<4x80x128xf32, #tpu.memory_space<vmem>> -> memref<1x80x128xf32, #tpu.memory_space<vmem>>
      %swap3A_455 = tpu.memref_squeeze %swap3A_454 : memref<1x80x128xf32, #tpu.memory_space<vmem>> -> memref<80x128xf32, #tpu.memory_space<vmem>>
      %swap3A_456 = arith.index_cast %scan3A_389 : i32 to index
      %swap3A_457 = arith.constant 112 : index
      %swap3A_458 = tpu.vector_load %swap3A_455[%swap3A_456, %swap3A_457] {strides = array<i32>} : memref<80x128xf32, #tpu.memory_space<vmem>>, vector<1x16xf32>,
      %swap3A_459 = vector.shape_cast %swap3A_458 : vector<1x16xf32> to vector<16xf32>
      %swap3A_460 = vector.shape_cast %broadcast_in_dim3A_36 : vector<16xf32> to vector<1x16xf32>
      tpu.vector_store %swap3A_455[%swap3A_456, %swap3A_457], %swap3A_460 {strides = array<i32>} : memref<80x128xf32, #tpu.memory_space<vmem>>, vector<1x16xf32>,
    }
    %scan3A_42 = arith.constant 40 : i32
    %scan3A_43 = arith.constant 0 : i32
    %scan3A_44 = arith.constant 0 : i32
    %scan3A_45 = arith.constant 16 : i32
    %scan3A_46 = arith.addi %scan3A_44, %scan3A_45 : i32
    %scan3A_47 = arith.constant 1 : i32
    scf.for %scan3A_389 = %scan3A_44 to %scan3A_46 step %scan3A_47  : i32 {
      %mul3A_390 = arith.constant 16 : i32
      %mul3A_391 = arith.muli %scan3A_389, %mul3A_390 : i32
      %add3A_392 = arith.addi %arg1, %mul3A_391 : i32
      %lt3A = arith.constant 250 : i32
      %lt3A_393 = arith.cmpi slt, %add3A_392, %lt3A : i32
      %convert_element_type3A = arith.extui %lt3A_393 : i1 to i32
      %cond3A = arith.constant 0 : i32
      %cond3A_394 = arith.cmpi ne, %convert_element_type3A, %cond3A : i32
      scf.if %cond3A_394 {
        %mul3A_395 = arith.constant 40 : i32
        %mul3A_396 = arith.muli %add3A_392, %mul3A_395 : i32
        %multiple_of3A = tpu.assume_multiple %mul3A_396, 8 : i32
        %run_scoped3A = arith.constant 0 : i32
        "tpu.region"() ({
          %run_scoped3A_397 = tpu.sem_alloc : memref<!tpu.dma_semaphore, #tpu.memory_space<semaphore_mem>>
          %dma_start3A_398 = arith.constant 0 : i32
          %dma_start3A_399 = arith.constant 0 : i32
          %dma_start3A_400 = tpu.memref_slice %arg8[%run_scoped3A, %dma_start3A_398, %dma_start3A_399] : memref<4x80x128xf32, #tpu.memory_space<vmem>> -> memref<1x40x128xf32, #tpu.memory_space<vmem>>
          %dma_start3A_401 = tpu.memref_squeeze %dma_start3A_400 : memref<1x40x128xf32, #tpu.memory_space<vmem>> -> memref<40x128xf32, #tpu.memory_space<vmem>>
          %dma_start3A_402 = arith.constant 0 : i32
          %dma_start3A_403 = tpu.memref_slice %arg9[%multiple_of3A, %dma_start3A_402] : memref<10000x128xf32, #tpu.memory_space<vmem_shared>> -> memref<40x128xf32, #tpu.memory_space<vmem_shared>>
          %dma_start3A_404 = arith.constant 0 : i32
          %dma_start3A_405 = tpu.memref_slice %arg9[%multiple_of3A, %dma_start3A_404] : memref<10000x128xf32, #tpu.memory_space<vmem_shared>> -> memref<40x128xf32, #tpu.memory_space<vmem_shared>>
          %dma_start3A_406 = arith.constant 0 : i32
          %dma_start3A_407 = arith.constant 0 : i32
          %dma_start3A_408 = tpu.memref_slice %arg8[%run_scoped3A, %dma_start3A_406, %dma_start3A_407] : memref<4x80x128xf32, #tpu.memory_space<vmem>> -> memref<1x40x128xf32, #tpu.memory_space<vmem>>
          %dma_start3A_409 = tpu.memref_squeeze %dma_start3A_408 : memref<1x40x128xf32, #tpu.memory_space<vmem>> -> memref<40x128xf32, #tpu.memory_space<vmem>>
          tpu.enqueue_dma source(%dma_start3A_409 : memref<40x128xf32, #tpu.memory_space<vmem>>) target(%dma_start3A_405 : memref<40x128xf32, #tpu.memory_space<vmem_shared>>) target_semaphore(%run_scoped3A_397 : memref<!tpu.dma_semaphore, #tpu.memory_space<semaphore_mem>>)
          %dma_wait3A_410 = arith.constant 0 : i32
          %dma_wait3A_411 = arith.constant 0 : i32
          %dma_wait3A_412 = tpu.memref_slice %arg8[%run_scoped3A, %dma_wait3A_410, %dma_wait3A_411] : memref<4x80x128xf32, #tpu.memory_space<vmem>> -> memref<1x40x128xf32, #tpu.memory_space<vmem>>
          %dma_wait3A_413 = tpu.memref_squeeze %dma_wait3A_412 : memref<1x40x128xf32, #tpu.memory_space<vmem>> -> memref<40x128xf32, #tpu.memory_space<vmem>>
          %dma_wait3A_414 = arith.constant 0 : i32
          %dma_wait3A_415 = tpu.memref_slice %arg9[%multiple_of3A, %dma_wait3A_414] : memref<10000x128xf32, #tpu.memory_space<vmem_shared>> -> memref<40x128xf32, #tpu.memory_space<vmem_shared>>
          %dma_wait3A_416 = arith.constant 0 : i32
          %dma_wait3A_417 = tpu.memref_slice %arg9[%multiple_of3A, %dma_wait3A_416] : memref<10000x128xf32, #tpu.memory_space<vmem_shared>> -> memref<40x128xf32, #tpu.memory_space<vmem_shared>>
          %dma_wait3A_418 = arith.constant 0 : i32
          %dma_wait3A_419 = arith.constant 0 : i32
          %dma_wait3A_420 = tpu.memref_slice %arg8[%run_scoped3A, %dma_wait3A_418, %dma_wait3A_419] : memref<4x80x128xf32, #tpu.memory_space<vmem>> -> memref<1x40x128xf32, #tpu.memory_space<vmem>>
          %dma_wait3A_421 = tpu.memref_squeeze %dma_wait3A_420 : memref<1x40x128xf32, #tpu.memory_space<vmem>> -> memref<40x128xf32, #tpu.memory_space<vmem>>
          tpu.wait_dma2 semaphore(%run_scoped3A_397 : memref<!tpu.dma_semaphore, #tpu.memory_space<semaphore_mem>>) src(%dma_wait3A_421 : memref<40x128xf32, #tpu.memory_space<vmem>>) dst(%dma_wait3A_417 : memref<40x128xf32, #tpu.memory_space<vmem_shared>>)
          tpu.yield
        }) : () -> ()
      } else {
      }
    }
    %scan3A_48 = arith.constant 16 : i32
    %barrier3A = arith.constant 0 : index
    tpu.barrier barrier_id(%barrier3A)
    %scan3A_49 = arith.constant 0 : i32
    %scan3A_50 = arith.constant 0 : i32
    %scan3A_51 = arith.constant 15 : i32
    %scan3A_52 = arith.addi %scan3A_50, %scan3A_51 : i32
    %scan3A_53 = arith.constant 1 : i32
    scf.for %scan3A_389 = %scan3A_50 to %scan3A_52 step %scan3A_53  : i32 {
      %rem3A = arith.constant 3 : i32
      %rem3A_390 = arith.remsi %scan3A_389, %rem3A : i32
      %add3A_391 = arith.constant 1 : i32
      %add3A_392 = arith.addi %scan3A_389, %add3A_391 : i32
      %rem3A_393 = arith.constant 3 : i32
      %rem3A_394 = arith.remsi %add3A_392, %rem3A_393 : i32
      %dma_wait3A_395 = arith.constant 0 : i32
      %dma_wait3A_396 = arith.constant 0 : i32
      %dma_wait3A_397 = arith.constant 0 : i32
      %dma_wait3A_398 = arith.constant 0 : i32
      %dma_wait3A_399 = tpu.memref_slice %arg6[%rem3A_390, %dma_wait3A_397, %dma_wait3A_398] : memref<3x8x80xi32, #tpu.memory_space<vmem>> -> memref<1x8x80xi32, #tpu.memory_space<vmem>>
      %dma_wait3A_400 = tpu.memref_squeeze %dma_wait3A_399 : memref<1x8x80xi32, #tpu.memory_space<vmem>> -> memref<8x80xi32, #tpu.memory_space<vmem>>
      %dma_wait3A_401 = arith.constant 0 : i32
      %dma_wait3A_402 = arith.constant 0 : i32
      %dma_wait3A_403 = tpu.memref_slice %arg3[%dma_wait3A_395, %dma_wait3A_396, %dma_wait3A_401, %dma_wait3A_402] : memref<32x16x8x80xi32, #tpu.memory_space<hbm>> -> memref<1x1x8x80xi32, #tpu.memory_space<hbm>>
      %dma_wait3A_404 = tpu.memref_squeeze %dma_wait3A_403 : memref<1x1x8x80xi32, #tpu.memory_space<hbm>> -> memref<8x80xi32, #tpu.memory_space<hbm>>
      %dma_wait3A_405 = arith.constant 0 : i32
      %dma_wait3A_406 = arith.constant 0 : i32
      %dma_wait3A_407 = tpu.memref_slice %arg6[%rem3A_390, %dma_wait3A_405, %dma_wait3A_406] : memref<3x8x80xi32, #tpu.memory_space<vmem>> -> memref<1x8x80xi32, #tpu.memory_space<vmem>>
      %dma_wait3A_408 = tpu.memref_squeeze %dma_wait3A_407 : memref<1x8x80xi32, #tpu.memory_space<vmem>> -> memref<8x80xi32, #tpu.memory_space<vmem>>
      %dma_wait3A_409 = arith.constant 0 : i32
      %dma_wait3A_410 = arith.constant 0 : i32
      %dma_wait3A_411 = tpu.memref_slice %arg3[%dma_wait3A_395, %dma_wait3A_396, %dma_wait3A_409, %dma_wait3A_410] : memref<32x16x8x80xi32, #tpu.memory_space<hbm>> -> memref<1x1x8x80xi32, #tpu.memory_space<hbm>>
      %dma_wait3A_412 = tpu.memref_squeeze %dma_wait3A_411 : memref<1x1x8x80xi32, #tpu.memory_space<hbm>> -> memref<8x80xi32, #tpu.memory_space<hbm>>
      tpu.wait_dma2 semaphore(%arg12 : memref<!tpu.dma_semaphore, #tpu.memory_space<semaphore_mem>>) src(%dma_wait3A_412 : memref<8x80xi32, #tpu.memory_space<hbm>>) dst(%dma_wait3A_408 : memref<8x80xi32, #tpu.memory_space<vmem>>)
      %dma_wait3A_413 = arith.constant 0 : i32
      %dma_wait3A_414 = arith.constant 0 : i32
      %dma_wait3A_415 = arith.constant 0 : i32
      %dma_wait3A_416 = arith.constant 0 : i32
      %dma_wait3A_417 = tpu.memref_slice %arg7[%rem3A_390, %dma_wait3A_415, %dma_wait3A_416] : memref<3x8x80xi32, #tpu.memory_space<vmem>> -> memref<1x8x80xi32, #tpu.memory_space<vmem>>
      %dma_wait3A_418 = tpu.memref_squeeze %dma_wait3A_417 : memref<1x8x80xi32, #tpu.memory_space<vmem>> -> memref<8x80xi32, #tpu.memory_space<vmem>>
      %dma_wait3A_419 = arith.constant 0 : i32
      %dma_wait3A_420 = arith.constant 0 : i32
      %dma_wait3A_421 = tpu.memref_slice %arg4[%dma_wait3A_413, %dma_wait3A_414, %dma_wait3A_419, %dma_wait3A_420] : memref<32x16x8x80xi32, #tpu.memory_space<hbm>> -> memref<1x1x8x80xi32, #tpu.memory_space<hbm>>
      %dma_wait3A_422 = tpu.memref_squeeze %dma_wait3A_421 : memref<1x1x8x80xi32, #tpu.memory_space<hbm>> -> memref<8x80xi32, #tpu.memory_space<hbm>>
      %dma_wait3A_423 = arith.constant 0 : i32
      %dma_wait3A_424 = arith.constant 0 : i32
      %dma_wait3A_425 = tpu.memref_slice %arg7[%rem3A_390, %dma_wait3A_423, %dma_wait3A_424] : memref<3x8x80xi32, #tpu.memory_space<vmem>> -> memref<1x8x80xi32, #tpu.memory_space<vmem>>
      %dma_wait3A_426 = tpu.memref_squeeze %dma_wait3A_425 : memref<1x8x80xi32, #tpu.memory_space<vmem>> -> memref<8x80xi32, #tpu.memory_space<vmem>>
      %dma_wait3A_427 = arith.constant 0 : i32
      %dma_wait3A_428 = arith.constant 0 : i32
      %dma_wait3A_429 = tpu.memref_slice %arg4[%dma_wait3A_413, %dma_wait3A_414, %dma_wait3A_427, %dma_wait3A_428] : memref<32x16x8x80xi32, #tpu.memory_space<hbm>> -> memref<1x1x8x80xi32, #tpu.memory_space<hbm>>
      %dma_wait3A_430 = tpu.memref_squeeze %dma_wait3A_429 : memref<1x1x8x80xi32, #tpu.memory_space<hbm>> -> memref<8x80xi32, #tpu.memory_space<hbm>>
      tpu.wait_dma2 semaphore(%arg12 : memref<!tpu.dma_semaphore, #tpu.memory_space<semaphore_mem>>) src(%dma_wait3A_430 : memref<8x80xi32, #tpu.memory_space<hbm>>) dst(%dma_wait3A_426 : memref<8x80xi32, #tpu.memory_space<vmem>>)
      %add3A_431 = arith.constant 1 : i32
      %add3A_432 = arith.addi %scan3A_389, %add3A_431 : i32
      %dma_start3A_433 = arith.constant 0 : i32
      %dma_start3A_434 = arith.constant 0 : i32
      %dma_start3A_435 = tpu.memref_slice %arg6[%rem3A_394, %dma_start3A_433, %dma_start3A_434] : memref<3x8x80xi32, #tpu.memory_space<vmem>> -> memref<1x8x80xi32, #tpu.memory_space<vmem>>
      %dma_start3A_436 = tpu.memref_squeeze %dma_start3A_435 : memref<1x8x80xi32, #tpu.memory_space<vmem>> -> memref<8x80xi32, #tpu.memory_space<vmem>>
      %dma_start3A_437 = arith.constant 0 : i32
      %dma_start3A_438 = arith.constant 0 : i32
      %dma_start3A_439 = tpu.memref_slice %arg3[%add3A, %add3A_432, %dma_start3A_437, %dma_start3A_438] : memref<32x16x8x80xi32, #tpu.memory_space<hbm>> -> memref<1x1x8x80xi32, #tpu.memory_space<hbm>>
      %dma_start3A_440 = tpu.memref_squeeze %dma_start3A_439 : memref<1x1x8x80xi32, #tpu.memory_space<hbm>> -> memref<8x80xi32, #tpu.memory_space<hbm>>
      %dma_start3A_441 = arith.constant 0 : i32
      %dma_start3A_442 = arith.constant 0 : i32
      %dma_start3A_443 = tpu.memref_slice %arg6[%rem3A_394, %dma_start3A_441, %dma_start3A_442] : memref<3x8x80xi32, #tpu.memory_space<vmem>> -> memref<1x8x80xi32, #tpu.memory_space<vmem>>
      %dma_start3A_444 = tpu.memref_squeeze %dma_start3A_443 : memref<1x8x80xi32, #tpu.memory_space<vmem>> -> memref<8x80xi32, #tpu.memory_space<vmem>>
      %dma_start3A_445 = arith.constant 0 : i32
      %dma_start3A_446 = arith.constant 0 : i32
      %dma_start3A_447 = tpu.memref_slice %arg3[%add3A, %add3A_432, %dma_start3A_445, %dma_start3A_446] : memref<32x16x8x80xi32, #tpu.memory_space<hbm>> -> memref<1x1x8x80xi32, #tpu.memory_space<hbm>>
      %dma_start3A_448 = tpu.memref_squeeze %dma_start3A_447 : memref<1x1x8x80xi32, #tpu.memory_space<hbm>> -> memref<8x80xi32, #tpu.memory_space<hbm>>
      tpu.enqueue_dma source(%dma_start3A_448 : memref<8x80xi32, #tpu.memory_space<hbm>>) target(%dma_start3A_444 : memref<8x80xi32, #tpu.memory_space<vmem>>) target_semaphore(%arg12 : memref<!tpu.dma_semaphore, #tpu.memory_space<semaphore_mem>>)
      %add3A_449 = arith.constant 1 : i32
      %add3A_450 = arith.addi %scan3A_389, %add3A_449 : i32
      %dma_start3A_451 = arith.constant 0 : i32
      %dma_start3A_452 = arith.constant 0 : i32
      %dma_start3A_453 = tpu.memref_slice %arg7[%rem3A_394, %dma_start3A_451, %dma_start3A_452] : memref<3x8x80xi32, #tpu.memory_space<vmem>> -> memref<1x8x80xi32, #tpu.memory_space<vmem>>
      %dma_start3A_454 = tpu.memref_squeeze %dma_start3A_453 : memref<1x8x80xi32, #tpu.memory_space<vmem>> -> memref<8x80xi32, #tpu.memory_space<vmem>>
      %dma_start3A_455 = arith.constant 0 : i32
      %dma_start3A_456 = arith.constant 0 : i32
      %dma_start3A_457 = tpu.memref_slice %arg4[%add3A, %add3A_450, %dma_start3A_455, %dma_start3A_456] : memref<32x16x8x80xi32, #tpu.memory_space<hbm>> -> memref<1x1x8x80xi32, #tpu.memory_space<hbm>>
      %dma_start3A_458 = tpu.memref_squeeze %dma_start3A_457 : memref<1x1x8x80xi32, #tpu.memory_space<hbm>> -> memref<8x80xi32, #tpu.memory_space<hbm>>
      %dma_start3A_459 = arith.constant 0 : i32
      %dma_start3A_460 = arith.constant 0 : i32
      %dma_start3A_461 = tpu.memref_slice %arg7[%rem3A_394, %dma_start3A_459, %dma_start3A_460] : memref<3x8x80xi32, #tpu.memory_space<vmem>> -> memref<1x8x80xi32, #tpu.memory_space<vmem>>
      %dma_start3A_462 = tpu.memref_squeeze %dma_start3A_461 : memref<1x8x80xi32, #tpu.memory_space<vmem>> -> memref<8x80xi32, #tpu.memory_space<vmem>>
      %dma_start3A_463 = arith.constant 0 : i32
      %dma_start3A_464 = arith.constant 0 : i32
      %dma_start3A_465 = tpu.memref_slice %arg4[%add3A, %add3A_450, %dma_start3A_463, %dma_start3A_464] : memref<32x16x8x80xi32, #tpu.memory_space<hbm>> -> memref<1x1x8x80xi32, #tpu.memory_space<hbm>>
      %dma_start3A_466 = tpu.memref_squeeze %dma_start3A_465 : memref<1x1x8x80xi32, #tpu.memory_space<hbm>> -> memref<8x80xi32, #tpu.memory_space<hbm>>
      tpu.enqueue_dma source(%dma_start3A_466 : memref<8x80xi32, #tpu.memory_space<hbm>>) target(%dma_start3A_462 : memref<8x80xi32, #tpu.memory_space<vmem>>) target_semaphore(%arg12 : memref<!tpu.dma_semaphore, #tpu.memory_space<semaphore_mem>>)
      %dma_start3A_467 = arith.constant 0 : i32
      %dma_start3A_468 = arith.constant 0 : i32
      %dma_start3A_469 = arith.constant 0 : i32
      %dma_start3A_470 = arith.constant 0 : i32
      %dma_start3A_471 = tpu.memref_slice %arg8[%dma_start3A_468, %dma_start3A_469, %dma_start3A_470] : memref<4x80x128xf32, #tpu.memory_space<vmem>> -> memref<1x80x128xf32, #tpu.memory_space<vmem>>
      %dma_start3A_472 = tpu.memref_squeeze %dma_start3A_471 : memref<1x80x128xf32, #tpu.memory_space<vmem>> -> memref<80x128xf32, #tpu.memory_space<vmem>>
      %dma_start3A_473 = arith.constant 0 : i32
      %dma_start3A_474 = tpu.memref_slice %arg6[%rem3A_390, %dma_start3A_467, %dma_start3A_473] : memref<3x8x80xi32, #tpu.memory_space<vmem>> -> memref<1x1x80xi32, #tpu.memory_space<vmem>>
      %dma_start3A_475 = tpu.memref_squeeze %dma_start3A_474 : memref<1x1x80xi32, #tpu.memory_space<vmem>> -> memref<80xi32, #tpu.memory_space<vmem>>
      %dma_start3A_476 = arith.constant 0 : i32
      %dma_start3A_477 = arith.constant 0 : i32
      %dma_start3A_478 = tpu.memref_slice %arg2[%dma_start3A_476, %dma_start3A_477] : memref<10000x128xf32, #tpu.memory_space<hbm>> -> memref<10000x128xf32, #tpu.memory_space<hbm>>
      tpu.enqueue_indirect_dma source(%dma_start3A_478 : memref<10000x128xf32, #tpu.memory_space<hbm>>) target(%dma_start3A_472 : memref<80x128xf32, #tpu.memory_space<vmem>>) offsets(%dma_start3A_475 : memref<80xi32, #tpu.memory_space<vmem>>) semaphore(%arg10 : memref<!tpu.dma_semaphore, #tpu.memory_space<semaphore_mem>>)
      %dma_start3A_479 = arith.constant 1 : i32
      %dma_start3A_480 = arith.constant 1 : i32
      %dma_start3A_481 = arith.constant 0 : i32
      %dma_start3A_482 = arith.constant 0 : i32
      %dma_start3A_483 = tpu.memref_slice %arg8[%dma_start3A_480, %dma_start3A_481, %dma_start3A_482] : memref<4x80x128xf32, #tpu.memory_space<vmem>> -> memref<1x80x128xf32, #tpu.memory_space<vmem>>
      %dma_start3A_484 = tpu.memref_squeeze %dma_start3A_483 : memref<1x80x128xf32, #tpu.memory_space<vmem>> -> memref<80x128xf32, #tpu.memory_space<vmem>>
      %dma_start3A_485 = arith.constant 0 : i32
      %dma_start3A_486 = tpu.memref_slice %arg6[%rem3A_390, %dma_start3A_479, %dma_start3A_485] : memref<3x8x80xi32, #tpu.memory_space<vmem>> -> memref<1x1x80xi32, #tpu.memory_space<vmem>>
      %dma_start3A_487 = tpu.memref_squeeze %dma_start3A_486 : memref<1x1x80xi32, #tpu.memory_space<vmem>> -> memref<80xi32, #tpu.memory_space<vmem>>
      %dma_start3A_488 = arith.constant 0 : i32
      %dma_start3A_489 = arith.constant 0 : i32
      %dma_start3A_490 = tpu.memref_slice %arg2[%dma_start3A_488, %dma_start3A_489] : memref<10000x128xf32, #tpu.memory_space<hbm>> -> memref<10000x128xf32, #tpu.memory_space<hbm>>
      tpu.enqueue_indirect_dma source(%dma_start3A_490 : memref<10000x128xf32, #tpu.memory_space<hbm>>) target(%dma_start3A_484 : memref<80x128xf32, #tpu.memory_space<vmem>>) offsets(%dma_start3A_487 : memref<80xi32, #tpu.memory_space<vmem>>) semaphore(%arg10 : memref<!tpu.dma_semaphore, #tpu.memory_space<semaphore_mem>>)
      %dma_wait3A_491 = arith.constant 0 : i32
      %dma_wait3A_492 = arith.constant 0 : i32
      %dma_wait3A_493 = arith.constant 0 : i32
      %dma_wait3A_494 = arith.constant 0 : i32
      %dma_wait3A_495 = tpu.memref_slice %arg8[%dma_wait3A_492, %dma_wait3A_493, %dma_wait3A_494] : memref<4x80x128xf32, #tpu.memory_space<vmem>> -> memref<1x80x128xf32, #tpu.memory_space<vmem>>
      %dma_wait3A_496 = tpu.memref_squeeze %dma_wait3A_495 : memref<1x80x128xf32, #tpu.memory_space<vmem>> -> memref<80x128xf32, #tpu.memory_space<vmem>>
      %dma_wait3A_497 = arith.constant 0 : i32
      %dma_wait3A_498 = tpu.memref_slice %arg6[%rem3A_390, %dma_wait3A_491, %dma_wait3A_497] : memref<3x8x80xi32, #tpu.memory_space<vmem>> -> memref<1x1x80xi32, #tpu.memory_space<vmem>>
      %dma_wait3A_499 = tpu.memref_squeeze %dma_wait3A_498 : memref<1x1x80xi32, #tpu.memory_space<vmem>> -> memref<80xi32, #tpu.memory_space<vmem>>
      %dma_wait3A_500 = arith.constant 0 : i32
      %dma_wait3A_501 = arith.constant 0 : i32
      %dma_wait3A_502 = tpu.memref_slice %arg2[%dma_wait3A_500, %dma_wait3A_501] : memref<10000x128xf32, #tpu.memory_space<hbm>> -> memref<10000x128xf32, #tpu.memory_space<hbm>>
      tpu.wait_indirect_dma semaphore(%arg10 : memref<!tpu.dma_semaphore, #tpu.memory_space<semaphore_mem>>) src(%dma_wait3A_502 : memref<10000x128xf32, #tpu.memory_space<hbm>>) dst(%dma_wait3A_496 : memref<80x128xf32, #tpu.memory_space<vmem>>)
      %dma_wait3A_503 = arith.constant 1 : i32
      %dma_wait3A_504 = arith.constant 1 : i32
      %dma_wait3A_505 = arith.constant 0 : i32
      %dma_wait3A_506 = arith.constant 0 : i32
      %dma_wait3A_507 = tpu.memref_slice %arg8[%dma_wait3A_504, %dma_wait3A_505, %dma_wait3A_506] : memref<4x80x128xf32, #tpu.memory_space<vmem>> -> memref<1x80x128xf32, #tpu.memory_space<vmem>>
      %dma_wait3A_508 = tpu.memref_squeeze %dma_wait3A_507 : memref<1x80x128xf32, #tpu.memory_space<vmem>> -> memref<80x128xf32, #tpu.memory_space<vmem>>
      %dma_wait3A_509 = arith.constant 0 : i32
      %dma_wait3A_510 = tpu.memref_slice %arg6[%rem3A_390, %dma_wait3A_503, %dma_wait3A_509] : memref<3x8x80xi32, #tpu.memory_space<vmem>> -> memref<1x1x80xi32, #tpu.memory_space<vmem>>
      %dma_wait3A_511 = tpu.memref_squeeze %dma_wait3A_510 : memref<1x1x80xi32, #tpu.memory_space<vmem>> -> memref<80xi32, #tpu.memory_space<vmem>>
      %dma_wait3A_512 = arith.constant 0 : i32
      %dma_wait3A_513 = arith.constant 0 : i32
      %dma_wait3A_514 = tpu.memref_slice %arg2[%dma_wait3A_512, %dma_wait3A_513] : memref<10000x128xf32, #tpu.memory_space<hbm>> -> memref<10000x128xf32, #tpu.memory_space<hbm>>
      tpu.wait_indirect_dma semaphore(%arg10 : memref<!tpu.dma_semaphore, #tpu.memory_space<semaphore_mem>>) src(%dma_wait3A_514 : memref<10000x128xf32, #tpu.memory_space<hbm>>) dst(%dma_wait3A_508 : memref<80x128xf32, #tpu.memory_space<vmem>>)
      %dma_start3A_515 = arith.constant 0 : i32
      %dma_start3A_516 = arith.constant 0 : i32
      %dma_start3A_517 = arith.constant 0 : i32
      %dma_start3A_518 = arith.constant 0 : i32
      %dma_start3A_519 = tpu.memref_slice %arg8[%dma_start3A_515, %dma_start3A_517, %dma_start3A_518] : memref<4x80x128xf32, #tpu.memory_space<vmem>> -> memref<1x80x128xf32, #tpu.memory_space<vmem>>
      %dma_start3A_520 = tpu.memref_squeeze %dma_start3A_519 : memref<1x80x128xf32, #tpu.memory_space<vmem>> -> memref<80x128xf32, #tpu.memory_space<vmem>>
      %dma_start3A_521 = arith.constant 0 : i32
      %dma_start3A_522 = tpu.memref_slice %arg7[%rem3A_390, %dma_start3A_516, %dma_start3A_521] : memref<3x8x80xi32, #tpu.memory_space<vmem>> -> memref<1x1x80xi32, #tpu.memory_space<vmem>>
      %dma_start3A_523 = tpu.memref_squeeze %dma_start3A_522 : memref<1x1x80xi32, #tpu.memory_space<vmem>> -> memref<80xi32, #tpu.memory_space<vmem>>
      %dma_start3A_524 = arith.constant 0 : i32
      %dma_start3A_525 = arith.constant 0 : i32
      %dma_start3A_526 = tpu.memref_slice %arg9[%dma_start3A_524, %dma_start3A_525] : memref<10000x128xf32, #tpu.memory_space<vmem_shared>> -> memref<10000x128xf32, #tpu.memory_space<vmem_shared>>
      tpu.enqueue_indirect_dma source(%dma_start3A_520 : memref<80x128xf32, #tpu.memory_space<vmem>>) target(%dma_start3A_526 : memref<10000x128xf32, #tpu.memory_space<vmem_shared>>) offsets(%dma_start3A_523 : memref<80xi32, #tpu.memory_space<vmem>>) semaphore(%arg11 : memref<!tpu.dma_semaphore, #tpu.memory_space<semaphore_mem>>) {add = true}
      %dma_start3A_527 = arith.constant 1 : i32
      %dma_start3A_528 = arith.constant 1 : i32
      %dma_start3A_529 = arith.constant 0 : i32
      %dma_start3A_530 = arith.constant 0 : i32
      %dma_start3A_531 = tpu.memref_slice %arg8[%dma_start3A_527, %dma_start3A_529, %dma_start3A_530] : memref<4x80x128xf32, #tpu.memory_space<vmem>> -> memref<1x80x128xf32, #tpu.memory_space<vmem>>
      %dma_start3A_532 = tpu.memref_squeeze %dma_start3A_531 : memref<1x80x128xf32, #tpu.memory_space<vmem>> -> memref<80x128xf32, #tpu.memory_space<vmem>>
      %dma_start3A_533 = arith.constant 0 : i32
      %dma_start3A_534 = tpu.memref_slice %arg7[%rem3A_390, %dma_start3A_528, %dma_start3A_533] : memref<3x8x80xi32, #tpu.memory_space<vmem>> -> memref<1x1x80xi32, #tpu.memory_space<vmem>>
      %dma_start3A_535 = tpu.memref_squeeze %dma_start3A_534 : memref<1x1x80xi32, #tpu.memory_space<vmem>> -> memref<80xi32, #tpu.memory_space<vmem>>
      %dma_start3A_536 = arith.constant 0 : i32
      %dma_start3A_537 = arith.constant 0 : i32
      %dma_start3A_538 = tpu.memref_slice %arg9[%dma_start3A_536, %dma_start3A_537] : memref<10000x128xf32, #tpu.memory_space<vmem_shared>> -> memref<10000x128xf32, #tpu.memory_space<vmem_shared>>
      tpu.enqueue_indirect_dma source(%dma_start3A_532 : memref<80x128xf32, #tpu.memory_space<vmem>>) target(%dma_start3A_538 : memref<10000x128xf32, #tpu.memory_space<vmem_shared>>) offsets(%dma_start3A_535 : memref<80xi32, #tpu.memory_space<vmem>>) semaphore(%arg11 : memref<!tpu.dma_semaphore, #tpu.memory_space<semaphore_mem>>) {add = true}
      %gt3A = arith.constant 0 : i32
      %gt3A_539 = arith.cmpi sgt, %scan3A_389, %gt3A : i32
      %convert_element_type3A = arith.extui %gt3A_539 : i1 to i32
      %cond3A = arith.constant 0 : i32
      %cond3A_540 = arith.cmpi ne, %convert_element_type3A, %cond3A : i32
      scf.if %cond3A_540 {
        %dma_wait3A_829 = arith.constant 2 : i32
        %dma_wait3A_830 = arith.constant 0 : i32
        %dma_wait3A_831 = arith.constant 0 : i32
        %dma_wait3A_832 = tpu.memref_slice %arg8[%dma_wait3A_829, %dma_wait3A_830, %dma_wait3A_831] : memref<4x80x128xf32, #tpu.memory_space<vmem>> -> memref<1x80x128xf32, #tpu.memory_space<vmem>>
        %dma_wait3A_833 = tpu.memref_squeeze %dma_wait3A_832 : memref<1x80x128xf32, #tpu.memory_space<vmem>> -> memref<80x128xf32, #tpu.memory_space<vmem>>
        %dma_wait3A_834 = arith.constant 0 : i32
        %dma_wait3A_835 = arith.constant 0 : i32
        %dma_wait3A_836 = tpu.memref_slice %arg9[%dma_wait3A_834, %dma_wait3A_835] : memref<10000x128xf32, #tpu.memory_space<vmem_shared>> -> memref<80x128xf32, #tpu.memory_space<vmem_shared>>
        %dma_wait3A_837 = arith.constant 0 : i32
        %dma_wait3A_838 = arith.constant 0 : i32
        %dma_wait3A_839 = tpu.memref_slice %arg9[%dma_wait3A_837, %dma_wait3A_838] : memref<10000x128xf32, #tpu.memory_space<vmem_shared>> -> memref<80x128xf32, #tpu.memory_space<vmem_shared>>
        %dma_wait3A_840 = arith.constant 0 : i32
        %dma_wait3A_841 = arith.constant 0 : i32
        %dma_wait3A_842 = tpu.memref_slice %arg8[%dma_wait3A_829, %dma_wait3A_840, %dma_wait3A_841] : memref<4x80x128xf32, #tpu.memory_space<vmem>> -> memref<1x80x128xf32, #tpu.memory_space<vmem>>
        %dma_wait3A_843 = tpu.memref_squeeze %dma_wait3A_842 : memref<1x80x128xf32, #tpu.memory_space<vmem>> -> memref<80x128xf32, #tpu.memory_space<vmem>>
        tpu.wait_dma2 semaphore(%arg11 : memref<!tpu.dma_semaphore, #tpu.memory_space<semaphore_mem>>) src(%dma_wait3A_843 : memref<80x128xf32, #tpu.memory_space<vmem>>) dst(%dma_wait3A_839 : memref<80x128xf32, #tpu.memory_space<vmem_shared>>)
        %dma_wait3A_844 = arith.constant 2 : i32
        %dma_wait3A_845 = arith.constant 0 : i32
        %dma_wait3A_846 = arith.constant 0 : i32
        %dma_wait3A_847 = tpu.memref_slice %arg8[%dma_wait3A_844, %dma_wait3A_845, %dma_wait3A_846] : memref<4x80x128xf32, #tpu.memory_space<vmem>> -> memref<1x80x128xf32, #tpu.memory_space<vmem>>
        %dma_wait3A_848 = tpu.memref_squeeze %dma_wait3A_847 : memref<1x80x128xf32, #tpu.memory_space<vmem>> -> memref<80x128xf32, #tpu.memory_space<vmem>>
        %dma_wait3A_849 = arith.constant 0 : i32
        %dma_wait3A_850 = arith.constant 0 : i32
        %dma_wait3A_851 = tpu.memref_slice %arg9[%dma_wait3A_849, %dma_wait3A_850] : memref<10000x128xf32, #tpu.memory_space<vmem_shared>> -> memref<80x128xf32, #tpu.memory_space<vmem_shared>>
        %dma_wait3A_852 = arith.constant 0 : i32
        %dma_wait3A_853 = arith.constant 0 : i32
        %dma_wait3A_854 = tpu.memref_slice %arg9[%dma_wait3A_852, %dma_wait3A_853] : memref<10000x128xf32, #tpu.memory_space<vmem_shared>> -> memref<80x128xf32, #tpu.memory_space<vmem_shared>>
        %dma_wait3A_855 = arith.constant 0 : i32
        %dma_wait3A_856 = arith.constant 0 : i32
        %dma_wait3A_857 = tpu.memref_slice %arg8[%dma_wait3A_844, %dma_wait3A_855, %dma_wait3A_856] : memref<4x80x128xf32, #tpu.memory_space<vmem>> -> memref<1x80x128xf32, #tpu.memory_space<vmem>>
        %dma_wait3A_858 = tpu.memref_squeeze %dma_wait3A_857 : memref<1x80x128xf32, #tpu.memory_space<vmem>> -> memref<80x128xf32, #tpu.memory_space<vmem>>
        tpu.wait_dma2 semaphore(%arg11 : memref<!tpu.dma_semaphore, #tpu.memory_space<semaphore_mem>>) src(%dma_wait3A_858 : memref<80x128xf32, #tpu.memory_space<vmem>>) dst(%dma_wait3A_854 : memref<80x128xf32, #tpu.memory_space<vmem_shared>>)
      } else {
      }
      %dma_start3A_541 = arith.constant 2 : i32
      %dma_start3A_542 = arith.constant 2 : i32
      %dma_start3A_543 = arith.constant 0 : i32
      %dma_start3A_544 = arith.constant 0 : i32
      %dma_start3A_545 = tpu.memref_slice %arg8[%dma_start3A_542, %dma_start3A_543, %dma_start3A_544] : memref<4x80x128xf32, #tpu.memory_space<vmem>> -> memref<1x80x128xf32, #tpu.memory_space<vmem>>
      %dma_start3A_546 = tpu.memref_squeeze %dma_start3A_545 : memref<1x80x128xf32, #tpu.memory_space<vmem>> -> memref<80x128xf32, #tpu.memory_space<vmem>>
      %dma_start3A_547 = arith.constant 0 : i32
      %dma_start3A_548 = tpu.memref_slice %arg6[%rem3A_390, %dma_start3A_541, %dma_start3A_547] : memref<3x8x80xi32, #tpu.memory_space<vmem>> -> memref<1x1x80xi32, #tpu.memory_space<vmem>>
      %dma_start3A_549 = tpu.memref_squeeze %dma_start3A_548 : memref<1x1x80xi32, #tpu.memory_space<vmem>> -> memref<80xi32, #tpu.memory_space<vmem>>
      %dma_start3A_550 = arith.constant 0 : i32
      %dma_start3A_551 = arith.constant 0 : i32
      %dma_start3A_552 = tpu.memref_slice %arg2[%dma_start3A_550, %dma_start3A_551] : memref<10000x128xf32, #tpu.memory_space<hbm>> -> memref<10000x128xf32, #tpu.memory_space<hbm>>
      tpu.enqueue_indirect_dma source(%dma_start3A_552 : memref<10000x128xf32, #tpu.memory_space<hbm>>) target(%dma_start3A_546 : memref<80x128xf32, #tpu.memory_space<vmem>>) offsets(%dma_start3A_549 : memref<80xi32, #tpu.memory_space<vmem>>) semaphore(%arg10 : memref<!tpu.dma_semaphore, #tpu.memory_space<semaphore_mem>>)
      %dma_start3A_553 = arith.constant 3 : i32
      %dma_start3A_554 = arith.constant 3 : i32
      %dma_start3A_555 = arith.constant 0 : i32
      %dma_start3A_556 = arith.constant 0 : i32
      %dma_start3A_557 = tpu.memref_slice %arg8[%dma_start3A_554, %dma_start3A_555, %dma_start3A_556] : memref<4x80x128xf32, #tpu.memory_space<vmem>> -> memref<1x80x128xf32, #tpu.memory_space<vmem>>
      %dma_start3A_558 = tpu.memref_squeeze %dma_start3A_557 : memref<1x80x128xf32, #tpu.memory_space<vmem>> -> memref<80x128xf32, #tpu.memory_space<vmem>>
      %dma_start3A_559 = arith.constant 0 : i32
      %dma_start3A_560 = tpu.memref_slice %arg6[%rem3A_390, %dma_start3A_553, %dma_start3A_559] : memref<3x8x80xi32, #tpu.memory_space<vmem>> -> memref<1x1x80xi32, #tpu.memory_space<vmem>>
      %dma_start3A_561 = tpu.memref_squeeze %dma_start3A_560 : memref<1x1x80xi32, #tpu.memory_space<vmem>> -> memref<80xi32, #tpu.memory_space<vmem>>
      %dma_start3A_562 = arith.constant 0 : i32
      %dma_start3A_563 = arith.constant 0 : i32
      %dma_start3A_564 = tpu.memref_slice %arg2[%dma_start3A_562, %dma_start3A_563] : memref<10000x128xf32, #tpu.memory_space<hbm>> -> memref<10000x128xf32, #tpu.memory_space<hbm>>
      tpu.enqueue_indirect_dma source(%dma_start3A_564 : memref<10000x128xf32, #tpu.memory_space<hbm>>) target(%dma_start3A_558 : memref<80x128xf32, #tpu.memory_space<vmem>>) offsets(%dma_start3A_561 : memref<80xi32, #tpu.memory_space<vmem>>) semaphore(%arg10 : memref<!tpu.dma_semaphore, #tpu.memory_space<semaphore_mem>>)
      %dma_wait3A_565 = arith.constant 2 : i32
      %dma_wait3A_566 = arith.constant 2 : i32
      %dma_wait3A_567 = arith.constant 0 : i32
      %dma_wait3A_568 = arith.constant 0 : i32
      %dma_wait3A_569 = tpu.memref_slice %arg8[%dma_wait3A_566, %dma_wait3A_567, %dma_wait3A_568] : memref<4x80x128xf32, #tpu.memory_space<vmem>> -> memref<1x80x128xf32, #tpu.memory_space<vmem>>
      %dma_wait3A_570 = tpu.memref_squeeze %dma_wait3A_569 : memref<1x80x128xf32, #tpu.memory_space<vmem>> -> memref<80x128xf32, #tpu.memory_space<vmem>>
      %dma_wait3A_571 = arith.constant 0 : i32
      %dma_wait3A_572 = tpu.memref_slice %arg6[%rem3A_390, %dma_wait3A_565, %dma_wait3A_571] : memref<3x8x80xi32, #tpu.memory_space<vmem>> -> memref<1x1x80xi32, #tpu.memory_space<vmem>>
      %dma_wait3A_573 = tpu.memref_squeeze %dma_wait3A_572 : memref<1x1x80xi32, #tpu.memory_space<vmem>> -> memref<80xi32, #tpu.memory_space<vmem>>
      %dma_wait3A_574 = arith.constant 0 : i32
      %dma_wait3A_575 = arith.constant 0 : i32
      %dma_wait3A_576 = tpu.memref_slice %arg2[%dma_wait3A_574, %dma_wait3A_575] : memref<10000x128xf32, #tpu.memory_space<hbm>> -> memref<10000x128xf32, #tpu.memory_space<hbm>>
      tpu.wait_indirect_dma semaphore(%arg10 : memref<!tpu.dma_semaphore, #tpu.memory_space<semaphore_mem>>) src(%dma_wait3A_576 : memref<10000x128xf32, #tpu.memory_space<hbm>>) dst(%dma_wait3A_570 : memref<80x128xf32, #tpu.memory_space<vmem>>)
      %dma_wait3A_577 = arith.constant 3 : i32
      %dma_wait3A_578 = arith.constant 3 : i32
      %dma_wait3A_579 = arith.constant 0 : i32
      %dma_wait3A_580 = arith.constant 0 : i32
      %dma_wait3A_581 = tpu.memref_slice %arg8[%dma_wait3A_578, %dma_wait3A_579, %dma_wait3A_580] : memref<4x80x128xf32, #tpu.memory_space<vmem>> -> memref<1x80x128xf32, #tpu.memory_space<vmem>>
      %dma_wait3A_582 = tpu.memref_squeeze %dma_wait3A_581 : memref<1x80x128xf32, #tpu.memory_space<vmem>> -> memref<80x128xf32, #tpu.memory_space<vmem>>
      %dma_wait3A_583 = arith.constant 0 : i32
      %dma_wait3A_584 = tpu.memref_slice %arg6[%rem3A_390, %dma_wait3A_577, %dma_wait3A_583] : memref<3x8x80xi32, #tpu.memory_space<vmem>> -> memref<1x1x80xi32, #tpu.memory_space<vmem>>
      %dma_wait3A_585 = tpu.memref_squeeze %dma_wait3A_584 : memref<1x1x80xi32, #tpu.memory_space<vmem>> -> memref<80xi32, #tpu.memory_space<vmem>>
      %dma_wait3A_586 = arith.constant 0 : i32
      %dma_wait3A_587 = arith.constant 0 : i32
      %dma_wait3A_588 = tpu.memref_slice %arg2[%dma_wait3A_586, %dma_wait3A_587] : memref<10000x128xf32, #tpu.memory_space<hbm>> -> memref<10000x128xf32, #tpu.memory_space<hbm>>
      tpu.wait_indirect_dma semaphore(%arg10 : memref<!tpu.dma_semaphore, #tpu.memory_space<semaphore_mem>>) src(%dma_wait3A_588 : memref<10000x128xf32, #tpu.memory_space<hbm>>) dst(%dma_wait3A_582 : memref<80x128xf32, #tpu.memory_space<vmem>>)
      %dma_start3A_589 = arith.constant 2 : i32
      %dma_start3A_590 = arith.constant 2 : i32
      %dma_start3A_591 = arith.constant 0 : i32
      %dma_start3A_592 = arith.constant 0 : i32
      %dma_start3A_593 = tpu.memref_slice %arg8[%dma_start3A_589, %dma_start3A_591, %dma_start3A_592] : memref<4x80x128xf32, #tpu.memory_space<vmem>> -> memref<1x80x128xf32, #tpu.memory_space<vmem>>
      %dma_start3A_594 = tpu.memref_squeeze %dma_start3A_593 : memref<1x80x128xf32, #tpu.memory_space<vmem>> -> memref<80x128xf32, #tpu.memory_space<vmem>>
      %dma_start3A_595 = arith.constant 0 : i32
      %dma_start3A_596 = tpu.memref_slice %arg7[%rem3A_390, %dma_start3A_590, %dma_start3A_595] : memref<3x8x80xi32, #tpu.memory_space<vmem>> -> memref<1x1x80xi32, #tpu.memory_space<vmem>>
      %dma_start3A_597 = tpu.memref_squeeze %dma_start3A_596 : memref<1x1x80xi32, #tpu.memory_space<vmem>> -> memref<80xi32, #tpu.memory_space<vmem>>
      %dma_start3A_598 = arith.constant 0 : i32
      %dma_start3A_599 = arith.constant 0 : i32
      %dma_start3A_600 = tpu.memref_slice %arg9[%dma_start3A_598, %dma_start3A_599] : memref<10000x128xf32, #tpu.memory_space<vmem_shared>> -> memref<10000x128xf32, #tpu.memory_space<vmem_shared>>
      tpu.enqueue_indirect_dma source(%dma_start3A_594 : memref<80x128xf32, #tpu.memory_space<vmem>>) target(%dma_start3A_600 : memref<10000x128xf32, #tpu.memory_space<vmem_shared>>) offsets(%dma_start3A_597 : memref<80xi32, #tpu.memory_space<vmem>>) semaphore(%arg11 : memref<!tpu.dma_semaphore, #tpu.memory_space<semaphore_mem>>) {add = true}
      %dma_start3A_601 = arith.constant 3 : i32
      %dma_start3A_602 = arith.constant 3 : i32
      %dma_start3A_603 = arith.constant 0 : i32
      %dma_start3A_604 = arith.constant 0 : i32
      %dma_start3A_605 = tpu.memref_slice %arg8[%dma_start3A_601, %dma_start3A_603, %dma_start3A_604] : memref<4x80x128xf32, #tpu.memory_space<vmem>> -> memref<1x80x128xf32, #tpu.memory_space<vmem>>
      %dma_start3A_606 = tpu.memref_squeeze %dma_start3A_605 : memref<1x80x128xf32, #tpu.memory_space<vmem>> -> memref<80x128xf32, #tpu.memory_space<vmem>>
      %dma_start3A_607 = arith.constant 0 : i32
      %dma_start3A_608 = tpu.memref_slice %arg7[%rem3A_390, %dma_start3A_602, %dma_start3A_607] : memref<3x8x80xi32, #tpu.memory_space<vmem>> -> memref<1x1x80xi32, #tpu.memory_space<vmem>>
      %dma_start3A_609 = tpu.memref_squeeze %dma_start3A_608 : memref<1x1x80xi32, #tpu.memory_space<vmem>> -> memref<80xi32, #tpu.memory_space<vmem>>
      %dma_start3A_610 = arith.constant 0 : i32
      %dma_start3A_611 = arith.constant 0 : i32
      %dma_start3A_612 = tpu.memref_slice %arg9[%dma_start3A_610, %dma_start3A_611] : memref<10000x128xf32, #tpu.memory_space<vmem_shared>> -> memref<10000x128xf32, #tpu.memory_space<vmem_shared>>
      tpu.enqueue_indirect_dma source(%dma_start3A_606 : memref<80x128xf32, #tpu.memory_space<vmem>>) target(%dma_start3A_612 : memref<10000x128xf32, #tpu.memory_space<vmem_shared>>) offsets(%dma_start3A_609 : memref<80xi32, #tpu.memory_space<vmem>>) semaphore(%arg11 : memref<!tpu.dma_semaphore, #tpu.memory_space<semaphore_mem>>) {add = true}
      %dma_wait3A_613 = arith.constant 0 : i32
      %dma_wait3A_614 = arith.constant 0 : i32
      %dma_wait3A_615 = arith.constant 0 : i32
      %dma_wait3A_616 = arith.constant 0 : i32
      %dma_wait3A_617 = tpu.memref_slice %arg8[%dma_wait3A_613, %dma_wait3A_615, %dma_wait3A_616] : memref<4x80x128xf32, #tpu.memory_space<vmem>> -> memref<1x80x128xf32, #tpu.memory_space<vmem>>
      %dma_wait3A_618 = tpu.memref_squeeze %dma_wait3A_617 : memref<1x80x128xf32, #tpu.memory_space<vmem>> -> memref<80x128xf32, #tpu.memory_space<vmem>>
      %dma_wait3A_619 = arith.constant 0 : i32
      %dma_wait3A_620 = tpu.memref_slice %arg7[%rem3A_390, %dma_wait3A_614, %dma_wait3A_619] : memref<3x8x80xi32, #tpu.memory_space<vmem>> -> memref<1x1x80xi32, #tpu.memory_space<vmem>>
      %dma_wait3A_621 = tpu.memref_squeeze %dma_wait3A_620 : memref<1x1x80xi32, #tpu.memory_space<vmem>> -> memref<80xi32, #tpu.memory_space<vmem>>
      %dma_wait3A_622 = arith.constant 0 : i32
      %dma_wait3A_623 = arith.constant 0 : i32
      %dma_wait3A_624 = tpu.memref_slice %arg9[%dma_wait3A_622, %dma_wait3A_623] : memref<10000x128xf32, #tpu.memory_space<vmem_shared>> -> memref<10000x128xf32, #tpu.memory_space<vmem_shared>>
      tpu.wait_indirect_dma semaphore(%arg11 : memref<!tpu.dma_semaphore, #tpu.memory_space<semaphore_mem>>) src(%dma_wait3A_618 : memref<80x128xf32, #tpu.memory_space<vmem>>) dst(%dma_wait3A_624 : memref<10000x128xf32, #tpu.memory_space<vmem_shared>>)
      %dma_wait3A_625 = arith.constant 1 : i32
      %dma_wait3A_626 = arith.constant 1 : i32
      %dma_wait3A_627 = arith.constant 0 : i32
      %dma_wait3A_628 = arith.constant 0 : i32
      %dma_wait3A_629 = tpu.memref_slice %arg8[%dma_wait3A_625, %dma_wait3A_627, %dma_wait3A_628] : memref<4x80x128xf32, #tpu.memory_space<vmem>> -> memref<1x80x128xf32, #tpu.memory_space<vmem>>
      %dma_wait3A_630 = tpu.memref_squeeze %dma_wait3A_629 : memref<1x80x128xf32, #tpu.memory_space<vmem>> -> memref<80x128xf32, #tpu.memory_space<vmem>>
      %dma_wait3A_631 = arith.constant 0 : i32
      %dma_wait3A_632 = tpu.memref_slice %arg7[%rem3A_390, %dma_wait3A_626, %dma_wait3A_631] : memref<3x8x80xi32, #tpu.memory_space<vmem>> -> memref<1x1x80xi32, #tpu.memory_space<vmem>>
      %dma_wait3A_633 = tpu.memref_squeeze %dma_wait3A_632 : memref<1x1x80xi32, #tpu.memory_space<vmem>> -> memref<80xi32, #tpu.memory_space<vmem>>
      %dma_wait3A_634 = arith.constant 0 : i32
      %dma_wait3A_635 = arith.constant 0 : i32
      %dma_wait3A_636 = tpu.memref_slice %arg9[%dma_wait3A_634, %dma_wait3A_635] : memref<10000x128xf32, #tpu.memory_space<vmem_shared>> -> memref<10000x128xf32, #tpu.memory_space<vmem_shared>>
      tpu.wait_indirect_dma semaphore(%arg11 : memref<!tpu.dma_semaphore, #tpu.memory_space<semaphore_mem>>) src(%dma_wait3A_630 : memref<80x128xf32, #tpu.memory_space<vmem>>) dst(%dma_wait3A_636 : memref<10000x128xf32, #tpu.memory_space<vmem_shared>>)
      %dma_start3A_637 = arith.constant 4 : i32
      %dma_start3A_638 = arith.constant 0 : i32
      %dma_start3A_639 = arith.constant 0 : i32
      %dma_start3A_640 = arith.constant 0 : i32
      %dma_start3A_641 = tpu.memref_slice %arg8[%dma_start3A_638, %dma_start3A_639, %dma_start3A_640] : memref<4x80x128xf32, #tpu.memory_space<vmem>> -> memref<1x80x128xf32, #tpu.memory_space<vmem>>
      %dma_start3A_642 = tpu.memref_squeeze %dma_start3A_641 : memref<1x80x128xf32, #tpu.memory_space<vmem>> -> memref<80x128xf32, #tpu.memory_space<vmem>>
      %dma_start3A_643 = arith.constant 0 : i32
      %dma_start3A_644 = tpu.memref_slice %arg6[%rem3A_390, %dma_start3A_637, %dma_start3A_643] : memref<3x8x80xi32, #tpu.memory_space<vmem>> -> memref<1x1x80xi32, #tpu.memory_space<vmem>>
      %dma_start3A_645 = tpu.memref_squeeze %dma_start3A_644 : memref<1x1x80xi32, #tpu.memory_space<vmem>> -> memref<80xi32, #tpu.memory_space<vmem>>
      %dma_start3A_646 = arith.constant 0 : i32
      %dma_start3A_647 = arith.constant 0 : i32
      %dma_start3A_648 = tpu.memref_slice %arg2[%dma_start3A_646, %dma_start3A_647] : memref<10000x128xf32, #tpu.memory_space<hbm>> -> memref<10000x128xf32, #tpu.memory_space<hbm>>
      tpu.enqueue_indirect_dma source(%dma_start3A_648 : memref<10000x128xf32, #tpu.memory_space<hbm>>) target(%dma_start3A_642 : memref<80x128xf32, #tpu.memory_space<vmem>>) offsets(%dma_start3A_645 : memref<80xi32, #tpu.memory_space<vmem>>) semaphore(%arg10 : memref<!tpu.dma_semaphore, #tpu.memory_space<semaphore_mem>>)
      %dma_start3A_649 = arith.constant 5 : i32
      %dma_start3A_650 = arith.constant 1 : i32
      %dma_start3A_651 = arith.constant 0 : i32
      %dma_start3A_652 = arith.constant 0 : i32
      %dma_start3A_653 = tpu.memref_slice %arg8[%dma_start3A_650, %dma_start3A_651, %dma_start3A_652] : memref<4x80x128xf32, #tpu.memory_space<vmem>> -> memref<1x80x128xf32, #tpu.memory_space<vmem>>
      %dma_start3A_654 = tpu.memref_squeeze %dma_start3A_653 : memref<1x80x128xf32, #tpu.memory_space<vmem>> -> memref<80x128xf32, #tpu.memory_space<vmem>>
      %dma_start3A_655 = arith.constant 0 : i32
      %dma_start3A_656 = tpu.memref_slice %arg6[%rem3A_390, %dma_start3A_649, %dma_start3A_655] : memref<3x8x80xi32, #tpu.memory_space<vmem>> -> memref<1x1x80xi32, #tpu.memory_space<vmem>>
      %dma_start3A_657 = tpu.memref_squeeze %dma_start3A_656 : memref<1x1x80xi32, #tpu.memory_space<vmem>> -> memref<80xi32, #tpu.memory_space<vmem>>
      %dma_start3A_658 = arith.constant 0 : i32
      %dma_start3A_659 = arith.constant 0 : i32
      %dma_start3A_660 = tpu.memref_slice %arg2[%dma_start3A_658, %dma_start3A_659] : memref<10000x128xf32, #tpu.memory_space<hbm>> -> memref<10000x128xf32, #tpu.memory_space<hbm>>
      tpu.enqueue_indirect_dma source(%dma_start3A_660 : memref<10000x128xf32, #tpu.memory_space<hbm>>) target(%dma_start3A_654 : memref<80x128xf32, #tpu.memory_space<vmem>>) offsets(%dma_start3A_657 : memref<80xi32, #tpu.memory_space<vmem>>) semaphore(%arg10 : memref<!tpu.dma_semaphore, #tpu.memory_space<semaphore_mem>>)
      %dma_wait3A_661 = arith.constant 4 : i32
      %dma_wait3A_662 = arith.constant 0 : i32
      %dma_wait3A_663 = arith.constant 0 : i32
      %dma_wait3A_664 = arith.constant 0 : i32
      %dma_wait3A_665 = tpu.memref_slice %arg8[%dma_wait3A_662, %dma_wait3A_663, %dma_wait3A_664] : memref<4x80x128xf32, #tpu.memory_space<vmem>> -> memref<1x80x128xf32, #tpu.memory_space<vmem>>
      %dma_wait3A_666 = tpu.memref_squeeze %dma_wait3A_665 : memref<1x80x128xf32, #tpu.memory_space<vmem>> -> memref<80x128xf32, #tpu.memory_space<vmem>>
      %dma_wait3A_667 = arith.constant 0 : i32
      %dma_wait3A_668 = tpu.memref_slice %arg6[%rem3A_390, %dma_wait3A_661, %dma_wait3A_667] : memref<3x8x80xi32, #tpu.memory_space<vmem>> -> memref<1x1x80xi32, #tpu.memory_space<vmem>>
      %dma_wait3A_669 = tpu.memref_squeeze %dma_wait3A_668 : memref<1x1x80xi32, #tpu.memory_space<vmem>> -> memref<80xi32, #tpu.memory_space<vmem>>
      %dma_wait3A_670 = arith.constant 0 : i32
      %dma_wait3A_671 = arith.constant 0 : i32
      %dma_wait3A_672 = tpu.memref_slice %arg2[%dma_wait3A_670, %dma_wait3A_671] : memref<10000x128xf32, #tpu.memory_space<hbm>> -> memref<10000x128xf32, #tpu.memory_space<hbm>>
      tpu.wait_indirect_dma semaphore(%arg10 : memref<!tpu.dma_semaphore, #tpu.memory_space<semaphore_mem>>) src(%dma_wait3A_672 : memref<10000x128xf32, #tpu.memory_space<hbm>>) dst(%dma_wait3A_666 : memref<80x128xf32, #tpu.memory_space<vmem>>)
      %dma_wait3A_673 = arith.constant 5 : i32
      %dma_wait3A_674 = arith.constant 1 : i32
      %dma_wait3A_675 = arith.constant 0 : i32
      %dma_wait3A_676 = arith.constant 0 : i32
      %dma_wait3A_677 = tpu.memref_slice %arg8[%dma_wait3A_674, %dma_wait3A_675, %dma_wait3A_676] : memref<4x80x128xf32, #tpu.memory_space<vmem>> -> memref<1x80x128xf32, #tpu.memory_space<vmem>>
      %dma_wait3A_678 = tpu.memref_squeeze %dma_wait3A_677 : memref<1x80x128xf32, #tpu.memory_space<vmem>> -> memref<80x128xf32, #tpu.memory_space<vmem>>
      %dma_wait3A_679 = arith.constant 0 : i32
      %dma_wait3A_680 = tpu.memref_slice %arg6[%rem3A_390, %dma_wait3A_673, %dma_wait3A_679] : memref<3x8x80xi32, #tpu.memory_space<vmem>> -> memref<1x1x80xi32, #tpu.memory_space<vmem>>
      %dma_wait3A_681 = tpu.memref_squeeze %dma_wait3A_680 : memref<1x1x80xi32, #tpu.memory_space<vmem>> -> memref<80xi32, #tpu.memory_space<vmem>>
      %dma_wait3A_682 = arith.constant 0 : i32
      %dma_wait3A_683 = arith.constant 0 : i32
      %dma_wait3A_684 = tpu.memref_slice %arg2[%dma_wait3A_682, %dma_wait3A_683] : memref<10000x128xf32, #tpu.memory_space<hbm>> -> memref<10000x128xf32, #tpu.memory_space<hbm>>
      tpu.wait_indirect_dma semaphore(%arg10 : memref<!tpu.dma_semaphore, #tpu.memory_space<semaphore_mem>>) src(%dma_wait3A_684 : memref<10000x128xf32, #tpu.memory_space<hbm>>) dst(%dma_wait3A_678 : memref<80x128xf32, #tpu.memory_space<vmem>>)
      %dma_start3A_685 = arith.constant 0 : i32
      %dma_start3A_686 = arith.constant 4 : i32
      %dma_start3A_687 = arith.constant 0 : i32
      %dma_start3A_688 = arith.constant 0 : i32
      %dma_start3A_689 = tpu.memref_slice %arg8[%dma_start3A_685, %dma_start3A_687, %dma_start3A_688] : memref<4x80x128xf32, #tpu.memory_space<vmem>> -> memref<1x80x128xf32, #tpu.memory_space<vmem>>
      %dma_start3A_690 = tpu.memref_squeeze %dma_start3A_689 : memref<1x80x128xf32, #tpu.memory_space<vmem>> -> memref<80x128xf32, #tpu.memory_space<vmem>>
      %dma_start3A_691 = arith.constant 0 : i32
      %dma_start3A_692 = tpu.memref_slice %arg7[%rem3A_390, %dma_start3A_686, %dma_start3A_691] : memref<3x8x80xi32, #tpu.memory_space<vmem>> -> memref<1x1x80xi32, #tpu.memory_space<vmem>>
      %dma_start3A_693 = tpu.memref_squeeze %dma_start3A_692 : memref<1x1x80xi32, #tpu.memory_space<vmem>> -> memref<80xi32, #tpu.memory_space<vmem>>
      %dma_start3A_694 = arith.constant 0 : i32
      %dma_start3A_695 = arith.constant 0 : i32
      %dma_start3A_696 = tpu.memref_slice %arg9[%dma_start3A_694, %dma_start3A_695] : memref<10000x128xf32, #tpu.memory_space<vmem_shared>> -> memref<10000x128xf32, #tpu.memory_space<vmem_shared>>
      tpu.enqueue_indirect_dma source(%dma_start3A_690 : memref<80x128xf32, #tpu.memory_space<vmem>>) target(%dma_start3A_696 : memref<10000x128xf32, #tpu.memory_space<vmem_shared>>) offsets(%dma_start3A_693 : memref<80xi32, #tpu.memory_space<vmem>>) semaphore(%arg11 : memref<!tpu.dma_semaphore, #tpu.memory_space<semaphore_mem>>) {add = true}
      %dma_start3A_697 = arith.constant 1 : i32
      %dma_start3A_698 = arith.constant 5 : i32
      %dma_start3A_699 = arith.constant 0 : i32
      %dma_start3A_700 = arith.constant 0 : i32
      %dma_start3A_701 = tpu.memref_slice %arg8[%dma_start3A_697, %dma_start3A_699, %dma_start3A_700] : memref<4x80x128xf32, #tpu.memory_space<vmem>> -> memref<1x80x128xf32, #tpu.memory_space<vmem>>
      %dma_start3A_702 = tpu.memref_squeeze %dma_start3A_701 : memref<1x80x128xf32, #tpu.memory_space<vmem>> -> memref<80x128xf32, #tpu.memory_space<vmem>>
      %dma_start3A_703 = arith.constant 0 : i32
      %dma_start3A_704 = tpu.memref_slice %arg7[%rem3A_390, %dma_start3A_698, %dma_start3A_703] : memref<3x8x80xi32, #tpu.memory_space<vmem>> -> memref<1x1x80xi32, #tpu.memory_space<vmem>>
      %dma_start3A_705 = tpu.memref_squeeze %dma_start3A_704 : memref<1x1x80xi32, #tpu.memory_space<vmem>> -> memref<80xi32, #tpu.memory_space<vmem>>
      %dma_start3A_706 = arith.constant 0 : i32
      %dma_start3A_707 = arith.constant 0 : i32
      %dma_start3A_708 = tpu.memref_slice %arg9[%dma_start3A_706, %dma_start3A_707] : memref<10000x128xf32, #tpu.memory_space<vmem_shared>> -> memref<10000x128xf32, #tpu.memory_space<vmem_shared>>
      tpu.enqueue_indirect_dma source(%dma_start3A_702 : memref<80x128xf32, #tpu.memory_space<vmem>>) target(%dma_start3A_708 : memref<10000x128xf32, #tpu.memory_space<vmem_shared>>) offsets(%dma_start3A_705 : memref<80xi32, #tpu.memory_space<vmem>>) semaphore(%arg11 : memref<!tpu.dma_semaphore, #tpu.memory_space<semaphore_mem>>) {add = true}
      %dma_wait3A_709 = arith.constant 2 : i32
      %dma_wait3A_710 = arith.constant 2 : i32
      %dma_wait3A_711 = arith.constant 0 : i32
      %dma_wait3A_712 = arith.constant 0 : i32
      %dma_wait3A_713 = tpu.memref_slice %arg8[%dma_wait3A_709, %dma_wait3A_711, %dma_wait3A_712] : memref<4x80x128xf32, #tpu.memory_space<vmem>> -> memref<1x80x128xf32, #tpu.memory_space<vmem>>
      %dma_wait3A_714 = tpu.memref_squeeze %dma_wait3A_713 : memref<1x80x128xf32, #tpu.memory_space<vmem>> -> memref<80x128xf32, #tpu.memory_space<vmem>>
      %dma_wait3A_715 = arith.constant 0 : i32
      %dma_wait3A_716 = tpu.memref_slice %arg7[%rem3A_390, %dma_wait3A_710, %dma_wait3A_715] : memref<3x8x80xi32, #tpu.memory_space<vmem>> -> memref<1x1x80xi32, #tpu.memory_space<vmem>>
      %dma_wait3A_717 = tpu.memref_squeeze %dma_wait3A_716 : memref<1x1x80xi32, #tpu.memory_space<vmem>> -> memref<80xi32, #tpu.memory_space<vmem>>
      %dma_wait3A_718 = arith.constant 0 : i32
      %dma_wait3A_719 = arith.constant 0 : i32
      %dma_wait3A_720 = tpu.memref_slice %arg9[%dma_wait3A_718, %dma_wait3A_719] : memref<10000x128xf32, #tpu.memory_space<vmem_shared>> -> memref<10000x128xf32, #tpu.memory_space<vmem_shared>>
      tpu.wait_indirect_dma semaphore(%arg11 : memref<!tpu.dma_semaphore, #tpu.memory_space<semaphore_mem>>) src(%dma_wait3A_714 : memref<80x128xf32, #tpu.memory_space<vmem>>) dst(%dma_wait3A_720 : memref<10000x128xf32, #tpu.memory_space<vmem_shared>>)
      %dma_wait3A_721 = arith.constant 3 : i32
      %dma_wait3A_722 = arith.constant 3 : i32
      %dma_wait3A_723 = arith.constant 0 : i32
      %dma_wait3A_724 = arith.constant 0 : i32
      %dma_wait3A_725 = tpu.memref_slice %arg8[%dma_wait3A_721, %dma_wait3A_723, %dma_wait3A_724] : memref<4x80x128xf32, #tpu.memory_space<vmem>> -> memref<1x80x128xf32, #tpu.memory_space<vmem>>
      %dma_wait3A_726 = tpu.memref_squeeze %dma_wait3A_725 : memref<1x80x128xf32, #tpu.memory_space<vmem>> -> memref<80x128xf32, #tpu.memory_space<vmem>>
      %dma_wait3A_727 = arith.constant 0 : i32
      %dma_wait3A_728 = tpu.memref_slice %arg7[%rem3A_390, %dma_wait3A_722, %dma_wait3A_727] : memref<3x8x80xi32, #tpu.memory_space<vmem>> -> memref<1x1x80xi32, #tpu.memory_space<vmem>>
      %dma_wait3A_729 = tpu.memref_squeeze %dma_wait3A_728 : memref<1x1x80xi32, #tpu.memory_space<vmem>> -> memref<80xi32, #tpu.memory_space<vmem>>
      %dma_wait3A_730 = arith.constant 0 : i32
      %dma_wait3A_731 = arith.constant 0 : i32
      %dma_wait3A_732 = tpu.memref_slice %arg9[%dma_wait3A_730, %dma_wait3A_731] : memref<10000x128xf32, #tpu.memory_space<vmem_shared>> -> memref<10000x128xf32, #tpu.memory_space<vmem_shared>>
      tpu.wait_indirect_dma semaphore(%arg11 : memref<!tpu.dma_semaphore, #tpu.memory_space<semaphore_mem>>) src(%dma_wait3A_726 : memref<80x128xf32, #tpu.memory_space<vmem>>) dst(%dma_wait3A_732 : memref<10000x128xf32, #tpu.memory_space<vmem_shared>>)
      %dma_start3A_733 = arith.constant 6 : i32
      %dma_start3A_734 = arith.constant 2 : i32
      %dma_start3A_735 = arith.constant 0 : i32
      %dma_start3A_736 = arith.constant 0 : i32
      %dma_start3A_737 = tpu.memref_slice %arg8[%dma_start3A_734, %dma_start3A_735, %dma_start3A_736] : memref<4x80x128xf32, #tpu.memory_space<vmem>> -> memref<1x80x128xf32, #tpu.memory_space<vmem>>
      %dma_start3A_738 = tpu.memref_squeeze %dma_start3A_737 : memref<1x80x128xf32, #tpu.memory_space<vmem>> -> memref<80x128xf32, #tpu.memory_space<vmem>>
      %dma_start3A_739 = arith.constant 0 : i32
      %dma_start3A_740 = tpu.memref_slice %arg6[%rem3A_390, %dma_start3A_733, %dma_start3A_739] : memref<3x8x80xi32, #tpu.memory_space<vmem>> -> memref<1x1x80xi32, #tpu.memory_space<vmem>>
      %dma_start3A_741 = tpu.memref_squeeze %dma_start3A_740 : memref<1x1x80xi32, #tpu.memory_space<vmem>> -> memref<80xi32, #tpu.memory_space<vmem>>
      %dma_start3A_742 = arith.constant 0 : i32
      %dma_start3A_743 = arith.constant 0 : i32
      %dma_start3A_744 = tpu.memref_slice %arg2[%dma_start3A_742, %dma_start3A_743] : memref<10000x128xf32, #tpu.memory_space<hbm>> -> memref<10000x128xf32, #tpu.memory_space<hbm>>
      tpu.enqueue_indirect_dma source(%dma_start3A_744 : memref<10000x128xf32, #tpu.memory_space<hbm>>) target(%dma_start3A_738 : memref<80x128xf32, #tpu.memory_space<vmem>>) offsets(%dma_start3A_741 : memref<80xi32, #tpu.memory_space<vmem>>) semaphore(%arg10 : memref<!tpu.dma_semaphore, #tpu.memory_space<semaphore_mem>>)
      %dma_start3A_745 = arith.constant 7 : i32
      %dma_start3A_746 = arith.constant 3 : i32
      %dma_start3A_747 = arith.constant 0 : i32
      %dma_start3A_748 = arith.constant 0 : i32
      %dma_start3A_749 = tpu.memref_slice %arg8[%dma_start3A_746, %dma_start3A_747, %dma_start3A_748] : memref<4x80x128xf32, #tpu.memory_space<vmem>> -> memref<1x80x128xf32, #tpu.memory_space<vmem>>
      %dma_start3A_750 = tpu.memref_squeeze %dma_start3A_749 : memref<1x80x128xf32, #tpu.memory_space<vmem>> -> memref<80x128xf32, #tpu.memory_space<vmem>>
      %dma_start3A_751 = arith.constant 0 : i32
      %dma_start3A_752 = tpu.memref_slice %arg6[%rem3A_390, %dma_start3A_745, %dma_start3A_751] : memref<3x8x80xi32, #tpu.memory_space<vmem>> -> memref<1x1x80xi32, #tpu.memory_space<vmem>>
      %dma_start3A_753 = tpu.memref_squeeze %dma_start3A_752 : memref<1x1x80xi32, #tpu.memory_space<vmem>> -> memref<80xi32, #tpu.memory_space<vmem>>
      %dma_start3A_754 = arith.constant 0 : i32
      %dma_start3A_755 = arith.constant 0 : i32
      %dma_start3A_756 = tpu.memref_slice %arg2[%dma_start3A_754, %dma_start3A_755] : memref<10000x128xf32, #tpu.memory_space<hbm>> -> memref<10000x128xf32, #tpu.memory_space<hbm>>
      tpu.enqueue_indirect_dma source(%dma_start3A_756 : memref<10000x128xf32, #tpu.memory_space<hbm>>) target(%dma_start3A_750 : memref<80x128xf32, #tpu.memory_space<vmem>>) offsets(%dma_start3A_753 : memref<80xi32, #tpu.memory_space<vmem>>) semaphore(%arg10 : memref<!tpu.dma_semaphore, #tpu.memory_space<semaphore_mem>>)
      %dma_wait3A_757 = arith.constant 6 : i32
      %dma_wait3A_758 = arith.constant 2 : i32
      %dma_wait3A_759 = arith.constant 0 : i32
      %dma_wait3A_760 = arith.constant 0 : i32
      %dma_wait3A_761 = tpu.memref_slice %arg8[%dma_wait3A_758, %dma_wait3A_759, %dma_wait3A_760] : memref<4x80x128xf32, #tpu.memory_space<vmem>> -> memref<1x80x128xf32, #tpu.memory_space<vmem>>
      %dma_wait3A_762 = tpu.memref_squeeze %dma_wait3A_761 : memref<1x80x128xf32, #tpu.memory_space<vmem>> -> memref<80x128xf32, #tpu.memory_space<vmem>>
      %dma_wait3A_763 = arith.constant 0 : i32
      %dma_wait3A_764 = tpu.memref_slice %arg6[%rem3A_390, %dma_wait3A_757, %dma_wait3A_763] : memref<3x8x80xi32, #tpu.memory_space<vmem>> -> memref<1x1x80xi32, #tpu.memory_space<vmem>>
      %dma_wait3A_765 = tpu.memref_squeeze %dma_wait3A_764 : memref<1x1x80xi32, #tpu.memory_space<vmem>> -> memref<80xi32, #tpu.memory_space<vmem>>
      %dma_wait3A_766 = arith.constant 0 : i32
      %dma_wait3A_767 = arith.constant 0 : i32
      %dma_wait3A_768 = tpu.memref_slice %arg2[%dma_wait3A_766, %dma_wait3A_767] : memref<10000x128xf32, #tpu.memory_space<hbm>> -> memref<10000x128xf32, #tpu.memory_space<hbm>>
      tpu.wait_indirect_dma semaphore(%arg10 : memref<!tpu.dma_semaphore, #tpu.memory_space<semaphore_mem>>) src(%dma_wait3A_768 : memref<10000x128xf32, #tpu.memory_space<hbm>>) dst(%dma_wait3A_762 : memref<80x128xf32, #tpu.memory_space<vmem>>)
      %dma_wait3A_769 = arith.constant 7 : i32
      %dma_wait3A_770 = arith.constant 3 : i32
      %dma_wait3A_771 = arith.constant 0 : i32
      %dma_wait3A_772 = arith.constant 0 : i32
      %dma_wait3A_773 = tpu.memref_slice %arg8[%dma_wait3A_770, %dma_wait3A_771, %dma_wait3A_772] : memref<4x80x128xf32, #tpu.memory_space<vmem>> -> memref<1x80x128xf32, #tpu.memory_space<vmem>>
      %dma_wait3A_774 = tpu.memref_squeeze %dma_wait3A_773 : memref<1x80x128xf32, #tpu.memory_space<vmem>> -> memref<80x128xf32, #tpu.memory_space<vmem>>
      %dma_wait3A_775 = arith.constant 0 : i32
      %dma_wait3A_776 = tpu.memref_slice %arg6[%rem3A_390, %dma_wait3A_769, %dma_wait3A_775] : memref<3x8x80xi32, #tpu.memory_space<vmem>> -> memref<1x1x80xi32, #tpu.memory_space<vmem>>
      %dma_wait3A_777 = tpu.memref_squeeze %dma_wait3A_776 : memref<1x1x80xi32, #tpu.memory_space<vmem>> -> memref<80xi32, #tpu.memory_space<vmem>>
      %dma_wait3A_778 = arith.constant 0 : i32
      %dma_wait3A_779 = arith.constant 0 : i32
      %dma_wait3A_780 = tpu.memref_slice %arg2[%dma_wait3A_778, %dma_wait3A_779] : memref<10000x128xf32, #tpu.memory_space<hbm>> -> memref<10000x128xf32, #tpu.memory_space<hbm>>
      tpu.wait_indirect_dma semaphore(%arg10 : memref<!tpu.dma_semaphore, #tpu.memory_space<semaphore_mem>>) src(%dma_wait3A_780 : memref<10000x128xf32, #tpu.memory_space<hbm>>) dst(%dma_wait3A_774 : memref<80x128xf32, #tpu.memory_space<vmem>>)
      %dma_start3A_781 = arith.constant 2 : i32
      %dma_start3A_782 = arith.constant 6 : i32
      %dma_start3A_783 = arith.constant 0 : i32
      %dma_start3A_784 = arith.constant 0 : i32
      %dma_start3A_785 = tpu.memref_slice %arg8[%dma_start3A_781, %dma_start3A_783, %dma_start3A_784] : memref<4x80x128xf32, #tpu.memory_space<vmem>> -> memref<1x80x128xf32, #tpu.memory_space<vmem>>
      %dma_start3A_786 = tpu.memref_squeeze %dma_start3A_785 : memref<1x80x128xf32, #tpu.memory_space<vmem>> -> memref<80x128xf32, #tpu.memory_space<vmem>>
      %dma_start3A_787 = arith.constant 0 : i32
      %dma_start3A_788 = tpu.memref_slice %arg7[%rem3A_390, %dma_start3A_782, %dma_start3A_787] : memref<3x8x80xi32, #tpu.memory_space<vmem>> -> memref<1x1x80xi32, #tpu.memory_space<vmem>>
      %dma_start3A_789 = tpu.memref_squeeze %dma_start3A_788 : memref<1x1x80xi32, #tpu.memory_space<vmem>> -> memref<80xi32, #tpu.memory_space<vmem>>
      %dma_start3A_790 = arith.constant 0 : i32
      %dma_start3A_791 = arith.constant 0 : i32
      %dma_start3A_792 = tpu.memref_slice %arg9[%dma_start3A_790, %dma_start3A_791] : memref<10000x128xf32, #tpu.memory_space<vmem_shared>> -> memref<10000x128xf32, #tpu.memory_space<vmem_shared>>
      tpu.enqueue_indirect_dma source(%dma_start3A_786 : memref<80x128xf32, #tpu.memory_space<vmem>>) target(%dma_start3A_792 : memref<10000x128xf32, #tpu.memory_space<vmem_shared>>) offsets(%dma_start3A_789 : memref<80xi32, #tpu.memory_space<vmem>>) semaphore(%arg11 : memref<!tpu.dma_semaphore, #tpu.memory_space<semaphore_mem>>) {add = true}
      %dma_start3A_793 = arith.constant 3 : i32
      %dma_start3A_794 = arith.constant 7 : i32
      %dma_start3A_795 = arith.constant 0 : i32
      %dma_start3A_796 = arith.constant 0 : i32
      %dma_start3A_797 = tpu.memref_slice %arg8[%dma_start3A_793, %dma_start3A_795, %dma_start3A_796] : memref<4x80x128xf32, #tpu.memory_space<vmem>> -> memref<1x80x128xf32, #tpu.memory_space<vmem>>
      %dma_start3A_798 = tpu.memref_squeeze %dma_start3A_797 : memref<1x80x128xf32, #tpu.memory_space<vmem>> -> memref<80x128xf32, #tpu.memory_space<vmem>>
      %dma_start3A_799 = arith.constant 0 : i32
      %dma_start3A_800 = tpu.memref_slice %arg7[%rem3A_390, %dma_start3A_794, %dma_start3A_799] : memref<3x8x80xi32, #tpu.memory_space<vmem>> -> memref<1x1x80xi32, #tpu.memory_space<vmem>>
      %dma_start3A_801 = tpu.memref_squeeze %dma_start3A_800 : memref<1x1x80xi32, #tpu.memory_space<vmem>> -> memref<80xi32, #tpu.memory_space<vmem>>
      %dma_start3A_802 = arith.constant 0 : i32
      %dma_start3A_803 = arith.constant 0 : i32
      %dma_start3A_804 = tpu.memref_slice %arg9[%dma_start3A_802, %dma_start3A_803] : memref<10000x128xf32, #tpu.memory_space<vmem_shared>> -> memref<10000x128xf32, #tpu.memory_space<vmem_shared>>
      tpu.enqueue_indirect_dma source(%dma_start3A_798 : memref<80x128xf32, #tpu.memory_space<vmem>>) target(%dma_start3A_804 : memref<10000x128xf32, #tpu.memory_space<vmem_shared>>) offsets(%dma_start3A_801 : memref<80xi32, #tpu.memory_space<vmem>>) semaphore(%arg11 : memref<!tpu.dma_semaphore, #tpu.memory_space<semaphore_mem>>) {add = true}
      %dma_wait3A_805 = arith.constant 0 : i32
      %dma_wait3A_806 = arith.constant 4 : i32
      %dma_wait3A_807 = arith.constant 0 : i32
      %dma_wait3A_808 = arith.constant 0 : i32
      %dma_wait3A_809 = tpu.memref_slice %arg8[%dma_wait3A_805, %dma_wait3A_807, %dma_wait3A_808] : memref<4x80x128xf32, #tpu.memory_space<vmem>> -> memref<1x80x128xf32, #tpu.memory_space<vmem>>
      %dma_wait3A_810 = tpu.memref_squeeze %dma_wait3A_809 : memref<1x80x128xf32, #tpu.memory_space<vmem>> -> memref<80x128xf32, #tpu.memory_space<vmem>>
      %dma_wait3A_811 = arith.constant 0 : i32
      %dma_wait3A_812 = tpu.memref_slice %arg7[%rem3A_390, %dma_wait3A_806, %dma_wait3A_811] : memref<3x8x80xi32, #tpu.memory_space<vmem>> -> memref<1x1x80xi32, #tpu.memory_space<vmem>>
      %dma_wait3A_813 = tpu.memref_squeeze %dma_wait3A_812 : memref<1x1x80xi32, #tpu.memory_space<vmem>> -> memref<80xi32, #tpu.memory_space<vmem>>
      %dma_wait3A_814 = arith.constant 0 : i32
      %dma_wait3A_815 = arith.constant 0 : i32
      %dma_wait3A_816 = tpu.memref_slice %arg9[%dma_wait3A_814, %dma_wait3A_815] : memref<10000x128xf32, #tpu.memory_space<vmem_shared>> -> memref<10000x128xf32, #tpu.memory_space<vmem_shared>>
      tpu.wait_indirect_dma semaphore(%arg11 : memref<!tpu.dma_semaphore, #tpu.memory_space<semaphore_mem>>) src(%dma_wait3A_810 : memref<80x128xf32, #tpu.memory_space<vmem>>) dst(%dma_wait3A_816 : memref<10000x128xf32, #tpu.memory_space<vmem_shared>>)
      %dma_wait3A_817 = arith.constant 1 : i32
      %dma_wait3A_818 = arith.constant 5 : i32
      %dma_wait3A_819 = arith.constant 0 : i32
      %dma_wait3A_820 = arith.constant 0 : i32
      %dma_wait3A_821 = tpu.memref_slice %arg8[%dma_wait3A_817, %dma_wait3A_819, %dma_wait3A_820] : memref<4x80x128xf32, #tpu.memory_space<vmem>> -> memref<1x80x128xf32, #tpu.memory_space<vmem>>
      %dma_wait3A_822 = tpu.memref_squeeze %dma_wait3A_821 : memref<1x80x128xf32, #tpu.memory_space<vmem>> -> memref<80x128xf32, #tpu.memory_space<vmem>>
      %dma_wait3A_823 = arith.constant 0 : i32
      %dma_wait3A_824 = tpu.memref_slice %arg7[%rem3A_390, %dma_wait3A_818, %dma_wait3A_823] : memref<3x8x80xi32, #tpu.memory_space<vmem>> -> memref<1x1x80xi32, #tpu.memory_space<vmem>>
      %dma_wait3A_825 = tpu.memref_squeeze %dma_wait3A_824 : memref<1x1x80xi32, #tpu.memory_space<vmem>> -> memref<80xi32, #tpu.memory_space<vmem>>
      %dma_wait3A_826 = arith.constant 0 : i32
      %dma_wait3A_827 = arith.constant 0 : i32
      %dma_wait3A_828 = tpu.memref_slice %arg9[%dma_wait3A_826, %dma_wait3A_827] : memref<10000x128xf32, #tpu.memory_space<vmem_shared>> -> memref<10000x128xf32, #tpu.memory_space<vmem_shared>>
      tpu.wait_indirect_dma semaphore(%arg11 : memref<!tpu.dma_semaphore, #tpu.memory_space<semaphore_mem>>) src(%dma_wait3A_822 : memref<80x128xf32, #tpu.memory_space<vmem>>) dst(%dma_wait3A_828 : memref<10000x128xf32, #tpu.memory_space<vmem_shared>>)
    }
    %scan3A_54 = arith.constant 15 : i32
    %dma_wait3A = arith.constant 2 : i32
    %dma_wait3A_55 = arith.constant 0 : i32
    %dma_wait3A_56 = arith.constant 0 : i32
    %dma_wait3A_57 = tpu.memref_slice %arg8[%dma_wait3A, %dma_wait3A_55, %dma_wait3A_56] : memref<4x80x128xf32, #tpu.memory_space<vmem>> -> memref<1x80x128xf32, #tpu.memory_space<vmem>>
    %dma_wait3A_58 = tpu.memref_squeeze %dma_wait3A_57 : memref<1x80x128xf32, #tpu.memory_space<vmem>> -> memref<80x128xf32, #tpu.memory_space<vmem>>
    %dma_wait3A_59 = arith.constant 0 : i32
    %dma_wait3A_60 = arith.constant 0 : i32
    %dma_wait3A_61 = tpu.memref_slice %arg9[%dma_wait3A_59, %dma_wait3A_60] : memref<10000x128xf32, #tpu.memory_space<vmem_shared>> -> memref<80x128xf32, #tpu.memory_space<vmem_shared>>
    %dma_wait3A_62 = arith.constant 0 : i32
    %dma_wait3A_63 = arith.constant 0 : i32
    %dma_wait3A_64 = tpu.memref_slice %arg9[%dma_wait3A_62, %dma_wait3A_63] : memref<10000x128xf32, #tpu.memory_space<vmem_shared>> -> memref<80x128xf32, #tpu.memory_space<vmem_shared>>
    %dma_wait3A_65 = arith.constant 0 : i32
    %dma_wait3A_66 = arith.constant 0 : i32
    %dma_wait3A_67 = tpu.memref_slice %arg8[%dma_wait3A, %dma_wait3A_65, %dma_wait3A_66] : memref<4x80x128xf32, #tpu.memory_space<vmem>> -> memref<1x80x128xf32, #tpu.memory_space<vmem>>
    %dma_wait3A_68 = tpu.memref_squeeze %dma_wait3A_67 : memref<1x80x128xf32, #tpu.memory_space<vmem>> -> memref<80x128xf32, #tpu.memory_space<vmem>>
    tpu.wait_dma2 semaphore(%arg11 : memref<!tpu.dma_semaphore, #tpu.memory_space<semaphore_mem>>) src(%dma_wait3A_68 : memref<80x128xf32, #tpu.memory_space<vmem>>) dst(%dma_wait3A_64 : memref<80x128xf32, #tpu.memory_space<vmem_shared>>)
    %dma_wait3A_69 = arith.constant 2 : i32
    %dma_wait3A_70 = arith.constant 0 : i32
    %dma_wait3A_71 = arith.constant 0 : i32
    %dma_wait3A_72 = tpu.memref_slice %arg8[%dma_wait3A_69, %dma_wait3A_70, %dma_wait3A_71] : memref<4x80x128xf32, #tpu.memory_space<vmem>> -> memref<1x80x128xf32, #tpu.memory_space<vmem>>
    %dma_wait3A_73 = tpu.memref_squeeze %dma_wait3A_72 : memref<1x80x128xf32, #tpu.memory_space<vmem>> -> memref<80x128xf32, #tpu.memory_space<vmem>>
    %dma_wait3A_74 = arith.constant 0 : i32
    %dma_wait3A_75 = arith.constant 0 : i32
    %dma_wait3A_76 = tpu.memref_slice %arg9[%dma_wait3A_74, %dma_wait3A_75] : memref<10000x128xf32, #tpu.memory_space<vmem_shared>> -> memref<80x128xf32, #tpu.memory_space<vmem_shared>>
    %dma_wait3A_77 = arith.constant 0 : i32
    %dma_wait3A_78 = arith.constant 0 : i32
    %dma_wait3A_79 = tpu.memref_slice %arg9[%dma_wait3A_77, %dma_wait3A_78] : memref<10000x128xf32, #tpu.memory_space<vmem_shared>> -> memref<80x128xf32, #tpu.memory_space<vmem_shared>>
    %dma_wait3A_80 = arith.constant 0 : i32
    %dma_wait3A_81 = arith.constant 0 : i32
    %dma_wait3A_82 = tpu.memref_slice %arg8[%dma_wait3A_69, %dma_wait3A_80, %dma_wait3A_81] : memref<4x80x128xf32, #tpu.memory_space<vmem>> -> memref<1x80x128xf32, #tpu.memory_space<vmem>>
    %dma_wait3A_83 = tpu.memref_squeeze %dma_wait3A_82 : memref<1x80x128xf32, #tpu.memory_space<vmem>> -> memref<80x128xf32, #tpu.memory_space<vmem>>
    tpu.wait_dma2 semaphore(%arg11 : memref<!tpu.dma_semaphore, #tpu.memory_space<semaphore_mem>>) src(%dma_wait3A_83 : memref<80x128xf32, #tpu.memory_space<vmem>>) dst(%dma_wait3A_79 : memref<80x128xf32, #tpu.memory_space<vmem_shared>>)
    %dma_wait3A_84 = arith.constant 0 : i32
    %dma_wait3A_85 = arith.constant 0 : i32
    %dma_wait3A_86 = arith.constant 0 : i32
    %dma_wait3A_87 = arith.constant 0 : i32
    %dma_wait3A_88 = arith.constant 0 : i32
    %dma_wait3A_89 = tpu.memref_slice %arg6[%dma_wait3A_86, %dma_wait3A_87, %dma_wait3A_88] : memref<3x8x80xi32, #tpu.memory_space<vmem>> -> memref<1x8x80xi32, #tpu.memory_space<vmem>>
    %dma_wait3A_90 = tpu.memref_squeeze %dma_wait3A_89 : memref<1x8x80xi32, #tpu.memory_space<vmem>> -> memref<8x80xi32, #tpu.memory_space<vmem>>
    %dma_wait3A_91 = arith.constant 0 : i32
    %dma_wait3A_92 = arith.constant 0 : i32
    %dma_wait3A_93 = tpu.memref_slice %arg3[%dma_wait3A_84, %dma_wait3A_85, %dma_wait3A_91, %dma_wait3A_92] : memref<32x16x8x80xi32, #tpu.memory_space<hbm>> -> memref<1x1x8x80xi32, #tpu.memory_space<hbm>>
    %dma_wait3A_94 = tpu.memref_squeeze %dma_wait3A_93 : memref<1x1x8x80xi32, #tpu.memory_space<hbm>> -> memref<8x80xi32, #tpu.memory_space<hbm>>
    %dma_wait3A_95 = arith.constant 0 : i32
    %dma_wait3A_96 = arith.constant 0 : i32
    %dma_wait3A_97 = tpu.memref_slice %arg6[%dma_wait3A_86, %dma_wait3A_95, %dma_wait3A_96] : memref<3x8x80xi32, #tpu.memory_space<vmem>> -> memref<1x8x80xi32, #tpu.memory_space<vmem>>
    %dma_wait3A_98 = tpu.memref_squeeze %dma_wait3A_97 : memref<1x8x80xi32, #tpu.memory_space<vmem>> -> memref<8x80xi32, #tpu.memory_space<vmem>>
    %dma_wait3A_99 = arith.constant 0 : i32
    %dma_wait3A_100 = arith.constant 0 : i32
    %dma_wait3A_101 = tpu.memref_slice %arg3[%dma_wait3A_84, %dma_wait3A_85, %dma_wait3A_99, %dma_wait3A_100] : memref<32x16x8x80xi32, #tpu.memory_space<hbm>> -> memref<1x1x8x80xi32, #tpu.memory_space<hbm>>
    %dma_wait3A_102 = tpu.memref_squeeze %dma_wait3A_101 : memref<1x1x8x80xi32, #tpu.memory_space<hbm>> -> memref<8x80xi32, #tpu.memory_space<hbm>>
    tpu.wait_dma2 semaphore(%arg12 : memref<!tpu.dma_semaphore, #tpu.memory_space<semaphore_mem>>) src(%dma_wait3A_102 : memref<8x80xi32, #tpu.memory_space<hbm>>) dst(%dma_wait3A_98 : memref<8x80xi32, #tpu.memory_space<vmem>>)
    %dma_wait3A_103 = arith.constant 0 : i32
    %dma_wait3A_104 = arith.constant 0 : i32
    %dma_wait3A_105 = arith.constant 0 : i32
    %dma_wait3A_106 = arith.constant 0 : i32
    %dma_wait3A_107 = arith.constant 0 : i32
    %dma_wait3A_108 = tpu.memref_slice %arg7[%dma_wait3A_105, %dma_wait3A_106, %dma_wait3A_107] : memref<3x8x80xi32, #tpu.memory_space<vmem>> -> memref<1x8x80xi32, #tpu.memory_space<vmem>>
    %dma_wait3A_109 = tpu.memref_squeeze %dma_wait3A_108 : memref<1x8x80xi32, #tpu.memory_space<vmem>> -> memref<8x80xi32, #tpu.memory_space<vmem>>
    %dma_wait3A_110 = arith.constant 0 : i32
    %dma_wait3A_111 = arith.constant 0 : i32
    %dma_wait3A_112 = tpu.memref_slice %arg4[%dma_wait3A_103, %dma_wait3A_104, %dma_wait3A_110, %dma_wait3A_111] : memref<32x16x8x80xi32, #tpu.memory_space<hbm>> -> memref<1x1x8x80xi32, #tpu.memory_space<hbm>>
    %dma_wait3A_113 = tpu.memref_squeeze %dma_wait3A_112 : memref<1x1x8x80xi32, #tpu.memory_space<hbm>> -> memref<8x80xi32, #tpu.memory_space<hbm>>
    %dma_wait3A_114 = arith.constant 0 : i32
    %dma_wait3A_115 = arith.constant 0 : i32
    %dma_wait3A_116 = tpu.memref_slice %arg7[%dma_wait3A_105, %dma_wait3A_114, %dma_wait3A_115] : memref<3x8x80xi32, #tpu.memory_space<vmem>> -> memref<1x8x80xi32, #tpu.memory_space<vmem>>
    %dma_wait3A_117 = tpu.memref_squeeze %dma_wait3A_116 : memref<1x8x80xi32, #tpu.memory_space<vmem>> -> memref<8x80xi32, #tpu.memory_space<vmem>>
    %dma_wait3A_118 = arith.constant 0 : i32
    %dma_wait3A_119 = arith.constant 0 : i32
    %dma_wait3A_120 = tpu.memref_slice %arg4[%dma_wait3A_103, %dma_wait3A_104, %dma_wait3A_118, %dma_wait3A_119] : memref<32x16x8x80xi32, #tpu.memory_space<hbm>> -> memref<1x1x8x80xi32, #tpu.memory_space<hbm>>
    %dma_wait3A_121 = tpu.memref_squeeze %dma_wait3A_120 : memref<1x1x8x80xi32, #tpu.memory_space<hbm>> -> memref<8x80xi32, #tpu.memory_space<hbm>>
    tpu.wait_dma2 semaphore(%arg12 : memref<!tpu.dma_semaphore, #tpu.memory_space<semaphore_mem>>) src(%dma_wait3A_121 : memref<8x80xi32, #tpu.memory_space<hbm>>) dst(%dma_wait3A_117 : memref<8x80xi32, #tpu.memory_space<vmem>>)
    %dma_start3A_122 = arith.constant 0 : i32
    %dma_start3A_123 = arith.constant 0 : i32
    %dma_start3A_124 = arith.constant 0 : i32
    %dma_start3A_125 = arith.constant 0 : i32
    %dma_start3A_126 = arith.constant 0 : i32
    %dma_start3A_127 = tpu.memref_slice %arg8[%dma_start3A_124, %dma_start3A_125, %dma_start3A_126] : memref<4x80x128xf32, #tpu.memory_space<vmem>> -> memref<1x80x128xf32, #tpu.memory_space<vmem>>
    %dma_start3A_128 = tpu.memref_squeeze %dma_start3A_127 : memref<1x80x128xf32, #tpu.memory_space<vmem>> -> memref<80x128xf32, #tpu.memory_space<vmem>>
    %dma_start3A_129 = arith.constant 0 : i32
    %dma_start3A_130 = tpu.memref_slice %arg6[%dma_start3A_122, %dma_start3A_123, %dma_start3A_129] : memref<3x8x80xi32, #tpu.memory_space<vmem>> -> memref<1x1x80xi32, #tpu.memory_space<vmem>>
    %dma_start3A_131 = tpu.memref_squeeze %dma_start3A_130 : memref<1x1x80xi32, #tpu.memory_space<vmem>> -> memref<80xi32, #tpu.memory_space<vmem>>
    %dma_start3A_132 = arith.constant 0 : i32
    %dma_start3A_133 = arith.constant 0 : i32
    %dma_start3A_134 = tpu.memref_slice %arg2[%dma_start3A_132, %dma_start3A_133] : memref<10000x128xf32, #tpu.memory_space<hbm>> -> memref<10000x128xf32, #tpu.memory_space<hbm>>
    tpu.enqueue_indirect_dma source(%dma_start3A_134 : memref<10000x128xf32, #tpu.memory_space<hbm>>) target(%dma_start3A_128 : memref<80x128xf32, #tpu.memory_space<vmem>>) offsets(%dma_start3A_131 : memref<80xi32, #tpu.memory_space<vmem>>) semaphore(%arg10 : memref<!tpu.dma_semaphore, #tpu.memory_space<semaphore_mem>>)
    %dma_start3A_135 = arith.constant 0 : i32
    %dma_start3A_136 = arith.constant 1 : i32
    %dma_start3A_137 = arith.constant 1 : i32
    %dma_start3A_138 = arith.constant 0 : i32
    %dma_start3A_139 = arith.constant 0 : i32
    %dma_start3A_140 = tpu.memref_slice %arg8[%dma_start3A_137, %dma_start3A_138, %dma_start3A_139] : memref<4x80x128xf32, #tpu.memory_space<vmem>> -> memref<1x80x128xf32, #tpu.memory_space<vmem>>
    %dma_start3A_141 = tpu.memref_squeeze %dma_start3A_140 : memref<1x80x128xf32, #tpu.memory_space<vmem>> -> memref<80x128xf32, #tpu.memory_space<vmem>>
    %dma_start3A_142 = arith.constant 0 : i32
    %dma_start3A_143 = tpu.memref_slice %arg6[%dma_start3A_135, %dma_start3A_136, %dma_start3A_142] : memref<3x8x80xi32, #tpu.memory_space<vmem>> -> memref<1x1x80xi32, #tpu.memory_space<vmem>>
    %dma_start3A_144 = tpu.memref_squeeze %dma_start3A_143 : memref<1x1x80xi32, #tpu.memory_space<vmem>> -> memref<80xi32, #tpu.memory_space<vmem>>
    %dma_start3A_145 = arith.constant 0 : i32
    %dma_start3A_146 = arith.constant 0 : i32
    %dma_start3A_147 = tpu.memref_slice %arg2[%dma_start3A_145, %dma_start3A_146] : memref<10000x128xf32, #tpu.memory_space<hbm>> -> memref<10000x128xf32, #tpu.memory_space<hbm>>
    tpu.enqueue_indirect_dma source(%dma_start3A_147 : memref<10000x128xf32, #tpu.memory_space<hbm>>) target(%dma_start3A_141 : memref<80x128xf32, #tpu.memory_space<vmem>>) offsets(%dma_start3A_144 : memref<80xi32, #tpu.memory_space<vmem>>) semaphore(%arg10 : memref<!tpu.dma_semaphore, #tpu.memory_space<semaphore_mem>>)
    %dma_wait3A_148 = arith.constant 0 : i32
    %dma_wait3A_149 = arith.constant 0 : i32
    %dma_wait3A_150 = arith.constant 0 : i32
    %dma_wait3A_151 = arith.constant 0 : i32
    %dma_wait3A_152 = arith.constant 0 : i32
    %dma_wait3A_153 = tpu.memref_slice %arg8[%dma_wait3A_150, %dma_wait3A_151, %dma_wait3A_152] : memref<4x80x128xf32, #tpu.memory_space<vmem>> -> memref<1x80x128xf32, #tpu.memory_space<vmem>>
    %dma_wait3A_154 = tpu.memref_squeeze %dma_wait3A_153 : memref<1x80x128xf32, #tpu.memory_space<vmem>> -> memref<80x128xf32, #tpu.memory_space<vmem>>
    %dma_wait3A_155 = arith.constant 0 : i32
    %dma_wait3A_156 = tpu.memref_slice %arg6[%dma_wait3A_148, %dma_wait3A_149, %dma_wait3A_155] : memref<3x8x80xi32, #tpu.memory_space<vmem>> -> memref<1x1x80xi32, #tpu.memory_space<vmem>>
    %dma_wait3A_157 = tpu.memref_squeeze %dma_wait3A_156 : memref<1x1x80xi32, #tpu.memory_space<vmem>> -> memref<80xi32, #tpu.memory_space<vmem>>
    %dma_wait3A_158 = arith.constant 0 : i32
    %dma_wait3A_159 = arith.constant 0 : i32
    %dma_wait3A_160 = tpu.memref_slice %arg2[%dma_wait3A_158, %dma_wait3A_159] : memref<10000x128xf32, #tpu.memory_space<hbm>> -> memref<10000x128xf32, #tpu.memory_space<hbm>>
    tpu.wait_indirect_dma semaphore(%arg10 : memref<!tpu.dma_semaphore, #tpu.memory_space<semaphore_mem>>) src(%dma_wait3A_160 : memref<10000x128xf32, #tpu.memory_space<hbm>>) dst(%dma_wait3A_154 : memref<80x128xf32, #tpu.memory_space<vmem>>)
    %dma_wait3A_161 = arith.constant 0 : i32
    %dma_wait3A_162 = arith.constant 1 : i32
    %dma_wait3A_163 = arith.constant 1 : i32
    %dma_wait3A_164 = arith.constant 0 : i32
    %dma_wait3A_165 = arith.constant 0 : i32
    %dma_wait3A_166 = tpu.memref_slice %arg8[%dma_wait3A_163, %dma_wait3A_164, %dma_wait3A_165] : memref<4x80x128xf32, #tpu.memory_space<vmem>> -> memref<1x80x128xf32, #tpu.memory_space<vmem>>
    %dma_wait3A_167 = tpu.memref_squeeze %dma_wait3A_166 : memref<1x80x128xf32, #tpu.memory_space<vmem>> -> memref<80x128xf32, #tpu.memory_space<vmem>>
    %dma_wait3A_168 = arith.constant 0 : i32
    %dma_wait3A_169 = tpu.memref_slice %arg6[%dma_wait3A_161, %dma_wait3A_162, %dma_wait3A_168] : memref<3x8x80xi32, #tpu.memory_space<vmem>> -> memref<1x1x80xi32, #tpu.memory_space<vmem>>
    %dma_wait3A_170 = tpu.memref_squeeze %dma_wait3A_169 : memref<1x1x80xi32, #tpu.memory_space<vmem>> -> memref<80xi32, #tpu.memory_space<vmem>>
    %dma_wait3A_171 = arith.constant 0 : i32
    %dma_wait3A_172 = arith.constant 0 : i32
    %dma_wait3A_173 = tpu.memref_slice %arg2[%dma_wait3A_171, %dma_wait3A_172] : memref<10000x128xf32, #tpu.memory_space<hbm>> -> memref<10000x128xf32, #tpu.memory_space<hbm>>
    tpu.wait_indirect_dma semaphore(%arg10 : memref<!tpu.dma_semaphore, #tpu.memory_space<semaphore_mem>>) src(%dma_wait3A_173 : memref<10000x128xf32, #tpu.memory_space<hbm>>) dst(%dma_wait3A_167 : memref<80x128xf32, #tpu.memory_space<vmem>>)
    %dma_start3A_174 = arith.constant 0 : i32
    %dma_start3A_175 = arith.constant 0 : i32
    %dma_start3A_176 = arith.constant 0 : i32
    %dma_start3A_177 = arith.constant 0 : i32
    %dma_start3A_178 = arith.constant 0 : i32
    %dma_start3A_179 = tpu.memref_slice %arg8[%dma_start3A_174, %dma_start3A_177, %dma_start3A_178] : memref<4x80x128xf32, #tpu.memory_space<vmem>> -> memref<1x80x128xf32, #tpu.memory_space<vmem>>
    %dma_start3A_180 = tpu.memref_squeeze %dma_start3A_179 : memref<1x80x128xf32, #tpu.memory_space<vmem>> -> memref<80x128xf32, #tpu.memory_space<vmem>>
    %dma_start3A_181 = arith.constant 0 : i32
    %dma_start3A_182 = tpu.memref_slice %arg7[%dma_start3A_175, %dma_start3A_176, %dma_start3A_181] : memref<3x8x80xi32, #tpu.memory_space<vmem>> -> memref<1x1x80xi32, #tpu.memory_space<vmem>>
    %dma_start3A_183 = tpu.memref_squeeze %dma_start3A_182 : memref<1x1x80xi32, #tpu.memory_space<vmem>> -> memref<80xi32, #tpu.memory_space<vmem>>
    %dma_start3A_184 = arith.constant 0 : i32
    %dma_start3A_185 = arith.constant 0 : i32
    %dma_start3A_186 = tpu.memref_slice %arg9[%dma_start3A_184, %dma_start3A_185] : memref<10000x128xf32, #tpu.memory_space<vmem_shared>> -> memref<10000x128xf32, #tpu.memory_space<vmem_shared>>
    tpu.enqueue_indirect_dma source(%dma_start3A_180 : memref<80x128xf32, #tpu.memory_space<vmem>>) target(%dma_start3A_186 : memref<10000x128xf32, #tpu.memory_space<vmem_shared>>) offsets(%dma_start3A_183 : memref<80xi32, #tpu.memory_space<vmem>>) semaphore(%arg11 : memref<!tpu.dma_semaphore, #tpu.memory_space<semaphore_mem>>) {add = true}
    %dma_start3A_187 = arith.constant 1 : i32
    %dma_start3A_188 = arith.constant 0 : i32
    %dma_start3A_189 = arith.constant 1 : i32
    %dma_start3A_190 = arith.constant 0 : i32
    %dma_start3A_191 = arith.constant 0 : i32
    %dma_start3A_192 = tpu.memref_slice %arg8[%dma_start3A_187, %dma_start3A_190, %dma_start3A_191] : memref<4x80x128xf32, #tpu.memory_space<vmem>> -> memref<1x80x128xf32, #tpu.memory_space<vmem>>
    %dma_start3A_193 = tpu.memref_squeeze %dma_start3A_192 : memref<1x80x128xf32, #tpu.memory_space<vmem>> -> memref<80x128xf32, #tpu.memory_space<vmem>>
    %dma_start3A_194 = arith.constant 0 : i32
    %dma_start3A_195 = tpu.memref_slice %arg7[%dma_start3A_188, %dma_start3A_189, %dma_start3A_194] : memref<3x8x80xi32, #tpu.memory_space<vmem>> -> memref<1x1x80xi32, #tpu.memory_space<vmem>>
    %dma_start3A_196 = tpu.memref_squeeze %dma_start3A_195 : memref<1x1x80xi32, #tpu.memory_space<vmem>> -> memref<80xi32, #tpu.memory_space<vmem>>
    %dma_start3A_197 = arith.constant 0 : i32
    %dma_start3A_198 = arith.constant 0 : i32
    %dma_start3A_199 = tpu.memref_slice %arg9[%dma_start3A_197, %dma_start3A_198] : memref<10000x128xf32, #tpu.memory_space<vmem_shared>> -> memref<10000x128xf32, #tpu.memory_space<vmem_shared>>
    tpu.enqueue_indirect_dma source(%dma_start3A_193 : memref<80x128xf32, #tpu.memory_space<vmem>>) target(%dma_start3A_199 : memref<10000x128xf32, #tpu.memory_space<vmem_shared>>) offsets(%dma_start3A_196 : memref<80xi32, #tpu.memory_space<vmem>>) semaphore(%arg11 : memref<!tpu.dma_semaphore, #tpu.memory_space<semaphore_mem>>) {add = true}
    %dma_start3A_200 = arith.constant 0 : i32
    %dma_start3A_201 = arith.constant 2 : i32
    %dma_start3A_202 = arith.constant 2 : i32
    %dma_start3A_203 = arith.constant 0 : i32
    %dma_start3A_204 = arith.constant 0 : i32
    %dma_start3A_205 = tpu.memref_slice %arg8[%dma_start3A_202, %dma_start3A_203, %dma_start3A_204] : memref<4x80x128xf32, #tpu.memory_space<vmem>> -> memref<1x80x128xf32, #tpu.memory_space<vmem>>
    %dma_start3A_206 = tpu.memref_squeeze %dma_start3A_205 : memref<1x80x128xf32, #tpu.memory_space<vmem>> -> memref<80x128xf32, #tpu.memory_space<vmem>>
    %dma_start3A_207 = arith.constant 0 : i32
    %dma_start3A_208 = tpu.memref_slice %arg6[%dma_start3A_200, %dma_start3A_201, %dma_start3A_207] : memref<3x8x80xi32, #tpu.memory_space<vmem>> -> memref<1x1x80xi32, #tpu.memory_space<vmem>>
    %dma_start3A_209 = tpu.memref_squeeze %dma_start3A_208 : memref<1x1x80xi32, #tpu.memory_space<vmem>> -> memref<80xi32, #tpu.memory_space<vmem>>
    %dma_start3A_210 = arith.constant 0 : i32
    %dma_start3A_211 = arith.constant 0 : i32
    %dma_start3A_212 = tpu.memref_slice %arg2[%dma_start3A_210, %dma_start3A_211] : memref<10000x128xf32, #tpu.memory_space<hbm>> -> memref<10000x128xf32, #tpu.memory_space<hbm>>
    tpu.enqueue_indirect_dma source(%dma_start3A_212 : memref<10000x128xf32, #tpu.memory_space<hbm>>) target(%dma_start3A_206 : memref<80x128xf32, #tpu.memory_space<vmem>>) offsets(%dma_start3A_209 : memref<80xi32, #tpu.memory_space<vmem>>) semaphore(%arg10 : memref<!tpu.dma_semaphore, #tpu.memory_space<semaphore_mem>>)
    %dma_start3A_213 = arith.constant 0 : i32
    %dma_start3A_214 = arith.constant 3 : i32
    %dma_start3A_215 = arith.constant 3 : i32
    %dma_start3A_216 = arith.constant 0 : i32
    %dma_start3A_217 = arith.constant 0 : i32
    %dma_start3A_218 = tpu.memref_slice %arg8[%dma_start3A_215, %dma_start3A_216, %dma_start3A_217] : memref<4x80x128xf32, #tpu.memory_space<vmem>> -> memref<1x80x128xf32, #tpu.memory_space<vmem>>
    %dma_start3A_219 = tpu.memref_squeeze %dma_start3A_218 : memref<1x80x128xf32, #tpu.memory_space<vmem>> -> memref<80x128xf32, #tpu.memory_space<vmem>>
    %dma_start3A_220 = arith.constant 0 : i32
    %dma_start3A_221 = tpu.memref_slice %arg6[%dma_start3A_213, %dma_start3A_214, %dma_start3A_220] : memref<3x8x80xi32, #tpu.memory_space<vmem>> -> memref<1x1x80xi32, #tpu.memory_space<vmem>>
    %dma_start3A_222 = tpu.memref_squeeze %dma_start3A_221 : memref<1x1x80xi32, #tpu.memory_space<vmem>> -> memref<80xi32, #tpu.memory_space<vmem>>
    %dma_start3A_223 = arith.constant 0 : i32
    %dma_start3A_224 = arith.constant 0 : i32
    %dma_start3A_225 = tpu.memref_slice %arg2[%dma_start3A_223, %dma_start3A_224] : memref<10000x128xf32, #tpu.memory_space<hbm>> -> memref<10000x128xf32, #tpu.memory_space<hbm>>
    tpu.enqueue_indirect_dma source(%dma_start3A_225 : memref<10000x128xf32, #tpu.memory_space<hbm>>) target(%dma_start3A_219 : memref<80x128xf32, #tpu.memory_space<vmem>>) offsets(%dma_start3A_222 : memref<80xi32, #tpu.memory_space<vmem>>) semaphore(%arg10 : memref<!tpu.dma_semaphore, #tpu.memory_space<semaphore_mem>>)
    %dma_wait3A_226 = arith.constant 0 : i32
    %dma_wait3A_227 = arith.constant 2 : i32
    %dma_wait3A_228 = arith.constant 2 : i32
    %dma_wait3A_229 = arith.constant 0 : i32
    %dma_wait3A_230 = arith.constant 0 : i32
    %dma_wait3A_231 = tpu.memref_slice %arg8[%dma_wait3A_228, %dma_wait3A_229, %dma_wait3A_230] : memref<4x80x128xf32, #tpu.memory_space<vmem>> -> memref<1x80x128xf32, #tpu.memory_space<vmem>>
    %dma_wait3A_232 = tpu.memref_squeeze %dma_wait3A_231 : memref<1x80x128xf32, #tpu.memory_space<vmem>> -> memref<80x128xf32, #tpu.memory_space<vmem>>
    %dma_wait3A_233 = arith.constant 0 : i32
    %dma_wait3A_234 = tpu.memref_slice %arg6[%dma_wait3A_226, %dma_wait3A_227, %dma_wait3A_233] : memref<3x8x80xi32, #tpu.memory_space<vmem>> -> memref<1x1x80xi32, #tpu.memory_space<vmem>>
    %dma_wait3A_235 = tpu.memref_squeeze %dma_wait3A_234 : memref<1x1x80xi32, #tpu.memory_space<vmem>> -> memref<80xi32, #tpu.memory_space<vmem>>
    %dma_wait3A_236 = arith.constant 0 : i32
    %dma_wait3A_237 = arith.constant 0 : i32
    %dma_wait3A_238 = tpu.memref_slice %arg2[%dma_wait3A_236, %dma_wait3A_237] : memref<10000x128xf32, #tpu.memory_space<hbm>> -> memref<10000x128xf32, #tpu.memory_space<hbm>>
    tpu.wait_indirect_dma semaphore(%arg10 : memref<!tpu.dma_semaphore, #tpu.memory_space<semaphore_mem>>) src(%dma_wait3A_238 : memref<10000x128xf32, #tpu.memory_space<hbm>>) dst(%dma_wait3A_232 : memref<80x128xf32, #tpu.memory_space<vmem>>)
    %dma_wait3A_239 = arith.constant 0 : i32
    %dma_wait3A_240 = arith.constant 3 : i32
    %dma_wait3A_241 = arith.constant 3 : i32
    %dma_wait3A_242 = arith.constant 0 : i32
    %dma_wait3A_243 = arith.constant 0 : i32
    %dma_wait3A_244 = tpu.memref_slice %arg8[%dma_wait3A_241, %dma_wait3A_242, %dma_wait3A_243] : memref<4x80x128xf32, #tpu.memory_space<vmem>> -> memref<1x80x128xf32, #tpu.memory_space<vmem>>
    %dma_wait3A_245 = tpu.memref_squeeze %dma_wait3A_244 : memref<1x80x128xf32, #tpu.memory_space<vmem>> -> memref<80x128xf32, #tpu.memory_space<vmem>>
    %dma_wait3A_246 = arith.constant 0 : i32
    %dma_wait3A_247 = tpu.memref_slice %arg6[%dma_wait3A_239, %dma_wait3A_240, %dma_wait3A_246] : memref<3x8x80xi32, #tpu.memory_space<vmem>> -> memref<1x1x80xi32, #tpu.memory_space<vmem>>
    %dma_wait3A_248 = tpu.memref_squeeze %dma_wait3A_247 : memref<1x1x80xi32, #tpu.memory_space<vmem>> -> memref<80xi32, #tpu.memory_space<vmem>>
    %dma_wait3A_249 = arith.constant 0 : i32
    %dma_wait3A_250 = arith.constant 0 : i32
    %dma_wait3A_251 = tpu.memref_slice %arg2[%dma_wait3A_249, %dma_wait3A_250] : memref<10000x128xf32, #tpu.memory_space<hbm>> -> memref<10000x128xf32, #tpu.memory_space<hbm>>
    tpu.wait_indirect_dma semaphore(%arg10 : memref<!tpu.dma_semaphore, #tpu.memory_space<semaphore_mem>>) src(%dma_wait3A_251 : memref<10000x128xf32, #tpu.memory_space<hbm>>) dst(%dma_wait3A_245 : memref<80x128xf32, #tpu.memory_space<vmem>>)
    %dma_start3A_252 = arith.constant 2 : i32
    %dma_start3A_253 = arith.constant 0 : i32
    %dma_start3A_254 = arith.constant 2 : i32
    %dma_start3A_255 = arith.constant 0 : i32
    %dma_start3A_256 = arith.constant 0 : i32
    %dma_start3A_257 = tpu.memref_slice %arg8[%dma_start3A_252, %dma_start3A_255, %dma_start3A_256] : memref<4x80x128xf32, #tpu.memory_space<vmem>> -> memref<1x80x128xf32, #tpu.memory_space<vmem>>
    %dma_start3A_258 = tpu.memref_squeeze %dma_start3A_257 : memref<1x80x128xf32, #tpu.memory_space<vmem>> -> memref<80x128xf32, #tpu.memory_space<vmem>>
    %dma_start3A_259 = arith.constant 0 : i32
    %dma_start3A_260 = tpu.memref_slice %arg7[%dma_start3A_253, %dma_start3A_254, %dma_start3A_259] : memref<3x8x80xi32, #tpu.memory_space<vmem>> -> memref<1x1x80xi32, #tpu.memory_space<vmem>>
    %dma_start3A_261 = tpu.memref_squeeze %dma_start3A_260 : memref<1x1x80xi32, #tpu.memory_space<vmem>> -> memref<80xi32, #tpu.memory_space<vmem>>
    %dma_start3A_262 = arith.constant 0 : i32
    %dma_start3A_263 = arith.constant 0 : i32
    %dma_start3A_264 = tpu.memref_slice %arg9[%dma_start3A_262, %dma_start3A_263] : memref<10000x128xf32, #tpu.memory_space<vmem_shared>> -> memref<10000x128xf32, #tpu.memory_space<vmem_shared>>
    tpu.enqueue_indirect_dma source(%dma_start3A_258 : memref<80x128xf32, #tpu.memory_space<vmem>>) target(%dma_start3A_264 : memref<10000x128xf32, #tpu.memory_space<vmem_shared>>) offsets(%dma_start3A_261 : memref<80xi32, #tpu.memory_space<vmem>>) semaphore(%arg11 : memref<!tpu.dma_semaphore, #tpu.memory_space<semaphore_mem>>) {add = true}
    %dma_start3A_265 = arith.constant 3 : i32
    %dma_start3A_266 = arith.constant 0 : i32
    %dma_start3A_267 = arith.constant 3 : i32
    %dma_start3A_268 = arith.constant 0 : i32
    %dma_start3A_269 = arith.constant 0 : i32
    %dma_start3A_270 = tpu.memref_slice %arg8[%dma_start3A_265, %dma_start3A_268, %dma_start3A_269] : memref<4x80x128xf32, #tpu.memory_space<vmem>> -> memref<1x80x128xf32, #tpu.memory_space<vmem>>
    %dma_start3A_271 = tpu.memref_squeeze %dma_start3A_270 : memref<1x80x128xf32, #tpu.memory_space<vmem>> -> memref<80x128xf32, #tpu.memory_space<vmem>>
    %dma_start3A_272 = arith.constant 0 : i32
    %dma_start3A_273 = tpu.memref_slice %arg7[%dma_start3A_266, %dma_start3A_267, %dma_start3A_272] : memref<3x8x80xi32, #tpu.memory_space<vmem>> -> memref<1x1x80xi32, #tpu.memory_space<vmem>>
    %dma_start3A_274 = tpu.memref_squeeze %dma_start3A_273 : memref<1x1x80xi32, #tpu.memory_space<vmem>> -> memref<80xi32, #tpu.memory_space<vmem>>
    %dma_start3A_275 = arith.constant 0 : i32
    %dma_start3A_276 = arith.constant 0 : i32
    %dma_start3A_277 = tpu.memref_slice %arg9[%dma_start3A_275, %dma_start3A_276] : memref<10000x128xf32, #tpu.memory_space<vmem_shared>> -> memref<10000x128xf32, #tpu.memory_space<vmem_shared>>
    tpu.enqueue_indirect_dma source(%dma_start3A_271 : memref<80x128xf32, #tpu.memory_space<vmem>>) target(%dma_start3A_277 : memref<10000x128xf32, #tpu.memory_space<vmem_shared>>) offsets(%dma_start3A_274 : memref<80xi32, #tpu.memory_space<vmem>>) semaphore(%arg11 : memref<!tpu.dma_semaphore, #tpu.memory_space<semaphore_mem>>) {add = true}
    %dma_wait3A_278 = arith.constant 0 : i32
    %dma_wait3A_279 = arith.constant 0 : i32
    %dma_wait3A_280 = arith.constant 0 : i32
    %dma_wait3A_281 = arith.constant 0 : i32
    %dma_wait3A_282 = arith.constant 0 : i32
    %dma_wait3A_283 = tpu.memref_slice %arg8[%dma_wait3A_278, %dma_wait3A_281, %dma_wait3A_282] : memref<4x80x128xf32, #tpu.memory_space<vmem>> -> memref<1x80x128xf32, #tpu.memory_space<vmem>>
    %dma_wait3A_284 = tpu.memref_squeeze %dma_wait3A_283 : memref<1x80x128xf32, #tpu.memory_space<vmem>> -> memref<80x128xf32, #tpu.memory_space<vmem>>
    %dma_wait3A_285 = arith.constant 0 : i32
    %dma_wait3A_286 = tpu.memref_slice %arg7[%dma_wait3A_279, %dma_wait3A_280, %dma_wait3A_285] : memref<3x8x80xi32, #tpu.memory_space<vmem>> -> memref<1x1x80xi32, #tpu.memory_space<vmem>>
    %dma_wait3A_287 = tpu.memref_squeeze %dma_wait3A_286 : memref<1x1x80xi32, #tpu.memory_space<vmem>> -> memref<80xi32, #tpu.memory_space<vmem>>
    %dma_wait3A_288 = arith.constant 0 : i32
    %dma_wait3A_289 = arith.constant 0 : i32
    %dma_wait3A_290 = tpu.memref_slice %arg9[%dma_wait3A_288, %dma_wait3A_289] : memref<10000x128xf32, #tpu.memory_space<vmem_shared>> -> memref<10000x128xf32, #tpu.memory_space<vmem_shared>>
    tpu.wait_indirect_dma semaphore(%arg11 : memref<!tpu.dma_semaphore, #tpu.memory_space<semaphore_mem>>) src(%dma_wait3A_284 : memref<80x128xf32, #tpu.memory_space<vmem>>) dst(%dma_wait3A_290 : memref<10000x128xf32, #tpu.memory_space<vmem_shared>>)
    %dma_wait3A_291 = arith.constant 1 : i32
    %dma_wait3A_292 = arith.constant 0 : i32
    %dma_wait3A_293 = arith.constant 1 : i32
    %dma_wait3A_294 = arith.constant 0 : i32
    %dma_wait3A_295 = arith.constant 0 : i32
    %dma_wait3A_296 = tpu.memref_slice %arg8[%dma_wait3A_291, %dma_wait3A_294, %dma_wait3A_295] : memref<4x80x128xf32, #tpu.memory_space<vmem>> -> memref<1x80x128xf32, #tpu.memory_space<vmem>>
    %dma_wait3A_297 = tpu.memref_squeeze %dma_wait3A_296 : memref<1x80x128xf32, #tpu.memory_space<vmem>> -> memref<80x128xf32, #tpu.memory_space<vmem>>
    %dma_wait3A_298 = arith.constant 0 : i32
    %dma_wait3A_299 = tpu.memref_slice %arg7[%dma_wait3A_292, %dma_wait3A_293, %dma_wait3A_298] : memref<3x8x80xi32, #tpu.memory_space<vmem>> -> memref<1x1x80xi32, #tpu.memory_space<vmem>>
    %dma_wait3A_300 = tpu.memref_squeeze %dma_wait3A_299 : memref<1x1x80xi32, #tpu.memory_space<vmem>> -> memref<80xi32, #tpu.memory_space<vmem>>
    %dma_wait3A_301 = arith.constant 0 : i32
    %dma_wait3A_302 = arith.constant 0 : i32
    %dma_wait3A_303 = tpu.memref_slice %arg9[%dma_wait3A_301, %dma_wait3A_302] : memref<10000x128xf32, #tpu.memory_space<vmem_shared>> -> memref<10000x128xf32, #tpu.memory_space<vmem_shared>>
    tpu.wait_indirect_dma semaphore(%arg11 : memref<!tpu.dma_semaphore, #tpu.memory_space<semaphore_mem>>) src(%dma_wait3A_297 : memref<80x128xf32, #tpu.memory_space<vmem>>) dst(%dma_wait3A_303 : memref<10000x128xf32, #tpu.memory_space<vmem_shared>>)
    %dma_start3A_304 = arith.constant 0 : i32
    %dma_start3A_305 = arith.constant 4 : i32
    %dma_start3A_306 = arith.constant 0 : i32
    %dma_start3A_307 = arith.constant 0 : i32
    %dma_start3A_308 = arith.constant 0 : i32
    %dma_start3A_309 = tpu.memref_slice %arg8[%dma_start3A_306, %dma_start3A_307, %dma_start3A_308] : memref<4x80x128xf32, #tpu.memory_space<vmem>> -> memref<1x80x128xf32, #tpu.memory_space<vmem>>
    %dma_start3A_310 = tpu.memref_squeeze %dma_start3A_309 : memref<1x80x128xf32, #tpu.memory_space<vmem>> -> memref<80x128xf32, #tpu.memory_space<vmem>>
    %dma_start3A_311 = arith.constant 0 : i32
    %dma_start3A_312 = tpu.memref_slice %arg6[%dma_start3A_304, %dma_start3A_305, %dma_start3A_311] : memref<3x8x80xi32, #tpu.memory_space<vmem>> -> memref<1x1x80xi32, #tpu.memory_space<vmem>>
    %dma_start3A_313 = tpu.memref_squeeze %dma_start3A_312 : memref<1x1x80xi32, #tpu.memory_space<vmem>> -> memref<80xi32, #tpu.memory_space<vmem>>
    %dma_start3A_314 = arith.constant 0 : i32
    %dma_start3A_315 = arith.constant 0 : i32
    %dma_start3A_316 = tpu.memref_slice %arg2[%dma_start3A_314, %dma_start3A_315] : memref<10000x128xf32, #tpu.memory_space<hbm>> -> memref<10000x128xf32, #tpu.memory_space<hbm>>
    tpu.enqueue_indirect_dma source(%dma_start3A_316 : memref<10000x128xf32, #tpu.memory_space<hbm>>) target(%dma_start3A_310 : memref<80x128xf32, #tpu.memory_space<vmem>>) offsets(%dma_start3A_313 : memref<80xi32, #tpu.memory_space<vmem>>) semaphore(%arg10 : memref<!tpu.dma_semaphore, #tpu.memory_space<semaphore_mem>>)
    %dma_wait3A_317 = arith.constant 0 : i32
    %dma_wait3A_318 = arith.constant 4 : i32
    %dma_wait3A_319 = arith.constant 0 : i32
    %dma_wait3A_320 = arith.constant 0 : i32
    %dma_wait3A_321 = arith.constant 0 : i32
    %dma_wait3A_322 = tpu.memref_slice %arg8[%dma_wait3A_319, %dma_wait3A_320, %dma_wait3A_321] : memref<4x80x128xf32, #tpu.memory_space<vmem>> -> memref<1x80x128xf32, #tpu.memory_space<vmem>>
    %dma_wait3A_323 = tpu.memref_squeeze %dma_wait3A_322 : memref<1x80x128xf32, #tpu.memory_space<vmem>> -> memref<80x128xf32, #tpu.memory_space<vmem>>
    %dma_wait3A_324 = arith.constant 0 : i32
    %dma_wait3A_325 = tpu.memref_slice %arg6[%dma_wait3A_317, %dma_wait3A_318, %dma_wait3A_324] : memref<3x8x80xi32, #tpu.memory_space<vmem>> -> memref<1x1x80xi32, #tpu.memory_space<vmem>>
    %dma_wait3A_326 = tpu.memref_squeeze %dma_wait3A_325 : memref<1x1x80xi32, #tpu.memory_space<vmem>> -> memref<80xi32, #tpu.memory_space<vmem>>
    %dma_wait3A_327 = arith.constant 0 : i32
    %dma_wait3A_328 = arith.constant 0 : i32
    %dma_wait3A_329 = tpu.memref_slice %arg2[%dma_wait3A_327, %dma_wait3A_328] : memref<10000x128xf32, #tpu.memory_space<hbm>> -> memref<10000x128xf32, #tpu.memory_space<hbm>>
    tpu.wait_indirect_dma semaphore(%arg10 : memref<!tpu.dma_semaphore, #tpu.memory_space<semaphore_mem>>) src(%dma_wait3A_329 : memref<10000x128xf32, #tpu.memory_space<hbm>>) dst(%dma_wait3A_323 : memref<80x128xf32, #tpu.memory_space<vmem>>)
    %dma_start3A_330 = arith.constant 0 : i32
    %dma_start3A_331 = arith.constant 0 : i32
    %dma_start3A_332 = arith.constant 4 : i32
    %dma_start3A_333 = arith.constant 0 : i32
    %dma_start3A_334 = arith.constant 0 : i32
    %dma_start3A_335 = tpu.memref_slice %arg8[%dma_start3A_330, %dma_start3A_333, %dma_start3A_334] : memref<4x80x128xf32, #tpu.memory_space<vmem>> -> memref<1x80x128xf32, #tpu.memory_space<vmem>>
    %dma_start3A_336 = tpu.memref_squeeze %dma_start3A_335 : memref<1x80x128xf32, #tpu.memory_space<vmem>> -> memref<80x128xf32, #tpu.memory_space<vmem>>
    %dma_start3A_337 = arith.constant 0 : i32
    %dma_start3A_338 = tpu.memref_slice %arg7[%dma_start3A_331, %dma_start3A_332, %dma_start3A_337] : memref<3x8x80xi32, #tpu.memory_space<vmem>> -> memref<1x1x80xi32, #tpu.memory_space<vmem>>
    %dma_start3A_339 = tpu.memref_squeeze %dma_start3A_338 : memref<1x1x80xi32, #tpu.memory_space<vmem>> -> memref<80xi32, #tpu.memory_space<vmem>>
    %dma_start3A_340 = arith.constant 0 : i32
    %dma_start3A_341 = arith.constant 0 : i32
    %dma_start3A_342 = tpu.memref_slice %arg9[%dma_start3A_340, %dma_start3A_341] : memref<10000x128xf32, #tpu.memory_space<vmem_shared>> -> memref<10000x128xf32, #tpu.memory_space<vmem_shared>>
    tpu.enqueue_indirect_dma source(%dma_start3A_336 : memref<80x128xf32, #tpu.memory_space<vmem>>) target(%dma_start3A_342 : memref<10000x128xf32, #tpu.memory_space<vmem_shared>>) offsets(%dma_start3A_339 : memref<80xi32, #tpu.memory_space<vmem>>) semaphore(%arg11 : memref<!tpu.dma_semaphore, #tpu.memory_space<semaphore_mem>>) {add = true}
    %dma_wait3A_343 = arith.constant 2 : i32
    %dma_wait3A_344 = arith.constant 0 : i32
    %dma_wait3A_345 = arith.constant 2 : i32
    %dma_wait3A_346 = arith.constant 0 : i32
    %dma_wait3A_347 = arith.constant 0 : i32
    %dma_wait3A_348 = tpu.memref_slice %arg8[%dma_wait3A_343, %dma_wait3A_346, %dma_wait3A_347] : memref<4x80x128xf32, #tpu.memory_space<vmem>> -> memref<1x80x128xf32, #tpu.memory_space<vmem>>
    %dma_wait3A_349 = tpu.memref_squeeze %dma_wait3A_348 : memref<1x80x128xf32, #tpu.memory_space<vmem>> -> memref<80x128xf32, #tpu.memory_space<vmem>>
    %dma_wait3A_350 = arith.constant 0 : i32
    %dma_wait3A_351 = tpu.memref_slice %arg7[%dma_wait3A_344, %dma_wait3A_345, %dma_wait3A_350] : memref<3x8x80xi32, #tpu.memory_space<vmem>> -> memref<1x1x80xi32, #tpu.memory_space<vmem>>
    %dma_wait3A_352 = tpu.memref_squeeze %dma_wait3A_351 : memref<1x1x80xi32, #tpu.memory_space<vmem>> -> memref<80xi32, #tpu.memory_space<vmem>>
    %dma_wait3A_353 = arith.constant 0 : i32
    %dma_wait3A_354 = arith.constant 0 : i32
    %dma_wait3A_355 = tpu.memref_slice %arg9[%dma_wait3A_353, %dma_wait3A_354] : memref<10000x128xf32, #tpu.memory_space<vmem_shared>> -> memref<10000x128xf32, #tpu.memory_space<vmem_shared>>
    tpu.wait_indirect_dma semaphore(%arg11 : memref<!tpu.dma_semaphore, #tpu.memory_space<semaphore_mem>>) src(%dma_wait3A_349 : memref<80x128xf32, #tpu.memory_space<vmem>>) dst(%dma_wait3A_355 : memref<10000x128xf32, #tpu.memory_space<vmem_shared>>)
    %dma_wait3A_356 = arith.constant 3 : i32
    %dma_wait3A_357 = arith.constant 0 : i32
    %dma_wait3A_358 = arith.constant 3 : i32
    %dma_wait3A_359 = arith.constant 0 : i32
    %dma_wait3A_360 = arith.constant 0 : i32
    %dma_wait3A_361 = tpu.memref_slice %arg8[%dma_wait3A_356, %dma_wait3A_359, %dma_wait3A_360] : memref<4x80x128xf32, #tpu.memory_space<vmem>> -> memref<1x80x128xf32, #tpu.memory_space<vmem>>
    %dma_wait3A_362 = tpu.memref_squeeze %dma_wait3A_361 : memref<1x80x128xf32, #tpu.memory_space<vmem>> -> memref<80x128xf32, #tpu.memory_space<vmem>>
    %dma_wait3A_363 = arith.constant 0 : i32
    %dma_wait3A_364 = tpu.memref_slice %arg7[%dma_wait3A_357, %dma_wait3A_358, %dma_wait3A_363] : memref<3x8x80xi32, #tpu.memory_space<vmem>> -> memref<1x1x80xi32, #tpu.memory_space<vmem>>
    %dma_wait3A_365 = tpu.memref_squeeze %dma_wait3A_364 : memref<1x1x80xi32, #tpu.memory_space<vmem>> -> memref<80xi32, #tpu.memory_space<vmem>>
    %dma_wait3A_366 = arith.constant 0 : i32
    %dma_wait3A_367 = arith.constant 0 : i32
    %dma_wait3A_368 = tpu.memref_slice %arg9[%dma_wait3A_366, %dma_wait3A_367] : memref<10000x128xf32, #tpu.memory_space<vmem_shared>> -> memref<10000x128xf32, #tpu.memory_space<vmem_shared>>
    tpu.wait_indirect_dma semaphore(%arg11 : memref<!tpu.dma_semaphore, #tpu.memory_space<semaphore_mem>>) src(%dma_wait3A_362 : memref<80x128xf32, #tpu.memory_space<vmem>>) dst(%dma_wait3A_368 : memref<10000x128xf32, #tpu.memory_space<vmem_shared>>)
    %dma_wait3A_369 = arith.constant 0 : i32
    %dma_wait3A_370 = arith.constant 0 : i32
    %dma_wait3A_371 = arith.constant 4 : i32
    %dma_wait3A_372 = arith.constant 0 : i32
    %dma_wait3A_373 = arith.constant 0 : i32
    %dma_wait3A_374 = tpu.memref_slice %arg8[%dma_wait3A_369, %dma_wait3A_372, %dma_wait3A_373] : memref<4x80x128xf32, #tpu.memory_space<vmem>> -> memref<1x80x128xf32, #tpu.memory_space<vmem>>
    %dma_wait3A_375 = tpu.memref_squeeze %dma_wait3A_374 : memref<1x80x128xf32, #tpu.memory_space<vmem>> -> memref<80x128xf32, #tpu.memory_space<vmem>>
    %dma_wait3A_376 = arith.constant 0 : i32
    %dma_wait3A_377 = tpu.memref_slice %arg7[%dma_wait3A_370, %dma_wait3A_371, %dma_wait3A_376] : memref<3x8x80xi32, #tpu.memory_space<vmem>> -> memref<1x1x80xi32, #tpu.memory_space<vmem>>
    %dma_wait3A_378 = tpu.memref_squeeze %dma_wait3A_377 : memref<1x1x80xi32, #tpu.memory_space<vmem>> -> memref<80xi32, #tpu.memory_space<vmem>>
    %dma_wait3A_379 = arith.constant 0 : i32
    %dma_wait3A_380 = arith.constant 0 : i32
    %dma_wait3A_381 = tpu.memref_slice %arg9[%dma_wait3A_379, %dma_wait3A_380] : memref<10000x128xf32, #tpu.memory_space<vmem_shared>> -> memref<10000x128xf32, #tpu.memory_space<vmem_shared>>
    tpu.wait_indirect_dma semaphore(%arg11 : memref<!tpu.dma_semaphore, #tpu.memory_space<semaphore_mem>>) src(%dma_wait3A_375 : memref<80x128xf32, #tpu.memory_space<vmem>>) dst(%dma_wait3A_381 : memref<10000x128xf32, #tpu.memory_space<vmem_shared>>)
    %barrier3A_382 = arith.constant 0 : index
    tpu.barrier barrier_id(%barrier3A_382)
    %scan3A_383 = arith.constant 0 : i32
    %scan3A_384 = arith.constant 0 : i32
    %scan3A_385 = arith.constant 16 : i32
    %scan3A_386 = arith.addi %scan3A_384, %scan3A_385 : i32
    %scan3A_387 = arith.constant 1 : i32
    scf.for %scan3A_389 = %scan3A_384 to %scan3A_386 step %scan3A_387  : i32 {
      %mul3A_390 = arith.constant 16 : i32
      %mul3A_391 = arith.muli %scan3A_389, %mul3A_390 : i32
      %add3A_392 = arith.addi %arg1, %mul3A_391 : i32
      %lt3A = arith.constant 250 : i32
      %lt3A_393 = arith.cmpi slt, %add3A_392, %lt3A : i32
      %convert_element_type3A = arith.extui %lt3A_393 : i1 to i32
      %cond3A = arith.constant 0 : i32
      %cond3A_394 = arith.cmpi ne, %convert_element_type3A, %cond3A : i32
      scf.if %cond3A_394 {
        %mul3A_395 = arith.constant 40 : i32
        %mul3A_396 = arith.muli %add3A_392, %mul3A_395 : i32
        %multiple_of3A = tpu.assume_multiple %mul3A_396, 8 : i32
        "tpu.region"() ({
          %run_scoped3A = tpu.sem_alloc : memref<!tpu.dma_semaphore, #tpu.memory_space<semaphore_mem>>
          %dma_start3A_397 = arith.constant 0 : i32
          %dma_start3A_398 = tpu.memref_slice %arg5[%arg0, %multiple_of3A, %dma_start3A_397] : memref<2x10000x128xf32, #tpu.memory_space<hbm>> -> memref<1x40x128xf32, #tpu.memory_space<hbm>>
          %dma_start3A_399 = tpu.memref_squeeze %dma_start3A_398 : memref<1x40x128xf32, #tpu.memory_space<hbm>> -> memref<40x128xf32, #tpu.memory_space<hbm>>
          %dma_start3A_400 = arith.constant 0 : i32
          %dma_start3A_401 = tpu.memref_slice %arg9[%multiple_of3A, %dma_start3A_400] : memref<10000x128xf32, #tpu.memory_space<vmem_shared>> -> memref<40x128xf32, #tpu.memory_space<vmem_shared>>
          tpu.enqueue_dma source(%dma_start3A_401 : memref<40x128xf32, #tpu.memory_space<vmem_shared>>) target(%dma_start3A_399 : memref<40x128xf32, #tpu.memory_space<hbm>>) target_semaphore(%run_scoped3A : memref<!tpu.dma_semaphore, #tpu.memory_space<semaphore_mem>>)
          %dma_wait3A_402 = arith.constant 0 : i32
          %dma_wait3A_403 = tpu.memref_slice %arg5[%arg0, %multiple_of3A, %dma_wait3A_402] : memref<2x10000x128xf32, #tpu.memory_space<hbm>> -> memref<1x40x128xf32, #tpu.memory_space<hbm>>
          %dma_wait3A_404 = tpu.memref_squeeze %dma_wait3A_403 : memref<1x40x128xf32, #tpu.memory_space<hbm>> -> memref<40x128xf32, #tpu.memory_space<hbm>>
          %dma_wait3A_405 = arith.constant 0 : i32
          %dma_wait3A_406 = tpu.memref_slice %arg9[%multiple_of3A, %dma_wait3A_405] : memref<10000x128xf32, #tpu.memory_space<vmem_shared>> -> memref<40x128xf32, #tpu.memory_space<vmem_shared>>
          tpu.wait_dma2 semaphore(%run_scoped3A : memref<!tpu.dma_semaphore, #tpu.memory_space<semaphore_mem>>) src(%dma_wait3A_406 : memref<40x128xf32, #tpu.memory_space<vmem_shared>>) dst(%dma_wait3A_404 : memref<40x128xf32, #tpu.memory_space<hbm>>)
          tpu.yield
        }) : () -> ()
      } else {
      }
    }
    %scan3A_388 = arith.constant 16 : i32
    return
  }
}

module attributes {stable_mosaic.version = 14 : i64} {
  func.func @_tc1_body(%arg0: i32, %arg1: memref<1000x128xf32, #tpu.memory_space<vmem>>, %arg2: memref<128x128xf32, #tpu.memory_space<vmem>>, %arg3: memref<2x1000x128xf32, #tpu.memory_space<vmem>>, %arg4: memref<1000x128xf32, #tpu.memory_space<vmem>>) attributes {dimension_semantics = [#tpu.dimension_semantics<arbitrary>], iteration_bounds = array<i64: 10>, scalar_prefetch = 0 : i64, scratch_operands = 0 : i64, tpu.core_type = #tpu.core_type<tc>, window_params = [{transform_indices = @transform_0, window_bounds = array<i64: 1000, 128>}, {pipeline_mode = #tpu.pipeline_mode<synchronous>, transform_indices = @transform_1, window_bounds = array<i64: 128, 128>}, {transform_indices = @transform_2, window_bounds = array<i64: 2, 1000, 128>}, {transform_indices = @transform_3, window_bounds = array<i64: 1000, 128>}]} {
    %get3A = arith.constant 0 : index
    %get3A_0 = arith.constant 0 : index
    %get3A_1 = arith.constant 0 : index
    %get3A_2 = vector.load %arg3[%get3A, %get3A_0, %get3A_1] : memref<2x1000x128xf32, #tpu.memory_space<vmem>>, vector<2x1000x128xf32>
    %slice3A = vector.extract_strided_slice %get3A_2 {offsets = [0, 0, 0], sizes = [1, 1000, 128], strides = [1, 1, 1]} : vector<2x1000x128xf32> to vector<1x1000x128xf32>
    %squeeze3A = vector.shape_cast %slice3A : vector<1x1000x128xf32> to vector<1000x128xf32>
    %slice3A_3 = vector.extract_strided_slice %get3A_2 {offsets = [1, 0, 0], sizes = [1, 1000, 128], strides = [1, 1, 1]} : vector<2x1000x128xf32> to vector<1x1000x128xf32>
    %squeeze3A_4 = vector.shape_cast %slice3A_3 : vector<1x1000x128xf32> to vector<1000x128xf32>
    %add3A = arith.addf %squeeze3A, %squeeze3A_4 : vector<1000x128xf32>
    %add3A_5 = arith.constant 1.000000e+00 : f32
    %add3A_6 = vector.broadcast %add3A_5 : f32 to vector<1000x128xf32>
    %add3A_7 = arith.addf %add3A, %add3A_6 : vector<1000x128xf32>
    %rsqrt3A = math.rsqrt %add3A_7 : vector<1000x128xf32>
    %get3A_8 = arith.constant 0 : index
    %get3A_9 = arith.constant 0 : index
    %get3A_10 = vector.load %arg1[%get3A_8, %get3A_9] : memref<1000x128xf32, #tpu.memory_space<vmem>>, vector<1000x128xf32>
    %get3A_11 = arith.constant 0 : index
    %get3A_12 = arith.constant 0 : index
    %get3A_13 = vector.load %arg2[%get3A_11, %get3A_12] : memref<128x128xf32, #tpu.memory_space<vmem>>, vector<128x128xf32>
    %dot_general3A = arith.constant dense<0.000000e+00> : vector<1000x128xf32>
    %dot_general3A_14 = tpu.matmul %get3A_10, %get3A_13, %dot_general3A {dimension_numbers = #tpu.dot_dimension_numbers<[1], [0], [0], [1], [0, 0, 1, 1], [], []>, transpose_lhs_hint = false} : vector<1000x128xf32>, vector<128x128xf32>, vector<1000x128xf32> -> vector<1000x128xf32>
    %mul3A = arith.mulf %dot_general3A_14, %rsqrt3A : vector<1000x128xf32>
    %swap3A = arith.constant 0 : index
    %swap3A_15 = arith.constant 0 : index
    %swap3A_16 = vector.load %arg4[%swap3A, %swap3A_15] : memref<1000x128xf32, #tpu.memory_space<vmem>>, vector<1000x128xf32>
    tpu.vector_store %arg4[%swap3A, %swap3A_15], %mul3A {strides = array<i32>} : memref<1000x128xf32, #tpu.memory_space<vmem>>, vector<1000x128xf32>,
    return
  }
  func.func @transform_0(%arg0: i32) -> (i32, i32) {
    %c0_i32 = arith.constant 0 : i32
    %c0_i32_0 = arith.constant 0 : i32
    return %arg0, %c0_i32 : i32, i32
  }
  func.func @transform_1(%arg0: i32) -> (i32, i32) {
    %c0_i32 = arith.constant 0 : i32
    %c0_i32_0 = arith.constant 0 : i32
    %c0_i32_1 = arith.constant 0 : i32
    return %c0_i32, %c0_i32_0 : i32, i32
  }
  func.func @transform_2(%arg0: i32) -> (i32, i32, i32) {
    %c0_i32 = arith.constant 0 : i32
    %c0_i32_0 = arith.constant 0 : i32
    %c0_i32_1 = arith.constant 0 : i32
    return %c0_i32, %arg0, %c0_i32_0 : i32, i32, i32
  }
  func.func @transform_3(%arg0: i32) -> (i32, i32) {
    %c0_i32 = arith.constant 0 : i32
    %c0_i32_0 = arith.constant 0 : i32
    return %arg0, %c0_i32 : i32, i32
  }
}

module attributes {stable_mosaic.version = 14 : i64} {
  func.func @_tc2_body(%arg0: i32, %arg1: memref<2x1000x128xf32, #tpu.memory_space<vmem>>, %arg2: memref<1000x128xf32, #tpu.memory_space<vmem>>, %arg3: memref<2x1000x128xf32, #tpu.memory_space<vmem>>, %arg4: memref<1x128xf32, #tpu.memory_space<vmem>>, %arg5: memref<128x128xf32, #tpu.memory_space<vmem>>, %arg6: memref<1000x128xf32, #tpu.memory_space<vmem>>) attributes {dimension_semantics = [#tpu.dimension_semantics<arbitrary>], iteration_bounds = array<i64: 10>, scalar_prefetch = 0 : i64, scratch_operands = 0 : i64, tpu.core_type = #tpu.core_type<tc>, window_params = [{transform_indices = @transform_0, window_bounds = array<i64: 2, 1000, 128>}, {transform_indices = @transform_1, window_bounds = array<i64: 1000, 128>}, {transform_indices = @transform_2, window_bounds = array<i64: 2, 1000, 128>}, {pipeline_mode = #tpu.pipeline_mode<synchronous>, transform_indices = @transform_3, window_bounds = array<i64: 1, 128>}, {pipeline_mode = #tpu.pipeline_mode<synchronous>, transform_indices = @transform_4, window_bounds = array<i64: 128, 128>}, {transform_indices = @transform_5, window_bounds = array<i64: 1000, 128>}]} {
    %get3A = arith.constant 0 : index
    %get3A_0 = arith.constant 0 : index
    %get3A_1 = arith.constant 0 : index
    %get3A_2 = vector.load %arg3[%get3A, %get3A_0, %get3A_1] : memref<2x1000x128xf32, #tpu.memory_space<vmem>>, vector<2x1000x128xf32>
    %slice3A = vector.extract_strided_slice %get3A_2 {offsets = [0, 0, 0], sizes = [1, 1000, 128], strides = [1, 1, 1]} : vector<2x1000x128xf32> to vector<1x1000x128xf32>
    %squeeze3A = vector.shape_cast %slice3A : vector<1x1000x128xf32> to vector<1000x128xf32>
    %slice3A_3 = vector.extract_strided_slice %get3A_2 {offsets = [1, 0, 0], sizes = [1, 1000, 128], strides = [1, 1, 1]} : vector<2x1000x128xf32> to vector<1x1000x128xf32>
    %squeeze3A_4 = vector.shape_cast %slice3A_3 : vector<1x1000x128xf32> to vector<1000x128xf32>
    %add3A = arith.addf %squeeze3A, %squeeze3A_4 : vector<1000x128xf32>
    %add3A_5 = arith.constant 1.000000e+00 : f32
    %add3A_6 = vector.broadcast %add3A_5 : f32 to vector<1000x128xf32>
    %add3A_7 = arith.addf %add3A, %add3A_6 : vector<1000x128xf32>
    %rsqrt3A = math.rsqrt %add3A_7 : vector<1000x128xf32>
    %get3A_8 = arith.constant 0 : index
    %get3A_9 = arith.constant 0 : index
    %get3A_10 = arith.constant 0 : index
    %get3A_11 = vector.load %arg1[%get3A_8, %get3A_9, %get3A_10] : memref<2x1000x128xf32, #tpu.memory_space<vmem>>, vector<1x1000x128xf32>
    %get3A_12 = vector.shape_cast %get3A_11 : vector<1x1000x128xf32> to vector<1000x128xf32>
    %get3A_13 = arith.constant 1 : index
    %get3A_14 = arith.constant 0 : index
    %get3A_15 = arith.constant 0 : index
    %get3A_16 = vector.load %arg1[%get3A_13, %get3A_14, %get3A_15] : memref<2x1000x128xf32, #tpu.memory_space<vmem>>, vector<1x1000x128xf32>
    %get3A_17 = vector.shape_cast %get3A_16 : vector<1x1000x128xf32> to vector<1000x128xf32>
    %add3A_18 = arith.addf %get3A_12, %get3A_17 : vector<1000x128xf32>
    %get3A_19 = arith.constant 0 : index
    %get3A_20 = arith.constant 0 : index
    %get3A_21 = vector.load %arg2[%get3A_19, %get3A_20] : memref<1000x128xf32, #tpu.memory_space<vmem>>, vector<1000x128xf32>
    %add3A_22 = arith.addf %add3A_18, %get3A_21 : vector<1000x128xf32>
    %mul3A = arith.mulf %add3A_22, %rsqrt3A : vector<1000x128xf32>
    %get3A_23 = arith.constant 0 : index
    %get3A_24 = arith.constant 0 : index
    %get3A_25 = vector.load %arg4[%get3A_23, %get3A_24] : memref<1x128xf32, #tpu.memory_space<vmem>>, vector<1x128xf32>
    %add3A_26 = vector.broadcast %get3A_25 : vector<1x128xf32> to vector<1000x128xf32>
    %add3A_27 = arith.addf %mul3A, %add3A_26 : vector<1000x128xf32>
    %max3A = arith.constant 0.000000e+00 : f32
    %max3A_28 = vector.broadcast %max3A : f32 to vector<1000x128xf32>
    %max3A_29 = arith.maximumf %add3A_27, %max3A_28 : vector<1000x128xf32>
    %get3A_30 = arith.constant 0 : index
    %get3A_31 = arith.constant 0 : index
    %get3A_32 = vector.load %arg5[%get3A_30, %get3A_31] : memref<128x128xf32, #tpu.memory_space<vmem>>, vector<128x128xf32>
    %dot_general3A = arith.constant dense<0.000000e+00> : vector<1000x128xf32>
    %dot_general3A_33 = tpu.matmul %max3A_29, %get3A_32, %dot_general3A {dimension_numbers = #tpu.dot_dimension_numbers<[1], [0], [0], [1], [0, 0, 1, 1], [], []>, transpose_lhs_hint = false} : vector<1000x128xf32>, vector<128x128xf32>, vector<1000x128xf32> -> vector<1000x128xf32>
    %mul3A_34 = arith.mulf %dot_general3A_33, %rsqrt3A : vector<1000x128xf32>
    %swap3A = arith.constant 0 : index
    %swap3A_35 = arith.constant 0 : index
    %swap3A_36 = vector.load %arg6[%swap3A, %swap3A_35] : memref<1000x128xf32, #tpu.memory_space<vmem>>, vector<1000x128xf32>
    tpu.vector_store %arg6[%swap3A, %swap3A_35], %mul3A_34 {strides = array<i32>} : memref<1000x128xf32, #tpu.memory_space<vmem>>, vector<1000x128xf32>,
    return
  }
  func.func @transform_0(%arg0: i32) -> (i32, i32, i32) {
    %c0_i32 = arith.constant 0 : i32
    %c0_i32_0 = arith.constant 0 : i32
    %c0_i32_1 = arith.constant 0 : i32
    return %c0_i32, %arg0, %c0_i32_0 : i32, i32, i32
  }
  func.func @transform_1(%arg0: i32) -> (i32, i32) {
    %c0_i32 = arith.constant 0 : i32
    %c0_i32_0 = arith.constant 0 : i32
    return %arg0, %c0_i32 : i32, i32
  }
  func.func @transform_2(%arg0: i32) -> (i32, i32, i32) {
    %c0_i32 = arith.constant 0 : i32
    %c0_i32_0 = arith.constant 0 : i32
    %c0_i32_1 = arith.constant 0 : i32
    return %c0_i32, %arg0, %c0_i32_0 : i32, i32, i32
  }
  func.func @transform_3(%arg0: i32) -> (i32, i32) {
    %c0_i32 = arith.constant 0 : i32
    %c0_i32_0 = arith.constant 0 : i32
    %c0_i32_1 = arith.constant 0 : i32
    return %c0_i32, %c0_i32_0 : i32, i32
  }
  func.func @transform_4(%arg0: i32) -> (i32, i32) {
    %c0_i32 = arith.constant 0 : i32
    %c0_i32_0 = arith.constant 0 : i32
    %c0_i32_1 = arith.constant 0 : i32
    return %c0_i32, %c0_i32_0 : i32, i32
  }
  func.func @transform_5(%arg0: i32) -> (i32, i32) {
    %c0_i32 = arith.constant 0 : i32
    %c0_i32_0 = arith.constant 0 : i32
    return %arg0, %c0_i32 : i32, i32
  }
}

module attributes {stable_mosaic.version = 14 : i64} {
  func.func @_tc3_body(%arg0: i32, %arg1: memref<2x1000x128xf32, #tpu.memory_space<vmem>>, %arg2: memref<1000x128xf32, #tpu.memory_space<vmem>>, %arg3: memref<2x1000x128xf32, #tpu.memory_space<vmem>>, %arg4: memref<1x128xf32, #tpu.memory_space<vmem>>, %arg5: memref<1000x128xf32, #tpu.memory_space<vmem>>) attributes {dimension_semantics = [#tpu.dimension_semantics<arbitrary>], iteration_bounds = array<i64: 10>, scalar_prefetch = 0 : i64, scratch_operands = 0 : i64, tpu.core_type = #tpu.core_type<tc>, window_params = [{transform_indices = @transform_0, window_bounds = array<i64: 2, 1000, 128>}, {transform_indices = @transform_1, window_bounds = array<i64: 1000, 128>}, {transform_indices = @transform_2, window_bounds = array<i64: 2, 1000, 128>}, {pipeline_mode = #tpu.pipeline_mode<synchronous>, transform_indices = @transform_3, window_bounds = array<i64: 1, 128>}, {transform_indices = @transform_4, window_bounds = array<i64: 1000, 128>}]} {
    %get3A = arith.constant 0 : index
    %get3A_0 = arith.constant 0 : index
    %get3A_1 = arith.constant 0 : index
    %get3A_2 = vector.load %arg3[%get3A, %get3A_0, %get3A_1] : memref<2x1000x128xf32, #tpu.memory_space<vmem>>, vector<2x1000x128xf32>
    %slice3A = vector.extract_strided_slice %get3A_2 {offsets = [0, 0, 0], sizes = [1, 1000, 128], strides = [1, 1, 1]} : vector<2x1000x128xf32> to vector<1x1000x128xf32>
    %squeeze3A = vector.shape_cast %slice3A : vector<1x1000x128xf32> to vector<1000x128xf32>
    %slice3A_3 = vector.extract_strided_slice %get3A_2 {offsets = [1, 0, 0], sizes = [1, 1000, 128], strides = [1, 1, 1]} : vector<2x1000x128xf32> to vector<1x1000x128xf32>
    %squeeze3A_4 = vector.shape_cast %slice3A_3 : vector<1x1000x128xf32> to vector<1000x128xf32>
    %add3A = arith.addf %squeeze3A, %squeeze3A_4 : vector<1000x128xf32>
    %add3A_5 = arith.constant 1.000000e+00 : f32
    %add3A_6 = vector.broadcast %add3A_5 : f32 to vector<1000x128xf32>
    %add3A_7 = arith.addf %add3A, %add3A_6 : vector<1000x128xf32>
    %rsqrt3A = math.rsqrt %add3A_7 : vector<1000x128xf32>
    %get3A_8 = arith.constant 0 : index
    %get3A_9 = arith.constant 0 : index
    %get3A_10 = arith.constant 0 : index
    %get3A_11 = vector.load %arg1[%get3A_8, %get3A_9, %get3A_10] : memref<2x1000x128xf32, #tpu.memory_space<vmem>>, vector<1x1000x128xf32>
    %get3A_12 = vector.shape_cast %get3A_11 : vector<1x1000x128xf32> to vector<1000x128xf32>
    %get3A_13 = arith.constant 1 : index
    %get3A_14 = arith.constant 0 : index
    %get3A_15 = arith.constant 0 : index
    %get3A_16 = vector.load %arg1[%get3A_13, %get3A_14, %get3A_15] : memref<2x1000x128xf32, #tpu.memory_space<vmem>>, vector<1x1000x128xf32>
    %get3A_17 = vector.shape_cast %get3A_16 : vector<1x1000x128xf32> to vector<1000x128xf32>
    %add3A_18 = arith.addf %get3A_12, %get3A_17 : vector<1000x128xf32>
    %get3A_19 = arith.constant 0 : index
    %get3A_20 = arith.constant 0 : index
    %get3A_21 = vector.load %arg2[%get3A_19, %get3A_20] : memref<1000x128xf32, #tpu.memory_space<vmem>>, vector<1000x128xf32>
    %add3A_22 = arith.addf %add3A_18, %get3A_21 : vector<1000x128xf32>
    %mul3A = arith.mulf %add3A_22, %rsqrt3A : vector<1000x128xf32>
    %get3A_23 = arith.constant 0 : index
    %get3A_24 = arith.constant 0 : index
    %get3A_25 = vector.load %arg4[%get3A_23, %get3A_24] : memref<1x128xf32, #tpu.memory_space<vmem>>, vector<1x128xf32>
    %add3A_26 = vector.broadcast %get3A_25 : vector<1x128xf32> to vector<1000x128xf32>
    %add3A_27 = arith.addf %mul3A, %add3A_26 : vector<1000x128xf32>
    %max3A = arith.constant 0.000000e+00 : f32
    %max3A_28 = vector.broadcast %max3A : f32 to vector<1000x128xf32>
    %max3A_29 = arith.maximumf %add3A_27, %max3A_28 : vector<1000x128xf32>
    %swap3A = arith.constant 0 : index
    %swap3A_30 = arith.constant 0 : index
    %swap3A_31 = vector.load %arg5[%swap3A, %swap3A_30] : memref<1000x128xf32, #tpu.memory_space<vmem>>, vector<1000x128xf32>
    tpu.vector_store %arg5[%swap3A, %swap3A_30], %max3A_29 {strides = array<i32>} : memref<1000x128xf32, #tpu.memory_space<vmem>>, vector<1000x128xf32>,
    return
  }
  func.func @transform_0(%arg0: i32) -> (i32, i32, i32) {
    %c0_i32 = arith.constant 0 : i32
    %c0_i32_0 = arith.constant 0 : i32
    %c0_i32_1 = arith.constant 0 : i32
    return %c0_i32, %arg0, %c0_i32_0 : i32, i32, i32
  }
  func.func @transform_1(%arg0: i32) -> (i32, i32) {
    %c0_i32 = arith.constant 0 : i32
    %c0_i32_0 = arith.constant 0 : i32
    return %arg0, %c0_i32 : i32, i32
  }
  func.func @transform_2(%arg0: i32) -> (i32, i32, i32) {
    %c0_i32 = arith.constant 0 : i32
    %c0_i32_0 = arith.constant 0 : i32
    %c0_i32_1 = arith.constant 0 : i32
    return %c0_i32, %arg0, %c0_i32_0 : i32, i32, i32
  }
  func.func @transform_3(%arg0: i32) -> (i32, i32) {
    %c0_i32 = arith.constant 0 : i32
    %c0_i32_0 = arith.constant 0 : i32
    %c0_i32_1 = arith.constant 0 : i32
    return %c0_i32, %c0_i32_0 : i32, i32
  }
  func.func @transform_4(%arg0: i32) -> (i32, i32) {
    %c0_i32 = arith.constant 0 : i32
    %c0_i32_0 = arith.constant 0 : i32
    return %arg0, %c0_i32 : i32, i32
  }
}

</mosaic_0001>

<sc_bundles>
// kernel: kernel.11.cloned.1.call-start
scs
__scs_entry_jumppad:
0x0: {  	(pc) =	sbr.rel $0x88, $3  }
0x1: {  	(tag) =	ssettag $0x0;
	lr =	simm.s32 $0x1  }
0x2: {  	[smem:$0x3F9B] =	sst lr;
	_ =	strace $0xD0000000  }
0x3: {  	_ = 	snop  }
0x4: {  	_ = 	snop  }
0x5: {  	_ = 	snop  }
0x6: {  	_ = 	snop  }
0x7: {  	_ = 	snop  }
__scs_overlays_trampoline_lowered:
0x8: {  	[smem:$0x3FAA] =	sst s0  }
0x9: {  	[smem:$0x3FAB] =	sst s1  }
0xa: {  	[smem:$0x3FAC] =	sst s2  }
0xb: {  	[smem:$0x3FAD] =	sst s3  }
0xc: {  	[smem:$0x3FAE] =	sst s4  }
0xd: {  	[smem:$0x3FAF] =	sst s5  }
0xe: {  	[smem:$0x3FB0] =	sst s6  }
0xf: {  	[smem:$0x3FB1] =	sst s7  }
0x10: {  	[smem:$0x3FB2] =	sst s8  }
0x11: {  	[smem:$0x3FB3] =	sst s9;
	s0 =	simm.s32 @!p0 $0x0  }
0x12: {  	s1 =	sld [smem:$0x3F99];
	s0 =	simm.s32 @p0 $0x1  }
0x13: {  	[smem:$0x3FB4] =	sst s0;
	s0 =	simm.s32 @!p1 $0x0  }
0x14: {  	s2 =	sld [smem:$0x3F98];
	s0 =	simm.s32 @p1 $0x1  }
0x15: {  	[smem:$0x3FB5] =	sst s0;
	s0 =	simm.s32 @!p2 $0x0  }
0x16: {  	s3 =	sld [smem:$0x3FDB];
	s0 =	simm.s32 @p2 $0x1  }
0x17: {  	s4 =	simm.s32 $0x1BF5;
	[smem:$0x3FB7] =	sst s0  }
0x18: {  	s0 =	sld [smem:$0x3F9A];
	_ =	swait.ge [sflag:s4], $0x0  }
0x19: {  	s7 =	sld [smem:$0x3F9B]  }
0x1a: {  	s8 =	sadd.s32 $0xFFFFE003, lr  }
0x1b: {  	s9 =	sadd.s32 $0xFFFFFEF7, lr;
	s5 =	simm.s32 $0xFFFFFFFF;
	p2 =	slt.u32 s8, $0xFFFFF086  }
0x1c: {  	p1 =	slt.u32 s9, $0xF7A;
	s5 =	simm.s32 @!p2 $0x0  }
0x1d: {  	s5 =	simm.s32 @p1 $0x1;
	p0 =	seq.s32 s7, s2  }
0x1e: {  	s7 =	smul.u32 @!p0 $0xF7A, s2;
	p2 =	seq.s32 @!p0 s5, $0x0  }
0x1f: {  	s9 =	smul.u32 $0xF7A, s1;
	s8 =	simm.s32 @!p0 $0x1BF5;
	p2 =	por !p2, p0  }
0x20: {  	[sflag:s8] =	ssyncset.s32 @!p0 $0xFFFFF086;
	s6 =	sadd.s32 @!p0 s3, s7;
	s7 =	simm.s32 @!p0 $0x108  }
0x21: {  	s3 =	sadd.s32 s3, s9;
	s6 =	sadd.s32 @!p0 $0x88, s6;
	s7 =	simm.s32 @p2 $0x1082  }
0x22: {  	[simem:s7], [sflag:s8] =	dma.local @!p0 [hbm:s6], $0xF7A  }
0x23: {  	s9 =	sor.u32 $0xD0000000, s2;
	s6 =	simm.s32 $0x108;
	_ =	swait.ge @!p0 [sflag:s8], $0x0  }
0x24: {  	s3 =	sadd.s32 $0x88, s3;
	s6 =	simm.s32 @!p1 $0x1082;
	[sflag:s4] =	ssyncset.s32 $0xFFFFF086  }
0x25: {  	[simem:s6], [sflag:s4] =	dma.local [hbm:s3], $0xF7A  }
0x26: {  	[smem:$0x3F9B] =	sst s1;
	(tag) =	ssettag s2;
	_ =	strace s9  }
0x27: {  	s1 =	sld [smem:$0x3FAB]  }
0x28: {  	s2 =	sld [smem:$0x3FAC]  }
0x29: {  	s4 =	sld [smem:$0x3FAE]  }
0x2a: {  	p0 =	seq.s32 s5, $0x0;
	s5 =	sld [smem:$0x3FAF]  }
0x2b: {  	s6 =	sld [smem:$0x3FB0]  }
0x2c: {  	s7 =	sld [smem:$0x3FB1]  }
0x2d: {  	s3 =	simm.s32 $0x108;
	s8 =	sld [smem:$0x3FB2]  }
0x2e: {  	s3 =	simm.s32 @!p0 $0x1082;
	s9 =	sld [smem:$0x3FB3]  }
0x2f: {  	lr =	sadd.s32 s0, s3;
	s0 =	sld [smem:$0x3FAA]  }
0x30: {  	s3 =	sld [smem:$0x3FAD]  }
0x31: {  	[smem:$0x3FB6] =	sst s10  }
0x32: {  	s10 =	sld [smem:$0x3FB4];
	_ =	sdelay $0x3  }
0x33: {  	p0 =	seq.s32 s10, $0x1;
	s10 =	sld [smem:$0x3FB6];
	_ =	sdelay $0x3  }
0x34: {  	[smem:$0x3FB6] =	sst s10  }
0x35: {  	s10 =	sld [smem:$0x3FB5];
	_ =	sdelay $0x3  }
0x36: {  	p1 =	seq.s32 s10, $0x1;
	s10 =	sld [smem:$0x3FB6];
	_ =	sdelay $0x3  }
0x37: {  	[smem:$0x3FB6] =	sst s10  }
0x38: {  	s10 =	sld [smem:$0x3FB7]  }
0x39: {  	_ = 	snop;
	(pc) =	sbr.ind lr, $3  }
0x3a: {  	_ = 	snop  }
0x3b: {  	_ = 	snop  }
0x3c: {  	p2 =	seq.s32 s10, $0x1;
	s10 =	sld [smem:$0x3FB6]  }
0x3d: {  	_ =	shalt  }
0x3e: {  	_ =	shalt  }
0x3f: {  	_ =	shalt  }
0x40: {  	_ =	shalt  }
0x41: {  	_ =	shalt  }
0x42: {  	_ =	shalt  }
0x43: {  	_ =	shalt  }
0x44: {  	_ =	shalt  }
0x45: {  	_ =	shalt  }
0x46: {  	_ =	shalt  }
0x47: {  	_ =	shalt  }
0x48: {  	_ =	shalt  }
0x49: {  	_ =	shalt  }
0x4a: {  	_ =	shalt  }
0x4b: {  	_ =	shalt  }
0x4c: {  	_ =	shalt  }
0x4d: {  	_ =	shalt  }
0x4e: {  	_ =	shalt  }
0x4f: {  	_ =	shalt  }
0x50: {  	_ =	shalt  }
0x51: {  	_ =	shalt  }
0x52: {  	_ =	shalt  }
0x53: {  	_ =	shalt  }
0x54: {  	_ =	shalt  }
0x55: {  	_ =	shalt  }
0x56: {  	_ =	shalt  }
0x57: {  	_ =	shalt  }
0x58: {  	_ =	shalt  }
0x59: {  	_ =	shalt  }
0x5a: {  	_ =	shalt  }
0x5b: {  	_ =	shalt  }
0x5c: {  	_ =	shalt  }
0x5d: {  	_ =	shalt  }
0x5e: {  	_ =	shalt  }
0x5f: {  	_ =	shalt  }
0x60: {  	_ =	shalt  }
0x61: {  	_ =	shalt  }
0x62: {  	_ =	shalt  }
0x63: {  	_ =	shalt  }
0x64: {  	_ =	shalt  }
0x65: {  	_ =	shalt  }
0x66: {  	_ =	shalt  }
0x67: {  	_ =	shalt  }
0x68: {  	_ =	shalt  }
0x69: {  	_ =	shalt  }
0x6a: {  	_ =	shalt  }
0x6b: {  	_ =	shalt  }
0x6c: {  	_ =	shalt  }
0x6d: {  	_ =	shalt  }
0x6e: {  	_ =	shalt  }
0x6f: {  	_ =	shalt  }
0x70: {  	_ =	shalt  }
0x71: {  	_ =	shalt  }
0x72: {  	_ =	shalt  }
0x73: {  	_ =	shalt  }
0x74: {  	_ =	shalt  }
0x75: {  	_ =	shalt  }
0x76: {  	_ =	shalt  }
0x77: {  	_ =	shalt  }
0x78: {  	_ =	shalt  }
0x79: {  	_ =	shalt  }
0x7a: {  	_ =	shalt  }
0x7b: {  	_ =	shalt  }
0x7c: {  	_ =	shalt  }
0x7d: {  	_ =	shalt  }
0x7e: {  	_ =	shalt  }
0x7f: {  	_ =	shalt  }
0x80: {  	_ =	shalt  }
0x81: {  	_ =	shalt  }
0x82: {  	_ =	shalt  }
0x83: {  	_ =	shalt  }
0x84: {  	_ =	shalt  }
0x85: {  	_ =	shalt  }
0x86: {  	_ =	shalt  }
0x87: {  	_ =	shalt  }
.Lfunc_end0:
.L_simem_size_0:
called_computation.1_lowered:
.L_overlay_start_0:
0x88: {  	s2 =	sld [smem:$0x3FD9]  }
0x89: {  	s3 =	sld [smem:$0x3FFE];
	_ =	sdelay $0x1  }
0x8a: {  	s1 =	srdreg.scid  }
0x8b: {  	s0 =	sand.u32 $0x1, s1  }
0x8c: {  	s17 =	sshll.u32 s0, $0xA;
	s2 =	sadd.s32 s3, s2  }
0x8d: {  	s2 =	sadd.s32 s2, s17  }
0x8e: {  	[smem:$0x3FC2] =	sst s2  }
0x8f: {  	_ = 	snop  }
0x90: {  	s2 =	sld [smem:$0x3FD0];
	(tm) =	ssettm $0x1  }
0x91: {  	s18 =	sld [smem:$0x3FFB];
	_ =	sdelay $0x3  }
0x92: {  	_ =	strace s18  }
0x93: {  	s3 =	sld [smem:$0x3FFC];
	_ =	sdelay $0x3  }
0x94: {  	_ =	strace s3  }
0x95: {  	s3 =	sld [smem:$0x3FFD];
	_ =	sdelay $0x3  }
0x96: {  	_ =	strace s3  }
0x97: {  	_ =	strace $0x8FFFFFFF  }
0x98: {  	s19 =	sld [smem:$0x3FDB];
	_ =	sdelay $0x1  }
0x99: {  	s4 =	simm.s32 $_scs_section_size  }
0x9a: {  	s5 =	simm.s32 $_size__tile_overlayer_lowered;
	s6 =	simm.s32 $_tile_overlayer_lowered  }
0x9b: {  	s22 =	simm.s32 $0x1BFF;
	s21 =	sshll.u32 s6, $0x1;
	s3 =	sadd.s32 s4, s19  }
0x9c: {  	s7 =	simm.s32 $0x0;
	s20 =	sshll.u32 s5, $0x1;
	s5 =	sadd.s32 s21, s3  }
0x9d: {  	[timem:s7], [sflag:s22] =	dma.local [hbm:s5], s20  }
0x9e: {  	_ =	swait.ge [sflag:s22], s20  }
0x9f: {  	s4 =	ssub.s32 $0x0, s20;
	[sflag:s22] =	ssyncset.done $0x0  }
0xa0: {  	[sflag:s22] =	ssyncadd.s32 s4;
	_ =	sdelay $0x1  }
0xa1: {  	s23 =	simm.s32 $0x1B8B  }
0xa2: {  	_ =	swait.ge [sflag:s23], $0x1  }
0xa3: {  	[sflag:s23] =	ssyncset.done $0x0  }
0xa4: {  	s25 =	simm.s32 $0x1B8E;
	s24 =	sld [smem:$0x3FFE];
	[sflag:s23] =	ssyncadd.s32 $0xFFFFFFFF  }
0xa5: {  	s26 =	simm.s32 $execute0_lowered;
	[smem:$0x3FD2] =	sst s25  }
0xa6: {  	s5 =	sshll.u32 s26, $0x1;
	_ =	strace $0x80000049;
	[dreg:$0x1] =	wrdreg $0xFFFFFFFF  }
0xa7: {  	s28 =	simm.s32 $_size_execute0_lowered;
	s3 =	sadd.s32 s3, s5;
	[dreg:$0x0] =	wrdreg $0x0  }
0xa8: {  	s5 =	sshll.u32 s28, $0x1;
	[dreg:$0x2] =	wrdreg s3  }
0xa9: {  	[dreg:$0x3] =	wrdreg s5  }
0xaa: {  	[dreg:$0x4] =	wrdreg $0xC0  }
0xab: {  	_ =	task [dreg:s7], $0x5FFFF  }
0xac: {  	[dreg:$0x1] =	wrdreg $0xFFFFFFFF  }
0xad: {  	[dreg:$0x0] =	wrdreg $0x60  }
0xae: {  	[dreg:$0x2] =	wrdreg s2  }
0xaf: {  	[dreg:$0x3] =	wrdreg s24  }
0xb0: {  	[dreg:$0x4] =	wrdreg $0xB8000  }
0xb1: {  	[dreg:$0x5] =	wrdreg $0x9  }
0xb2: {  	_ =	task.clear_ibuf [dreg:s7], $0x6FFFF;
	_ =	strace $0x90000049  }
0xb3: {  	s29 =	simm.s32 $0x9;
	_ =	strace $0x8000004B  }
0xb4: {  	_ =	swait.ge [sflag:s29], $0x1  }
0xb5: {  	[sflag:s29] =	ssyncadd.s32 $0xFFFFFFFF  }
0xb6: {  	_ =	strace $0x9000004B  }
0xb7: {  	_ =	sfence  }
0xb8: {  	s30 =	sld [smem:$0x0];
	_ =	sdelay $0x2  }
0xb9: {  	s31 =	sshll.u32 s1, $0xD;
	s1 =	sshrl.u32 s1, $0x2  }
0xba: {  	s3 =	sand.u32 $0x4000, s31;
	s1 =	sadd.s32 s1, s30  }
0xbb: {  	s0 =	sor.u32 s3, s0;
	s1 =	sshll.u32 s1, $0x11  }
0xbc: {  	s0 =	sor.u32 s1, s0  }
0xbd: {  	s0 =	sadd.s32 $0x8F2B, s0  }
0xbe: {  	[sflag:s0] =	ssyncadd.remote.s32 $0x1  }
0xbf: {  	_ =	sfence.sel $0xFFFF  }
0xc0: {  	[dreg:$0x0] =	wrdreg $0xFFFFFFFF;
	(pc) =	sbr.abs _section_cstart, $3  }
0xc1: {  	[dreg:$0x1] =	wrdreg $0xFFFFFFFF  }
0xc2: {  	_ =	task.clear_ibuf [dreg:s7], $0x2FFFF;
	_ =	strace $0x9FFFFFFF  }
0xc3: {  	(tm) =	ssettm $0x7FFFFFFF  }
tec
execute0_lowered:
.L_overlay_start_1:
0x0: {  	(tag) =	ssettag $0x1  }
0x1: {  	s1 =	rddreg [dreg:$0x0]  }
0x2: {  	s0 =	rddreg [dreg:$0x1]  }
0x3: {  	s2 =	rddreg [dreg:$0x2]  }
0x4: {  	s3 =	srdreg.scid;
	s4 =	simm.s32 $0x0;
	s13 =	simm.s32 $0x3  }
0x5: {  	s14 =	simm.s32 $0x50;
	s15 =	simm.s32 $0x1800;
	s16 =	simm.s32 $0x4000  }
0x6: {  	s17 =	simm.s32 $0x1;
	s18 =	simm.s32 $0x6800;
	s19 =	simm.s32 $0x9000  }
0x7: {  	s20 =	simm.s32 $0x2;
	s29 =	simm.s32 $0xE00;
	s30 =	simm.s32 $0x0  }
0x8: {  	s5 =	sand.u32 $0x1, s3;
	s3 =	stileid.u32;
	[smem:$0x7FF] =	sst s4  }
0x9: {  	s10 =	sadd.s32 $0x60400, s0;
	s9 =	sadd.s32 $0x50400, s0;
	s6 =	smul.u32 $0x138800, s5  }
0xa: {  	s7 =	smul.u32 $0x1400, s3;
	_ =	strace $0x8000004A;
	s24 =	sshll.u32 s5, $0x12  }
0xb: {  	s8 =	sshll.u32 s3, $0xE;
	s5 =	ssub.s32 $0x2, s5;
	s12 =	smul.u32 $0x5000, s3  }
0xc: {  	s25 =	sshrl.u32 s5, $0x1;
	s6 =	sadd.s32 s7, s6;
	s7 =	sor.u32 s8, s24  }
0xd: {  	s8 =	ssub.s32 s5, s25;
	s26 =	sshrl.u32 s12, $0x2;
	s12 =	simm.s32 $0xC00  }
0xe: {  	s6 =	sshrl.u32 s6, $0x3;
	s11 =	sshrl.u32 s7, $0x3;
	s28 =	sor.u32 $0x400, s7  }
0xf: {  	s7 =	smax.u32 s8, $0x1;
	s8 =	sadd.s32 s26, s2;
	s0 =	sadd.s32 s6, s0  }
0x10: {  	s5 =	sadd.s32 s10, s11;
	s6 =	sadd.s32 s9, s11;
	s31 =	sshrl.u32 s28, $0x3  }
0x11: {  	v0 =	vimm.f32 $0.0e+00;
	s9 =	sadd.s32 s31, s9;
	s10 =	sadd.s32 s31, s10;
	s11 =	sadd.s32 $0x70400, s0  }
.LBB2_1:
0x12: {  	[tilespmem:s4], [sflag:$0x3] =	stream.linear.gather [hbm4b:s5+s4], $0x400, $0x38;
	[tilespmem:$0x1F080] =	vst v63  }
0x13: {  	s0 =	simm.s32 $0x0;
	s21 =	simm.s32 $0x200  }
0x14: {  	[tilespmem:s12], [sflag:$0x3] =	stream.linear.gather [hbm4b:s6+s4], $0x400, $0x38;
	[tilespmem:$0x1F080] =	vst v63  }
.LBB2_2:
0x15: {  	p0 =	sne.s32 s21, $0x4E00;
	[tilespmem:s0+$0x1870] =	vst v0  }
0x16: {  	[tilespmem:s0+$0x1800] =	vst v0  }
0x17: {  	[tilespmem:s0+$0x1810] =	vst v0  }
.Ltmp0:
0x18: {  	[tilespmem:s0+$0x1820] =	vst v0;
	(pc) =	sbr.rel @p0 .LBB2_2-.Ltmp0, $4  }
0x19: {  	[tilespmem:s0+$0x1830] =	vst v0  }
0x1a: {  	[tilespmem:s0+$0x1840] =	vst v0  }
0x1b: {  	[tilespmem:s0+$0x1850] =	vst v0  }
0x1c: {  	[tilespmem:s0+$0x1860] =	vst v0;
	s0 =	sshra.s32 s21, $0x2;
	s21 =	sadd.s32 $0x200, s21  }
0x1d: {  	[tilespmem:s0+$0x1870] =	vst v0  }
0x1e: {  	[tilespmem:s0+$0x1800] =	vst v0  }
0x1f: {  	[tilespmem:s0+$0x1810] =	vst v0  }
0x20: {  	[tilespmem:s0+$0x1820] =	vst v0  }
0x21: {  	[tilespmem:s0+$0x1830] =	vst v0  }
0x22: {  	[tilespmem:s0+$0x1840] =	vst v0;
	s21 =	sadd.s32 $0x0, s3  }
0x23: {  	[tilespmem:s0+$0x1850] =	vst v0;
	p0 =	sgt.u32 s21, $0xF9  }
0x24: {  	[tilespmem:s0+$0x1860] =	vst v0;
	s0 =	simm.s32 @!p0 $0x1800;
	s23 =	simm.s32 @!p0 $0x4  }
0x25: {  	[spmem:s8] =	stream.linear.scatter @!p0 [tilespmem:s0], [sflag:$0x4], $0x1400, $0x38;
	[tilespmem:$0x1F080] =	vst v63  }
0x26: {  	s22 =	simm.s32 $0x20;
	_ =	swait.ge @!p0 [sflag:s23], $0x1400  }
0x27: {  	s21 =	simm.s32 $0x10;
	s0 =	sadd.s32 $0x14000, s8;
	[sflag:s23] =	ssyncset.done @!p0 $0x0  }
.LBB2_4:
0x28: {  	s24 =	sadd.s32 s21, s3;
	s21 =	smov.u32 s22;
	s22 =	sadd.s32 $0x10, s22  }
0x29: {  	[sflag:s23] =	ssyncadd.s32 @!p0 $0xFFFFEC00;
	p1 =	sne.s32 s22, $0x100  }
.Ltmp1:
0x2a: {  	p0 =	sgt.u32 s24, $0xF9;
	(pc) =	sbr.rel @p1 .LBB2_4-.Ltmp1, $4  }
0x2b: {  	s24 =	simm.s32 @!p0 $0x1800;
	s23 =	simm.s32 @!p0 $0x4  }
0x2c: {  	[spmem:s0] =	stream.linear.scatter @!p0 [tilespmem:s24], [sflag:$0x4], $0x1400, $0x38;
	[tilespmem:$0x1F080] =	vst v63  }
0x2d: {  	_ =	swait.ge @!p0 [sflag:s23], $0x1400  }
0x2e: {  	s0 =	sadd.s32 $0x14000, s0;
	[sflag:s23] =	ssyncset.done @!p0 $0x0  }
0x2f: {  	s21 =	sadd.s32 s21, s3  }
0x30: {  	p1 =	sgt.u32 s21, $0xF9  }
0x31: {  	[sflag:s23] =	ssyncadd.s32 @!p0 $0xFFFFEC00;
	s21 =	simm.s32 @!p1 $0x1800  }
0x32: {  	[spmem:s0] =	stream.linear.scatter @!p1 [tilespmem:s21], [sflag:$0x4], $0x1400, $0x38;
	[tilespmem:$0x1F080] =	vst v63  }
0x33: {  	s22 =	simm.s32 $0x0;
	s0 =	simm.s32 @!p1 $0x4  }
0x34: {  	s21 =	smul.u32 $0xAB, s22;
	_ =	swait.ge @!p1 [sflag:s0], $0x1400  }
0x35: {  	[sflag:s0] =	ssyncset.done @!p1 $0x0  }
0x36: {  	s23 =	sadd.s32 $0xAB, s21;
	[sflag:s0] =	ssyncadd.s32 @!p1 $0xFFFFEC00  }
0x37: {  	s0 =	sshrl.u32 s23, $0x9;
	[bflag:$0x0] =	sbarrier.arrive $0xFFFF  }
0x38: {  	s0 =	sand.u32 $0x7F, s0;
	_ =	swait.ge [sflag:s13], $0x400  }
0x39: {  	s21 =	sshrl.u32 s21, $0x9;
	s0 =	smul.u32 $0x3, s0;
	[sflag:s13] =	ssyncset.done $0x0  }
0x3a: {  	s21 =	sand.u32 $0x7F, s21;
	[sflag:s13] =	ssyncadd.s32 $0xFFFFFC00  }
0x3b: {  	s21 =	smul.u32 $0x3, s21;
	s0 =	ssub.s32 $0x1, s0;
	_ =	swait.ge [sflag:s13], $0x400  }
0x3c: {  	s0 =	sand.u32 $0xFF, s0;
	[sflag:s13] =	ssyncset.done $0x0  }
0x3d: {  	s21 =	ssub.s32 $0x0, s21;
	s0 =	sshll.u32 s0, $0xA;
	[sflag:s13] =	ssyncadd.s32 $0xFFFFFC00  }
0x3e: {  	[tilespmem:s0], [sflag:$0x3] =	stream.linear.gather [hbm4b:s10+s4], $0x400, $0x38;
	[tilespmem:$0x1F080] =	vst v63  }
0x3f: {  	s24 =	sand.u32 $0xFF, s21;
	s0 =	sadd.s32 $0xC00, s0  }
0x40: {  	[tilespmem:s0], [sflag:$0x3] =	stream.linear.gather [hbm4b:s9+s4], $0x400, $0x38;
	[tilespmem:$0x1F080] =	vst v63  }
0x41: {  	s0 =	sshll.u32 s24, $0xA  }
0x42: {  	[tilespmem:s15], [sflag:$0x1] =	stream.indirect.gather [hbm4b:s1+s14], $0x80, s0, s14, $0xb8;
	[tilespmem:$0x1F080] =	vst v63  }
0x43: {  	s25 =	sor.u32 $0x80, s0  }
0x44: {  	[tilespmem:s16], [sflag:$0x1] =	stream.indirect.gather [hbm4b:s1+s14], $0x80, s25, s14, $0xb8;
	[tilespmem:$0x1F080] =	vst v63  }
0x45: {  	_ =	swait.ge [sflag:s17], $0x2800  }
0x46: {  	[sflag:s17] =	ssyncset.done $0x0  }
0x47: {  	[sflag:s17] =	ssyncadd.s32 $0xFFFFD800  }
0x48: {  	_ =	swait.ge [sflag:s17], $0x2800  }
0x49: {  	[sflag:s17] =	ssyncset.done $0x0  }
0x4a: {  	p0 =	por $0x1, $0x1;
	s26 =	sadd.s32 $0xC00, s0;
	[sflag:s17] =	ssyncadd.s32 $0xFFFFD800  }
0x4b: {  	[spmem:s2] =	stream.indirect.scatter.add.f32 [tilespmem:s15], [sflag:$0x2], $0x80, s26, s14, $0xb8;
	[tilespmem:$0x1F080] =	vst v63  }
0x4c: {  	s22 =	simm.s32 @!p0 $0x2;
	s28 =	sadd.s32 $0xC80, s0  }
0x4d: {  	[spmem:s2] =	stream.indirect.scatter.add.f32 [tilespmem:s16], [sflag:$0x2], $0x80, s28, s14, $0xb8;
	[tilespmem:$0x1F080] =	vst v63  }
0x4e: {  	_ =	swait.ge @!p0 [sflag:s22], $0x2800  }
0x4f: {  	[sflag:s22] =	ssyncset.done @!p0 $0x0  }
0x50: {  	[sflag:s22] =	ssyncadd.s32 @!p0 $0xFFFFD800  }
0x51: {  	_ =	swait.ge @!p0 [sflag:s22], $0x2800  }
0x52: {  	[sflag:s22] =	ssyncset.done @!p0 $0x0  }
0x53: {  	s23 =	sor.u32 $0x100, s0;
	[sflag:s22] =	ssyncadd.s32 @!p0 $0xFFFFD800  }
0x54: {  	[tilespmem:s18], [sflag:$0x1] =	stream.indirect.gather [hbm4b:s1+s14], $0x80, s23, s14, $0xb8;
	[tilespmem:$0x1F080] =	vst v63  }
0x55: {  	s24 =	sor.u32 $0x180, s0  }
0x56: {  	[tilespmem:s19], [sflag:$0x1] =	stream.indirect.gather [hbm4b:s1+s14], $0x80, s24, s14, $0xb8;
	[tilespmem:$0x1F080] =	vst v63  }
0x57: {  	_ =	swait.ge [sflag:s17], $0x2800  }
0x58: {  	[sflag:s17] =	ssyncset.done $0x0  }
0x59: {  	[sflag:s17] =	ssyncadd.s32 $0xFFFFD800  }
0x5a: {  	_ =	swait.ge [sflag:s17], $0x2800  }
0x5b: {  	[sflag:s17] =	ssyncset.done $0x0  }
0x5c: {  	s25 =	sadd.s32 $0xD00, s0;
	[sflag:s17] =	ssyncadd.s32 $0xFFFFD800  }
0x5d: {  	[spmem:s2] =	stream.indirect.scatter.add.f32 [tilespmem:s18], [sflag:$0x2], $0x80, s25, s14, $0xb8;
	[tilespmem:$0x1F080] =	vst v63  }
0x5e: {  	s26 =	sadd.s32 $0xD80, s0  }
0x5f: {  	[spmem:s2] =	stream.indirect.scatter.add.f32 [tilespmem:s19], [sflag:$0x2], $0x80, s26, s14, $0xb8;
	[tilespmem:$0x1F080] =	vst v63  }
0x60: {  	_ =	swait.ge [sflag:s20], $0x2800  }
0x61: {  	[sflag:s20] =	ssyncset.done $0x0  }
0x62: {  	[sflag:s20] =	ssyncadd.s32 $0xFFFFD800  }
0x63: {  	_ =	swait.ge [sflag:s20], $0x2800  }
0x64: {  	[sflag:s20] =	ssyncset.done $0x0  }
0x65: {  	s28 =	sor.u32 $0x200, s0;
	[sflag:s20] =	ssyncadd.s32 $0xFFFFD800  }
0x66: {  	[tilespmem:s15], [sflag:$0x1] =	stream.indirect.gather [hbm4b:s1+s14], $0x80, s28, s14, $0xb8;
	[tilespmem:$0x1F080] =	vst v63  }
0x67: {  	s22 =	sor.u32 $0x280, s0  }
0x68: {  	[tilespmem:s16], [sflag:$0x1] =	stream.indirect.gather [hbm4b:s1+s14], $0x80, s22, s14, $0xb8;
	[tilespmem:$0x1F080] =	vst v63  }
0x69: {  	_ =	swait.ge [sflag:s17], $0x2800  }
0x6a: {  	[sflag:s17] =	ssyncset.done $0x0  }
0x6b: {  	[sflag:s17] =	ssyncadd.s32 $0xFFFFD800  }
0x6c: {  	_ =	swait.ge [sflag:s17], $0x2800  }
0x6d: {  	[sflag:s17] =	ssyncset.done $0x0  }
0x6e: {  	s23 =	sadd.s32 $0xE00, s0;
	[sflag:s17] =	ssyncadd.s32 $0xFFFFD800  }
0x6f: {  	[spmem:s2] =	stream.indirect.scatter.add.f32 [tilespmem:s15], [sflag:$0x2], $0x80, s23, s14, $0xb8;
	[tilespmem:$0x1F080] =	vst v63  }
0x70: {  	s24 =	sadd.s32 $0xE80, s0  }
0x71: {  	[spmem:s2] =	stream.indirect.scatter.add.f32 [tilespmem:s16], [sflag:$0x2], $0x80, s24, s14, $0xb8;
	[tilespmem:$0x1F080] =	vst v63  }
0x72: {  	_ =	swait.ge [sflag:s20], $0x2800  }
0x73: {  	[sflag:s20] =	ssyncset.done $0x0  }
0x74: {  	[sflag:s20] =	ssyncadd.s32 $0xFFFFD800  }
0x75: {  	_ =	swait.ge [sflag:s20], $0x2800  }
0x76: {  	[sflag:s20] =	ssyncset.done $0x0  }
0x77: {  	s25 =	sor.u32 $0x300, s0;
	[sflag:s20] =	ssyncadd.s32 $0xFFFFD800  }
0x78: {  	[tilespmem:s18], [sflag:$0x1] =	stream.indirect.gather [hbm4b:s1+s14], $0x80, s25, s14, $0xb8;
	[tilespmem:$0x1F080] =	vst v63  }
0x79: {  	s26 =	sor.u32 $0x380, s0  }
0x7a: {  	[tilespmem:s19], [sflag:$0x1] =	stream.indirect.gather [hbm4b:s1+s14], $0x80, s26, s14, $0xb8;
	[tilespmem:$0x1F080] =	vst v63  }
0x7b: {  	_ =	swait.ge [sflag:s17], $0x2800  }
0x7c: {  	[sflag:s17] =	ssyncset.done $0x0  }
0x7d: {  	[sflag:s17] =	ssyncadd.s32 $0xFFFFD800  }
0x7e: {  	_ =	swait.ge [sflag:s17], $0x2800  }
0x7f: {  	[sflag:s17] =	ssyncset.done $0x0  }
0x80: {  	s28 =	sadd.s32 $0xF00, s0;
	[sflag:s17] =	ssyncadd.s32 $0xFFFFD800  }
0x81: {  	[spmem:s2] =	stream.indirect.scatter.add.f32 [tilespmem:s18], [sflag:$0x2], $0x80, s28, s14, $0xb8;
	[tilespmem:$0x1F080] =	vst v63  }
0x82: {  	s0 =	sadd.s32 $0xF80, s0  }
0x83: {  	[spmem:s2] =	stream.indirect.scatter.add.f32 [tilespmem:s19], [sflag:$0x2], $0x80, s0, s14, $0xb8;
	[tilespmem:$0x1F080] =	vst v63  }
0x84: {  	_ =	swait.ge [sflag:s20], $0x2800  }
0x85: {  	s31 =	simm.s32 $0x1;
	s21 =	sadd.s32 $0x80, s10;
	[sflag:s20] =	ssyncset.done $0x0  }
0x86: {  	s22 =	simm.s32 $0x2;
	s24 =	smul.u32 $0xAB, s31;
	[sflag:s20] =	ssyncadd.s32 $0xFFFFD800  }
0x87: {  	s23 =	simm.s32 $0x2;
	s0 =	sadd.s32 $0x80, s9;
	_ =	swait.ge [sflag:s20], $0x2800  }
.LBB2_6:
0x88: {  	s26 =	sadd.s32 $0xAB, s24  }
0x89: {  	[sflag:s20] =	ssyncset.done $0x0;
	s25 =	smov.u32 s22;
	s22 =	sadd.s32 $0x1, s22  }
0x8a: {  	p0 =	sne.s32 s22, $0xF;
	s26 =	sshrl.u32 s26, $0x9;
	[sflag:s20] =	ssyncadd.s32 $0xFFFFD800  }
0x8b: {  	_ =	swait.ge [sflag:s13], $0x400;
	s26 =	sand.u32 $0x7F, s26  }
0x8c: {  	[sflag:s13] =	ssyncset.done $0x0;
	s26 =	smul.u32 $0x3, s26  }
0x8d: {  	[sflag:s13] =	ssyncadd.s32 $0xFFFFFC00  }
0x8e: {  	s24 =	sshrl.u32 s24, $0x9;
	_ =	swait.ge [sflag:s13], $0x400;
	s23 =	ssub.s32 s23, s26  }
0x8f: {  	s24 =	sand.u32 $0x7F, s24;
	[sflag:s13] =	ssyncset.done $0x0;
	s23 =	sand.u32 $0xFF, s23  }
0x90: {  	s24 =	smul.u32 $0x3, s24;
	[sflag:s13] =	ssyncadd.s32 $0xFFFFFC00;
	s23 =	sshll.u32 s23, $0xA  }
0x91: {  	[tilespmem:s23], [sflag:$0x3] =	stream.linear.gather [hbm4b:s21+s4], $0x400, $0x38;
	[tilespmem:$0x1F080] =	vst v63  }
0x92: {  	s24 =	ssub.s32 s31, s24;
	s26 =	sadd.s32 $0xC00, s23;
	s23 =	smov.u32 s22  }
0x93: {  	[tilespmem:s26], [sflag:$0x3] =	stream.linear.gather [hbm4b:s0+s4], $0x400, $0x38;
	[tilespmem:$0x1F080] =	vst v63  }
0x94: {  	s24 =	sand.u32 $0xFF, s24  }
0x95: {  	s24 =	sshll.u32 s24, $0xA  }
0x96: {  	[tilespmem:s15], [sflag:$0x1] =	stream.indirect.gather [hbm4b:s1+s14], $0x80, s24, s14, $0xb8;
	[tilespmem:$0x1F080] =	vst v63  }
0x97: {  	s26 =	sor.u32 $0x80, s24  }
0x98: {  	[tilespmem:s16], [sflag:$0x1] =	stream.indirect.gather [hbm4b:s1+s14], $0x80, s26, s14, $0xb8;
	[tilespmem:$0x1F080] =	vst v63  }
0x99: {  	_ =	swait.ge [sflag:s17], $0x2800  }
0x9a: {  	[sflag:s17] =	ssyncset.done $0x0  }
0x9b: {  	[sflag:s17] =	ssyncadd.s32 $0xFFFFD800  }
0x9c: {  	_ =	swait.ge [sflag:s17], $0x2800  }
0x9d: {  	s26 =	sadd.s32 $0xC00, s24;
	[sflag:s17] =	ssyncset.done $0x0  }
0x9e: {  	p1 =	seq.s32 s31, $0x0;
	s28 =	sadd.s32 $0xC80, s24;
	[sflag:s17] =	ssyncadd.s32 $0xFFFFD800  }
0x9f: {  	[spmem:s2] =	stream.indirect.scatter.add.f32 [tilespmem:s15], [sflag:$0x2], $0x80, s26, s14, $0xb8;
	[tilespmem:$0x1F080] =	vst v63  }
0xa0: {  	s31 =	smov.u32 s25;
	s26 =	simm.s32 @!p1 $0x2  }
0xa1: {  	[spmem:s2] =	stream.indirect.scatter.add.f32 [tilespmem:s16], [sflag:$0x2], $0x80, s28, s14, $0xb8;
	[tilespmem:$0x1F080] =	vst v63  }
0xa2: {  	_ =	swait.ge @!p1 [sflag:s26], $0x2800  }
0xa3: {  	[sflag:s26] =	ssyncset.done @!p1 $0x0  }
0xa4: {  	[sflag:s26] =	ssyncadd.s32 @!p1 $0xFFFFD800  }
0xa5: {  	_ =	swait.ge @!p1 [sflag:s26], $0x2800  }
0xa6: {  	s25 =	sor.u32 $0x100, s24;
	[sflag:s26] =	ssyncset.done @!p1 $0x0  }
0xa7: {  	[sflag:s26] =	ssyncadd.s32 @!p1 $0xFFFFD800;
	s26 =	sor.u32 $0x180, s24  }
0xa8: {  	[tilespmem:s18], [sflag:$0x1] =	stream.indirect.gather [hbm4b:s1+s14], $0x80, s25, s14, $0xb8;
	[tilespmem:$0x1F080] =	vst v63  }
0xa9: {  	_ = 	snop  }
0xaa: {  	[tilespmem:s19], [sflag:$0x1] =	stream.indirect.gather [hbm4b:s1+s14], $0x80, s26, s14, $0xb8;
	[tilespmem:$0x1F080] =	vst v63  }
0xab: {  	_ =	swait.ge [sflag:s17], $0x2800  }
0xac: {  	[sflag:s17] =	ssyncset.done $0x0  }
0xad: {  	[sflag:s17] =	ssyncadd.s32 $0xFFFFD800  }
0xae: {  	_ =	swait.ge [sflag:s17], $0x2800  }
0xaf: {  	s25 =	sadd.s32 $0xD00, s24;
	[sflag:s17] =	ssyncset.done $0x0  }
0xb0: {  	s26 =	sadd.s32 $0xD80, s24;
	[sflag:s17] =	ssyncadd.s32 $0xFFFFD800  }
0xb1: {  	[spmem:s2] =	stream.indirect.scatter.add.f32 [tilespmem:s18], [sflag:$0x2], $0x80, s25, s14, $0xb8;
	[tilespmem:$0x1F080] =	vst v63  }
0xb2: {  	_ = 	snop  }
0xb3: {  	[spmem:s2] =	stream.indirect.scatter.add.f32 [tilespmem:s19], [sflag:$0x2], $0x80, s26, s14, $0xb8;
	[tilespmem:$0x1F080] =	vst v63  }
0xb4: {  	_ =	swait.ge [sflag:s20], $0x2800  }
0xb5: {  	[sflag:s20] =	ssyncset.done $0x0  }
0xb6: {  	[sflag:s20] =	ssyncadd.s32 $0xFFFFD800  }
0xb7: {  	_ =	swait.ge [sflag:s20], $0x2800  }
0xb8: {  	s25 =	sor.u32 $0x200, s24;
	[sflag:s20] =	ssyncset.done $0x0  }
0xb9: {  	s26 =	sor.u32 $0x280, s24;
	[sflag:s20] =	ssyncadd.s32 $0xFFFFD800  }
0xba: {  	[tilespmem:s15], [sflag:$0x1] =	stream.indirect.gather [hbm4b:s1+s14], $0x80, s25, s14, $0xb8;
	[tilespmem:$0x1F080] =	vst v63  }
0xbb: {  	_ = 	snop  }
0xbc: {  	[tilespmem:s16], [sflag:$0x1] =	stream.indirect.gather [hbm4b:s1+s14], $0x80, s26, s14, $0xb8;
	[tilespmem:$0x1F080] =	vst v63  }
0xbd: {  	_ =	swait.ge [sflag:s17], $0x2800  }
0xbe: {  	[sflag:s17] =	ssyncset.done $0x0  }
0xbf: {  	[sflag:s17] =	ssyncadd.s32 $0xFFFFD800  }
0xc0: {  	_ =	swait.ge [sflag:s17], $0x2800  }
0xc1: {  	s25 =	sadd.s32 $0xE00, s24;
	[sflag:s17] =	ssyncset.done $0x0  }
0xc2: {  	s26 =	sadd.s32 $0xE80, s24;
	[sflag:s17] =	ssyncadd.s32 $0xFFFFD800  }
0xc3: {  	[spmem:s2] =	stream.indirect.scatter.add.f32 [tilespmem:s15], [sflag:$0x2], $0x80, s25, s14, $0xb8;
	[tilespmem:$0x1F080] =	vst v63  }
0xc4: {  	_ = 	snop  }
0xc5: {  	[spmem:s2] =	stream.indirect.scatter.add.f32 [tilespmem:s16], [sflag:$0x2], $0x80, s26, s14, $0xb8;
	[tilespmem:$0x1F080] =	vst v63  }
0xc6: {  	_ =	swait.ge [sflag:s20], $0x2800  }
0xc7: {  	[sflag:s20] =	ssyncset.done $0x0  }
0xc8: {  	[sflag:s20] =	ssyncadd.s32 $0xFFFFD800  }
0xc9: {  	_ =	swait.ge [sflag:s20], $0x2800  }
0xca: {  	s25 =	sor.u32 $0x300, s24;
	[sflag:s20] =	ssyncset.done $0x0  }
0xcb: {  	s26 =	sor.u32 $0x380, s24;
	[sflag:s20] =	ssyncadd.s32 $0xFFFFD800  }
0xcc: {  	[tilespmem:s18], [sflag:$0x1] =	stream.indirect.gather [hbm4b:s1+s14], $0x80, s25, s14, $0xb8;
	[tilespmem:$0x1F080] =	vst v63  }
0xcd: {  	_ = 	snop  }
0xce: {  	[tilespmem:s19], [sflag:$0x1] =	stream.indirect.gather [hbm4b:s1+s14], $0x80, s26, s14, $0xb8;
	[tilespmem:$0x1F080] =	vst v63  }
0xcf: {  	_ =	swait.ge [sflag:s17], $0x2800  }
0xd0: {  	[sflag:s17] =	ssyncset.done $0x0  }
0xd1: {  	[sflag:s17] =	ssyncadd.s32 $0xFFFFD800  }
0xd2: {  	_ =	swait.ge [sflag:s17], $0x2800  }
0xd3: {  	s25 =	sadd.s32 $0xF00, s24;
	[sflag:s17] =	ssyncset.done $0x0  }
0xd4: {  	s24 =	sadd.s32 $0xF80, s24;
	[sflag:s17] =	ssyncadd.s32 $0xFFFFD800  }
0xd5: {  	[spmem:s2] =	stream.indirect.scatter.add.f32 [tilespmem:s18], [sflag:$0x2], $0x80, s25, s14, $0xb8;
	[tilespmem:$0x1F080] =	vst v63  }
0xd6: {  	_ = 	snop  }
0xd7: {  	[spmem:s2] =	stream.indirect.scatter.add.f32 [tilespmem:s19], [sflag:$0x2], $0x80, s24, s14, $0xb8;
	[tilespmem:$0x1F080] =	vst v63  }
.Ltmp2:
0xd8: {  	_ = 	snop;
	(pc) =	sbr.rel @p0 .LBB2_6-.Ltmp2, $4  }
0xd9: {  	_ =	swait.ge [sflag:s20], $0x2800  }
0xda: {  	[sflag:s20] =	ssyncset.done $0x0  }
0xdb: {  	s24 =	smul.u32 $0xAB, s31;
	[sflag:s20] =	ssyncadd.s32 $0xFFFFD800  }
0xdc: {  	s21 =	sadd.s32 $0x80, s21;
	s0 =	sadd.s32 $0x80, s0;
	_ =	swait.ge [sflag:s20], $0x2800  }
0xdd: {  	s22 =	sadd.s32 $0xAB, s24;
	[sflag:s20] =	ssyncset.done $0x0  }
0xde: {  	s22 =	sshrl.u32 s22, $0x9;
	[sflag:s20] =	ssyncadd.s32 $0xFFFFD800  }
0xdf: {  	_ =	swait.ge [sflag:s13], $0x400;
	s22 =	sand.u32 $0x7F, s22  }
0xe0: {  	[sflag:s13] =	ssyncset.done $0x0;
	s22 =	smul.u32 $0x3, s22  }
0xe1: {  	[sflag:s13] =	ssyncadd.s32 $0xFFFFFC00  }
0xe2: {  	s24 =	sshrl.u32 s24, $0x9;
	s22 =	ssub.s32 s23, s22;
	_ =	swait.ge [sflag:s13], $0x400  }
0xe3: {  	s23 =	sand.u32 $0x7F, s24;
	[sflag:s13] =	ssyncset.done $0x0;
	s22 =	sand.u32 $0xFF, s22  }
0xe4: {  	s23 =	smul.u32 $0x3, s23;
	[sflag:s13] =	ssyncadd.s32 $0xFFFFFC00;
	s22 =	sshll.u32 s22, $0xA  }
0xe5: {  	[tilespmem:s22], [sflag:$0x3] =	stream.linear.gather [hbm4b:s21+s4], $0x400, $0x38;
	[tilespmem:$0x1F080] =	vst v63  }
0xe6: {  	s25 =	ssub.s32 s31, s23  }
0xe7: {  	s22 =	sadd.s32 $0xC00, s22;
	s26 =	sand.u32 $0xFF, s25  }
0xe8: {  	[tilespmem:s22], [sflag:$0x3] =	stream.linear.gather [hbm4b:s0+s4], $0x400, $0x38;
	[tilespmem:$0x1F080] =	vst v63  }
0xe9: {  	s0 =	sshll.u32 s26, $0xA  }
0xea: {  	[tilespmem:s15], [sflag:$0x1] =	stream.indirect.gather [hbm4b:s1+s14], $0x80, s0, s14, $0xb8;
	[tilespmem:$0x1F080] =	vst v63  }
0xeb: {  	s28 =	sor.u32 $0x80, s0  }
0xec: {  	[tilespmem:s16], [sflag:$0x1] =	stream.indirect.gather [hbm4b:s1+s14], $0x80, s28, s14, $0xb8;
	[tilespmem:$0x1F080] =	vst v63  }
0xed: {  	_ =	swait.ge [sflag:s17], $0x2800  }
0xee: {  	[sflag:s17] =	ssyncset.done $0x0  }
0xef: {  	[sflag:s17] =	ssyncadd.s32 $0xFFFFD800  }
0xf0: {  	_ =	swait.ge [sflag:s17], $0x2800  }
0xf1: {  	[sflag:s17] =	ssyncset.done $0x0  }
0xf2: {  	p0 =	seq.s32 s31, $0x0;
	s22 =	sadd.s32 $0xC00, s0;
	[sflag:s17] =	ssyncadd.s32 $0xFFFFD800  }
0xf3: {  	[spmem:s2] =	stream.indirect.scatter.add.f32 [tilespmem:s15], [sflag:$0x2], $0x80, s22, s14, $0xb8;
	[tilespmem:$0x1F080] =	vst v63  }
0xf4: {  	s23 =	sadd.s32 $0xC80, s0;
	s22 =	simm.s32 @!p0 $0x2  }
0xf5: {  	[spmem:s2] =	stream.indirect.scatter.add.f32 [tilespmem:s16], [sflag:$0x2], $0x80, s23, s14, $0xb8;
	[tilespmem:$0x1F080] =	vst v63  }
0xf6: {  	_ =	swait.ge @!p0 [sflag:s22], $0x2800  }
0xf7: {  	[sflag:s22] =	ssyncset.done @!p0 $0x0  }
0xf8: {  	[sflag:s22] =	ssyncadd.s32 @!p0 $0xFFFFD800  }
0xf9: {  	_ =	swait.ge @!p0 [sflag:s22], $0x2800  }
0xfa: {  	[sflag:s22] =	ssyncset.done @!p0 $0x0  }
0xfb: {  	s24 =	sor.u32 $0x100, s0;
	[sflag:s22] =	ssyncadd.s32 @!p0 $0xFFFFD800  }
0xfc: {  	[tilespmem:s18], [sflag:$0x1] =	stream.indirect.gather [hbm4b:s1+s14], $0x80, s24, s14, $0xb8;
	[tilespmem:$0x1F080] =	vst v63  }
0xfd: {  	s25 =	sor.u32 $0x180, s0  }
0xfe: {  	[tilespmem:s19], [sflag:$0x1] =	stream.indirect.gather [hbm4b:s1+s14], $0x80, s25, s14, $0xb8;
	[tilespmem:$0x1F080] =	vst v63  }
0xff: {  	_ =	swait.ge [sflag:s17], $0x2800  }
0x100: {  	[sflag:s17] =	ssyncset.done $0x0  }
0x101: {  	[sflag:s17] =	ssyncadd.s32 $0xFFFFD800  }
0x102: {  	_ =	swait.ge [sflag:s17], $0x2800  }
0x103: {  	[sflag:s17] =	ssyncset.done $0x0  }
0x104: {  	s26 =	sadd.s32 $0xD00, s0;
	[sflag:s17] =	ssyncadd.s32 $0xFFFFD800  }
0x105: {  	[spmem:s2] =	stream.indirect.scatter.add.f32 [tilespmem:s18], [sflag:$0x2], $0x80, s26, s14, $0xb8;
	[tilespmem:$0x1F080] =	vst v63  }
0x106: {  	s28 =	sadd.s32 $0xD80, s0  }
0x107: {  	[spmem:s2] =	stream.indirect.scatter.add.f32 [tilespmem:s19], [sflag:$0x2], $0x80, s28, s14, $0xb8;
	[tilespmem:$0x1F080] =	vst v63  }
0x108: {  	_ =	swait.ge [sflag:s20], $0x2800  }
0x109: {  	[sflag:s20] =	ssyncset.done $0x0  }
0x10a: {  	[sflag:s20] =	ssyncadd.s32 $0xFFFFD800  }
0x10b: {  	_ =	swait.ge [sflag:s20], $0x2800  }
0x10c: {  	[sflag:s20] =	ssyncset.done $0x0  }
0x10d: {  	s31 =	sor.u32 $0x200, s0;
	[sflag:s20] =	ssyncadd.s32 $0xFFFFD800  }
0x10e: {  	[tilespmem:s15], [sflag:$0x1] =	stream.indirect.gather [hbm4b:s1+s14], $0x80, s31, s14, $0xb8;
	[tilespmem:$0x1F080] =	vst v63  }
0x10f: {  	s22 =	sor.u32 $0x280, s0  }
0x110: {  	[tilespmem:s16], [sflag:$0x1] =	stream.indirect.gather [hbm4b:s1+s14], $0x80, s22, s14, $0xb8;
	[tilespmem:$0x1F080] =	vst v63  }
0x111: {  	_ =	swait.ge [sflag:s17], $0x2800  }
0x112: {  	[sflag:s17] =	ssyncset.done $0x0  }
0x113: {  	[sflag:s17] =	ssyncadd.s32 $0xFFFFD800  }
0x114: {  	_ =	swait.ge [sflag:s17], $0x2800  }
0x115: {  	[sflag:s17] =	ssyncset.done $0x0  }
0x116: {  	s23 =	sadd.s32 $0xE00, s0;
	[sflag:s17] =	ssyncadd.s32 $0xFFFFD800  }
0x117: {  	[spmem:s2] =	stream.indirect.scatter.add.f32 [tilespmem:s15], [sflag:$0x2], $0x80, s23, s14, $0xb8;
	[tilespmem:$0x1F080] =	vst v63  }
0x118: {  	s24 =	sadd.s32 $0xE80, s0  }
0x119: {  	[spmem:s2] =	stream.indirect.scatter.add.f32 [tilespmem:s16], [sflag:$0x2], $0x80, s24, s14, $0xb8;
	[tilespmem:$0x1F080] =	vst v63  }
0x11a: {  	_ =	swait.ge [sflag:s20], $0x2800  }
0x11b: {  	[sflag:s20] =	ssyncset.done $0x0  }
0x11c: {  	[sflag:s20] =	ssyncadd.s32 $0xFFFFD800  }
0x11d: {  	_ =	swait.ge [sflag:s20], $0x2800  }
0x11e: {  	[sflag:s20] =	ssyncset.done $0x0  }
0x11f: {  	s25 =	sor.u32 $0x300, s0;
	[sflag:s20] =	ssyncadd.s32 $0xFFFFD800  }
0x120: {  	[tilespmem:s18], [sflag:$0x1] =	stream.indirect.gather [hbm4b:s1+s14], $0x80, s25, s14, $0xb8;
	[tilespmem:$0x1F080] =	vst v63  }
0x121: {  	s26 =	sor.u32 $0x380, s0  }
0x122: {  	[tilespmem:s19], [sflag:$0x1] =	stream.indirect.gather [hbm4b:s1+s14], $0x80, s26, s14, $0xb8;
	[tilespmem:$0x1F080] =	vst v63  }
0x123: {  	_ =	swait.ge [sflag:s17], $0x2800  }
0x124: {  	[sflag:s17] =	ssyncset.done $0x0  }
0x125: {  	[sflag:s17] =	ssyncadd.s32 $0xFFFFD800  }
0x126: {  	_ =	swait.ge [sflag:s17], $0x2800  }
0x127: {  	[sflag:s17] =	ssyncset.done $0x0  }
0x128: {  	s28 =	sadd.s32 $0xF00, s0;
	[sflag:s17] =	ssyncadd.s32 $0xFFFFD800  }
0x129: {  	[spmem:s2] =	stream.indirect.scatter.add.f32 [tilespmem:s18], [sflag:$0x2], $0x80, s28, s14, $0xb8;
	[tilespmem:$0x1F080] =	vst v63  }
0x12a: {  	s0 =	sadd.s32 $0xF80, s0  }
0x12b: {  	[spmem:s2] =	stream.indirect.scatter.add.f32 [tilespmem:s19], [sflag:$0x2], $0x80, s0, s14, $0xb8;
	[tilespmem:$0x1F080] =	vst v63  }
0x12c: {  	_ =	swait.ge [sflag:s20], $0x2800  }
0x12d: {  	[sflag:s20] =	ssyncset.done $0x0  }
0x12e: {  	[sflag:s20] =	ssyncadd.s32 $0xFFFFD800  }
0x12f: {  	_ =	swait.ge [sflag:s20], $0x2800  }
0x130: {  	[sflag:s20] =	ssyncset.done $0x0  }
0x131: {  	[sflag:s20] =	ssyncadd.s32 $0xFFFFD800  }
0x132: {  	_ =	swait.ge [sflag:s20], $0x2800  }
0x133: {  	[sflag:s20] =	ssyncset.done $0x0  }
0x134: {  	[sflag:s20] =	ssyncadd.s32 $0xFFFFD800  }
0x135: {  	_ =	swait.ge [sflag:s20], $0x2800  }
0x136: {  	[sflag:s20] =	ssyncset.done $0x0  }
0x137: {  	[sflag:s20] =	ssyncadd.s32 $0xFFFFD800  }
0x138: {  	_ =	swait.ge [sflag:s13], $0x400  }
0x139: {  	[sflag:s13] =	ssyncset.done $0x0  }
0x13a: {  	[sflag:s13] =	ssyncadd.s32 $0xFFFFFC00  }
0x13b: {  	_ =	swait.ge [sflag:s13], $0x400  }
0x13c: {  	[sflag:s13] =	ssyncset.done $0x0  }
0x13d: {  	s31 =	simm.s32 $0x0;
	[sflag:s13] =	ssyncadd.s32 $0xFFFFFC00  }
0x13e: {  	[tilespmem:s15], [sflag:$0x1] =	stream.indirect.gather [hbm4b:s1+s14], $0x80, s31, s14, $0xb8;
	[tilespmem:$0x1F080] =	vst v63  }
0x13f: {  	s21 =	simm.s32 $0x80  }
0x140: {  	[tilespmem:s16], [sflag:$0x1] =	stream.indirect.gather [hbm4b:s1+s14], $0x80, s21, s14, $0xb8;
	[tilespmem:$0x1F080] =	vst v63  }
0x141: {  	_ =	swait.ge [sflag:s17], $0x2800  }
0x142: {  	[sflag:s17] =	ssyncset.done $0x0  }
0x143: {  	[sflag:s17] =	ssyncadd.s32 $0xFFFFD800  }
0x144: {  	_ =	swait.ge [sflag:s17], $0x2800  }
0x145: {  	[sflag:s17] =	ssyncset.done $0x0  }
0x146: {  	[sflag:s17] =	ssyncadd.s32 $0xFFFFD800  }
0x147: {  	[spmem:s2] =	stream.indirect.scatter.add.f32 [tilespmem:s15], [sflag:$0x2], $0x80, s12, s14, $0xb8;
	[tilespmem:$0x1F080] =	vst v63  }
0x148: {  	s22 =	simm.s32 $0xC80  }
0x149: {  	[spmem:s2] =	stream.indirect.scatter.add.f32 [tilespmem:s16], [sflag:$0x2], $0x80, s22, s14, $0xb8;
	[tilespmem:$0x1F080] =	vst v63  }
0x14a: {  	s23 =	simm.s32 $0x100  }
0x14b: {  	[tilespmem:s18], [sflag:$0x1] =	stream.indirect.gather [hbm4b:s1+s14], $0x80, s23, s14, $0xb8;
	[tilespmem:$0x1F080] =	vst v63  }
0x14c: {  	s24 =	simm.s32 $0x180  }
0x14d: {  	[tilespmem:s19], [sflag:$0x1] =	stream.indirect.gather [hbm4b:s1+s14], $0x80, s24, s14, $0xb8;
	[tilespmem:$0x1F080] =	vst v63  }
0x14e: {  	_ =	swait.ge [sflag:s17], $0x2800  }
0x14f: {  	[sflag:s17] =	ssyncset.done $0x0  }
0x150: {  	[sflag:s17] =	ssyncadd.s32 $0xFFFFD800  }
0x151: {  	_ =	swait.ge [sflag:s17], $0x2800  }
0x152: {  	[sflag:s17] =	ssyncset.done $0x0  }
0x153: {  	s25 =	simm.s32 $0xD00;
	[sflag:s17] =	ssyncadd.s32 $0xFFFFD800  }
0x154: {  	[spmem:s2] =	stream.indirect.scatter.add.f32 [tilespmem:s18], [sflag:$0x2], $0x80, s25, s14, $0xb8;
	[tilespmem:$0x1F080] =	vst v63  }
0x155: {  	s26 =	simm.s32 $0xD80  }
0x156: {  	[spmem:s2] =	stream.indirect.scatter.add.f32 [tilespmem:s19], [sflag:$0x2], $0x80, s26, s14, $0xb8;
	[tilespmem:$0x1F080] =	vst v63  }
0x157: {  	_ =	swait.ge [sflag:s20], $0x2800  }
0x158: {  	[sflag:s20] =	ssyncset.done $0x0  }
0x159: {  	[sflag:s20] =	ssyncadd.s32 $0xFFFFD800  }
0x15a: {  	_ =	swait.ge [sflag:s20], $0x2800  }
0x15b: {  	[sflag:s20] =	ssyncset.done $0x0  }
0x15c: {  	s28 =	simm.s32 $0x200;
	[sflag:s20] =	ssyncadd.s32 $0xFFFFD800  }
0x15d: {  	[tilespmem:s15], [sflag:$0x1] =	stream.indirect.gather [hbm4b:s1+s14], $0x80, s28, s14, $0xb8;
	[tilespmem:$0x1F080] =	vst v63  }
0x15e: {  	_ =	swait.ge [sflag:s17], $0x2800  }
0x15f: {  	[sflag:s17] =	ssyncset.done $0x0  }
0x160: {  	[sflag:s17] =	ssyncadd.s32 $0xFFFFD800  }
0x161: {  	[spmem:s2] =	stream.indirect.scatter.add.f32 [tilespmem:s15], [sflag:$0x2], $0x80, s29, s14, $0xb8;
	[tilespmem:$0x1F080] =	vst v63  }
0x162: {  	_ =	swait.ge [sflag:s20], $0x2800  }
0x163: {  	[sflag:s20] =	ssyncset.done $0x0  }
0x164: {  	[sflag:s20] =	ssyncadd.s32 $0xFFFFD800  }
0x165: {  	_ =	swait.ge [sflag:s20], $0x2800  }
0x166: {  	[sflag:s20] =	ssyncset.done $0x0  }
0x167: {  	[sflag:s20] =	ssyncadd.s32 $0xFFFFD800  }
0x168: {  	s31 =	sadd.s32 $0x0, s3;
	_ =	swait.ge [sflag:s20], $0x2800  }
0x169: {  	p0 =	sgt.u32 s31, $0xF9;
	[sflag:s20] =	ssyncset.done $0x0  }
0x16a: {  	s0 =	sshll.u32 @!p0 s3, $0x6;
	s21 =	sshrl.u32 @!p0 s8, $0x3;
	[sflag:s20] =	ssyncadd.s32 $0xFFFFD800  }
0x16b: {  	s0 =	sor.u32 @!p0 $0x1C04, s0;
	s23 =	simm.s32 @!p0 $0x4;
	[bflag:$0x0] =	sbarrier.arrive $0xFFFF  }
0x16c: {  	[hbm:s11], [sflag:s0] =	dma.local @!p0 [spmem:s21], $0x280  }
0x16d: {  	s22 =	simm.s32 $0x20;
	s24 =	sadd.s32 $0x10, s3;
	_ =	swait.ge @!p0 [sflag:s23], $0x280  }
0x16e: {  	s0 =	sadd.s32 $0x14000, s8;
	s21 =	sadd.s32 $0x2800, s11;
	[sflag:s23] =	ssyncset.done @!p0 $0x0  }
.LBB2_8:
0x16f: {  	[sflag:s23] =	ssyncadd.s32 @!p0 $0xFFFFFD80  }
0x170: {  	p0 =	sgt.u32 s24, $0xF9;
	s24 =	smov.u32 s22;
	s22 =	sadd.s32 $0x10, s22  }
0x171: {  	p1 =	sne.s32 s22, $0x100  }
.Ltmp3:
0x172: {  	s23 =	sshll.u32 @!p0 s3, $0x6;
	s25 =	sshrl.u32 @!p0 s0, $0x3;
	(pc) =	sbr.rel @p1 .LBB2_8-.Ltmp3, $4  }
0x173: {  	s26 =	sor.u32 @!p0 $0x1C04, s23;
	s23 =	simm.s32 @!p0 $0x4  }
0x174: {  	[hbm:s21], [sflag:s26] =	dma.local @!p0 [spmem:s25], $0x280  }
0x175: {  	s0 =	sadd.s32 $0x14000, s0;
	_ =	swait.ge @!p0 [sflag:s23], $0x280  }
0x176: {  	s24 =	sadd.s32 s24, s3;
	s21 =	sadd.s32 $0x2800, s21;
	[sflag:s23] =	ssyncset.done @!p0 $0x0  }
0x177: {  	p1 =	sgt.u32 s24, $0xF9;
	[sflag:s23] =	ssyncadd.s32 @!p0 $0xFFFFFD80;
	s30 =	sadd.s32 $0x1, s30  }
0x178: {  	s22 =	sshll.u32 @!p1 s3, $0x6;
	s0 =	sshrl.u32 @!p1 s0, $0x3;
	p0 =	sne.s32 s30, s7  }
.Ltmp4:
0x179: {  	s23 =	simm.s32 @!p1 $0x4;
	s22 =	sor.u32 @!p1 $0x1C04, s22;
	(pc) =	sbr.rel @p0 .LBB2_1-.Ltmp4, $4  }
0x17a: {  	[hbm:s21], [sflag:s22] =	dma.local @!p1 [spmem:s0], $0x280  }
0x17b: {  	_ =	swait.ge @!p1 [sflag:s23], $0x280  }
0x17c: {  	[sflag:s23] =	ssyncset.done @!p1 $0x0  }
0x17d: {  	[sflag:s23] =	ssyncadd.s32 @!p1 $0xFFFFFD80  }
0x17e: {  	_ =	sfence.sel $0x180000  }
0x17f: {  	[bflag:$0x0] =	sbarrier.arrive $0xFFFF  }
0x180: {  	_ =	strace $0x9000004A  }
0x181: {  	[bflag:$0x2] =	sbarrier.arrive $0xFFFF  }
0x182: {  	p0 =	sne.s32 s3, $0x0;
	s0 =	rddreg [dreg:$0x3]  }
0x183: {  	s0 =	sadd.s32 @!p0 $0x100000, s0  }
0x184: {  	[sflag:s0] =	ssyncadd.tile.s32 @!p0 $0x1;
	_ =	shalt  }
.Lfunc_end2:
_tile_overlayer_lowered:
.L_overlay_start_2:
0x185: {  	(tag) =	ssettag $0x2  }
0x186: {  	s0 =	rddreg [dreg:$0x0];
	s2 =	stileid.u32  }
0x187: {  	s1 =	rddreg [dreg:$0x1];
	p0 =	sne.s32 s2, $0x0  }
0x188: {  	s3 =	rddreg [dreg:$0x2];
	[bflag:$0x3] =	sbarrier.arrive $0xFFFF;
	s2 =	simm.s32 @!p0 $0x1C04  }
0x189: {  	[timem:s3], [sflag:s2] =	dma.local @!p0 [hbm:s0], s1  }
0x18a: {  	s0 =	simm.s32 @!p0 $0x4  }
0x18b: {  	_ =	swait.ge @!p0 [sflag:s0], s1  }
0x18c: {  	s1 =	ssub.s32 @!p0 $0x0, s1;
	[sflag:s0] =	ssyncset.done @!p0 $0x0  }
0x18d: {  	[sflag:s0] =	ssyncadd.s32 @!p0 s1  }
0x18e: {  	[bflag:$0x3] =	sbarrier.arrive $0xFFFF  }
0x18f: {  	_ =	shalt  }

// kernel: kernel.14.cloned.1.call-start
scs
__scs_entry_jumppad:
0x0: {  	(pc) =	sbr.rel $0x88, $3  }
0x1: {  	(tag) =	ssettag $0x0;
	lr =	simm.s32 $0x1  }
0x2: {  	[smem:$0x3F9B] =	sst lr;
	_ =	strace $0xD0000000  }
0x3: {  	_ = 	snop  }
0x4: {  	_ = 	snop  }
0x5: {  	_ = 	snop  }
0x6: {  	_ = 	snop  }
0x7: {  	_ = 	snop  }
__scs_overlays_trampoline_lowered:
0x8: {  	[smem:$0x3FAA] =	sst s0  }
0x9: {  	[smem:$0x3FAB] =	sst s1  }
0xa: {  	[smem:$0x3FAC] =	sst s2  }
0xb: {  	[smem:$0x3FAD] =	sst s3  }
0xc: {  	[smem:$0x3FAE] =	sst s4  }
0xd: {  	[smem:$0x3FAF] =	sst s5  }
0xe: {  	[smem:$0x3FB0] =	sst s6  }
0xf: {  	[smem:$0x3FB1] =	sst s7  }
0x10: {  	[smem:$0x3FB2] =	sst s8  }
0x11: {  	[smem:$0x3FB3] =	sst s9;
	s0 =	simm.s32 @!p0 $0x0  }
0x12: {  	s1 =	sld [smem:$0x3F99];
	s0 =	simm.s32 @p0 $0x1  }
0x13: {  	[smem:$0x3FB4] =	sst s0;
	s0 =	simm.s32 @!p1 $0x0  }
0x14: {  	s2 =	sld [smem:$0x3F98];
	s0 =	simm.s32 @p1 $0x1  }
0x15: {  	[smem:$0x3FB5] =	sst s0;
	s0 =	simm.s32 @!p2 $0x0  }
0x16: {  	s3 =	sld [smem:$0x3FDB];
	s0 =	simm.s32 @p2 $0x1  }
0x17: {  	s4 =	simm.s32 $0x1BF5;
	[smem:$0x3FB7] =	sst s0  }
0x18: {  	s0 =	sld [smem:$0x3F9A];
	_ =	swait.ge [sflag:s4], $0x0  }
0x19: {  	s7 =	sld [smem:$0x3F9B]  }
0x1a: {  	s8 =	sadd.s32 $0xFFFFE003, lr  }
0x1b: {  	s9 =	sadd.s32 $0xFFFFFEF7, lr;
	s5 =	simm.s32 $0xFFFFFFFF;
	p2 =	slt.u32 s8, $0xFFFFF086  }
0x1c: {  	p1 =	slt.u32 s9, $0xF7A;
	s5 =	simm.s32 @!p2 $0x0  }
0x1d: {  	s5 =	simm.s32 @p1 $0x1;
	p0 =	seq.s32 s7, s2  }
0x1e: {  	s7 =	smul.u32 @!p0 $0xF7A, s2;
	p2 =	seq.s32 @!p0 s5, $0x0  }
0x1f: {  	s9 =	smul.u32 $0xF7A, s1;
	s8 =	simm.s32 @!p0 $0x1BF5;
	p2 =	por !p2, p0  }
0x20: {  	[sflag:s8] =	ssyncset.s32 @!p0 $0xFFFFF086;
	s6 =	sadd.s32 @!p0 s3, s7;
	s7 =	simm.s32 @!p0 $0x108  }
0x21: {  	s3 =	sadd.s32 s3, s9;
	s6 =	sadd.s32 @!p0 $0x88, s6;
	s7 =	simm.s32 @p2 $0x1082  }
0x22: {  	[simem:s7], [sflag:s8] =	dma.local @!p0 [hbm:s6], $0xF7A  }
0x23: {  	s9 =	sor.u32 $0xD0000000, s2;
	s6 =	simm.s32 $0x108;
	_ =	swait.ge @!p0 [sflag:s8], $0x0  }
0x24: {  	s3 =	sadd.s32 $0x88, s3;
	s6 =	simm.s32 @!p1 $0x1082;
	[sflag:s4] =	ssyncset.s32 $0xFFFFF086  }
0x25: {  	[simem:s6], [sflag:s4] =	dma.local [hbm:s3], $0xF7A  }
0x26: {  	[smem:$0x3F9B] =	sst s1;
	(tag) =	ssettag s2;
	_ =	strace s9  }
0x27: {  	s1 =	sld [smem:$0x3FAB]  }
0x28: {  	s2 =	sld [smem:$0x3FAC]  }
0x29: {  	s4 =	sld [smem:$0x3FAE]  }
0x2a: {  	p0 =	seq.s32 s5, $0x0;
	s5 =	sld [smem:$0x3FAF]  }
0x2b: {  	s6 =	sld [smem:$0x3FB0]  }
0x2c: {  	s7 =	sld [smem:$0x3FB1]  }
0x2d: {  	s3 =	simm.s32 $0x108;
	s8 =	sld [smem:$0x3FB2]  }
0x2e: {  	s3 =	simm.s32 @!p0 $0x1082;
	s9 =	sld [smem:$0x3FB3]  }
0x2f: {  	lr =	sadd.s32 s0, s3;
	s0 =	sld [smem:$0x3FAA]  }
0x30: {  	s3 =	sld [smem:$0x3FAD]  }
0x31: {  	[smem:$0x3FB6] =	sst s10  }
0x32: {  	s10 =	sld [smem:$0x3FB4];
	_ =	sdelay $0x3  }
0x33: {  	p0 =	seq.s32 s10, $0x1;
	s10 =	sld [smem:$0x3FB6];
	_ =	sdelay $0x3  }
0x34: {  	[smem:$0x3FB6] =	sst s10  }
0x35: {  	s10 =	sld [smem:$0x3FB5];
	_ =	sdelay $0x3  }
0x36: {  	p1 =	seq.s32 s10, $0x1;
	s10 =	sld [smem:$0x3FB6];
	_ =	sdelay $0x3  }
0x37: {  	[smem:$0x3FB6] =	sst s10  }
0x38: {  	s10 =	sld [smem:$0x3FB7]  }
0x39: {  	_ = 	snop;
	(pc) =	sbr.ind lr, $3  }
0x3a: {  	_ = 	snop  }
0x3b: {  	_ = 	snop  }
0x3c: {  	p2 =	seq.s32 s10, $0x1;
	s10 =	sld [smem:$0x3FB6]  }
0x3d: {  	_ =	shalt  }
0x3e: {  	_ =	shalt  }
0x3f: {  	_ =	shalt  }
0x40: {  	_ =	shalt  }
0x41: {  	_ =	shalt  }
0x42: {  	_ =	shalt  }
0x43: {  	_ =	shalt  }
0x44: {  	_ =	shalt  }
0x45: {  	_ =	shalt  }
0x46: {  	_ =	shalt  }
0x47: {  	_ =	shalt  }
0x48: {  	_ =	shalt  }
0x49: {  	_ =	shalt  }
0x4a: {  	_ =	shalt  }
0x4b: {  	_ =	shalt  }
0x4c: {  	_ =	shalt  }
0x4d: {  	_ =	shalt  }
0x4e: {  	_ =	shalt  }
0x4f: {  	_ =	shalt  }
0x50: {  	_ =	shalt  }
0x51: {  	_ =	shalt  }
0x52: {  	_ =	shalt  }
0x53: {  	_ =	shalt  }
0x54: {  	_ =	shalt  }
0x55: {  	_ =	shalt  }
0x56: {  	_ =	shalt  }
0x57: {  	_ =	shalt  }
0x58: {  	_ =	shalt  }
0x59: {  	_ =	shalt  }
0x5a: {  	_ =	shalt  }
0x5b: {  	_ =	shalt  }
0x5c: {  	_ =	shalt  }
0x5d: {  	_ =	shalt  }
0x5e: {  	_ =	shalt  }
0x5f: {  	_ =	shalt  }
0x60: {  	_ =	shalt  }
0x61: {  	_ =	shalt  }
0x62: {  	_ =	shalt  }
0x63: {  	_ =	shalt  }
0x64: {  	_ =	shalt  }
0x65: {  	_ =	shalt  }
0x66: {  	_ =	shalt  }
0x67: {  	_ =	shalt  }
0x68: {  	_ =	shalt  }
0x69: {  	_ =	shalt  }
0x6a: {  	_ =	shalt  }
0x6b: {  	_ =	shalt  }
0x6c: {  	_ =	shalt  }
0x6d: {  	_ =	shalt  }
0x6e: {  	_ =	shalt  }
0x6f: {  	_ =	shalt  }
0x70: {  	_ =	shalt  }
0x71: {  	_ =	shalt  }
0x72: {  	_ =	shalt  }
0x73: {  	_ =	shalt  }
0x74: {  	_ =	shalt  }
0x75: {  	_ =	shalt  }
0x76: {  	_ =	shalt  }
0x77: {  	_ =	shalt  }
0x78: {  	_ =	shalt  }
0x79: {  	_ =	shalt  }
0x7a: {  	_ =	shalt  }
0x7b: {  	_ =	shalt  }
0x7c: {  	_ =	shalt  }
0x7d: {  	_ =	shalt  }
0x7e: {  	_ =	shalt  }
0x7f: {  	_ =	shalt  }
0x80: {  	_ =	shalt  }
0x81: {  	_ =	shalt  }
0x82: {  	_ =	shalt  }
0x83: {  	_ =	shalt  }
0x84: {  	_ =	shalt  }
0x85: {  	_ =	shalt  }
0x86: {  	_ =	shalt  }
0x87: {  	_ =	shalt  }
.Lfunc_end0:
.L_simem_size_0:
called_computation.2_lowered:
.L_overlay_start_0:
0x88: {  	s2 =	sld [smem:$0x3FD9]  }
0x89: {  	s3 =	sld [smem:$0x3FFE];
	_ =	sdelay $0x1  }
0x8a: {  	s1 =	srdreg.scid  }
0x8b: {  	s0 =	sand.u32 $0x1, s1  }
0x8c: {  	s17 =	sshll.u32 s0, $0xA;
	s2 =	sadd.s32 s3, s2  }
0x8d: {  	s2 =	sadd.s32 s2, s17  }
0x8e: {  	[smem:$0x3FC2] =	sst s2  }
0x8f: {  	_ = 	snop  }
0x90: {  	s2 =	sld [smem:$0x3FD0];
	(tm) =	ssettm $0x1  }
0x91: {  	s18 =	sld [smem:$0x3FFB];
	_ =	sdelay $0x3  }
0x92: {  	_ =	strace s18  }
0x93: {  	s3 =	sld [smem:$0x3FFC];
	_ =	sdelay $0x3  }
0x94: {  	_ =	strace s3  }
0x95: {  	s3 =	sld [smem:$0x3FFD];
	_ =	sdelay $0x3  }
0x96: {  	_ =	strace s3  }
0x97: {  	_ =	strace $0x8FFFFFFF  }
0x98: {  	s19 =	sld [smem:$0x3FDB];
	_ =	sdelay $0x1  }
0x99: {  	s4 =	simm.s32 $_scs_section_size  }
0x9a: {  	s5 =	simm.s32 $_size__tile_overlayer_lowered;
	s6 =	simm.s32 $_tile_overlayer_lowered  }
0x9b: {  	s22 =	simm.s32 $0x1BFF;
	s21 =	sshll.u32 s6, $0x1;
	s3 =	sadd.s32 s4, s19  }
0x9c: {  	s7 =	simm.s32 $0x0;
	s20 =	sshll.u32 s5, $0x1;
	s5 =	sadd.s32 s21, s3  }
0x9d: {  	[timem:s7], [sflag:s22] =	dma.local [hbm:s5], s20  }
0x9e: {  	_ =	swait.ge [sflag:s22], s20  }
0x9f: {  	s4 =	ssub.s32 $0x0, s20;
	[sflag:s22] =	ssyncset.done $0x0  }
0xa0: {  	[sflag:s22] =	ssyncadd.s32 s4;
	_ =	sdelay $0x1  }
0xa1: {  	s23 =	simm.s32 $0x1B8B  }
0xa2: {  	_ =	swait.ge [sflag:s23], $0x1  }
0xa3: {  	[sflag:s23] =	ssyncset.done $0x0  }
0xa4: {  	s25 =	simm.s32 $0x1B8E;
	s24 =	sld [smem:$0x3FFE];
	[sflag:s23] =	ssyncadd.s32 $0xFFFFFFFF  }
0xa5: {  	s26 =	simm.s32 $execute0_lowered;
	[smem:$0x3FD2] =	sst s25  }
0xa6: {  	s5 =	sshll.u32 s26, $0x1;
	_ =	strace $0x8000004C;
	[dreg:$0x1] =	wrdreg $0xFFFFFFFF  }
0xa7: {  	s28 =	simm.s32 $_size_execute0_lowered;
	s3 =	sadd.s32 s3, s5;
	[dreg:$0x0] =	wrdreg $0x0  }
0xa8: {  	s5 =	sshll.u32 s28, $0x1;
	[dreg:$0x2] =	wrdreg s3  }
0xa9: {  	[dreg:$0x3] =	wrdreg s5  }
0xaa: {  	[dreg:$0x4] =	wrdreg $0xC0  }
0xab: {  	_ =	task [dreg:s7], $0x5FFFF  }
0xac: {  	[dreg:$0x1] =	wrdreg $0xFFFFFFFF  }
0xad: {  	[dreg:$0x0] =	wrdreg $0x60  }
0xae: {  	[dreg:$0x2] =	wrdreg s2  }
0xaf: {  	[dreg:$0x3] =	wrdreg s24  }
0xb0: {  	[dreg:$0x4] =	wrdreg $0xB8000  }
0xb1: {  	[dreg:$0x5] =	wrdreg $0x9  }
0xb2: {  	_ =	task.clear_ibuf [dreg:s7], $0x6FFFF;
	_ =	strace $0x9000004C  }
0xb3: {  	s29 =	simm.s32 $0x9;
	_ =	strace $0x8000004E  }
0xb4: {  	_ =	swait.ge [sflag:s29], $0x1  }
0xb5: {  	[sflag:s29] =	ssyncadd.s32 $0xFFFFFFFF  }
0xb6: {  	_ =	strace $0x9000004E  }
0xb7: {  	_ =	sfence  }
0xb8: {  	s30 =	sld [smem:$0x0];
	_ =	sdelay $0x2  }
0xb9: {  	s31 =	sshll.u32 s1, $0xD;
	s1 =	sshrl.u32 s1, $0x2  }
0xba: {  	s3 =	sand.u32 $0x4000, s31;
	s1 =	sadd.s32 s1, s30  }
0xbb: {  	s0 =	sor.u32 s3, s0;
	s1 =	sshll.u32 s1, $0x11  }
0xbc: {  	s0 =	sor.u32 s1, s0  }
0xbd: {  	s0 =	sadd.s32 $0x8F2B, s0  }
0xbe: {  	[sflag:s0] =	ssyncadd.remote.s32 $0x1  }
0xbf: {  	_ =	sfence.sel $0xFFFF  }
0xc0: {  	[dreg:$0x0] =	wrdreg $0xFFFFFFFF;
	(pc) =	sbr.abs _section_cstart, $3  }
0xc1: {  	[dreg:$0x1] =	wrdreg $0xFFFFFFFF  }
0xc2: {  	_ =	task.clear_ibuf [dreg:s7], $0x2FFFF;
	_ =	strace $0x9FFFFFFF  }
0xc3: {  	(tm) =	ssettm $0x7FFFFFFF  }
tec
execute0_lowered:
.L_overlay_start_1:
0x0: {  	(tag) =	ssettag $0x1  }
0x1: {  	s1 =	rddreg [dreg:$0x0]  }
0x2: {  	s0 =	rddreg [dreg:$0x1]  }
0x3: {  	s2 =	rddreg [dreg:$0x2]  }
0x4: {  	s3 =	srdreg.scid;
	s4 =	simm.s32 $0x0;
	s13 =	simm.s32 $0x3  }
0x5: {  	s14 =	simm.s32 $0x50;
	s15 =	simm.s32 $0x1800;
	s16 =	simm.s32 $0x4000  }
0x6: {  	s17 =	simm.s32 $0x1;
	s18 =	simm.s32 $0x6800;
	s19 =	simm.s32 $0x9000  }
0x7: {  	s20 =	simm.s32 $0x2;
	s29 =	simm.s32 $0xE00;
	s30 =	simm.s32 $0x0  }
0x8: {  	s5 =	sand.u32 $0x1, s3;
	s3 =	stileid.u32;
	[smem:$0x7FF] =	sst s4  }
0x9: {  	s10 =	sadd.s32 $0x60400, s0;
	s9 =	sadd.s32 $0x50400, s0;
	s6 =	smul.u32 $0x138800, s5  }
0xa: {  	s7 =	smul.u32 $0x1400, s3;
	_ =	strace $0x8000004D;
	s24 =	sshll.u32 s5, $0x12  }
0xb: {  	s8 =	sshll.u32 s3, $0xE;
	s5 =	ssub.s32 $0x2, s5;
	s12 =	smul.u32 $0x5000, s3  }
0xc: {  	s25 =	sshrl.u32 s5, $0x1;
	s6 =	sadd.s32 s7, s6;
	s7 =	sor.u32 s8, s24  }
0xd: {  	s8 =	ssub.s32 s5, s25;
	s26 =	sshrl.u32 s12, $0x2;
	s12 =	simm.s32 $0xC00  }
0xe: {  	s6 =	sshrl.u32 s6, $0x3;
	s11 =	sshrl.u32 s7, $0x3;
	s28 =	sor.u32 $0x400, s7  }
0xf: {  	s7 =	smax.u32 s8, $0x1;
	s8 =	sadd.s32 s26, s2;
	s0 =	sadd.s32 s6, s0  }
0x10: {  	s5 =	sadd.s32 s10, s11;
	s6 =	sadd.s32 s9, s11;
	s31 =	sshrl.u32 s28, $0x3  }
0x11: {  	v0 =	vimm.f32 $0.0e+00;
	s9 =	sadd.s32 s31, s9;
	s10 =	sadd.s32 s31, s10;
	s11 =	sadd.s32 $0x70400, s0  }
.LBB2_1:
0x12: {  	[tilespmem:s4], [sflag:$0x3] =	stream.linear.gather [hbm4b:s5+s4], $0x400, $0x38;
	[tilespmem:$0x1F080] =	vst v63  }
0x13: {  	s0 =	simm.s32 $0x0;
	s21 =	simm.s32 $0x200  }
0x14: {  	[tilespmem:s12], [sflag:$0x3] =	stream.linear.gather [hbm4b:s6+s4], $0x400, $0x38;
	[tilespmem:$0x1F080] =	vst v63  }
.LBB2_2:
0x15: {  	p0 =	sne.s32 s21, $0x4E00;
	[tilespmem:s0+$0x1870] =	vst v0  }
0x16: {  	[tilespmem:s0+$0x1800] =	vst v0  }
0x17: {  	[tilespmem:s0+$0x1810] =	vst v0  }
.Ltmp0:
0x18: {  	[tilespmem:s0+$0x1820] =	vst v0;
	(pc) =	sbr.rel @p0 .LBB2_2-.Ltmp0, $4  }
0x19: {  	[tilespmem:s0+$0x1830] =	vst v0  }
0x1a: {  	[tilespmem:s0+$0x1840] =	vst v0  }
0x1b: {  	[tilespmem:s0+$0x1850] =	vst v0  }
0x1c: {  	[tilespmem:s0+$0x1860] =	vst v0;
	s0 =	sshra.s32 s21, $0x2;
	s21 =	sadd.s32 $0x200, s21  }
0x1d: {  	[tilespmem:s0+$0x1870] =	vst v0  }
0x1e: {  	[tilespmem:s0+$0x1800] =	vst v0  }
0x1f: {  	[tilespmem:s0+$0x1810] =	vst v0  }
0x20: {  	[tilespmem:s0+$0x1820] =	vst v0  }
0x21: {  	[tilespmem:s0+$0x1830] =	vst v0  }
0x22: {  	[tilespmem:s0+$0x1840] =	vst v0;
	s21 =	sadd.s32 $0x0, s3  }
0x23: {  	[tilespmem:s0+$0x1850] =	vst v0;
	p0 =	sgt.u32 s21, $0xF9  }
0x24: {  	[tilespmem:s0+$0x1860] =	vst v0;
	s0 =	simm.s32 @!p0 $0x1800;
	s23 =	simm.s32 @!p0 $0x4  }
0x25: {  	[spmem:s8] =	stream.linear.scatter @!p0 [tilespmem:s0], [sflag:$0x4], $0x1400, $0x38;
	[tilespmem:$0x1F080] =	vst v63  }
0x26: {  	s22 =	simm.s32 $0x20;
	_ =	swait.ge @!p0 [sflag:s23], $0x1400  }
0x27: {  	s21 =	simm.s32 $0x10;
	s0 =	sadd.s32 $0x14000, s8;
	[sflag:s23] =	ssyncset.done @!p0 $0x0  }
.LBB2_4:
0x28: {  	s24 =	sadd.s32 s21, s3;
	s21 =	smov.u32 s22;
	s22 =	sadd.s32 $0x10, s22  }
0x29: {  	[sflag:s23] =	ssyncadd.s32 @!p0 $0xFFFFEC00;
	p1 =	sne.s32 s22, $0x100  }
.Ltmp1:
0x2a: {  	p0 =	sgt.u32 s24, $0xF9;
	(pc) =	sbr.rel @p1 .LBB2_4-.Ltmp1, $4  }
0x2b: {  	s24 =	simm.s32 @!p0 $0x1800;
	s23 =	simm.s32 @!p0 $0x4  }
0x2c: {  	[spmem:s0] =	stream.linear.scatter @!p0 [tilespmem:s24], [sflag:$0x4], $0x1400, $0x38;
	[tilespmem:$0x1F080] =	vst v63  }
0x2d: {  	_ =	swait.ge @!p0 [sflag:s23], $0x1400  }
0x2e: {  	s0 =	sadd.s32 $0x14000, s0;
	[sflag:s23] =	ssyncset.done @!p0 $0x0  }
0x2f: {  	s21 =	sadd.s32 s21, s3  }
0x30: {  	p1 =	sgt.u32 s21, $0xF9  }
0x31: {  	[sflag:s23] =	ssyncadd.s32 @!p0 $0xFFFFEC00;
	s21 =	simm.s32 @!p1 $0x1800  }
0x32: {  	[spmem:s0] =	stream.linear.scatter @!p1 [tilespmem:s21], [sflag:$0x4], $0x1400, $0x38;
	[tilespmem:$0x1F080] =	vst v63  }
0x33: {  	s22 =	simm.s32 $0x0;
	s0 =	simm.s32 @!p1 $0x4  }
0x34: {  	s21 =	smul.u32 $0xAB, s22;
	_ =	swait.ge @!p1 [sflag:s0], $0x1400  }
0x35: {  	[sflag:s0] =	ssyncset.done @!p1 $0x0  }
0x36: {  	s23 =	sadd.s32 $0xAB, s21;
	[sflag:s0] =	ssyncadd.s32 @!p1 $0xFFFFEC00  }
0x37: {  	s0 =	sshrl.u32 s23, $0x9;
	[bflag:$0x0] =	sbarrier.arrive $0xFFFF  }
0x38: {  	s0 =	sand.u32 $0x7F, s0;
	_ =	swait.ge [sflag:s13], $0x400  }
0x39: {  	s21 =	sshrl.u32 s21, $0x9;
	s0 =	smul.u32 $0x3, s0;
	[sflag:s13] =	ssyncset.done $0x0  }
0x3a: {  	s21 =	sand.u32 $0x7F, s21;
	[sflag:s13] =	ssyncadd.s32 $0xFFFFFC00  }
0x3b: {  	s21 =	smul.u32 $0x3, s21;
	s0 =	ssub.s32 $0x1, s0;
	_ =	swait.ge [sflag:s13], $0x400  }
0x3c: {  	s0 =	sand.u32 $0xFF, s0;
	[sflag:s13] =	ssyncset.done $0x0  }
0x3d: {  	s21 =	ssub.s32 $0x0, s21;
	s0 =	sshll.u32 s0, $0xA;
	[sflag:s13] =	ssyncadd.s32 $0xFFFFFC00  }
0x3e: {  	[tilespmem:s0], [sflag:$0x3] =	stream.linear.gather [hbm4b:s10+s4], $0x400, $0x38;
	[tilespmem:$0x1F080] =	vst v63  }
0x3f: {  	s24 =	sand.u32 $0xFF, s21;
	s0 =	sadd.s32 $0xC00, s0  }
0x40: {  	[tilespmem:s0], [sflag:$0x3] =	stream.linear.gather [hbm4b:s9+s4], $0x400, $0x38;
	[tilespmem:$0x1F080] =	vst v63  }
0x41: {  	s0 =	sshll.u32 s24, $0xA  }
0x42: {  	[tilespmem:s15], [sflag:$0x1] =	stream.indirect.gather [hbm4b:s1+s14], $0x80, s0, s14, $0xb8;
	[tilespmem:$0x1F080] =	vst v63  }
0x43: {  	s25 =	sor.u32 $0x80, s0  }
0x44: {  	[tilespmem:s16], [sflag:$0x1] =	stream.indirect.gather [hbm4b:s1+s14], $0x80, s25, s14, $0xb8;
	[tilespmem:$0x1F080] =	vst v63  }
0x45: {  	_ =	swait.ge [sflag:s17], $0x2800  }
0x46: {  	[sflag:s17] =	ssyncset.done $0x0  }
0x47: {  	[sflag:s17] =	ssyncadd.s32 $0xFFFFD800  }
0x48: {  	_ =	swait.ge [sflag:s17], $0x2800  }
0x49: {  	[sflag:s17] =	ssyncset.done $0x0  }
0x4a: {  	p0 =	por $0x1, $0x1;
	s26 =	sadd.s32 $0xC00, s0;
	[sflag:s17] =	ssyncadd.s32 $0xFFFFD800  }
0x4b: {  	[spmem:s2] =	stream.indirect.scatter.add.f32 [tilespmem:s15], [sflag:$0x2], $0x80, s26, s14, $0xb8;
	[tilespmem:$0x1F080] =	vst v63  }
0x4c: {  	s22 =	simm.s32 @!p0 $0x2;
	s28 =	sadd.s32 $0xC80, s0  }
0x4d: {  	[spmem:s2] =	stream.indirect.scatter.add.f32 [tilespmem:s16], [sflag:$0x2], $0x80, s28, s14, $0xb8;
	[tilespmem:$0x1F080] =	vst v63  }
0x4e: {  	_ =	swait.ge @!p0 [sflag:s22], $0x2800  }
0x4f: {  	[sflag:s22] =	ssyncset.done @!p0 $0x0  }
0x50: {  	[sflag:s22] =	ssyncadd.s32 @!p0 $0xFFFFD800  }
0x51: {  	_ =	swait.ge @!p0 [sflag:s22], $0x2800  }
0x52: {  	[sflag:s22] =	ssyncset.done @!p0 $0x0  }
0x53: {  	s23 =	sor.u32 $0x100, s0;
	[sflag:s22] =	ssyncadd.s32 @!p0 $0xFFFFD800  }
0x54: {  	[tilespmem:s18], [sflag:$0x1] =	stream.indirect.gather [hbm4b:s1+s14], $0x80, s23, s14, $0xb8;
	[tilespmem:$0x1F080] =	vst v63  }
0x55: {  	s24 =	sor.u32 $0x180, s0  }
0x56: {  	[tilespmem:s19], [sflag:$0x1] =	stream.indirect.gather [hbm4b:s1+s14], $0x80, s24, s14, $0xb8;
	[tilespmem:$0x1F080] =	vst v63  }
0x57: {  	_ =	swait.ge [sflag:s17], $0x2800  }
0x58: {  	[sflag:s17] =	ssyncset.done $0x0  }
0x59: {  	[sflag:s17] =	ssyncadd.s32 $0xFFFFD800  }
0x5a: {  	_ =	swait.ge [sflag:s17], $0x2800  }
0x5b: {  	[sflag:s17] =	ssyncset.done $0x0  }
0x5c: {  	s25 =	sadd.s32 $0xD00, s0;
	[sflag:s17] =	ssyncadd.s32 $0xFFFFD800  }
0x5d: {  	[spmem:s2] =	stream.indirect.scatter.add.f32 [tilespmem:s18], [sflag:$0x2], $0x80, s25, s14, $0xb8;
	[tilespmem:$0x1F080] =	vst v63  }
0x5e: {  	s26 =	sadd.s32 $0xD80, s0  }
0x5f: {  	[spmem:s2] =	stream.indirect.scatter.add.f32 [tilespmem:s19], [sflag:$0x2], $0x80, s26, s14, $0xb8;
	[tilespmem:$0x1F080] =	vst v63  }
0x60: {  	_ =	swait.ge [sflag:s20], $0x2800  }
0x61: {  	[sflag:s20] =	ssyncset.done $0x0  }
0x62: {  	[sflag:s20] =	ssyncadd.s32 $0xFFFFD800  }
0x63: {  	_ =	swait.ge [sflag:s20], $0x2800  }
0x64: {  	[sflag:s20] =	ssyncset.done $0x0  }
0x65: {  	s28 =	sor.u32 $0x200, s0;
	[sflag:s20] =	ssyncadd.s32 $0xFFFFD800  }
0x66: {  	[tilespmem:s15], [sflag:$0x1] =	stream.indirect.gather [hbm4b:s1+s14], $0x80, s28, s14, $0xb8;
	[tilespmem:$0x1F080] =	vst v63  }
0x67: {  	s22 =	sor.u32 $0x280, s0  }
0x68: {  	[tilespmem:s16], [sflag:$0x1] =	stream.indirect.gather [hbm4b:s1+s14], $0x80, s22, s14, $0xb8;
	[tilespmem:$0x1F080] =	vst v63  }
0x69: {  	_ =	swait.ge [sflag:s17], $0x2800  }
0x6a: {  	[sflag:s17] =	ssyncset.done $0x0  }
0x6b: {  	[sflag:s17] =	ssyncadd.s32 $0xFFFFD800  }
0x6c: {  	_ =	swait.ge [sflag:s17], $0x2800  }
0x6d: {  	[sflag:s17] =	ssyncset.done $0x0  }
0x6e: {  	s23 =	sadd.s32 $0xE00, s0;
	[sflag:s17] =	ssyncadd.s32 $0xFFFFD800  }
0x6f: {  	[spmem:s2] =	stream.indirect.scatter.add.f32 [tilespmem:s15], [sflag:$0x2], $0x80, s23, s14, $0xb8;
	[tilespmem:$0x1F080] =	vst v63  }
0x70: {  	s24 =	sadd.s32 $0xE80, s0  }
0x71: {  	[spmem:s2] =	stream.indirect.scatter.add.f32 [tilespmem:s16], [sflag:$0x2], $0x80, s24, s14, $0xb8;
	[tilespmem:$0x1F080] =	vst v63  }
0x72: {  	_ =	swait.ge [sflag:s20], $0x2800  }
0x73: {  	[sflag:s20] =	ssyncset.done $0x0  }
0x74: {  	[sflag:s20] =	ssyncadd.s32 $0xFFFFD800  }
0x75: {  	_ =	swait.ge [sflag:s20], $0x2800  }
0x76: {  	[sflag:s20] =	ssyncset.done $0x0  }
0x77: {  	s25 =	sor.u32 $0x300, s0;
	[sflag:s20] =	ssyncadd.s32 $0xFFFFD800  }
0x78: {  	[tilespmem:s18], [sflag:$0x1] =	stream.indirect.gather [hbm4b:s1+s14], $0x80, s25, s14, $0xb8;
	[tilespmem:$0x1F080] =	vst v63  }
0x79: {  	s26 =	sor.u32 $0x380, s0  }
0x7a: {  	[tilespmem:s19], [sflag:$0x1] =	stream.indirect.gather [hbm4b:s1+s14], $0x80, s26, s14, $0xb8;
	[tilespmem:$0x1F080] =	vst v63  }
0x7b: {  	_ =	swait.ge [sflag:s17], $0x2800  }
0x7c: {  	[sflag:s17] =	ssyncset.done $0x0  }
0x7d: {  	[sflag:s17] =	ssyncadd.s32 $0xFFFFD800  }
0x7e: {  	_ =	swait.ge [sflag:s17], $0x2800  }
0x7f: {  	[sflag:s17] =	ssyncset.done $0x0  }
0x80: {  	s28 =	sadd.s32 $0xF00, s0;
	[sflag:s17] =	ssyncadd.s32 $0xFFFFD800  }
0x81: {  	[spmem:s2] =	stream.indirect.scatter.add.f32 [tilespmem:s18], [sflag:$0x2], $0x80, s28, s14, $0xb8;
	[tilespmem:$0x1F080] =	vst v63  }
0x82: {  	s0 =	sadd.s32 $0xF80, s0  }
0x83: {  	[spmem:s2] =	stream.indirect.scatter.add.f32 [tilespmem:s19], [sflag:$0x2], $0x80, s0, s14, $0xb8;
	[tilespmem:$0x1F080] =	vst v63  }
0x84: {  	_ =	swait.ge [sflag:s20], $0x2800  }
0x85: {  	s31 =	simm.s32 $0x1;
	s21 =	sadd.s32 $0x80, s10;
	[sflag:s20] =	ssyncset.done $0x0  }
0x86: {  	s22 =	simm.s32 $0x2;
	s24 =	smul.u32 $0xAB, s31;
	[sflag:s20] =	ssyncadd.s32 $0xFFFFD800  }
0x87: {  	s23 =	simm.s32 $0x2;
	s0 =	sadd.s32 $0x80, s9;
	_ =	swait.ge [sflag:s20], $0x2800  }
.LBB2_6:
0x88: {  	s26 =	sadd.s32 $0xAB, s24  }
0x89: {  	[sflag:s20] =	ssyncset.done $0x0;
	s25 =	smov.u32 s22;
	s22 =	sadd.s32 $0x1, s22  }
0x8a: {  	p0 =	sne.s32 s22, $0xF;
	s26 =	sshrl.u32 s26, $0x9;
	[sflag:s20] =	ssyncadd.s32 $0xFFFFD800  }
0x8b: {  	_ =	swait.ge [sflag:s13], $0x400;
	s26 =	sand.u32 $0x7F, s26  }
0x8c: {  	[sflag:s13] =	ssyncset.done $0x0;
	s26 =	smul.u32 $0x3, s26  }
0x8d: {  	[sflag:s13] =	ssyncadd.s32 $0xFFFFFC00  }
0x8e: {  	s24 =	sshrl.u32 s24, $0x9;
	_ =	swait.ge [sflag:s13], $0x400;
	s23 =	ssub.s32 s23, s26  }
0x8f: {  	s24 =	sand.u32 $0x7F, s24;
	[sflag:s13] =	ssyncset.done $0x0;
	s23 =	sand.u32 $0xFF, s23  }
0x90: {  	s24 =	smul.u32 $0x3, s24;
	[sflag:s13] =	ssyncadd.s32 $0xFFFFFC00;
	s23 =	sshll.u32 s23, $0xA  }
0x91: {  	[tilespmem:s23], [sflag:$0x3] =	stream.linear.gather [hbm4b:s21+s4], $0x400, $0x38;
	[tilespmem:$0x1F080] =	vst v63  }
0x92: {  	s24 =	ssub.s32 s31, s24;
	s26 =	sadd.s32 $0xC00, s23;
	s23 =	smov.u32 s22  }
0x93: {  	[tilespmem:s26], [sflag:$0x3] =	stream.linear.gather [hbm4b:s0+s4], $0x400, $0x38;
	[tilespmem:$0x1F080] =	vst v63  }
0x94: {  	s24 =	sand.u32 $0xFF, s24  }
0x95: {  	s24 =	sshll.u32 s24, $0xA  }
0x96: {  	[tilespmem:s15], [sflag:$0x1] =	stream.indirect.gather [hbm4b:s1+s14], $0x80, s24, s14, $0xb8;
	[tilespmem:$0x1F080] =	vst v63  }
0x97: {  	s26 =	sor.u32 $0x80, s24  }
0x98: {  	[tilespmem:s16], [sflag:$0x1] =	stream.indirect.gather [hbm4b:s1+s14], $0x80, s26, s14, $0xb8;
	[tilespmem:$0x1F080] =	vst v63  }
0x99: {  	_ =	swait.ge [sflag:s17], $0x2800  }
0x9a: {  	[sflag:s17] =	ssyncset.done $0x0  }
0x9b: {  	[sflag:s17] =	ssyncadd.s32 $0xFFFFD800  }
0x9c: {  	_ =	swait.ge [sflag:s17], $0x2800  }
0x9d: {  	s26 =	sadd.s32 $0xC00, s24;
	[sflag:s17] =	ssyncset.done $0x0  }
0x9e: {  	p1 =	seq.s32 s31, $0x0;
	s28 =	sadd.s32 $0xC80, s24;
	[sflag:s17] =	ssyncadd.s32 $0xFFFFD800  }
0x9f: {  	[spmem:s2] =	stream.indirect.scatter.add.f32 [tilespmem:s15], [sflag:$0x2], $0x80, s26, s14, $0xb8;
	[tilespmem:$0x1F080] =	vst v63  }
0xa0: {  	s31 =	smov.u32 s25;
	s26 =	simm.s32 @!p1 $0x2  }
0xa1: {  	[spmem:s2] =	stream.indirect.scatter.add.f32 [tilespmem:s16], [sflag:$0x2], $0x80, s28, s14, $0xb8;
	[tilespmem:$0x1F080] =	vst v63  }
0xa2: {  	_ =	swait.ge @!p1 [sflag:s26], $0x2800  }
0xa3: {  	[sflag:s26] =	ssyncset.done @!p1 $0x0  }
0xa4: {  	[sflag:s26] =	ssyncadd.s32 @!p1 $0xFFFFD800  }
0xa5: {  	_ =	swait.ge @!p1 [sflag:s26], $0x2800  }
0xa6: {  	s25 =	sor.u32 $0x100, s24;
	[sflag:s26] =	ssyncset.done @!p1 $0x0  }
0xa7: {  	[sflag:s26] =	ssyncadd.s32 @!p1 $0xFFFFD800;
	s26 =	sor.u32 $0x180, s24  }
0xa8: {  	[tilespmem:s18], [sflag:$0x1] =	stream.indirect.gather [hbm4b:s1+s14], $0x80, s25, s14, $0xb8;
	[tilespmem:$0x1F080] =	vst v63  }
0xa9: {  	_ = 	snop  }
0xaa: {  	[tilespmem:s19], [sflag:$0x1] =	stream.indirect.gather [hbm4b:s1+s14], $0x80, s26, s14, $0xb8;
	[tilespmem:$0x1F080] =	vst v63  }
0xab: {  	_ =	swait.ge [sflag:s17], $0x2800  }
0xac: {  	[sflag:s17] =	ssyncset.done $0x0  }
0xad: {  	[sflag:s17] =	ssyncadd.s32 $0xFFFFD800  }
0xae: {  	_ =	swait.ge [sflag:s17], $0x2800  }
0xaf: {  	s25 =	sadd.s32 $0xD00, s24;
	[sflag:s17] =	ssyncset.done $0x0  }
0xb0: {  	s26 =	sadd.s32 $0xD80, s24;
	[sflag:s17] =	ssyncadd.s32 $0xFFFFD800  }
0xb1: {  	[spmem:s2] =	stream.indirect.scatter.add.f32 [tilespmem:s18], [sflag:$0x2], $0x80, s25, s14, $0xb8;
	[tilespmem:$0x1F080] =	vst v63  }
0xb2: {  	_ = 	snop  }
0xb3: {  	[spmem:s2] =	stream.indirect.scatter.add.f32 [tilespmem:s19], [sflag:$0x2], $0x80, s26, s14, $0xb8;
	[tilespmem:$0x1F080] =	vst v63  }
0xb4: {  	_ =	swait.ge [sflag:s20], $0x2800  }
0xb5: {  	[sflag:s20] =	ssyncset.done $0x0  }
0xb6: {  	[sflag:s20] =	ssyncadd.s32 $0xFFFFD800  }
0xb7: {  	_ =	swait.ge [sflag:s20], $0x2800  }
0xb8: {  	s25 =	sor.u32 $0x200, s24;
	[sflag:s20] =	ssyncset.done $0x0  }
0xb9: {  	s26 =	sor.u32 $0x280, s24;
	[sflag:s20] =	ssyncadd.s32 $0xFFFFD800  }
0xba: {  	[tilespmem:s15], [sflag:$0x1] =	stream.indirect.gather [hbm4b:s1+s14], $0x80, s25, s14, $0xb8;
	[tilespmem:$0x1F080] =	vst v63  }
0xbb: {  	_ = 	snop  }
0xbc: {  	[tilespmem:s16], [sflag:$0x1] =	stream.indirect.gather [hbm4b:s1+s14], $0x80, s26, s14, $0xb8;
	[tilespmem:$0x1F080] =	vst v63  }
0xbd: {  	_ =	swait.ge [sflag:s17], $0x2800  }
0xbe: {  	[sflag:s17] =	ssyncset.done $0x0  }
0xbf: {  	[sflag:s17] =	ssyncadd.s32 $0xFFFFD800  }
0xc0: {  	_ =	swait.ge [sflag:s17], $0x2800  }
0xc1: {  	s25 =	sadd.s32 $0xE00, s24;
	[sflag:s17] =	ssyncset.done $0x0  }
0xc2: {  	s26 =	sadd.s32 $0xE80, s24;
	[sflag:s17] =	ssyncadd.s32 $0xFFFFD800  }
0xc3: {  	[spmem:s2] =	stream.indirect.scatter.add.f32 [tilespmem:s15], [sflag:$0x2], $0x80, s25, s14, $0xb8;
	[tilespmem:$0x1F080] =	vst v63  }
0xc4: {  	_ = 	snop  }
0xc5: {  	[spmem:s2] =	stream.indirect.scatter.add.f32 [tilespmem:s16], [sflag:$0x2], $0x80, s26, s14, $0xb8;
	[tilespmem:$0x1F080] =	vst v63  }
0xc6: {  	_ =	swait.ge [sflag:s20], $0x2800  }
0xc7: {  	[sflag:s20] =	ssyncset.done $0x0  }
0xc8: {  	[sflag:s20] =	ssyncadd.s32 $0xFFFFD800  }
0xc9: {  	_ =	swait.ge [sflag:s20], $0x2800  }
0xca: {  	s25 =	sor.u32 $0x300, s24;
	[sflag:s20] =	ssyncset.done $0x0  }
0xcb: {  	s26 =	sor.u32 $0x380, s24;
	[sflag:s20] =	ssyncadd.s32 $0xFFFFD800  }
0xcc: {  	[tilespmem:s18], [sflag:$0x1] =	stream.indirect.gather [hbm4b:s1+s14], $0x80, s25, s14, $0xb8;
	[tilespmem:$0x1F080] =	vst v63  }
0xcd: {  	_ = 	snop  }
0xce: {  	[tilespmem:s19], [sflag:$0x1] =	stream.indirect.gather [hbm4b:s1+s14], $0x80, s26, s14, $0xb8;
	[tilespmem:$0x1F080] =	vst v63  }
0xcf: {  	_ =	swait.ge [sflag:s17], $0x2800  }
0xd0: {  	[sflag:s17] =	ssyncset.done $0x0  }
0xd1: {  	[sflag:s17] =	ssyncadd.s32 $0xFFFFD800  }
0xd2: {  	_ =	swait.ge [sflag:s17], $0x2800  }
0xd3: {  	s25 =	sadd.s32 $0xF00, s24;
	[sflag:s17] =	ssyncset.done $0x0  }
0xd4: {  	s24 =	sadd.s32 $0xF80, s24;
	[sflag:s17] =	ssyncadd.s32 $0xFFFFD800  }
0xd5: {  	[spmem:s2] =	stream.indirect.scatter.add.f32 [tilespmem:s18], [sflag:$0x2], $0x80, s25, s14, $0xb8;
	[tilespmem:$0x1F080] =	vst v63  }
0xd6: {  	_ = 	snop  }
0xd7: {  	[spmem:s2] =	stream.indirect.scatter.add.f32 [tilespmem:s19], [sflag:$0x2], $0x80, s24, s14, $0xb8;
	[tilespmem:$0x1F080] =	vst v63  }
.Ltmp2:
0xd8: {  	_ = 	snop;
	(pc) =	sbr.rel @p0 .LBB2_6-.Ltmp2, $4  }
0xd9: {  	_ =	swait.ge [sflag:s20], $0x2800  }
0xda: {  	[sflag:s20] =	ssyncset.done $0x0  }
0xdb: {  	s24 =	smul.u32 $0xAB, s31;
	[sflag:s20] =	ssyncadd.s32 $0xFFFFD800  }
0xdc: {  	s21 =	sadd.s32 $0x80, s21;
	s0 =	sadd.s32 $0x80, s0;
	_ =	swait.ge [sflag:s20], $0x2800  }
0xdd: {  	s22 =	sadd.s32 $0xAB, s24;
	[sflag:s20] =	ssyncset.done $0x0  }
0xde: {  	s22 =	sshrl.u32 s22, $0x9;
	[sflag:s20] =	ssyncadd.s32 $0xFFFFD800  }
0xdf: {  	_ =	swait.ge [sflag:s13], $0x400;
	s22 =	sand.u32 $0x7F, s22  }
0xe0: {  	[sflag:s13] =	ssyncset.done $0x0;
	s22 =	smul.u32 $0x3, s22  }
0xe1: {  	[sflag:s13] =	ssyncadd.s32 $0xFFFFFC00  }
0xe2: {  	s24 =	sshrl.u32 s24, $0x9;
	s22 =	ssub.s32 s23, s22;
	_ =	swait.ge [sflag:s13], $0x400  }
0xe3: {  	s23 =	sand.u32 $0x7F, s24;
	[sflag:s13] =	ssyncset.done $0x0;
	s22 =	sand.u32 $0xFF, s22  }
0xe4: {  	s23 =	smul.u32 $0x3, s23;
	[sflag:s13] =	ssyncadd.s32 $0xFFFFFC00;
	s22 =	sshll.u32 s22, $0xA  }
0xe5: {  	[tilespmem:s22], [sflag:$0x3] =	stream.linear.gather [hbm4b:s21+s4], $0x400, $0x38;
	[tilespmem:$0x1F080] =	vst v63  }
0xe6: {  	s25 =	ssub.s32 s31, s23  }
0xe7: {  	s22 =	sadd.s32 $0xC00, s22;
	s26 =	sand.u32 $0xFF, s25  }
0xe8: {  	[tilespmem:s22], [sflag:$0x3] =	stream.linear.gather [hbm4b:s0+s4], $0x400, $0x38;
	[tilespmem:$0x1F080] =	vst v63  }
0xe9: {  	s0 =	sshll.u32 s26, $0xA  }
0xea: {  	[tilespmem:s15], [sflag:$0x1] =	stream.indirect.gather [hbm4b:s1+s14], $0x80, s0, s14, $0xb8;
	[tilespmem:$0x1F080] =	vst v63  }
0xeb: {  	s28 =	sor.u32 $0x80, s0  }
0xec: {  	[tilespmem:s16], [sflag:$0x1] =	stream.indirect.gather [hbm4b:s1+s14], $0x80, s28, s14, $0xb8;
	[tilespmem:$0x1F080] =	vst v63  }
0xed: {  	_ =	swait.ge [sflag:s17], $0x2800  }
0xee: {  	[sflag:s17] =	ssyncset.done $0x0  }
0xef: {  	[sflag:s17] =	ssyncadd.s32 $0xFFFFD800  }
0xf0: {  	_ =	swait.ge [sflag:s17], $0x2800  }
0xf1: {  	[sflag:s17] =	ssyncset.done $0x0  }
0xf2: {  	p0 =	seq.s32 s31, $0x0;
	s22 =	sadd.s32 $0xC00, s0;
	[sflag:s17] =	ssyncadd.s32 $0xFFFFD800  }
0xf3: {  	[spmem:s2] =	stream.indirect.scatter.add.f32 [tilespmem:s15], [sflag:$0x2], $0x80, s22, s14, $0xb8;
	[tilespmem:$0x1F080] =	vst v63  }
0xf4: {  	s23 =	sadd.s32 $0xC80, s0;
	s22 =	simm.s32 @!p0 $0x2  }
0xf5: {  	[spmem:s2] =	stream.indirect.scatter.add.f32 [tilespmem:s16], [sflag:$0x2], $0x80, s23, s14, $0xb8;
	[tilespmem:$0x1F080] =	vst v63  }
0xf6: {  	_ =	swait.ge @!p0 [sflag:s22], $0x2800  }
0xf7: {  	[sflag:s22] =	ssyncset.done @!p0 $0x0  }
0xf8: {  	[sflag:s22] =	ssyncadd.s32 @!p0 $0xFFFFD800  }
0xf9: {  	_ =	swait.ge @!p0 [sflag:s22], $0x2800  }
0xfa: {  	[sflag:s22] =	ssyncset.done @!p0 $0x0  }
0xfb: {  	s24 =	sor.u32 $0x100, s0;
	[sflag:s22] =	ssyncadd.s32 @!p0 $0xFFFFD800  }
0xfc: {  	[tilespmem:s18], [sflag:$0x1] =	stream.indirect.gather [hbm4b:s1+s14], $0x80, s24, s14, $0xb8;
	[tilespmem:$0x1F080] =	vst v63  }
0xfd: {  	s25 =	sor.u32 $0x180, s0  }
0xfe: {  	[tilespmem:s19], [sflag:$0x1] =	stream.indirect.gather [hbm4b:s1+s14], $0x80, s25, s14, $0xb8;
	[tilespmem:$0x1F080] =	vst v63  }
0xff: {  	_ =	swait.ge [sflag:s17], $0x2800  }
0x100: {  	[sflag:s17] =	ssyncset.done $0x0  }
0x101: {  	[sflag:s17] =	ssyncadd.s32 $0xFFFFD800  }
0x102: {  	_ =	swait.ge [sflag:s17], $0x2800  }
0x103: {  	[sflag:s17] =	ssyncset.done $0x0  }
0x104: {  	s26 =	sadd.s32 $0xD00, s0;
	[sflag:s17] =	ssyncadd.s32 $0xFFFFD800  }
0x105: {  	[spmem:s2] =	stream.indirect.scatter.add.f32 [tilespmem:s18], [sflag:$0x2], $0x80, s26, s14, $0xb8;
	[tilespmem:$0x1F080] =	vst v63  }
0x106: {  	s28 =	sadd.s32 $0xD80, s0  }
0x107: {  	[spmem:s2] =	stream.indirect.scatter.add.f32 [tilespmem:s19], [sflag:$0x2], $0x80, s28, s14, $0xb8;
	[tilespmem:$0x1F080] =	vst v63  }
0x108: {  	_ =	swait.ge [sflag:s20], $0x2800  }
0x109: {  	[sflag:s20] =	ssyncset.done $0x0  }
0x10a: {  	[sflag:s20] =	ssyncadd.s32 $0xFFFFD800  }
0x10b: {  	_ =	swait.ge [sflag:s20], $0x2800  }
0x10c: {  	[sflag:s20] =	ssyncset.done $0x0  }
0x10d: {  	s31 =	sor.u32 $0x200, s0;
	[sflag:s20] =	ssyncadd.s32 $0xFFFFD800  }
0x10e: {  	[tilespmem:s15], [sflag:$0x1] =	stream.indirect.gather [hbm4b:s1+s14], $0x80, s31, s14, $0xb8;
	[tilespmem:$0x1F080] =	vst v63  }
0x10f: {  	s22 =	sor.u32 $0x280, s0  }
0x110: {  	[tilespmem:s16], [sflag:$0x1] =	stream.indirect.gather [hbm4b:s1+s14], $0x80, s22, s14, $0xb8;
	[tilespmem:$0x1F080] =	vst v63  }
0x111: {  	_ =	swait.ge [sflag:s17], $0x2800  }
0x112: {  	[sflag:s17] =	ssyncset.done $0x0  }
0x113: {  	[sflag:s17] =	ssyncadd.s32 $0xFFFFD800  }
0x114: {  	_ =	swait.ge [sflag:s17], $0x2800  }
0x115: {  	[sflag:s17] =	ssyncset.done $0x0  }
0x116: {  	s23 =	sadd.s32 $0xE00, s0;
	[sflag:s17] =	ssyncadd.s32 $0xFFFFD800  }
0x117: {  	[spmem:s2] =	stream.indirect.scatter.add.f32 [tilespmem:s15], [sflag:$0x2], $0x80, s23, s14, $0xb8;
	[tilespmem:$0x1F080] =	vst v63  }
0x118: {  	s24 =	sadd.s32 $0xE80, s0  }
0x119: {  	[spmem:s2] =	stream.indirect.scatter.add.f32 [tilespmem:s16], [sflag:$0x2], $0x80, s24, s14, $0xb8;
	[tilespmem:$0x1F080] =	vst v63  }
0x11a: {  	_ =	swait.ge [sflag:s20], $0x2800  }
0x11b: {  	[sflag:s20] =	ssyncset.done $0x0  }
0x11c: {  	[sflag:s20] =	ssyncadd.s32 $0xFFFFD800  }
0x11d: {  	_ =	swait.ge [sflag:s20], $0x2800  }
0x11e: {  	[sflag:s20] =	ssyncset.done $0x0  }
0x11f: {  	s25 =	sor.u32 $0x300, s0;
	[sflag:s20] =	ssyncadd.s32 $0xFFFFD800  }
0x120: {  	[tilespmem:s18], [sflag:$0x1] =	stream.indirect.gather [hbm4b:s1+s14], $0x80, s25, s14, $0xb8;
	[tilespmem:$0x1F080] =	vst v63  }
0x121: {  	s26 =	sor.u32 $0x380, s0  }
0x122: {  	[tilespmem:s19], [sflag:$0x1] =	stream.indirect.gather [hbm4b:s1+s14], $0x80, s26, s14, $0xb8;
	[tilespmem:$0x1F080] =	vst v63  }
0x123: {  	_ =	swait.ge [sflag:s17], $0x2800  }
0x124: {  	[sflag:s17] =	ssyncset.done $0x0  }
0x125: {  	[sflag:s17] =	ssyncadd.s32 $0xFFFFD800  }
0x126: {  	_ =	swait.ge [sflag:s17], $0x2800  }
0x127: {  	[sflag:s17] =	ssyncset.done $0x0  }
0x128: {  	s28 =	sadd.s32 $0xF00, s0;
	[sflag:s17] =	ssyncadd.s32 $0xFFFFD800  }
0x129: {  	[spmem:s2] =	stream.indirect.scatter.add.f32 [tilespmem:s18], [sflag:$0x2], $0x80, s28, s14, $0xb8;
	[tilespmem:$0x1F080] =	vst v63  }
0x12a: {  	s0 =	sadd.s32 $0xF80, s0  }
0x12b: {  	[spmem:s2] =	stream.indirect.scatter.add.f32 [tilespmem:s19], [sflag:$0x2], $0x80, s0, s14, $0xb8;
	[tilespmem:$0x1F080] =	vst v63  }
0x12c: {  	_ =	swait.ge [sflag:s20], $0x2800  }
0x12d: {  	[sflag:s20] =	ssyncset.done $0x0  }
0x12e: {  	[sflag:s20] =	ssyncadd.s32 $0xFFFFD800  }
0x12f: {  	_ =	swait.ge [sflag:s20], $0x2800  }
0x130: {  	[sflag:s20] =	ssyncset.done $0x0  }
0x131: {  	[sflag:s20] =	ssyncadd.s32 $0xFFFFD800  }
0x132: {  	_ =	swait.ge [sflag:s20], $0x2800  }
0x133: {  	[sflag:s20] =	ssyncset.done $0x0  }
0x134: {  	[sflag:s20] =	ssyncadd.s32 $0xFFFFD800  }
0x135: {  	_ =	swait.ge [sflag:s20], $0x2800  }
0x136: {  	[sflag:s20] =	ssyncset.done $0x0  }
0x137: {  	[sflag:s20] =	ssyncadd.s32 $0xFFFFD800  }
0x138: {  	_ =	swait.ge [sflag:s13], $0x400  }
0x139: {  	[sflag:s13] =	ssyncset.done $0x0  }
0x13a: {  	[sflag:s13] =	ssyncadd.s32 $0xFFFFFC00  }
0x13b: {  	_ =	swait.ge [sflag:s13], $0x400  }
0x13c: {  	[sflag:s13] =	ssyncset.done $0x0  }
0x13d: {  	s31 =	simm.s32 $0x0;
	[sflag:s13] =	ssyncadd.s32 $0xFFFFFC00  }
0x13e: {  	[tilespmem:s15], [sflag:$0x1] =	stream.indirect.gather [hbm4b:s1+s14], $0x80, s31, s14, $0xb8;
	[tilespmem:$0x1F080] =	vst v63  }
0x13f: {  	s21 =	simm.s32 $0x80  }
0x140: {  	[tilespmem:s16], [sflag:$0x1] =	stream.indirect.gather [hbm4b:s1+s14], $0x80, s21, s14, $0xb8;
	[tilespmem:$0x1F080] =	vst v63  }
0x141: {  	_ =	swait.ge [sflag:s17], $0x2800  }
0x142: {  	[sflag:s17] =	ssyncset.done $0x0  }
0x143: {  	[sflag:s17] =	ssyncadd.s32 $0xFFFFD800  }
0x144: {  	_ =	swait.ge [sflag:s17], $0x2800  }
0x145: {  	[sflag:s17] =	ssyncset.done $0x0  }
0x146: {  	[sflag:s17] =	ssyncadd.s32 $0xFFFFD800  }
0x147: {  	[spmem:s2] =	stream.indirect.scatter.add.f32 [tilespmem:s15], [sflag:$0x2], $0x80, s12, s14, $0xb8;
	[tilespmem:$0x1F080] =	vst v63  }
0x148: {  	s22 =	simm.s32 $0xC80  }
0x149: {  	[spmem:s2] =	stream.indirect.scatter.add.f32 [tilespmem:s16], [sflag:$0x2], $0x80, s22, s14, $0xb8;
	[tilespmem:$0x1F080] =	vst v63  }
0x14a: {  	s23 =	simm.s32 $0x100  }
0x14b: {  	[tilespmem:s18], [sflag:$0x1] =	stream.indirect.gather [hbm4b:s1+s14], $0x80, s23, s14, $0xb8;
	[tilespmem:$0x1F080] =	vst v63  }
0x14c: {  	s24 =	simm.s32 $0x180  }
0x14d: {  	[tilespmem:s19], [sflag:$0x1] =	stream.indirect.gather [hbm4b:s1+s14], $0x80, s24, s14, $0xb8;
	[tilespmem:$0x1F080] =	vst v63  }
0x14e: {  	_ =	swait.ge [sflag:s17], $0x2800  }
0x14f: {  	[sflag:s17] =	ssyncset.done $0x0  }
0x150: {  	[sflag:s17] =	ssyncadd.s32 $0xFFFFD800  }
0x151: {  	_ =	swait.ge [sflag:s17], $0x2800  }
0x152: {  	[sflag:s17] =	ssyncset.done $0x0  }
0x153: {  	s25 =	simm.s32 $0xD00;
	[sflag:s17] =	ssyncadd.s32 $0xFFFFD800  }
0x154: {  	[spmem:s2] =	stream.indirect.scatter.add.f32 [tilespmem:s18], [sflag:$0x2], $0x80, s25, s14, $0xb8;
	[tilespmem:$0x1F080] =	vst v63  }
0x155: {  	s26 =	simm.s32 $0xD80  }
0x156: {  	[spmem:s2] =	stream.indirect.scatter.add.f32 [tilespmem:s19], [sflag:$0x2], $0x80, s26, s14, $0xb8;
	[tilespmem:$0x1F080] =	vst v63  }
0x157: {  	_ =	swait.ge [sflag:s20], $0x2800  }
0x158: {  	[sflag:s20] =	ssyncset.done $0x0  }
0x159: {  	[sflag:s20] =	ssyncadd.s32 $0xFFFFD800  }
0x15a: {  	_ =	swait.ge [sflag:s20], $0x2800  }
0x15b: {  	[sflag:s20] =	ssyncset.done $0x0  }
0x15c: {  	s28 =	simm.s32 $0x200;
	[sflag:s20] =	ssyncadd.s32 $0xFFFFD800  }
0x15d: {  	[tilespmem:s15], [sflag:$0x1] =	stream.indirect.gather [hbm4b:s1+s14], $0x80, s28, s14, $0xb8;
	[tilespmem:$0x1F080] =	vst v63  }
0x15e: {  	_ =	swait.ge [sflag:s17], $0x2800  }
0x15f: {  	[sflag:s17] =	ssyncset.done $0x0  }
0x160: {  	[sflag:s17] =	ssyncadd.s32 $0xFFFFD800  }
0x161: {  	[spmem:s2] =	stream.indirect.scatter.add.f32 [tilespmem:s15], [sflag:$0x2], $0x80, s29, s14, $0xb8;
	[tilespmem:$0x1F080] =	vst v63  }
0x162: {  	_ =	swait.ge [sflag:s20], $0x2800  }
0x163: {  	[sflag:s20] =	ssyncset.done $0x0  }
0x164: {  	[sflag:s20] =	ssyncadd.s32 $0xFFFFD800  }
0x165: {  	_ =	swait.ge [sflag:s20], $0x2800  }
0x166: {  	[sflag:s20] =	ssyncset.done $0x0  }
0x167: {  	[sflag:s20] =	ssyncadd.s32 $0xFFFFD800  }
0x168: {  	s31 =	sadd.s32 $0x0, s3;
	_ =	swait.ge [sflag:s20], $0x2800  }
0x169: {  	p0 =	sgt.u32 s31, $0xF9;
	[sflag:s20] =	ssyncset.done $0x0  }
0x16a: {  	s0 =	sshll.u32 @!p0 s3, $0x6;
	s21 =	sshrl.u32 @!p0 s8, $0x3;
	[sflag:s20] =	ssyncadd.s32 $0xFFFFD800  }
0x16b: {  	s0 =	sor.u32 @!p0 $0x1C04, s0;
	s23 =	simm.s32 @!p0 $0x4;
	[bflag:$0x0] =	sbarrier.arrive $0xFFFF  }
0x16c: {  	[hbm:s11], [sflag:s0] =	dma.local @!p0 [spmem:s21], $0x280  }
0x16d: {  	s22 =	simm.s32 $0x20;
	s24 =	sadd.s32 $0x10, s3;
	_ =	swait.ge @!p0 [sflag:s23], $0x280  }
0x16e: {  	s0 =	sadd.s32 $0x14000, s8;
	s21 =	sadd.s32 $0x2800, s11;
	[sflag:s23] =	ssyncset.done @!p0 $0x0  }
.LBB2_8:
0x16f: {  	[sflag:s23] =	ssyncadd.s32 @!p0 $0xFFFFFD80  }
0x170: {  	p0 =	sgt.u32 s24, $0xF9;
	s24 =	smov.u32 s22;
	s22 =	sadd.s32 $0x10, s22  }
0x171: {  	p1 =	sne.s32 s22, $0x100  }
.Ltmp3:
0x172: {  	s23 =	sshll.u32 @!p0 s3, $0x6;
	s25 =	sshrl.u32 @!p0 s0, $0x3;
	(pc) =	sbr.rel @p1 .LBB2_8-.Ltmp3, $4  }
0x173: {  	s26 =	sor.u32 @!p0 $0x1C04, s23;
	s23 =	simm.s32 @!p0 $0x4  }
0x174: {  	[hbm:s21], [sflag:s26] =	dma.local @!p0 [spmem:s25], $0x280  }
0x175: {  	s0 =	sadd.s32 $0x14000, s0;
	_ =	swait.ge @!p0 [sflag:s23], $0x280  }
0x176: {  	s24 =	sadd.s32 s24, s3;
	s21 =	sadd.s32 $0x2800, s21;
	[sflag:s23] =	ssyncset.done @!p0 $0x0  }
0x177: {  	p1 =	sgt.u32 s24, $0xF9;
	[sflag:s23] =	ssyncadd.s32 @!p0 $0xFFFFFD80;
	s30 =	sadd.s32 $0x1, s30  }
0x178: {  	s22 =	sshll.u32 @!p1 s3, $0x6;
	s0 =	sshrl.u32 @!p1 s0, $0x3;
	p0 =	sne.s32 s30, s7  }
.Ltmp4:
0x179: {  	s23 =	simm.s32 @!p1 $0x4;
	s22 =	sor.u32 @!p1 $0x1C04, s22;
	(pc) =	sbr.rel @p0 .LBB2_1-.Ltmp4, $4  }
0x17a: {  	[hbm:s21], [sflag:s22] =	dma.local @!p1 [spmem:s0], $0x280  }
0x17b: {  	_ =	swait.ge @!p1 [sflag:s23], $0x280  }
0x17c: {  	[sflag:s23] =	ssyncset.done @!p1 $0x0  }
0x17d: {  	[sflag:s23] =	ssyncadd.s32 @!p1 $0xFFFFFD80  }
0x17e: {  	_ =	sfence.sel $0x180000  }
0x17f: {  	[bflag:$0x0] =	sbarrier.arrive $0xFFFF  }
0x180: {  	_ =	strace $0x9000004D  }
0x181: {  	[bflag:$0x2] =	sbarrier.arrive $0xFFFF  }
0x182: {  	p0 =	sne.s32 s3, $0x0;
	s0 =	rddreg [dreg:$0x3]  }
0x183: {  	s0 =	sadd.s32 @!p0 $0x100000, s0  }
0x184: {  	[sflag:s0] =	ssyncadd.tile.s32 @!p0 $0x1;
	_ =	shalt  }
.Lfunc_end2:
_tile_overlayer_lowered:
.L_overlay_start_2:
0x185: {  	(tag) =	ssettag $0x2  }
0x186: {  	s0 =	rddreg [dreg:$0x0];
	s2 =	stileid.u32  }
0x187: {  	s1 =	rddreg [dreg:$0x1];
	p0 =	sne.s32 s2, $0x0  }
0x188: {  	s3 =	rddreg [dreg:$0x2];
	[bflag:$0x3] =	sbarrier.arrive $0xFFFF;
	s2 =	simm.s32 @!p0 $0x1C04  }
0x189: {  	[timem:s3], [sflag:s2] =	dma.local @!p0 [hbm:s0], s1  }
0x18a: {  	s0 =	simm.s32 @!p0 $0x4  }
0x18b: {  	_ =	swait.ge @!p0 [sflag:s0], s1  }
0x18c: {  	s1 =	ssub.s32 @!p0 $0x0, s1;
	[sflag:s0] =	ssyncset.done @!p0 $0x0  }
0x18d: {  	[sflag:s0] =	ssyncadd.s32 @!p0 s1  }
0x18e: {  	[bflag:$0x3] =	sbarrier.arrive $0xFFFF  }
0x18f: {  	_ =	shalt  }

// kernel: kernel.8.cloned.1.call-start
scs
__scs_entry_jumppad:
0x0: {  	(pc) =	sbr.rel $0x88, $3  }
0x1: {  	(tag) =	ssettag $0x0;
	lr =	simm.s32 $0x1  }
0x2: {  	[smem:$0x3F9B] =	sst lr;
	_ =	strace $0xD0000000  }
0x3: {  	_ = 	snop  }
0x4: {  	_ = 	snop  }
0x5: {  	_ = 	snop  }
0x6: {  	_ = 	snop  }
0x7: {  	_ = 	snop  }
__scs_overlays_trampoline_lowered:
0x8: {  	[smem:$0x3FAA] =	sst s0  }
0x9: {  	[smem:$0x3FAB] =	sst s1  }
0xa: {  	[smem:$0x3FAC] =	sst s2  }
0xb: {  	[smem:$0x3FAD] =	sst s3  }
0xc: {  	[smem:$0x3FAE] =	sst s4  }
0xd: {  	[smem:$0x3FAF] =	sst s5  }
0xe: {  	[smem:$0x3FB0] =	sst s6  }
0xf: {  	[smem:$0x3FB1] =	sst s7  }
0x10: {  	[smem:$0x3FB2] =	sst s8  }
0x11: {  	[smem:$0x3FB3] =	sst s9;
	s0 =	simm.s32 @!p0 $0x0  }
0x12: {  	s1 =	sld [smem:$0x3F99];
	s0 =	simm.s32 @p0 $0x1  }
0x13: {  	[smem:$0x3FB4] =	sst s0;
	s0 =	simm.s32 @!p1 $0x0  }
0x14: {  	s2 =	sld [smem:$0x3F98];
	s0 =	simm.s32 @p1 $0x1  }
0x15: {  	[smem:$0x3FB5] =	sst s0;
	s0 =	simm.s32 @!p2 $0x0  }
0x16: {  	s3 =	sld [smem:$0x3FDB];
	s0 =	simm.s32 @p2 $0x1  }
0x17: {  	s4 =	simm.s32 $0x1BF5;
	[smem:$0x3FB7] =	sst s0  }
0x18: {  	s0 =	sld [smem:$0x3F9A];
	_ =	swait.ge [sflag:s4], $0x0  }
0x19: {  	s7 =	sld [smem:$0x3F9B]  }
0x1a: {  	s8 =	sadd.s32 $0xFFFFE003, lr  }
0x1b: {  	s9 =	sadd.s32 $0xFFFFFEF7, lr;
	s5 =	simm.s32 $0xFFFFFFFF;
	p2 =	slt.u32 s8, $0xFFFFF086  }
0x1c: {  	p1 =	slt.u32 s9, $0xF7A;
	s5 =	simm.s32 @!p2 $0x0  }
0x1d: {  	s5 =	simm.s32 @p1 $0x1;
	p0 =	seq.s32 s7, s2  }
0x1e: {  	s7 =	smul.u32 @!p0 $0xF7A, s2;
	p2 =	seq.s32 @!p0 s5, $0x0  }
0x1f: {  	s9 =	smul.u32 $0xF7A, s1;
	s8 =	simm.s32 @!p0 $0x1BF5;
	p2 =	por !p2, p0  }
0x20: {  	[sflag:s8] =	ssyncset.s32 @!p0 $0xFFFFF086;
	s6 =	sadd.s32 @!p0 s3, s7;
	s7 =	simm.s32 @!p0 $0x108  }
0x21: {  	s3 =	sadd.s32 s3, s9;
	s6 =	sadd.s32 @!p0 $0x88, s6;
	s7 =	simm.s32 @p2 $0x1082  }
0x22: {  	[simem:s7], [sflag:s8] =	dma.local @!p0 [hbm:s6], $0xF7A  }
0x23: {  	s9 =	sor.u32 $0xD0000000, s2;
	s6 =	simm.s32 $0x108;
	_ =	swait.ge @!p0 [sflag:s8], $0x0  }
0x24: {  	s3 =	sadd.s32 $0x88, s3;
	s6 =	simm.s32 @!p1 $0x1082;
	[sflag:s4] =	ssyncset.s32 $0xFFFFF086  }
0x25: {  	[simem:s6], [sflag:s4] =	dma.local [hbm:s3], $0xF7A  }
0x26: {  	[smem:$0x3F9B] =	sst s1;
	(tag) =	ssettag s2;
	_ =	strace s9  }
0x27: {  	s1 =	sld [smem:$0x3FAB]  }
0x28: {  	s2 =	sld [smem:$0x3FAC]  }
0x29: {  	s4 =	sld [smem:$0x3FAE]  }
0x2a: {  	p0 =	seq.s32 s5, $0x0;
	s5 =	sld [smem:$0x3FAF]  }
0x2b: {  	s6 =	sld [smem:$0x3FB0]  }
0x2c: {  	s7 =	sld [smem:$0x3FB1]  }
0x2d: {  	s3 =	simm.s32 $0x108;
	s8 =	sld [smem:$0x3FB2]  }
0x2e: {  	s3 =	simm.s32 @!p0 $0x1082;
	s9 =	sld [smem:$0x3FB3]  }
0x2f: {  	lr =	sadd.s32 s0, s3;
	s0 =	sld [smem:$0x3FAA]  }
0x30: {  	s3 =	sld [smem:$0x3FAD]  }
0x31: {  	[smem:$0x3FB6] =	sst s10  }
0x32: {  	s10 =	sld [smem:$0x3FB4];
	_ =	sdelay $0x3  }
0x33: {  	p0 =	seq.s32 s10, $0x1;
	s10 =	sld [smem:$0x3FB6];
	_ =	sdelay $0x3  }
0x34: {  	[smem:$0x3FB6] =	sst s10  }
0x35: {  	s10 =	sld [smem:$0x3FB5];
	_ =	sdelay $0x3  }
0x36: {  	p1 =	seq.s32 s10, $0x1;
	s10 =	sld [smem:$0x3FB6];
	_ =	sdelay $0x3  }
0x37: {  	[smem:$0x3FB6] =	sst s10  }
0x38: {  	s10 =	sld [smem:$0x3FB7]  }
0x39: {  	_ = 	snop;
	(pc) =	sbr.ind lr, $3  }
0x3a: {  	_ = 	snop  }
0x3b: {  	_ = 	snop  }
0x3c: {  	p2 =	seq.s32 s10, $0x1;
	s10 =	sld [smem:$0x3FB6]  }
0x3d: {  	_ =	shalt  }
0x3e: {  	_ =	shalt  }
0x3f: {  	_ =	shalt  }
0x40: {  	_ =	shalt  }
0x41: {  	_ =	shalt  }
0x42: {  	_ =	shalt  }
0x43: {  	_ =	shalt  }
0x44: {  	_ =	shalt  }
0x45: {  	_ =	shalt  }
0x46: {  	_ =	shalt  }
0x47: {  	_ =	shalt  }
0x48: {  	_ =	shalt  }
0x49: {  	_ =	shalt  }
0x4a: {  	_ =	shalt  }
0x4b: {  	_ =	shalt  }
0x4c: {  	_ =	shalt  }
0x4d: {  	_ =	shalt  }
0x4e: {  	_ =	shalt  }
0x4f: {  	_ =	shalt  }
0x50: {  	_ =	shalt  }
0x51: {  	_ =	shalt  }
0x52: {  	_ =	shalt  }
0x53: {  	_ =	shalt  }
0x54: {  	_ =	shalt  }
0x55: {  	_ =	shalt  }
0x56: {  	_ =	shalt  }
0x57: {  	_ =	shalt  }
0x58: {  	_ =	shalt  }
0x59: {  	_ =	shalt  }
0x5a: {  	_ =	shalt  }
0x5b: {  	_ =	shalt  }
0x5c: {  	_ =	shalt  }
0x5d: {  	_ =	shalt  }
0x5e: {  	_ =	shalt  }
0x5f: {  	_ =	shalt  }
0x60: {  	_ =	shalt  }
0x61: {  	_ =	shalt  }
0x62: {  	_ =	shalt  }
0x63: {  	_ =	shalt  }
0x64: {  	_ =	shalt  }
0x65: {  	_ =	shalt  }
0x66: {  	_ =	shalt  }
0x67: {  	_ =	shalt  }
0x68: {  	_ =	shalt  }
0x69: {  	_ =	shalt  }
0x6a: {  	_ =	shalt  }
0x6b: {  	_ =	shalt  }
0x6c: {  	_ =	shalt  }
0x6d: {  	_ =	shalt  }
0x6e: {  	_ =	shalt  }
0x6f: {  	_ =	shalt  }
0x70: {  	_ =	shalt  }
0x71: {  	_ =	shalt  }
0x72: {  	_ =	shalt  }
0x73: {  	_ =	shalt  }
0x74: {  	_ =	shalt  }
0x75: {  	_ =	shalt  }
0x76: {  	_ =	shalt  }
0x77: {  	_ =	shalt  }
0x78: {  	_ =	shalt  }
0x79: {  	_ =	shalt  }
0x7a: {  	_ =	shalt  }
0x7b: {  	_ =	shalt  }
0x7c: {  	_ =	shalt  }
0x7d: {  	_ =	shalt  }
0x7e: {  	_ =	shalt  }
0x7f: {  	_ =	shalt  }
0x80: {  	_ =	shalt  }
0x81: {  	_ =	shalt  }
0x82: {  	_ =	shalt  }
0x83: {  	_ =	shalt  }
0x84: {  	_ =	shalt  }
0x85: {  	_ =	shalt  }
0x86: {  	_ =	shalt  }
0x87: {  	_ =	shalt  }
.Lfunc_end0:
.L_simem_size_0:
called_computation_lowered:
.L_overlay_start_0:
0x88: {  	s2 =	sld [smem:$0x3FD9]  }
0x89: {  	s3 =	sld [smem:$0x3FFE];
	_ =	sdelay $0x1  }
0x8a: {  	s1 =	srdreg.scid  }
0x8b: {  	s0 =	sand.u32 $0x1, s1  }
0x8c: {  	s17 =	sshll.u32 s0, $0xA;
	s2 =	sadd.s32 s3, s2  }
0x8d: {  	s2 =	sadd.s32 s2, s17  }
0x8e: {  	[smem:$0x3FC2] =	sst s2  }
0x8f: {  	_ = 	snop  }
0x90: {  	s2 =	sld [smem:$0x3FD0];
	(tm) =	ssettm $0x1  }
0x91: {  	s18 =	sld [smem:$0x3FFB];
	_ =	sdelay $0x3  }
0x92: {  	_ =	strace s18  }
0x93: {  	s3 =	sld [smem:$0x3FFC];
	_ =	sdelay $0x3  }
0x94: {  	_ =	strace s3  }
0x95: {  	s3 =	sld [smem:$0x3FFD];
	_ =	sdelay $0x3  }
0x96: {  	_ =	strace s3  }
0x97: {  	_ =	strace $0x8FFFFFFF  }
0x98: {  	s19 =	sld [smem:$0x3FDB];
	_ =	sdelay $0x1  }
0x99: {  	s4 =	simm.s32 $_scs_section_size  }
0x9a: {  	s5 =	simm.s32 $_size__tile_overlayer_lowered;
	s6 =	simm.s32 $_tile_overlayer_lowered  }
0x9b: {  	s22 =	simm.s32 $0x1BFF;
	s21 =	sshll.u32 s6, $0x1;
	s3 =	sadd.s32 s4, s19  }
0x9c: {  	s7 =	simm.s32 $0x0;
	s20 =	sshll.u32 s5, $0x1;
	s5 =	sadd.s32 s21, s3  }
0x9d: {  	[timem:s7], [sflag:s22] =	dma.local [hbm:s5], s20  }
0x9e: {  	_ =	swait.ge [sflag:s22], s20  }
0x9f: {  	s4 =	ssub.s32 $0x0, s20;
	[sflag:s22] =	ssyncset.done $0x0  }
0xa0: {  	[sflag:s22] =	ssyncadd.s32 s4;
	_ =	sdelay $0x1  }
0xa1: {  	s23 =	simm.s32 $0x1B8B  }
0xa2: {  	_ =	swait.ge [sflag:s23], $0x1  }
0xa3: {  	[sflag:s23] =	ssyncset.done $0x0  }
0xa4: {  	s25 =	simm.s32 $0x1B8E;
	s24 =	sld [smem:$0x3FFE];
	[sflag:s23] =	ssyncadd.s32 $0xFFFFFFFF  }
0xa5: {  	s26 =	simm.s32 $execute0_lowered;
	[smem:$0x3FD2] =	sst s25  }
0xa6: {  	s5 =	sshll.u32 s26, $0x1;
	_ =	strace $0x80000046;
	[dreg:$0x1] =	wrdreg $0xFFFFFFFF  }
0xa7: {  	s28 =	simm.s32 $_size_execute0_lowered;
	s3 =	sadd.s32 s3, s5;
	[dreg:$0x0] =	wrdreg $0x0  }
0xa8: {  	s5 =	sshll.u32 s28, $0x1;
	[dreg:$0x2] =	wrdreg s3  }
0xa9: {  	[dreg:$0x3] =	wrdreg s5  }
0xaa: {  	[dreg:$0x4] =	wrdreg $0xC0  }
0xab: {  	_ =	task [dreg:s7], $0x5FFFF  }
0xac: {  	[dreg:$0x1] =	wrdreg $0xFFFFFFFF  }
0xad: {  	[dreg:$0x0] =	wrdreg $0x60  }
0xae: {  	[dreg:$0x2] =	wrdreg s2  }
0xaf: {  	[dreg:$0x3] =	wrdreg s24  }
0xb0: {  	[dreg:$0x4] =	wrdreg $0x7C000  }
0xb1: {  	[dreg:$0x5] =	wrdreg $0x9  }
0xb2: {  	_ =	task.clear_ibuf [dreg:s7], $0x6FFFF;
	_ =	strace $0x90000046  }
0xb3: {  	s29 =	simm.s32 $0x9;
	_ =	strace $0x80000048  }
0xb4: {  	_ =	swait.ge [sflag:s29], $0x1  }
0xb5: {  	[sflag:s29] =	ssyncadd.s32 $0xFFFFFFFF  }
0xb6: {  	_ =	strace $0x90000048  }
0xb7: {  	_ =	sfence  }
0xb8: {  	s30 =	sld [smem:$0x0];
	_ =	sdelay $0x2  }
0xb9: {  	s31 =	sshll.u32 s1, $0xD;
	s1 =	sshrl.u32 s1, $0x2  }
0xba: {  	s3 =	sand.u32 $0x4000, s31;
	s1 =	sadd.s32 s1, s30  }
0xbb: {  	s0 =	sor.u32 s3, s0;
	s1 =	sshll.u32 s1, $0x11  }
0xbc: {  	s0 =	sor.u32 s1, s0  }
0xbd: {  	s0 =	sadd.s32 $0x8F2B, s0  }
0xbe: {  	[sflag:s0] =	ssyncadd.remote.s32 $0x1  }
0xbf: {  	_ =	sfence.sel $0xFFFF  }
0xc0: {  	[dreg:$0x0] =	wrdreg $0xFFFFFFFF;
	(pc) =	sbr.abs _section_cstart, $3  }
0xc1: {  	[dreg:$0x1] =	wrdreg $0xFFFFFFFF  }
0xc2: {  	_ =	task.clear_ibuf [dreg:s7], $0x2FFFF;
	_ =	strace $0x9FFFFFFF  }
0xc3: {  	(tm) =	ssettm $0x7FFFFFFF  }
tec
execute0_lowered:
.L_overlay_start_1:
0x0: {  	(tag) =	ssettag $0x1  }
0x1: {  	s4 =	rddreg [dreg:$0x0]  }
0x2: {  	s7 =	rddreg [dreg:$0x1]  }
0x3: {  	s2 =	rddreg [dreg:$0x2]  }
0x4: {  	s0 =	srdreg.scid;
	s1 =	rddreg [dreg:$0x3];
	s3 =	simm.s32 $0x0  }
0x5: {  	s11 =	simm.s32 $0x1;
	s12 =	simm.s32 $0x3C00;
	s13 =	simm.s32 $0x3C80  }
0x6: {  	s14 =	simm.s32 $0x3D00;
	s5 =	sand.u32 $0x1, s0;
	s0 =	stileid.u32  }
0x7: {  	s15 =	simm.s32 $0x3D80;
	[smem:$0x7FF] =	sst s3;
	s6 =	smul.u32 $0x138800, s5  }
0x8: {  	s16 =	simm.s32 $0x3E00;
	s8 =	smul.u32 $0x1400, s0;
	_ =	strace $0x80000047  }
0x9: {  	s29 =	ssub.s32 $0x2, s5;
	s30 =	sshll.u32 s0, $0xB;
	s9 =	smul.u32 $0x5000, s0  }
0xa: {  	s5 =	sshll.u32 s5, $0xF;
	s10 =	sshrl.u32 s29, $0x1;
	s4 =	sadd.s32 s4, s30  }
0xb: {  	s6 =	sadd.s32 s8, s6;
	s4 =	sadd.s32 s5, s4;
	s31 =	sshrl.u32 s9, $0x2  }
0xc: {  	s8 =	simm.s32 $0x2;
	s9 =	simm.s32 $0x50;
	s6 =	sshrl.u32 s6, $0x3  }
0xd: {  	s7 =	sadd.s32 s6, s7;
	s6 =	ssub.s32 s29, s10;
	s10 =	simm.s32 $0x4000  }
0xe: {  	v0 =	vimm.f32 $1.000000000e+00;
	v1 =	vimm.f32 $0.0e+00;
	s5 =	smax.u32 s6, $0x1;
	s6 =	sadd.s32 s31, s2;
	s7 =	sadd.s32 $0x2200, s7  }
.LBB2_1:
0xf: {  	s17 =	simm.s32 $0x0;
	s18 =	simm.s32 $0x200  }
.LBB2_2:
0x10: {  	p0 =	sne.s32 s18, $0x9E00;
	[tilespmem:s17+$0x4070] =	vst v0  }
0x11: {  	[tilespmem:s17+$0x4000] =	vst v0  }
0x12: {  	[tilespmem:s17+$0x4010] =	vst v0  }
.Ltmp0:
0x13: {  	[tilespmem:s17+$0x4020] =	vst v0;
	(pc) =	sbr.rel @p0 .LBB2_2-.Ltmp0, $4  }
0x14: {  	[tilespmem:s17+$0x4030] =	vst v0  }
0x15: {  	[tilespmem:s17+$0x4040] =	vst v0  }
0x16: {  	[tilespmem:s17+$0x4050] =	vst v0  }
0x17: {  	[tilespmem:s17+$0x4060] =	vst v0;
	s17 =	sshra.s32 s18, $0x2;
	s18 =	sadd.s32 $0x200, s18  }
0x18: {  	[tilespmem:s17+$0x4070] =	vst v0  }
0x19: {  	[tilespmem:s17+$0x4000] =	vst v0  }
0x1a: {  	[tilespmem:s17+$0x4010] =	vst v0  }
0x1b: {  	[tilespmem:s17+$0x4020] =	vst v0  }
0x1c: {  	[tilespmem:s17+$0x4030] =	vst v0  }
0x1d: {  	[tilespmem:s17+$0x4040] =	vst v0  }
0x1e: {  	[tilespmem:s17+$0x4050] =	vst v0  }
0x1f: {  	[tilespmem:s17+$0x4060] =	vst v0;
	s17 =	simm.s32 $0x0;
	s18 =	simm.s32 $0x200  }
.LBB2_4:
0x20: {  	p0 =	sne.s32 s18, $0x4E00;
	[tilespmem:s17+$0x6870] =	vst v1  }
0x21: {  	[tilespmem:s17+$0x6800] =	vst v1  }
0x22: {  	[tilespmem:s17+$0x6810] =	vst v1  }
.Ltmp1:
0x23: {  	[tilespmem:s17+$0x6820] =	vst v1;
	(pc) =	sbr.rel @p0 .LBB2_4-.Ltmp1, $4  }
0x24: {  	[tilespmem:s17+$0x6830] =	vst v1  }
0x25: {  	[tilespmem:s17+$0x6840] =	vst v1  }
0x26: {  	[tilespmem:s17+$0x6850] =	vst v1  }
0x27: {  	[tilespmem:s17+$0x6860] =	vst v1;
	s17 =	sshra.s32 s18, $0x2;
	s18 =	sadd.s32 $0x200, s18  }
0x28: {  	[tilespmem:s17+$0x6870] =	vst v1  }
0x29: {  	[tilespmem:s17+$0x6800] =	vst v1  }
0x2a: {  	[tilespmem:s17+$0x6810] =	vst v1  }
0x2b: {  	[tilespmem:s17+$0x6820] =	vst v1  }
0x2c: {  	[tilespmem:s17+$0x6830] =	vst v1  }
0x2d: {  	[tilespmem:s17+$0x6840] =	vst v1;
	s18 =	sadd.s32 $0x0, s0  }
0x2e: {  	[tilespmem:s17+$0x6850] =	vst v1;
	p0 =	sgt.u32 s18, $0xF9  }
0x2f: {  	[tilespmem:s17+$0x6860] =	vst v1;
	s17 =	simm.s32 @!p0 $0x6800;
	s20 =	simm.s32 @!p0 $0x2  }
0x30: {  	[spmem:s6] =	stream.linear.scatter @!p0 [tilespmem:s17], [sflag:$0x2], $0x1400, $0x38;
	[tilespmem:$0x1B480] =	vst v63  }
0x31: {  	s19 =	simm.s32 $0x20;
	_ =	swait.ge @!p0 [sflag:s20], $0x1400  }
0x32: {  	s18 =	simm.s32 $0x10;
	s17 =	sadd.s32 $0x14000, s6;
	[sflag:s20] =	ssyncset.done @!p0 $0x0  }
.LBB2_6:
0x33: {  	s21 =	sadd.s32 s18, s0;
	s18 =	smov.u32 s19;
	s19 =	sadd.s32 $0x10, s19  }
0x34: {  	[sflag:s20] =	ssyncadd.s32 @!p0 $0xFFFFEC00;
	p1 =	sne.s32 s19, $0x100  }
.Ltmp2:
0x35: {  	p0 =	sgt.u32 s21, $0xF9;
	(pc) =	sbr.rel @p1 .LBB2_6-.Ltmp2, $4  }
0x36: {  	s21 =	simm.s32 @!p0 $0x6800;
	s20 =	simm.s32 @!p0 $0x2  }
0x37: {  	[spmem:s17] =	stream.linear.scatter @!p0 [tilespmem:s21], [sflag:$0x2], $0x1400, $0x38;
	[tilespmem:$0x1B480] =	vst v63  }
0x38: {  	_ =	swait.ge @!p0 [sflag:s20], $0x1400  }
0x39: {  	s17 =	sadd.s32 $0x14000, s17;
	[sflag:s20] =	ssyncset.done @!p0 $0x0  }
0x3a: {  	s18 =	sadd.s32 s18, s0  }
0x3b: {  	p1 =	sgt.u32 s18, $0xF9  }
0x3c: {  	[sflag:s20] =	ssyncadd.s32 @!p0 $0xFFFFEC00;
	s18 =	simm.s32 @!p1 $0x6800;
	s19 =	simm.s32 @!p1 $0x2  }
0x3d: {  	[spmem:s17] =	stream.linear.scatter @!p1 [tilespmem:s18], [sflag:$0x2], $0x1400, $0x38;
	[tilespmem:$0x1B480] =	vst v63  }
0x3e: {  	_ =	swait.ge @!p1 [sflag:s19], $0x1400  }
0x3f: {  	[sflag:s19] =	ssyncset.done @!p1 $0x0  }
0x40: {  	s20 =	simm.s32 $0x0;
	[sflag:s19] =	ssyncadd.s32 @!p1 $0xFFFFEC00  }
0x41: {  	[tilespmem:s20], [sflag:$0x2] =	stream.linear.gather [hbm4b:s4+s20], $0x4000, $0x38;
	[tilespmem:$0x1B480] =	vst v63  }
0x42: {  	_ =	swait.ge [sflag:s8], $0x4000  }
0x43: {  	[sflag:s8] =	ssyncset.done $0x0  }
0x44: {  	[sflag:s8] =	ssyncadd.s32 $0xFFFFC000  }
0x45: {  	s21 =	simm.s32 $0x0;
	[bflag:$0x0] =	sbarrier.arrive $0xFFFF  }
0x46: {  	[spmem:s2] =	stream.indirect.scatter.add.f32 [tilespmem:s10], [sflag:$0x1], $0x80, s21, s9, $0xb8;
	[tilespmem:$0x1B480] =	vst v63  }
0x47: {  	s22 =	simm.s32 $0x80  }
0x48: {  	[spmem:s2] =	stream.indirect.scatter.add.f32 [tilespmem:s10], [sflag:$0x1], $0x80, s22, s9, $0xb8;
	[tilespmem:$0x1B480] =	vst v63  }
0x49: {  	s23 =	simm.s32 $0x100  }
0x4a: {  	[spmem:s2] =	stream.indirect.scatter.add.f32 [tilespmem:s10], [sflag:$0x1], $0x80, s23, s9, $0xb8;
	[tilespmem:$0x1B480] =	vst v63  }
0x4b: {  	s24 =	simm.s32 $0x180  }
0x4c: {  	[spmem:s2] =	stream.indirect.scatter.add.f32 [tilespmem:s10], [sflag:$0x1], $0x80, s24, s9, $0xb8;
	[tilespmem:$0x1B480] =	vst v63  }
0x4d: {  	s25 =	simm.s32 $0x200  }
0x4e: {  	[spmem:s2] =	stream.indirect.scatter.add.f32 [tilespmem:s10], [sflag:$0x1], $0x80, s25, s9, $0xb8;
	[tilespmem:$0x1B480] =	vst v63  }
0x4f: {  	s26 =	simm.s32 $0x280  }
0x50: {  	[spmem:s2] =	stream.indirect.scatter.add.f32 [tilespmem:s10], [sflag:$0x1], $0x80, s26, s9, $0xb8;
	[tilespmem:$0x1B480] =	vst v63  }
0x51: {  	s28 =	simm.s32 $0x300  }
0x52: {  	[spmem:s2] =	stream.indirect.scatter.add.f32 [tilespmem:s10], [sflag:$0x1], $0x80, s28, s9, $0xb8;
	[tilespmem:$0x1B480] =	vst v63  }
0x53: {  	s29 =	simm.s32 $0x380  }
0x54: {  	[spmem:s2] =	stream.indirect.scatter.add.f32 [tilespmem:s10], [sflag:$0x1], $0x80, s29, s9, $0xb8;
	[tilespmem:$0x1B480] =	vst v63  }
0x55: {  	s30 =	simm.s32 $0x400  }
0x56: {  	[spmem:s2] =	stream.indirect.scatter.add.f32 [tilespmem:s10], [sflag:$0x1], $0x80, s30, s9, $0xb8;
	[tilespmem:$0x1B480] =	vst v63  }
0x57: {  	s31 =	simm.s32 $0x480  }
0x58: {  	[spmem:s2] =	stream.indirect.scatter.add.f32 [tilespmem:s10], [sflag:$0x1], $0x80, s31, s9, $0xb8;
	[tilespmem:$0x1B480] =	vst v63  }
0x59: {  	_ =	swait.ge [sflag:s11], $0x2800  }
0x5a: {  	[sflag:s11] =	ssyncset.done $0x0  }
0x5b: {  	[sflag:s11] =	ssyncadd.s32 $0xFFFFD800  }
0x5c: {  	_ =	swait.ge [sflag:s11], $0x2800  }
0x5d: {  	[sflag:s11] =	ssyncset.done $0x0  }
0x5e: {  	[sflag:s11] =	ssyncadd.s32 $0xFFFFD800  }
0x5f: {  	_ =	swait.ge [sflag:s11], $0x2800  }
0x60: {  	[sflag:s11] =	ssyncset.done $0x0  }
0x61: {  	[sflag:s11] =	ssyncadd.s32 $0xFFFFD800  }
0x62: {  	_ =	swait.ge [sflag:s11], $0x2800  }
0x63: {  	[sflag:s11] =	ssyncset.done $0x0  }
0x64: {  	[sflag:s11] =	ssyncadd.s32 $0xFFFFD800  }
0x65: {  	_ =	swait.ge [sflag:s11], $0x2800  }
0x66: {  	[sflag:s11] =	ssyncset.done $0x0  }
0x67: {  	[sflag:s11] =	ssyncadd.s32 $0xFFFFD800  }
0x68: {  	_ =	swait.ge [sflag:s11], $0x2800  }
0x69: {  	[sflag:s11] =	ssyncset.done $0x0  }
0x6a: {  	[sflag:s11] =	ssyncadd.s32 $0xFFFFD800  }
0x6b: {  	_ =	swait.ge [sflag:s11], $0x2800  }
0x6c: {  	[sflag:s11] =	ssyncset.done $0x0  }
0x6d: {  	[sflag:s11] =	ssyncadd.s32 $0xFFFFD800  }
0x6e: {  	_ =	swait.ge [sflag:s11], $0x2800  }
0x6f: {  	[sflag:s11] =	ssyncset.done $0x0  }
0x70: {  	[sflag:s11] =	ssyncadd.s32 $0xFFFFD800  }
0x71: {  	_ =	swait.ge [sflag:s11], $0x2800  }
0x72: {  	[sflag:s11] =	ssyncset.done $0x0  }
0x73: {  	[sflag:s11] =	ssyncadd.s32 $0xFFFFD800  }
0x74: {  	_ =	swait.ge [sflag:s11], $0x2800  }
0x75: {  	s17 =	simm.s32 $0x1400;
	s19 =	simm.s32 $0x2800;
	[sflag:s11] =	ssyncset.done $0x0  }
.LBB2_8:
0x76: {  	s20 =	sshra.s32 s17, $0x2  }
0x77: {  	[sflag:s11] =	ssyncadd.s32 $0xFFFFD800;
	s17 =	smov.u32 s19;
	s18 =	sadd.s32 $0x1400, s19  }
0x78: {  	[spmem:s2] =	stream.indirect.scatter.add.f32 [tilespmem:s10], [sflag:$0x1], $0x80, s20, s9, $0xb8;
	[tilespmem:$0x1B480] =	vst v63  }
0x79: {  	p0 =	sne.s32 s19, $0xDC00;
	s19 =	sadd.s32 $0x80, s20  }
0x7a: {  	[spmem:s2] =	stream.indirect.scatter.add.f32 [tilespmem:s10], [sflag:$0x1], $0x80, s19, s9, $0xb8;
	[tilespmem:$0x1B480] =	vst v63  }
0x7b: {  	s19 =	sadd.s32 $0x100, s20  }
0x7c: {  	[spmem:s2] =	stream.indirect.scatter.add.f32 [tilespmem:s10], [sflag:$0x1], $0x80, s19, s9, $0xb8;
	[tilespmem:$0x1B480] =	vst v63  }
0x7d: {  	s19 =	sadd.s32 $0x180, s20  }
0x7e: {  	[spmem:s2] =	stream.indirect.scatter.add.f32 [tilespmem:s10], [sflag:$0x1], $0x80, s19, s9, $0xb8;
	[tilespmem:$0x1B480] =	vst v63  }
0x7f: {  	s19 =	sadd.s32 $0x200, s20  }
0x80: {  	[spmem:s2] =	stream.indirect.scatter.add.f32 [tilespmem:s10], [sflag:$0x1], $0x80, s19, s9, $0xb8;
	[tilespmem:$0x1B480] =	vst v63  }
0x81: {  	s19 =	sadd.s32 $0x280, s20  }
0x82: {  	[spmem:s2] =	stream.indirect.scatter.add.f32 [tilespmem:s10], [sflag:$0x1], $0x80, s19, s9, $0xb8;
	[tilespmem:$0x1B480] =	vst v63  }
0x83: {  	s19 =	sadd.s32 $0x300, s20  }
0x84: {  	[spmem:s2] =	stream.indirect.scatter.add.f32 [tilespmem:s10], [sflag:$0x1], $0x80, s19, s9, $0xb8;
	[tilespmem:$0x1B480] =	vst v63  }
0x85: {  	s19 =	sadd.s32 $0x380, s20  }
0x86: {  	[spmem:s2] =	stream.indirect.scatter.add.f32 [tilespmem:s10], [sflag:$0x1], $0x80, s19, s9, $0xb8;
	[tilespmem:$0x1B480] =	vst v63  }
0x87: {  	s19 =	sadd.s32 $0x400, s20  }
0x88: {  	[spmem:s2] =	stream.indirect.scatter.add.f32 [tilespmem:s10], [sflag:$0x1], $0x80, s19, s9, $0xb8;
	[tilespmem:$0x1B480] =	vst v63  }
0x89: {  	s19 =	sadd.s32 $0x480, s20  }
0x8a: {  	[spmem:s2] =	stream.indirect.scatter.add.f32 [tilespmem:s10], [sflag:$0x1], $0x80, s19, s9, $0xb8;
	[tilespmem:$0x1B480] =	vst v63  }
0x8b: {  	_ =	swait.ge [sflag:s11], $0x2800  }
0x8c: {  	[sflag:s11] =	ssyncset.done $0x0  }
0x8d: {  	[sflag:s11] =	ssyncadd.s32 $0xFFFFD800  }
0x8e: {  	_ =	swait.ge [sflag:s11], $0x2800  }
0x8f: {  	[sflag:s11] =	ssyncset.done $0x0  }
0x90: {  	[sflag:s11] =	ssyncadd.s32 $0xFFFFD800  }
0x91: {  	_ =	swait.ge [sflag:s11], $0x2800  }
0x92: {  	[sflag:s11] =	ssyncset.done $0x0  }
0x93: {  	[sflag:s11] =	ssyncadd.s32 $0xFFFFD800  }
0x94: {  	_ =	swait.ge [sflag:s11], $0x2800  }
0x95: {  	[sflag:s11] =	ssyncset.done $0x0  }
0x96: {  	[sflag:s11] =	ssyncadd.s32 $0xFFFFD800  }
0x97: {  	_ =	swait.ge [sflag:s11], $0x2800  }
0x98: {  	[sflag:s11] =	ssyncset.done $0x0  }
0x99: {  	[sflag:s11] =	ssyncadd.s32 $0xFFFFD800  }
0x9a: {  	_ =	swait.ge [sflag:s11], $0x2800  }
0x9b: {  	[sflag:s11] =	ssyncset.done $0x0  }
0x9c: {  	[sflag:s11] =	ssyncadd.s32 $0xFFFFD800  }
0x9d: {  	_ =	swait.ge [sflag:s11], $0x2800  }
0x9e: {  	[sflag:s11] =	ssyncset.done $0x0  }
0x9f: {  	[sflag:s11] =	ssyncadd.s32 $0xFFFFD800  }
0xa0: {  	_ =	swait.ge [sflag:s11], $0x2800  }
0xa1: {  	[sflag:s11] =	ssyncset.done $0x0  }
0xa2: {  	[sflag:s11] =	ssyncadd.s32 $0xFFFFD800  }
.Ltmp3:
0xa3: {  	_ =	swait.ge [sflag:s11], $0x2800;
	(pc) =	sbr.rel @p0 .LBB2_8-.Ltmp3, $4  }
0xa4: {  	[sflag:s11] =	ssyncset.done $0x0  }
0xa5: {  	[sflag:s11] =	ssyncadd.s32 $0xFFFFD800  }
0xa6: {  	_ =	swait.ge [sflag:s11], $0x2800  }
0xa7: {  	s19 =	smov.u32 s18;
	[sflag:s11] =	ssyncset.done $0x0  }
0xa8: {  	s17 =	sshra.s32 s17, $0x2;
	[sflag:s11] =	ssyncadd.s32 $0xFFFFD800  }
0xa9: {  	[spmem:s2] =	stream.indirect.scatter.add.f32 [tilespmem:s10], [sflag:$0x1], $0x80, s17, s9, $0xb8;
	[tilespmem:$0x1B480] =	vst v63  }
0xaa: {  	s18 =	sadd.s32 $0x80, s17  }
0xab: {  	[spmem:s2] =	stream.indirect.scatter.add.f32 [tilespmem:s10], [sflag:$0x1], $0x80, s18, s9, $0xb8;
	[tilespmem:$0x1B480] =	vst v63  }
0xac: {  	s23 =	sadd.s32 $0x100, s17  }
0xad: {  	[spmem:s2] =	stream.indirect.scatter.add.f32 [tilespmem:s10], [sflag:$0x1], $0x80, s23, s9, $0xb8;
	[tilespmem:$0x1B480] =	vst v63  }
0xae: {  	s24 =	sadd.s32 $0x180, s17  }
0xaf: {  	[spmem:s2] =	stream.indirect.scatter.add.f32 [tilespmem:s10], [sflag:$0x1], $0x80, s24, s9, $0xb8;
	[tilespmem:$0x1B480] =	vst v63  }
0xb0: {  	s25 =	sadd.s32 $0x200, s17  }
0xb1: {  	[spmem:s2] =	stream.indirect.scatter.add.f32 [tilespmem:s10], [sflag:$0x1], $0x80, s25, s9, $0xb8;
	[tilespmem:$0x1B480] =	vst v63  }
0xb2: {  	s26 =	sadd.s32 $0x280, s17  }
0xb3: {  	[spmem:s2] =	stream.indirect.scatter.add.f32 [tilespmem:s10], [sflag:$0x1], $0x80, s26, s9, $0xb8;
	[tilespmem:$0x1B480] =	vst v63  }
0xb4: {  	s28 =	sadd.s32 $0x300, s17  }
0xb5: {  	[spmem:s2] =	stream.indirect.scatter.add.f32 [tilespmem:s10], [sflag:$0x1], $0x80, s28, s9, $0xb8;
	[tilespmem:$0x1B480] =	vst v63  }
0xb6: {  	s29 =	sadd.s32 $0x380, s17  }
0xb7: {  	[spmem:s2] =	stream.indirect.scatter.add.f32 [tilespmem:s10], [sflag:$0x1], $0x80, s29, s9, $0xb8;
	[tilespmem:$0x1B480] =	vst v63  }
0xb8: {  	s30 =	sadd.s32 $0x400, s17  }
0xb9: {  	[spmem:s2] =	stream.indirect.scatter.add.f32 [tilespmem:s10], [sflag:$0x1], $0x80, s30, s9, $0xb8;
	[tilespmem:$0x1B480] =	vst v63  }
0xba: {  	s17 =	sadd.s32 $0x480, s17  }
0xbb: {  	[spmem:s2] =	stream.indirect.scatter.add.f32 [tilespmem:s10], [sflag:$0x1], $0x80, s17, s9, $0xb8;
	[tilespmem:$0x1B480] =	vst v63  }
0xbc: {  	_ =	swait.ge [sflag:s11], $0x2800  }
0xbd: {  	[sflag:s11] =	ssyncset.done $0x0  }
0xbe: {  	[sflag:s11] =	ssyncadd.s32 $0xFFFFD800  }
0xbf: {  	_ =	swait.ge [sflag:s11], $0x2800  }
0xc0: {  	[sflag:s11] =	ssyncset.done $0x0  }
0xc1: {  	[sflag:s11] =	ssyncadd.s32 $0xFFFFD800  }
0xc2: {  	_ =	swait.ge [sflag:s11], $0x2800  }
0xc3: {  	[sflag:s11] =	ssyncset.done $0x0  }
0xc4: {  	[sflag:s11] =	ssyncadd.s32 $0xFFFFD800  }
0xc5: {  	_ =	swait.ge [sflag:s11], $0x2800  }
0xc6: {  	[sflag:s11] =	ssyncset.done $0x0  }
0xc7: {  	[sflag:s11] =	ssyncadd.s32 $0xFFFFD800  }
0xc8: {  	_ =	swait.ge [sflag:s11], $0x2800  }
0xc9: {  	[sflag:s11] =	ssyncset.done $0x0  }
0xca: {  	[sflag:s11] =	ssyncadd.s32 $0xFFFFD800  }
0xcb: {  	_ =	swait.ge [sflag:s11], $0x2800  }
0xcc: {  	[sflag:s11] =	ssyncset.done $0x0  }
0xcd: {  	[sflag:s11] =	ssyncadd.s32 $0xFFFFD800  }
0xce: {  	_ =	swait.ge [sflag:s11], $0x2800  }
0xcf: {  	[sflag:s11] =	ssyncset.done $0x0  }
0xd0: {  	[sflag:s11] =	ssyncadd.s32 $0xFFFFD800  }
0xd1: {  	_ =	swait.ge [sflag:s11], $0x2800  }
0xd2: {  	[sflag:s11] =	ssyncset.done $0x0  }
0xd3: {  	[sflag:s11] =	ssyncadd.s32 $0xFFFFD800  }
0xd4: {  	_ =	swait.ge [sflag:s11], $0x2800  }
0xd5: {  	[sflag:s11] =	ssyncset.done $0x0  }
0xd6: {  	[sflag:s11] =	ssyncadd.s32 $0xFFFFD800  }
0xd7: {  	_ =	swait.ge [sflag:s11], $0x2800  }
0xd8: {  	[sflag:s11] =	ssyncset.done $0x0  }
0xd9: {  	[sflag:s11] =	ssyncadd.s32 $0xFFFFD800  }
0xda: {  	[spmem:s2] =	stream.indirect.scatter.add.f32 [tilespmem:s10], [sflag:$0x1], $0x80, s12, s9, $0xb8;
	[tilespmem:$0x1B480] =	vst v63  }
0xdb: {  	_ = 	snop  }
0xdc: {  	[spmem:s2] =	stream.indirect.scatter.add.f32 [tilespmem:s10], [sflag:$0x1], $0x80, s13, s9, $0xb8;
	[tilespmem:$0x1B480] =	vst v63  }
0xdd: {  	_ = 	snop  }
0xde: {  	[spmem:s2] =	stream.indirect.scatter.add.f32 [tilespmem:s10], [sflag:$0x1], $0x80, s14, s9, $0xb8;
	[tilespmem:$0x1B480] =	vst v63  }
0xdf: {  	_ = 	snop  }
0xe0: {  	[spmem:s2] =	stream.indirect.scatter.add.f32 [tilespmem:s10], [sflag:$0x1], $0x80, s15, s9, $0xb8;
	[tilespmem:$0x1B480] =	vst v63  }
0xe1: {  	_ = 	snop  }
0xe2: {  	[spmem:s2] =	stream.indirect.scatter.add.f32 [tilespmem:s10], [sflag:$0x1], $0x80, s16, s9, $0xb8;
	[tilespmem:$0x1B480] =	vst v63  }
0xe3: {  	_ =	swait.ge [sflag:s11], $0x2800  }
0xe4: {  	[sflag:s11] =	ssyncset.done $0x0  }
0xe5: {  	[sflag:s11] =	ssyncadd.s32 $0xFFFFD800  }
0xe6: {  	_ =	swait.ge [sflag:s11], $0x2800  }
0xe7: {  	[sflag:s11] =	ssyncset.done $0x0  }
0xe8: {  	[sflag:s11] =	ssyncadd.s32 $0xFFFFD800  }
0xe9: {  	_ =	swait.ge [sflag:s11], $0x2800  }
0xea: {  	[sflag:s11] =	ssyncset.done $0x0  }
0xeb: {  	[sflag:s11] =	ssyncadd.s32 $0xFFFFD800  }
0xec: {  	_ =	swait.ge [sflag:s11], $0x2800  }
0xed: {  	[sflag:s11] =	ssyncset.done $0x0  }
0xee: {  	[sflag:s11] =	ssyncadd.s32 $0xFFFFD800  }
0xef: {  	s31 =	sadd.s32 $0x0, s0;
	_ =	swait.ge [sflag:s11], $0x2800  }
0xf0: {  	p0 =	sgt.u32 s31, $0xF9;
	[sflag:s11] =	ssyncset.done $0x0  }
0xf1: {  	s20 =	simm.s32 @!p0 $0x2;
	s17 =	sshll.u32 @!p0 s0, $0x6;
	[sflag:s11] =	ssyncadd.s32 $0xFFFFD800  }
0xf2: {  	s18 =	sshrl.u32 @!p0 s6, $0x3;
	s17 =	sor.u32 @!p0 $0x1C02, s17;
	[bflag:$0x0] =	sbarrier.arrive $0xFFFF  }
0xf3: {  	[hbm:s7], [sflag:s17] =	dma.local @!p0 [spmem:s18], $0x280  }
0xf4: {  	s19 =	simm.s32 $0x20;
	s21 =	sadd.s32 $0x10, s0;
	_ =	swait.ge @!p0 [sflag:s20], $0x280  }
0xf5: {  	s17 =	sadd.s32 $0x14000, s6;
	s18 =	sadd.s32 $0x2800, s7;
	[sflag:s20] =	ssyncset.done @!p0 $0x0  }
.LBB2_10:
0xf6: {  	[sflag:s20] =	ssyncadd.s32 @!p0 $0xFFFFFD80  }
0xf7: {  	p0 =	sgt.u32 s21, $0xF9;
	s21 =	smov.u32 s19;
	s19 =	sadd.s32 $0x10, s19  }
0xf8: {  	p1 =	sne.s32 s19, $0x100  }
.Ltmp4:
0xf9: {  	s20 =	sshll.u32 @!p0 s0, $0x6;
	s22 =	sshrl.u32 @!p0 s17, $0x3;
	(pc) =	sbr.rel @p1 .LBB2_10-.Ltmp4, $4  }
0xfa: {  	s23 =	sor.u32 @!p0 $0x1C02, s20;
	s20 =	simm.s32 @!p0 $0x2  }
0xfb: {  	[hbm:s18], [sflag:s23] =	dma.local @!p0 [spmem:s22], $0x280  }
0xfc: {  	s17 =	sadd.s32 $0x14000, s17;
	_ =	swait.ge @!p0 [sflag:s20], $0x280  }
0xfd: {  	s21 =	sadd.s32 s21, s0;
	s18 =	sadd.s32 $0x2800, s18;
	[sflag:s20] =	ssyncset.done @!p0 $0x0  }
0xfe: {  	p1 =	sgt.u32 s21, $0xF9;
	[sflag:s20] =	ssyncadd.s32 @!p0 $0xFFFFFD80;
	s3 =	sadd.s32 $0x1, s3  }
0xff: {  	s19 =	sshll.u32 @!p1 s0, $0x6;
	s17 =	sshrl.u32 @!p1 s17, $0x3;
	p0 =	sne.s32 s3, s5  }
.Ltmp5:
0x100: {  	s20 =	simm.s32 @!p1 $0x2;
	s19 =	sor.u32 @!p1 $0x1C02, s19;
	(pc) =	sbr.rel @p0 .LBB2_1-.Ltmp5, $4  }
0x101: {  	[hbm:s18], [sflag:s19] =	dma.local @!p1 [spmem:s17], $0x280  }
0x102: {  	_ =	swait.ge @!p1 [sflag:s20], $0x280  }
0x103: {  	[sflag:s20] =	ssyncset.done @!p1 $0x0  }
0x104: {  	[sflag:s20] =	ssyncadd.s32 @!p1 $0xFFFFFD80  }
0x105: {  	_ =	sfence.sel $0x180000  }
0x106: {  	[bflag:$0x0] =	sbarrier.arrive $0xFFFF  }
0x107: {  	p0 =	sne.s32 s0, $0x0;
	_ =	strace $0x90000047  }
0x108: {  	s0 =	sadd.s32 @!p0 $0x100000, s1;
	[bflag:$0x2] =	sbarrier.arrive $0xFFFF  }
0x109: {  	[sflag:s0] =	ssyncadd.tile.s32 @!p0 $0x1;
	_ =	shalt  }
.Lfunc_end2:
_tile_overlayer_lowered:
.L_overlay_start_2:
0x10a: {  	(tag) =	ssettag $0x2  }
0x10b: {  	s0 =	rddreg [dreg:$0x0];
	s2 =	stileid.u32  }
0x10c: {  	s1 =	rddreg [dreg:$0x1];
	p0 =	sne.s32 s2, $0x0  }
0x10d: {  	s3 =	rddreg [dreg:$0x2];
	[bflag:$0x3] =	sbarrier.arrive $0xFFFF;
	s2 =	simm.s32 @!p0 $0x1C02  }
0x10e: {  	[timem:s3], [sflag:s2] =	dma.local @!p0 [hbm:s0], s1  }
0x10f: {  	s0 =	simm.s32 @!p0 $0x2  }
0x110: {  	_ =	swait.ge @!p0 [sflag:s0], s1  }
0x111: {  	s1 =	ssub.s32 @!p0 $0x0, s1;
	[sflag:s0] =	ssyncset.done @!p0 $0x0  }
0x112: {  	[sflag:s0] =	ssyncadd.s32 @!p0 s1  }
0x113: {  	[bflag:$0x3] =	sbarrier.arrive $0xFFFF  }
0x114: {  	_ =	shalt  }

</sc_bundles>
